<compile_context>
chip_gen: v7x
topology: tpu7x:2x2x1
jax: 0.10.2.dev20260603
libtpu: 0.0.44.dev20260713+nightly
codegen_flags: <defaults>
</compile_context>

<pallas_src>
import functools

import jax
import jax.numpy as jnp
from jax import lax
from jax.experimental import pallas as pl
from jax.experimental.pallas import tpu as pltpu
from jax.experimental.pallas import tpu_sc as plsc

B = 4096
L = 200
D = 64
V = 1000
NC = 2
NS = 16
NW = NC * NS
LT = L // 8
BT = B // 128
PH = 2
DH = D // PH


def _body(ridx4, cidx4, rowt_hbm, colt_hbm, out5,
          tstage, rowT_v, colT_v, rtile, ctile, obuf, semout):
    bt = lax.axis_index("s") * NC + lax.axis_index("c")
    lanes = lax.iota(jnp.int32, 16)

    def load_table_half(tbl_hbm, dstT, ph):
        pltpu.sync_copy(tbl_hbm.at[pl.ds(0, V), pl.ds(ph * DH, DH)], tstage)

        @plsc.parallel_loop(0, V)
        def trow(e):
            ev = jnp.full((16,), e, jnp.int32)
            for g in range(DH // 16):
                v = tstage[e, pl.ds(g * 16, 16)]
                plsc.store_scatter(dstT, [lanes + (g * 16), ev], v)

    def out_cp(l, ph, p):
        return pltpu.make_async_copy(
            obuf.at[p],
            out5.at[l, pl.ds(ph * (DH // 8), DH // 8), bt], semout)

    for ph in range(PH):
        load_table_half(rowt_hbm, rowT_v, ph)
        load_table_half(colt_hbm, colT_v, ph)

        def ltile(tr, carry):
            pltpu.sync_copy(ridx4.at[tr, bt], rtile)
            pltpu.sync_copy(cidx4.at[tr, bt], ctile)

            def lrow(r, c2):
                l = tr * 8 + r
                p = r & 1

                @pl.when(l >= 2)
                def _drain_prev():
                    out_cp(0, 0, 0).wait()

                @plsc.parallel_loop(0, 8)
                def lane_group(g):
                    i16r = rtile[r, pl.ds(g * 16, 16)]
                    i16c = ctile[r, pl.ds(g * 16, 16)]
                    for dl in range(DH):
                        dv = jnp.full((16,), dl, jnp.int32)
                        v = (plsc.load_gather(rowT_v, [dv, i16r]) +
                             plsc.load_gather(colT_v, [dv, i16c]))
                        obuf[p, dl // 8, dl % 8, pl.ds(g * 16, 16)] = v

                out_cp(l, ph, p).start()
                return c2

            lax.fori_loop(0, 8, lrow, 0)
            return carry

        lax.fori_loop(0, LT, ltile, 0)
        out_cp(0, 0, 0).wait()
        out_cp(0, 0, 0).wait()


@jax.jit
def kernel(row_indices, col_indices, row_table, col_table):
    ridx4 = jnp.transpose(
        row_indices.astype(jnp.int32).T.reshape(LT, 8, BT, 128), (0, 2, 1, 3))
    cidx4 = jnp.transpose(
        col_indices.astype(jnp.int32).T.reshape(LT, 8, BT, 128), (0, 2, 1, 3))
    k = pl.kernel(
        _body,
        mesh=plsc.VectorSubcoreMesh(core_axis_name="c", subcore_axis_name="s"),
        compiler_params=pltpu.CompilerParams(
            use_tc_tiling_on_sc=False, needs_layout_passes=False),
        out_type=jax.ShapeDtypeStruct((L, D // 8, BT, 8, 128), jnp.float32),
        scratch_types=[
            pltpu.VMEM((V, DH), jnp.float32),
            pltpu.VMEM((DH, V), jnp.float32),
            pltpu.VMEM((DH, V), jnp.float32),
            pltpu.VMEM((8, 128), jnp.int32),
            pltpu.VMEM((8, 128), jnp.int32),
            pltpu.VMEM((2, DH // 8, 8, 128), jnp.float32),
            pltpu.SemaphoreType.DMA,
        ],
    )
    out5 = k(ridx4, cidx4, row_table, col_table)
    return out5.transpose(2, 4, 0, 1, 3).reshape(B, L, D)

# --- scband reference (transcript-rebuilt; emitter-appended) ---
"""Pipeline reference for scband-two-dpositional-encoding-76768245448948 (READ-ONLY COPY).

The authoritative reference and input builder live on the scoring server;
editing this copy changes nothing except your own understanding.
"""

import jax, jax.numpy as jnp
import numpy as np

MAX_ROWS = 1000
MAX_COLS = 1000
D_MODEL = 64
B = 4096
L = 200

def setup_inputs(seed: int = 0) -> dict:
    key = jax.random.key(seed)
    k1, k2, k3, k4 = jax.random.split(key, 4)
    row_indices = jax.random.randint(k1, (B, L), 0, MAX_ROWS, dtype=jnp.int64 if jax.config.read('jax_enable_x64') else jnp.int32)
    col_indices = jax.random.randint(k2, (B, L), 0, MAX_COLS, dtype=jnp.int64 if jax.config.read('jax_enable_x64') else jnp.int32)
    row_table = jax.random.normal(k3, (MAX_ROWS, D_MODEL), dtype=jnp.float32)
    col_table = jax.random.normal(k4, (MAX_COLS, D_MODEL), dtype=jnp.float32)
    return {"row_indices": row_indices, "col_indices": col_indices, "row_table": row_table, "col_table": col_table}

def reference(row_indices, col_indices, row_table, col_table):
    row_pos = jnp.take(row_table, row_indices, axis=0)
    col_pos = jnp.take(col_table, col_indices, axis=0)
    return row_pos + col_pos

if __name__ == "__main__":
    import jax
    _d = setup_inputs()
    print(jax.jit(kernel)(*tuple(_d.values())))

</pallas_src>

<mosaic_0001>
#map = affine_map<(d0, d1) -> (0, 0, 0, 0)>
#map1 = affine_map<(d0, d1) -> (0, 0)>
#map2 = affine_map<(d0, d1) -> (0, 0, 0, 0, 0)>
module attributes {stable_mosaic.version = 14 : i64} {
  func.func @_body(%arg0: i32, %arg1: i32, %arg2: memref<25x32x8x128xi32, #tpu.memory_space<hbm>>, %arg3: memref<25x32x8x128xi32, #tpu.memory_space<hbm>>, %arg4: memref<1000x64xf32, #tpu.memory_space<hbm>>, %arg5: memref<1000x64xf32, #tpu.memory_space<hbm>>, %arg6: memref<200x8x32x8x128xf32, #tpu.memory_space<hbm>>, %arg7: memref<1000x32xf32, #tpu.memory_space<vmem>>, %arg8: memref<32x1000xf32, #tpu.memory_space<vmem>>, %arg9: memref<32x1000xf32, #tpu.memory_space<vmem>>, %arg10: memref<8x128xi32, #tpu.memory_space<vmem>>, %arg11: memref<8x128xi32, #tpu.memory_space<vmem>>, %arg12: memref<2x4x8x128xf32, #tpu.memory_space<vmem>>, %arg13: memref<!tpu.dma_semaphore, #tpu.memory_space<semaphore_mem>>) attributes {dimension_semantics = [#tpu.dimension_semantics<core_parallel>, #tpu.dimension_semantics<subcore_parallel>], iteration_bounds = array<i64: 2, 16>, scalar_prefetch = 0 : i64, scratch_operands = 7 : i64, tpu.core_type = #tpu.core_type<sc_vector_subcore>, window_params = [{transform_indices = #map}, {transform_indices = #map}, {transform_indices = #map1}, {transform_indices = #map1}, {transform_indices = #map2}]} {
    %mul3A = arith.constant 2 : i32
    %mul3A_0 = arith.muli %arg1, %mul3A : i32
    %add3A = arith.addi %mul3A_0, %arg0 : i32
    %iota3A = tpu.iota {dimensions = array<i32: 0>} : vector<16xi32>
    "tpu.region"() ({
      %run_scoped3A = tpu.sem_alloc : memref<!tpu.dma_semaphore, #tpu.memory_space<semaphore_mem>>
      %dma_start3A = arith.constant 0 : i32
      %dma_start3A_110 = arith.constant 0 : i32
      %dma_start3A_111 = tpu.memref_slice %arg4[%dma_start3A, %dma_start3A_110] : memref<1000x64xf32, #tpu.memory_space<hbm>> -> memref<1000x32xf32, #tpu.memory_space<hbm>>
      %dma_start3A_112 = arith.constant 0 : i32
      %dma_start3A_113 = arith.constant 0 : i32
      %dma_start3A_114 = tpu.memref_slice %arg4[%dma_start3A_112, %dma_start3A_113] : memref<1000x64xf32, #tpu.memory_space<hbm>> -> memref<1000x32xf32, #tpu.memory_space<hbm>>
      tpu.enqueue_dma source(%dma_start3A_114 : memref<1000x32xf32, #tpu.memory_space<hbm>>) target(%arg7 : memref<1000x32xf32, #tpu.memory_space<vmem>>) target_semaphore(%run_scoped3A : memref<!tpu.dma_semaphore, #tpu.memory_space<semaphore_mem>>)
      %dma_wait3A_115 = arith.constant 0 : i32
      %dma_wait3A_116 = arith.constant 0 : i32
      %dma_wait3A_117 = tpu.memref_slice %arg4[%dma_wait3A_115, %dma_wait3A_116] : memref<1000x64xf32, #tpu.memory_space<hbm>> -> memref<1000x32xf32, #tpu.memory_space<hbm>>
      %dma_wait3A_118 = arith.constant 0 : i32
      %dma_wait3A_119 = arith.constant 0 : i32
      %dma_wait3A_120 = tpu.memref_slice %arg4[%dma_wait3A_118, %dma_wait3A_119] : memref<1000x64xf32, #tpu.memory_space<hbm>> -> memref<1000x32xf32, #tpu.memory_space<hbm>>
      tpu.wait_dma2 semaphore(%run_scoped3A : memref<!tpu.dma_semaphore, #tpu.memory_space<semaphore_mem>>) src(%dma_wait3A_120 : memref<1000x32xf32, #tpu.memory_space<hbm>>) dst(%arg7 : memref<1000x32xf32, #tpu.memory_space<vmem>>)
      tpu.yield
    }) : () -> ()
    %parallel_loop3A = arith.constant 0 : i32
    %parallel_loop3A_1 = arith.constant 1000 : i32
    %parallel_loop3A_2 = arith.constant 1 : i32
    scf.for %parallel_loop3A_110 = %parallel_loop3A to %parallel_loop3A_1 step %parallel_loop3A_2  : i32 {
      %parallel_loop3A_111 = vector.broadcast %parallel_loop3A_110 : i32 to vector<16xi32>
      %parallel_loop3A_112 = arith.index_cast %parallel_loop3A_110 : i32 to index
      %parallel_loop3A_113 = arith.constant 0 : index
      %parallel_loop3A_114 = tpu.vector_load %arg7[%parallel_loop3A_112, %parallel_loop3A_113] {strides = array<i32>} : memref<1000x32xf32, #tpu.memory_space<vmem>>, vector<16xf32>,
      %parallel_loop3A_115 = arith.constant 0 : i32
      %parallel_loop3A_116 = vector.broadcast %parallel_loop3A_115 : i32 to vector<16xi32>
      %parallel_loop3A_117 = arith.addi %iota3A, %parallel_loop3A_116 : vector<16xi32>
      tpu.vector_store_idx %arg8[%parallel_loop3A_117, %parallel_loop3A_111], %parallel_loop3A_114 : memref<32x1000xf32, #tpu.memory_space<vmem>>[vector<16xi32>, vector<16xi32>], vector<16xf32>,
      %parallel_loop3A_118 = arith.index_cast %parallel_loop3A_110 : i32 to index
      %parallel_loop3A_119 = arith.constant 16 : index
      %parallel_loop3A_120 = tpu.vector_load %arg7[%parallel_loop3A_118, %parallel_loop3A_119] {strides = array<i32>} : memref<1000x32xf32, #tpu.memory_space<vmem>>, vector<16xf32>,
      %parallel_loop3A_121 = arith.constant 16 : i32
      %parallel_loop3A_122 = vector.broadcast %parallel_loop3A_121 : i32 to vector<16xi32>
      %parallel_loop3A_123 = arith.addi %iota3A, %parallel_loop3A_122 : vector<16xi32>
      tpu.vector_store_idx %arg8[%parallel_loop3A_123, %parallel_loop3A_111], %parallel_loop3A_120 : memref<32x1000xf32, #tpu.memory_space<vmem>>[vector<16xi32>, vector<16xi32>], vector<16xf32>,
    } {sc.loop_unroll_factor = 1 : i64, sc.parallel_access}
    "tpu.region"() ({
      %run_scoped3A = tpu.sem_alloc : memref<!tpu.dma_semaphore, #tpu.memory_space<semaphore_mem>>
      %dma_start3A = arith.constant 0 : i32
      %dma_start3A_110 = arith.constant 0 : i32
      %dma_start3A_111 = tpu.memref_slice %arg5[%dma_start3A, %dma_start3A_110] : memref<1000x64xf32, #tpu.memory_space<hbm>> -> memref<1000x32xf32, #tpu.memory_space<hbm>>
      %dma_start3A_112 = arith.constant 0 : i32
      %dma_start3A_113 = arith.constant 0 : i32
      %dma_start3A_114 = tpu.memref_slice %arg5[%dma_start3A_112, %dma_start3A_113] : memref<1000x64xf32, #tpu.memory_space<hbm>> -> memref<1000x32xf32, #tpu.memory_space<hbm>>
      tpu.enqueue_dma source(%dma_start3A_114 : memref<1000x32xf32, #tpu.memory_space<hbm>>) target(%arg7 : memref<1000x32xf32, #tpu.memory_space<vmem>>) target_semaphore(%run_scoped3A : memref<!tpu.dma_semaphore, #tpu.memory_space<semaphore_mem>>)
      %dma_wait3A_115 = arith.constant 0 : i32
      %dma_wait3A_116 = arith.constant 0 : i32
      %dma_wait3A_117 = tpu.memref_slice %arg5[%dma_wait3A_115, %dma_wait3A_116] : memref<1000x64xf32, #tpu.memory_space<hbm>> -> memref<1000x32xf32, #tpu.memory_space<hbm>>
      %dma_wait3A_118 = arith.constant 0 : i32
      %dma_wait3A_119 = arith.constant 0 : i32
      %dma_wait3A_120 = tpu.memref_slice %arg5[%dma_wait3A_118, %dma_wait3A_119] : memref<1000x64xf32, #tpu.memory_space<hbm>> -> memref<1000x32xf32, #tpu.memory_space<hbm>>
      tpu.wait_dma2 semaphore(%run_scoped3A : memref<!tpu.dma_semaphore, #tpu.memory_space<semaphore_mem>>) src(%dma_wait3A_120 : memref<1000x32xf32, #tpu.memory_space<hbm>>) dst(%arg7 : memref<1000x32xf32, #tpu.memory_space<vmem>>)
      tpu.yield
    }) : () -> ()
    %parallel_loop3A_3 = arith.constant 0 : i32
    %parallel_loop3A_4 = arith.constant 1000 : i32
    %parallel_loop3A_5 = arith.constant 1 : i32
    scf.for %parallel_loop3A_110 = %parallel_loop3A_3 to %parallel_loop3A_4 step %parallel_loop3A_5  : i32 {
      %parallel_loop3A_111 = vector.broadcast %parallel_loop3A_110 : i32 to vector<16xi32>
      %parallel_loop3A_112 = arith.index_cast %parallel_loop3A_110 : i32 to index
      %parallel_loop3A_113 = arith.constant 0 : index
      %parallel_loop3A_114 = tpu.vector_load %arg7[%parallel_loop3A_112, %parallel_loop3A_113] {strides = array<i32>} : memref<1000x32xf32, #tpu.memory_space<vmem>>, vector<16xf32>,
      %parallel_loop3A_115 = arith.constant 0 : i32
      %parallel_loop3A_116 = vector.broadcast %parallel_loop3A_115 : i32 to vector<16xi32>
      %parallel_loop3A_117 = arith.addi %iota3A, %parallel_loop3A_116 : vector<16xi32>
      tpu.vector_store_idx %arg9[%parallel_loop3A_117, %parallel_loop3A_111], %parallel_loop3A_114 : memref<32x1000xf32, #tpu.memory_space<vmem>>[vector<16xi32>, vector<16xi32>], vector<16xf32>,
      %parallel_loop3A_118 = arith.index_cast %parallel_loop3A_110 : i32 to index
      %parallel_loop3A_119 = arith.constant 16 : index
      %parallel_loop3A_120 = tpu.vector_load %arg7[%parallel_loop3A_118, %parallel_loop3A_119] {strides = array<i32>} : memref<1000x32xf32, #tpu.memory_space<vmem>>, vector<16xf32>,
      %parallel_loop3A_121 = arith.constant 16 : i32
      %parallel_loop3A_122 = vector.broadcast %parallel_loop3A_121 : i32 to vector<16xi32>
      %parallel_loop3A_123 = arith.addi %iota3A, %parallel_loop3A_122 : vector<16xi32>
      tpu.vector_store_idx %arg9[%parallel_loop3A_123, %parallel_loop3A_111], %parallel_loop3A_120 : memref<32x1000xf32, #tpu.memory_space<vmem>>[vector<16xi32>, vector<16xi32>], vector<16xf32>,
    } {sc.loop_unroll_factor = 1 : i64, sc.parallel_access}
    %scan3A = arith.constant 0 : i32
    %scan3A_6 = arith.constant 0 : i32
    %scan3A_7 = arith.constant 25 : i32
    %scan3A_8 = arith.addi %scan3A_6, %scan3A_7 : i32
    %scan3A_9 = arith.constant 1 : i32
    scf.for %scan3A_110 = %scan3A_6 to %scan3A_8 step %scan3A_9  : i32 {
      "tpu.region"() ({
        %run_scoped3A = tpu.sem_alloc : memref<!tpu.dma_semaphore, #tpu.memory_space<semaphore_mem>>
        %dma_start3A = arith.constant 0 : i32
        %dma_start3A_117 = arith.constant 0 : i32
        %dma_start3A_118 = tpu.memref_slice %arg2[%scan3A_110, %add3A, %dma_start3A, %dma_start3A_117] : memref<25x32x8x128xi32, #tpu.memory_space<hbm>> -> memref<1x1x8x128xi32, #tpu.memory_space<hbm>>
        %dma_start3A_119 = tpu.memref_squeeze %dma_start3A_118 : memref<1x1x8x128xi32, #tpu.memory_space<hbm>> -> memref<8x128xi32, #tpu.memory_space<hbm>>
        %dma_start3A_120 = arith.constant 0 : i32
        %dma_start3A_121 = arith.constant 0 : i32
        %dma_start3A_122 = tpu.memref_slice %arg2[%scan3A_110, %add3A, %dma_start3A_120, %dma_start3A_121] : memref<25x32x8x128xi32, #tpu.memory_space<hbm>> -> memref<1x1x8x128xi32, #tpu.memory_space<hbm>>
        %dma_start3A_123 = tpu.memref_squeeze %dma_start3A_122 : memref<1x1x8x128xi32, #tpu.memory_space<hbm>> -> memref<8x128xi32, #tpu.memory_space<hbm>>
        tpu.enqueue_dma source(%dma_start3A_123 : memref<8x128xi32, #tpu.memory_space<hbm>>) target(%arg10 : memref<8x128xi32, #tpu.memory_space<vmem>>) target_semaphore(%run_scoped3A : memref<!tpu.dma_semaphore, #tpu.memory_space<semaphore_mem>>)
        %dma_wait3A_124 = arith.constant 0 : i32
        %dma_wait3A_125 = arith.constant 0 : i32
        %dma_wait3A_126 = tpu.memref_slice %arg2[%scan3A_110, %add3A, %dma_wait3A_124, %dma_wait3A_125] : memref<25x32x8x128xi32, #tpu.memory_space<hbm>> -> memref<1x1x8x128xi32, #tpu.memory_space<hbm>>
        %dma_wait3A_127 = tpu.memref_squeeze %dma_wait3A_126 : memref<1x1x8x128xi32, #tpu.memory_space<hbm>> -> memref<8x128xi32, #tpu.memory_space<hbm>>
        %dma_wait3A_128 = arith.constant 0 : i32
        %dma_wait3A_129 = arith.constant 0 : i32
        %dma_wait3A_130 = tpu.memref_slice %arg2[%scan3A_110, %add3A, %dma_wait3A_128, %dma_wait3A_129] : memref<25x32x8x128xi32, #tpu.memory_space<hbm>> -> memref<1x1x8x128xi32, #tpu.memory_space<hbm>>
        %dma_wait3A_131 = tpu.memref_squeeze %dma_wait3A_130 : memref<1x1x8x128xi32, #tpu.memory_space<hbm>> -> memref<8x128xi32, #tpu.memory_space<hbm>>
        tpu.wait_dma2 semaphore(%run_scoped3A : memref<!tpu.dma_semaphore, #tpu.memory_space<semaphore_mem>>) src(%dma_wait3A_131 : memref<8x128xi32, #tpu.memory_space<hbm>>) dst(%arg10 : memref<8x128xi32, #tpu.memory_space<vmem>>)
        tpu.yield
      }) : () -> ()
      "tpu.region"() ({
        %run_scoped3A = tpu.sem_alloc : memref<!tpu.dma_semaphore, #tpu.memory_space<semaphore_mem>>
        %dma_start3A = arith.constant 0 : i32
        %dma_start3A_117 = arith.constant 0 : i32
        %dma_start3A_118 = tpu.memref_slice %arg3[%scan3A_110, %add3A, %dma_start3A, %dma_start3A_117] : memref<25x32x8x128xi32, #tpu.memory_space<hbm>> -> memref<1x1x8x128xi32, #tpu.memory_space<hbm>>
        %dma_start3A_119 = tpu.memref_squeeze %dma_start3A_118 : memref<1x1x8x128xi32, #tpu.memory_space<hbm>> -> memref<8x128xi32, #tpu.memory_space<hbm>>
        %dma_start3A_120 = arith.constant 0 : i32
        %dma_start3A_121 = arith.constant 0 : i32
        %dma_start3A_122 = tpu.memref_slice %arg3[%scan3A_110, %add3A, %dma_start3A_120, %dma_start3A_121] : memref<25x32x8x128xi32, #tpu.memory_space<hbm>> -> memref<1x1x8x128xi32, #tpu.memory_space<hbm>>
        %dma_start3A_123 = tpu.memref_squeeze %dma_start3A_122 : memref<1x1x8x128xi32, #tpu.memory_space<hbm>> -> memref<8x128xi32, #tpu.memory_space<hbm>>
        tpu.enqueue_dma source(%dma_start3A_123 : memref<8x128xi32, #tpu.memory_space<hbm>>) target(%arg11 : memref<8x128xi32, #tpu.memory_space<vmem>>) target_semaphore(%run_scoped3A : memref<!tpu.dma_semaphore, #tpu.memory_space<semaphore_mem>>)
        %dma_wait3A_124 = arith.constant 0 : i32
        %dma_wait3A_125 = arith.constant 0 : i32
        %dma_wait3A_126 = tpu.memref_slice %arg3[%scan3A_110, %add3A, %dma_wait3A_124, %dma_wait3A_125] : memref<25x32x8x128xi32, #tpu.memory_space<hbm>> -> memref<1x1x8x128xi32, #tpu.memory_space<hbm>>
        %dma_wait3A_127 = tpu.memref_squeeze %dma_wait3A_126 : memref<1x1x8x128xi32, #tpu.memory_space<hbm>> -> memref<8x128xi32, #tpu.memory_space<hbm>>
        %dma_wait3A_128 = arith.constant 0 : i32
        %dma_wait3A_129 = arith.constant 0 : i32
        %dma_wait3A_130 = tpu.memref_slice %arg3[%scan3A_110, %add3A, %dma_wait3A_128, %dma_wait3A_129] : memref<25x32x8x128xi32, #tpu.memory_space<hbm>> -> memref<1x1x8x128xi32, #tpu.memory_space<hbm>>
        %dma_wait3A_131 = tpu.memref_squeeze %dma_wait3A_130 : memref<1x1x8x128xi32, #tpu.memory_space<hbm>> -> memref<8x128xi32, #tpu.memory_space<hbm>>
        tpu.wait_dma2 semaphore(%run_scoped3A : memref<!tpu.dma_semaphore, #tpu.memory_space<semaphore_mem>>) src(%dma_wait3A_131 : memref<8x128xi32, #tpu.memory_space<hbm>>) dst(%arg11 : memref<8x128xi32, #tpu.memory_space<vmem>>)
        tpu.yield
      }) : () -> ()
      %scan3A_111 = arith.constant 0 : i32
      %scan3A_112 = arith.constant 0 : i32
      %scan3A_113 = arith.constant 8 : i32
      %scan3A_114 = arith.addi %scan3A_112, %scan3A_113 : i32
      %scan3A_115 = arith.constant 1 : i32
      scf.for %scan3A_117 = %scan3A_112 to %scan3A_114 step %scan3A_115  : i32 {
        %mul3A_118 = arith.constant 8 : i32
        %mul3A_119 = arith.muli %scan3A_110, %mul3A_118 : i32
        %add3A_120 = arith.addi %mul3A_119, %scan3A_117 : i32
        %and3A = arith.constant 1 : i32
        %and3A_121 = arith.andi %scan3A_117, %and3A : i32
        %ge3A = arith.constant 2 : i32
        %ge3A_122 = arith.cmpi sge, %add3A_120, %ge3A : i32
        %convert_element_type3A = arith.extui %ge3A_122 : i1 to i32
        %cond3A = arith.constant 0 : i32
        %cond3A_123 = arith.cmpi ne, %convert_element_type3A, %cond3A : i32
        scf.if %cond3A_123 {
          %dma_wait3A_146 = arith.constant 0 : i32
          %dma_wait3A_147 = arith.constant 0 : i32
          %dma_wait3A_148 = arith.constant 0 : i32
          %dma_wait3A_149 = arith.constant 0 : i32
          %dma_wait3A_150 = arith.constant 0 : i32
          %dma_wait3A_151 = tpu.memref_slice %arg12[%dma_wait3A_146, %dma_wait3A_148, %dma_wait3A_149, %dma_wait3A_150] : memref<2x4x8x128xf32, #tpu.memory_space<vmem>> -> memref<1x4x8x128xf32, #tpu.memory_space<vmem>>
          %dma_wait3A_152 = tpu.memref_squeeze %dma_wait3A_151 : memref<1x4x8x128xf32, #tpu.memory_space<vmem>> -> memref<4x8x128xf32, #tpu.memory_space<vmem>>
          %dma_wait3A_153 = arith.constant 0 : i32
          %dma_wait3A_154 = arith.constant 0 : i32
          %dma_wait3A_155 = arith.constant 0 : i32
          %dma_wait3A_156 = tpu.memref_slice %arg6[%dma_wait3A_147, %dma_wait3A_153, %add3A, %dma_wait3A_154, %dma_wait3A_155] : memref<200x8x32x8x128xf32, #tpu.memory_space<hbm>> -> memref<1x4x1x8x128xf32, #tpu.memory_space<hbm>>
          %dma_wait3A_157 = tpu.memref_squeeze %dma_wait3A_156 : memref<1x4x1x8x128xf32, #tpu.memory_space<hbm>> -> memref<4x8x128xf32, #tpu.memory_space<hbm>>
          %dma_wait3A_158 = arith.constant 0 : i32
          %dma_wait3A_159 = arith.constant 0 : i32
          %dma_wait3A_160 = arith.constant 0 : i32
          %dma_wait3A_161 = tpu.memref_slice %arg6[%dma_wait3A_147, %dma_wait3A_158, %add3A, %dma_wait3A_159, %dma_wait3A_160] : memref<200x8x32x8x128xf32, #tpu.memory_space<hbm>> -> memref<1x4x1x8x128xf32, #tpu.memory_space<hbm>>
          %dma_wait3A_162 = tpu.memref_squeeze %dma_wait3A_161 : memref<1x4x1x8x128xf32, #tpu.memory_space<hbm>> -> memref<4x8x128xf32, #tpu.memory_space<hbm>>
          %dma_wait3A_163 = arith.constant 0 : i32
          %dma_wait3A_164 = arith.constant 0 : i32
          %dma_wait3A_165 = arith.constant 0 : i32
          %dma_wait3A_166 = tpu.memref_slice %arg12[%dma_wait3A_146, %dma_wait3A_163, %dma_wait3A_164, %dma_wait3A_165] : memref<2x4x8x128xf32, #tpu.memory_space<vmem>> -> memref<1x4x8x128xf32, #tpu.memory_space<vmem>>
          %dma_wait3A_167 = tpu.memref_squeeze %dma_wait3A_166 : memref<1x4x8x128xf32, #tpu.memory_space<vmem>> -> memref<4x8x128xf32, #tpu.memory_space<vmem>>
          tpu.wait_dma2 semaphore(%arg13 : memref<!tpu.dma_semaphore, #tpu.memory_space<semaphore_mem>>) src(%dma_wait3A_167 : memref<4x8x128xf32, #tpu.memory_space<vmem>>) dst(%dma_wait3A_162 : memref<4x8x128xf32, #tpu.memory_space<hbm>>)
        } else {
        }
        %parallel_loop3A_124 = arith.constant 0 : i32
        %parallel_loop3A_125 = arith.constant 8 : i32
        %parallel_loop3A_126 = arith.constant 1 : i32
        scf.for %parallel_loop3A_146 = %parallel_loop3A_124 to %parallel_loop3A_125 step %parallel_loop3A_126  : i32 {
          %parallel_loop3A_147 = arith.constant 16 : i32
          %parallel_loop3A_148 = arith.muli %parallel_loop3A_146, %parallel_loop3A_147 : i32
          %parallel_loop3A_149 = arith.index_cast %scan3A_117 : i32 to index
          %parallel_loop3A_150 = arith.index_cast %parallel_loop3A_148 : i32 to index
          %parallel_loop3A_151 = tpu.vector_load %arg10[%parallel_loop3A_149, %parallel_loop3A_150] {strides = array<i32>} : memref<8x128xi32, #tpu.memory_space<vmem>>, vector<16xi32>,
          %parallel_loop3A_152 = arith.constant 16 : i32
          %parallel_loop3A_153 = arith.muli %parallel_loop3A_146, %parallel_loop3A_152 : i32
          %parallel_loop3A_154 = arith.index_cast %scan3A_117 : i32 to index
          %parallel_loop3A_155 = arith.index_cast %parallel_loop3A_153 : i32 to index
          %parallel_loop3A_156 = tpu.vector_load %arg11[%parallel_loop3A_154, %parallel_loop3A_155] {strides = array<i32>} : memref<8x128xi32, #tpu.memory_space<vmem>>, vector<16xi32>,
          %parallel_loop3A_157 = arith.constant 0 : i32
          %parallel_loop3A_158 = vector.broadcast %parallel_loop3A_157 : i32 to vector<16xi32>
          %parallel_loop3A_159 = tpu.vector_load_idx %arg8[%parallel_loop3A_158, %parallel_loop3A_151] : memref<32x1000xf32, #tpu.memory_space<vmem>>[vector<16xi32>, vector<16xi32>], vector<16xf32>,
          %parallel_loop3A_160 = tpu.vector_load_idx %arg9[%parallel_loop3A_158, %parallel_loop3A_156] : memref<32x1000xf32, #tpu.memory_space<vmem>>[vector<16xi32>, vector<16xi32>], vector<16xf32>,
          %parallel_loop3A_161 = arith.addf %parallel_loop3A_159, %parallel_loop3A_160 : vector<16xf32>
          %parallel_loop3A_162 = arith.constant 16 : i32
          %parallel_loop3A_163 = arith.muli %parallel_loop3A_146, %parallel_loop3A_162 : i32
          %parallel_loop3A_164 = arith.constant 0 : i32
          %parallel_loop3A_165 = arith.constant 0 : i32
          %parallel_loop3A_166 = arith.index_cast %and3A_121 : i32 to index
          %parallel_loop3A_167 = arith.index_cast %parallel_loop3A_164 : i32 to index
          %parallel_loop3A_168 = arith.index_cast %parallel_loop3A_165 : i32 to index
          %parallel_loop3A_169 = arith.index_cast %parallel_loop3A_163 : i32 to index
          %parallel_loop3A_170 = tpu.vector_load %arg12[%parallel_loop3A_166, %parallel_loop3A_167, %parallel_loop3A_168, %parallel_loop3A_169] {strides = array<i32>} : memref<2x4x8x128xf32, #tpu.memory_space<vmem>>, vector<16xf32>,
          tpu.vector_store %arg12[%parallel_loop3A_166, %parallel_loop3A_167, %parallel_loop3A_168, %parallel_loop3A_169], %parallel_loop3A_161 {strides = array<i32>} : memref<2x4x8x128xf32, #tpu.memory_space<vmem>>, vector<16xf32>,
          %parallel_loop3A_171 = arith.constant 1 : i32
          %parallel_loop3A_172 = vector.broadcast %parallel_loop3A_171 : i32 to vector<16xi32>
          %parallel_loop3A_173 = tpu.vector_load_idx %arg8[%parallel_loop3A_172, %parallel_loop3A_151] : memref<32x1000xf32, #tpu.memory_space<vmem>>[vector<16xi32>, vector<16xi32>], vector<16xf32>,
          %parallel_loop3A_174 = tpu.vector_load_idx %arg9[%parallel_loop3A_172, %parallel_loop3A_156] : memref<32x1000xf32, #tpu.memory_space<vmem>>[vector<16xi32>, vector<16xi32>], vector<16xf32>,
          %parallel_loop3A_175 = arith.addf %parallel_loop3A_173, %parallel_loop3A_174 : vector<16xf32>
          %parallel_loop3A_176 = arith.constant 16 : i32
          %parallel_loop3A_177 = arith.muli %parallel_loop3A_146, %parallel_loop3A_176 : i32
          %parallel_loop3A_178 = arith.constant 0 : i32
          %parallel_loop3A_179 = arith.constant 1 : i32
          %parallel_loop3A_180 = arith.index_cast %and3A_121 : i32 to index
          %parallel_loop3A_181 = arith.index_cast %parallel_loop3A_178 : i32 to index
          %parallel_loop3A_182 = arith.index_cast %parallel_loop3A_179 : i32 to index
          %parallel_loop3A_183 = arith.index_cast %parallel_loop3A_177 : i32 to index
          %parallel_loop3A_184 = tpu.vector_load %arg12[%parallel_loop3A_180, %parallel_loop3A_181, %parallel_loop3A_182, %parallel_loop3A_183] {strides = array<i32>} : memref<2x4x8x128xf32, #tpu.memory_space<vmem>>, vector<16xf32>,
          tpu.vector_store %arg12[%parallel_loop3A_180, %parallel_loop3A_181, %parallel_loop3A_182, %parallel_loop3A_183], %parallel_loop3A_175 {strides = array<i32>} : memref<2x4x8x128xf32, #tpu.memory_space<vmem>>, vector<16xf32>,
          %parallel_loop3A_185 = arith.constant 2 : i32
          %parallel_loop3A_186 = vector.broadcast %parallel_loop3A_185 : i32 to vector<16xi32>
          %parallel_loop3A_187 = tpu.vector_load_idx %arg8[%parallel_loop3A_186, %parallel_loop3A_151] : memref<32x1000xf32, #tpu.memory_space<vmem>>[vector<16xi32>, vector<16xi32>], vector<16xf32>,
          %parallel_loop3A_188 = tpu.vector_load_idx %arg9[%parallel_loop3A_186, %parallel_loop3A_156] : memref<32x1000xf32, #tpu.memory_space<vmem>>[vector<16xi32>, vector<16xi32>], vector<16xf32>,
          %parallel_loop3A_189 = arith.addf %parallel_loop3A_187, %parallel_loop3A_188 : vector<16xf32>
          %parallel_loop3A_190 = arith.constant 16 : i32
          %parallel_loop3A_191 = arith.muli %parallel_loop3A_146, %parallel_loop3A_190 : i32
          %parallel_loop3A_192 = arith.constant 0 : i32
          %parallel_loop3A_193 = arith.constant 2 : i32
          %parallel_loop3A_194 = arith.index_cast %and3A_121 : i32 to index
          %parallel_loop3A_195 = arith.index_cast %parallel_loop3A_192 : i32 to index
          %parallel_loop3A_196 = arith.index_cast %parallel_loop3A_193 : i32 to index
          %parallel_loop3A_197 = arith.index_cast %parallel_loop3A_191 : i32 to index
          %parallel_loop3A_198 = tpu.vector_load %arg12[%parallel_loop3A_194, %parallel_loop3A_195, %parallel_loop3A_196, %parallel_loop3A_197] {strides = array<i32>} : memref<2x4x8x128xf32, #tpu.memory_space<vmem>>, vector<16xf32>,
          tpu.vector_store %arg12[%parallel_loop3A_194, %parallel_loop3A_195, %parallel_loop3A_196, %parallel_loop3A_197], %parallel_loop3A_189 {strides = array<i32>} : memref<2x4x8x128xf32, #tpu.memory_space<vmem>>, vector<16xf32>,
          %parallel_loop3A_199 = arith.constant 3 : i32
          %parallel_loop3A_200 = vector.broadcast %parallel_loop3A_199 : i32 to vector<16xi32>
          %parallel_loop3A_201 = tpu.vector_load_idx %arg8[%parallel_loop3A_200, %parallel_loop3A_151] : memref<32x1000xf32, #tpu.memory_space<vmem>>[vector<16xi32>, vector<16xi32>], vector<16xf32>,
          %parallel_loop3A_202 = tpu.vector_load_idx %arg9[%parallel_loop3A_200, %parallel_loop3A_156] : memref<32x1000xf32, #tpu.memory_space<vmem>>[vector<16xi32>, vector<16xi32>], vector<16xf32>,
          %parallel_loop3A_203 = arith.addf %parallel_loop3A_201, %parallel_loop3A_202 : vector<16xf32>
          %parallel_loop3A_204 = arith.constant 16 : i32
          %parallel_loop3A_205 = arith.muli %parallel_loop3A_146, %parallel_loop3A_204 : i32
          %parallel_loop3A_206 = arith.constant 0 : i32
          %parallel_loop3A_207 = arith.constant 3 : i32
          %parallel_loop3A_208 = arith.index_cast %and3A_121 : i32 to index
          %parallel_loop3A_209 = arith.index_cast %parallel_loop3A_206 : i32 to index
          %parallel_loop3A_210 = arith.index_cast %parallel_loop3A_207 : i32 to index
          %parallel_loop3A_211 = arith.index_cast %parallel_loop3A_205 : i32 to index
          %parallel_loop3A_212 = tpu.vector_load %arg12[%parallel_loop3A_208, %parallel_loop3A_209, %parallel_loop3A_210, %parallel_loop3A_211] {strides = array<i32>} : memref<2x4x8x128xf32, #tpu.memory_space<vmem>>, vector<16xf32>,
          tpu.vector_store %arg12[%parallel_loop3A_208, %parallel_loop3A_209, %parallel_loop3A_210, %parallel_loop3A_211], %parallel_loop3A_203 {strides = array<i32>} : memref<2x4x8x128xf32, #tpu.memory_space<vmem>>, vector<16xf32>,
          %parallel_loop3A_213 = arith.constant 4 : i32
          %parallel_loop3A_214 = vector.broadcast %parallel_loop3A_213 : i32 to vector<16xi32>
          %parallel_loop3A_215 = tpu.vector_load_idx %arg8[%parallel_loop3A_214, %parallel_loop3A_151] : memref<32x1000xf32, #tpu.memory_space<vmem>>[vector<16xi32>, vector<16xi32>], vector<16xf32>,
          %parallel_loop3A_216 = tpu.vector_load_idx %arg9[%parallel_loop3A_214, %parallel_loop3A_156] : memref<32x1000xf32, #tpu.memory_space<vmem>>[vector<16xi32>, vector<16xi32>], vector<16xf32>,
          %parallel_loop3A_217 = arith.addf %parallel_loop3A_215, %parallel_loop3A_216 : vector<16xf32>
          %parallel_loop3A_218 = arith.constant 16 : i32
          %parallel_loop3A_219 = arith.muli %parallel_loop3A_146, %parallel_loop3A_218 : i32
          %parallel_loop3A_220 = arith.constant 0 : i32
          %parallel_loop3A_221 = arith.constant 4 : i32
          %parallel_loop3A_222 = arith.index_cast %and3A_121 : i32 to index
          %parallel_loop3A_223 = arith.index_cast %parallel_loop3A_220 : i32 to index
          %parallel_loop3A_224 = arith.index_cast %parallel_loop3A_221 : i32 to index
          %parallel_loop3A_225 = arith.index_cast %parallel_loop3A_219 : i32 to index
          %parallel_loop3A_226 = tpu.vector_load %arg12[%parallel_loop3A_222, %parallel_loop3A_223, %parallel_loop3A_224, %parallel_loop3A_225] {strides = array<i32>} : memref<2x4x8x128xf32, #tpu.memory_space<vmem>>, vector<16xf32>,
          tpu.vector_store %arg12[%parallel_loop3A_222, %parallel_loop3A_223, %parallel_loop3A_224, %parallel_loop3A_225], %parallel_loop3A_217 {strides = array<i32>} : memref<2x4x8x128xf32, #tpu.memory_space<vmem>>, vector<16xf32>,
          %parallel_loop3A_227 = arith.constant 5 : i32
          %parallel_loop3A_228 = vector.broadcast %parallel_loop3A_227 : i32 to vector<16xi32>
          %parallel_loop3A_229 = tpu.vector_load_idx %arg8[%parallel_loop3A_228, %parallel_loop3A_151] : memref<32x1000xf32, #tpu.memory_space<vmem>>[vector<16xi32>, vector<16xi32>], vector<16xf32>,
          %parallel_loop3A_230 = tpu.vector_load_idx %arg9[%parallel_loop3A_228, %parallel_loop3A_156] : memref<32x1000xf32, #tpu.memory_space<vmem>>[vector<16xi32>, vector<16xi32>], vector<16xf32>,
          %parallel_loop3A_231 = arith.addf %parallel_loop3A_229, %parallel_loop3A_230 : vector<16xf32>
          %parallel_loop3A_232 = arith.constant 16 : i32
          %parallel_loop3A_233 = arith.muli %parallel_loop3A_146, %parallel_loop3A_232 : i32
          %parallel_loop3A_234 = arith.constant 0 : i32
          %parallel_loop3A_235 = arith.constant 5 : i32
          %parallel_loop3A_236 = arith.index_cast %and3A_121 : i32 to index
          %parallel_loop3A_237 = arith.index_cast %parallel_loop3A_234 : i32 to index
          %parallel_loop3A_238 = arith.index_cast %parallel_loop3A_235 : i32 to index
          %parallel_loop3A_239 = arith.index_cast %parallel_loop3A_233 : i32 to index
          %parallel_loop3A_240 = tpu.vector_load %arg12[%parallel_loop3A_236, %parallel_loop3A_237, %parallel_loop3A_238, %parallel_loop3A_239] {strides = array<i32>} : memref<2x4x8x128xf32, #tpu.memory_space<vmem>>, vector<16xf32>,
          tpu.vector_store %arg12[%parallel_loop3A_236, %parallel_loop3A_237, %parallel_loop3A_238, %parallel_loop3A_239], %parallel_loop3A_231 {strides = array<i32>} : memref<2x4x8x128xf32, #tpu.memory_space<vmem>>, vector<16xf32>,
          %parallel_loop3A_241 = arith.constant 6 : i32
          %parallel_loop3A_242 = vector.broadcast %parallel_loop3A_241 : i32 to vector<16xi32>
          %parallel_loop3A_243 = tpu.vector_load_idx %arg8[%parallel_loop3A_242, %parallel_loop3A_151] : memref<32x1000xf32, #tpu.memory_space<vmem>>[vector<16xi32>, vector<16xi32>], vector<16xf32>,
          %parallel_loop3A_244 = tpu.vector_load_idx %arg9[%parallel_loop3A_242, %parallel_loop3A_156] : memref<32x1000xf32, #tpu.memory_space<vmem>>[vector<16xi32>, vector<16xi32>], vector<16xf32>,
          %parallel_loop3A_245 = arith.addf %parallel_loop3A_243, %parallel_loop3A_244 : vector<16xf32>
          %parallel_loop3A_246 = arith.constant 16 : i32
          %parallel_loop3A_247 = arith.muli %parallel_loop3A_146, %parallel_loop3A_246 : i32
          %parallel_loop3A_248 = arith.constant 0 : i32
          %parallel_loop3A_249 = arith.constant 6 : i32
          %parallel_loop3A_250 = arith.index_cast %and3A_121 : i32 to index
          %parallel_loop3A_251 = arith.index_cast %parallel_loop3A_248 : i32 to index
          %parallel_loop3A_252 = arith.index_cast %parallel_loop3A_249 : i32 to index
          %parallel_loop3A_253 = arith.index_cast %parallel_loop3A_247 : i32 to index
          %parallel_loop3A_254 = tpu.vector_load %arg12[%parallel_loop3A_250, %parallel_loop3A_251, %parallel_loop3A_252, %parallel_loop3A_253] {strides = array<i32>} : memref<2x4x8x128xf32, #tpu.memory_space<vmem>>, vector<16xf32>,
          tpu.vector_store %arg12[%parallel_loop3A_250, %parallel_loop3A_251, %parallel_loop3A_252, %parallel_loop3A_253], %parallel_loop3A_245 {strides = array<i32>} : memref<2x4x8x128xf32, #tpu.memory_space<vmem>>, vector<16xf32>,
          %parallel_loop3A_255 = arith.constant 7 : i32
          %parallel_loop3A_256 = vector.broadcast %parallel_loop3A_255 : i32 to vector<16xi32>
          %parallel_loop3A_257 = tpu.vector_load_idx %arg8[%parallel_loop3A_256, %parallel_loop3A_151] : memref<32x1000xf32, #tpu.memory_space<vmem>>[vector<16xi32>, vector<16xi32>], vector<16xf32>,
          %parallel_loop3A_258 = tpu.vector_load_idx %arg9[%parallel_loop3A_256, %parallel_loop3A_156] : memref<32x1000xf32, #tpu.memory_space<vmem>>[vector<16xi32>, vector<16xi32>], vector<16xf32>,
          %parallel_loop3A_259 = arith.addf %parallel_loop3A_257, %parallel_loop3A_258 : vector<16xf32>
          %parallel_loop3A_260 = arith.constant 16 : i32
          %parallel_loop3A_261 = arith.muli %parallel_loop3A_146, %parallel_loop3A_260 : i32
          %parallel_loop3A_262 = arith.constant 0 : i32
          %parallel_loop3A_263 = arith.constant 7 : i32
          %parallel_loop3A_264 = arith.index_cast %and3A_121 : i32 to index
          %parallel_loop3A_265 = arith.index_cast %parallel_loop3A_262 : i32 to index
          %parallel_loop3A_266 = arith.index_cast %parallel_loop3A_263 : i32 to index
          %parallel_loop3A_267 = arith.index_cast %parallel_loop3A_261 : i32 to index
          %parallel_loop3A_268 = tpu.vector_load %arg12[%parallel_loop3A_264, %parallel_loop3A_265, %parallel_loop3A_266, %parallel_loop3A_267] {strides = array<i32>} : memref<2x4x8x128xf32, #tpu.memory_space<vmem>>, vector<16xf32>,
          tpu.vector_store %arg12[%parallel_loop3A_264, %parallel_loop3A_265, %parallel_loop3A_266, %parallel_loop3A_267], %parallel_loop3A_259 {strides = array<i32>} : memref<2x4x8x128xf32, #tpu.memory_space<vmem>>, vector<16xf32>,
          %parallel_loop3A_269 = arith.constant 8 : i32
          %parallel_loop3A_270 = vector.broadcast %parallel_loop3A_269 : i32 to vector<16xi32>
          %parallel_loop3A_271 = tpu.vector_load_idx %arg8[%parallel_loop3A_270, %parallel_loop3A_151] : memref<32x1000xf32, #tpu.memory_space<vmem>>[vector<16xi32>, vector<16xi32>], vector<16xf32>,
          %parallel_loop3A_272 = tpu.vector_load_idx %arg9[%parallel_loop3A_270, %parallel_loop3A_156] : memref<32x1000xf32, #tpu.memory_space<vmem>>[vector<16xi32>, vector<16xi32>], vector<16xf32>,
          %parallel_loop3A_273 = arith.addf %parallel_loop3A_271, %parallel_loop3A_272 : vector<16xf32>
          %parallel_loop3A_274 = arith.constant 16 : i32
          %parallel_loop3A_275 = arith.muli %parallel_loop3A_146, %parallel_loop3A_274 : i32
          %parallel_loop3A_276 = arith.constant 1 : i32
          %parallel_loop3A_277 = arith.constant 0 : i32
          %parallel_loop3A_278 = arith.index_cast %and3A_121 : i32 to index
          %parallel_loop3A_279 = arith.index_cast %parallel_loop3A_276 : i32 to index
          %parallel_loop3A_280 = arith.index_cast %parallel_loop3A_277 : i32 to index
          %parallel_loop3A_281 = arith.index_cast %parallel_loop3A_275 : i32 to index
          %parallel_loop3A_282 = tpu.vector_load %arg12[%parallel_loop3A_278, %parallel_loop3A_279, %parallel_loop3A_280, %parallel_loop3A_281] {strides = array<i32>} : memref<2x4x8x128xf32, #tpu.memory_space<vmem>>, vector<16xf32>,
          tpu.vector_store %arg12[%parallel_loop3A_278, %parallel_loop3A_279, %parallel_loop3A_280, %parallel_loop3A_281], %parallel_loop3A_273 {strides = array<i32>} : memref<2x4x8x128xf32, #tpu.memory_space<vmem>>, vector<16xf32>,
          %parallel_loop3A_283 = arith.constant 9 : i32
          %parallel_loop3A_284 = vector.broadcast %parallel_loop3A_283 : i32 to vector<16xi32>
          %parallel_loop3A_285 = tpu.vector_load_idx %arg8[%parallel_loop3A_284, %parallel_loop3A_151] : memref<32x1000xf32, #tpu.memory_space<vmem>>[vector<16xi32>, vector<16xi32>], vector<16xf32>,
          %parallel_loop3A_286 = tpu.vector_load_idx %arg9[%parallel_loop3A_284, %parallel_loop3A_156] : memref<32x1000xf32, #tpu.memory_space<vmem>>[vector<16xi32>, vector<16xi32>], vector<16xf32>,
          %parallel_loop3A_287 = arith.addf %parallel_loop3A_285, %parallel_loop3A_286 : vector<16xf32>
          %parallel_loop3A_288 = arith.constant 16 : i32
          %parallel_loop3A_289 = arith.muli %parallel_loop3A_146, %parallel_loop3A_288 : i32
          %parallel_loop3A_290 = arith.constant 1 : i32
          %parallel_loop3A_291 = arith.constant 1 : i32
          %parallel_loop3A_292 = arith.index_cast %and3A_121 : i32 to index
          %parallel_loop3A_293 = arith.index_cast %parallel_loop3A_290 : i32 to index
          %parallel_loop3A_294 = arith.index_cast %parallel_loop3A_291 : i32 to index
          %parallel_loop3A_295 = arith.index_cast %parallel_loop3A_289 : i32 to index
          %parallel_loop3A_296 = tpu.vector_load %arg12[%parallel_loop3A_292, %parallel_loop3A_293, %parallel_loop3A_294, %parallel_loop3A_295] {strides = array<i32>} : memref<2x4x8x128xf32, #tpu.memory_space<vmem>>, vector<16xf32>,
          tpu.vector_store %arg12[%parallel_loop3A_292, %parallel_loop3A_293, %parallel_loop3A_294, %parallel_loop3A_295], %parallel_loop3A_287 {strides = array<i32>} : memref<2x4x8x128xf32, #tpu.memory_space<vmem>>, vector<16xf32>,
          %parallel_loop3A_297 = arith.constant 10 : i32
          %parallel_loop3A_298 = vector.broadcast %parallel_loop3A_297 : i32 to vector<16xi32>
          %parallel_loop3A_299 = tpu.vector_load_idx %arg8[%parallel_loop3A_298, %parallel_loop3A_151] : memref<32x1000xf32, #tpu.memory_space<vmem>>[vector<16xi32>, vector<16xi32>], vector<16xf32>,
          %parallel_loop3A_300 = tpu.vector_load_idx %arg9[%parallel_loop3A_298, %parallel_loop3A_156] : memref<32x1000xf32, #tpu.memory_space<vmem>>[vector<16xi32>, vector<16xi32>], vector<16xf32>,
          %parallel_loop3A_301 = arith.addf %parallel_loop3A_299, %parallel_loop3A_300 : vector<16xf32>
          %parallel_loop3A_302 = arith.constant 16 : i32
          %parallel_loop3A_303 = arith.muli %parallel_loop3A_146, %parallel_loop3A_302 : i32
          %parallel_loop3A_304 = arith.constant 1 : i32
          %parallel_loop3A_305 = arith.constant 2 : i32
          %parallel_loop3A_306 = arith.index_cast %and3A_121 : i32 to index
          %parallel_loop3A_307 = arith.index_cast %parallel_loop3A_304 : i32 to index
          %parallel_loop3A_308 = arith.index_cast %parallel_loop3A_305 : i32 to index
          %parallel_loop3A_309 = arith.index_cast %parallel_loop3A_303 : i32 to index
          %parallel_loop3A_310 = tpu.vector_load %arg12[%parallel_loop3A_306, %parallel_loop3A_307, %parallel_loop3A_308, %parallel_loop3A_309] {strides = array<i32>} : memref<2x4x8x128xf32, #tpu.memory_space<vmem>>, vector<16xf32>,
          tpu.vector_store %arg12[%parallel_loop3A_306, %parallel_loop3A_307, %parallel_loop3A_308, %parallel_loop3A_309], %parallel_loop3A_301 {strides = array<i32>} : memref<2x4x8x128xf32, #tpu.memory_space<vmem>>, vector<16xf32>,
          %parallel_loop3A_311 = arith.constant 11 : i32
          %parallel_loop3A_312 = vector.broadcast %parallel_loop3A_311 : i32 to vector<16xi32>
          %parallel_loop3A_313 = tpu.vector_load_idx %arg8[%parallel_loop3A_312, %parallel_loop3A_151] : memref<32x1000xf32, #tpu.memory_space<vmem>>[vector<16xi32>, vector<16xi32>], vector<16xf32>,
          %parallel_loop3A_314 = tpu.vector_load_idx %arg9[%parallel_loop3A_312, %parallel_loop3A_156] : memref<32x1000xf32, #tpu.memory_space<vmem>>[vector<16xi32>, vector<16xi32>], vector<16xf32>,
          %parallel_loop3A_315 = arith.addf %parallel_loop3A_313, %parallel_loop3A_314 : vector<16xf32>
          %parallel_loop3A_316 = arith.constant 16 : i32
          %parallel_loop3A_317 = arith.muli %parallel_loop3A_146, %parallel_loop3A_316 : i32
          %parallel_loop3A_318 = arith.constant 1 : i32
          %parallel_loop3A_319 = arith.constant 3 : i32
          %parallel_loop3A_320 = arith.index_cast %and3A_121 : i32 to index
          %parallel_loop3A_321 = arith.index_cast %parallel_loop3A_318 : i32 to index
          %parallel_loop3A_322 = arith.index_cast %parallel_loop3A_319 : i32 to index
          %parallel_loop3A_323 = arith.index_cast %parallel_loop3A_317 : i32 to index
          %parallel_loop3A_324 = tpu.vector_load %arg12[%parallel_loop3A_320, %parallel_loop3A_321, %parallel_loop3A_322, %parallel_loop3A_323] {strides = array<i32>} : memref<2x4x8x128xf32, #tpu.memory_space<vmem>>, vector<16xf32>,
          tpu.vector_store %arg12[%parallel_loop3A_320, %parallel_loop3A_321, %parallel_loop3A_322, %parallel_loop3A_323], %parallel_loop3A_315 {strides = array<i32>} : memref<2x4x8x128xf32, #tpu.memory_space<vmem>>, vector<16xf32>,
          %parallel_loop3A_325 = arith.constant 12 : i32
          %parallel_loop3A_326 = vector.broadcast %parallel_loop3A_325 : i32 to vector<16xi32>
          %parallel_loop3A_327 = tpu.vector_load_idx %arg8[%parallel_loop3A_326, %parallel_loop3A_151] : memref<32x1000xf32, #tpu.memory_space<vmem>>[vector<16xi32>, vector<16xi32>], vector<16xf32>,
          %parallel_loop3A_328 = tpu.vector_load_idx %arg9[%parallel_loop3A_326, %parallel_loop3A_156] : memref<32x1000xf32, #tpu.memory_space<vmem>>[vector<16xi32>, vector<16xi32>], vector<16xf32>,
          %parallel_loop3A_329 = arith.addf %parallel_loop3A_327, %parallel_loop3A_328 : vector<16xf32>
          %parallel_loop3A_330 = arith.constant 16 : i32
          %parallel_loop3A_331 = arith.muli %parallel_loop3A_146, %parallel_loop3A_330 : i32
          %parallel_loop3A_332 = arith.constant 1 : i32
          %parallel_loop3A_333 = arith.constant 4 : i32
          %parallel_loop3A_334 = arith.index_cast %and3A_121 : i32 to index
          %parallel_loop3A_335 = arith.index_cast %parallel_loop3A_332 : i32 to index
          %parallel_loop3A_336 = arith.index_cast %parallel_loop3A_333 : i32 to index
          %parallel_loop3A_337 = arith.index_cast %parallel_loop3A_331 : i32 to index
          %parallel_loop3A_338 = tpu.vector_load %arg12[%parallel_loop3A_334, %parallel_loop3A_335, %parallel_loop3A_336, %parallel_loop3A_337] {strides = array<i32>} : memref<2x4x8x128xf32, #tpu.memory_space<vmem>>, vector<16xf32>,
          tpu.vector_store %arg12[%parallel_loop3A_334, %parallel_loop3A_335, %parallel_loop3A_336, %parallel_loop3A_337], %parallel_loop3A_329 {strides = array<i32>} : memref<2x4x8x128xf32, #tpu.memory_space<vmem>>, vector<16xf32>,
          %parallel_loop3A_339 = arith.constant 13 : i32
          %parallel_loop3A_340 = vector.broadcast %parallel_loop3A_339 : i32 to vector<16xi32>
          %parallel_loop3A_341 = tpu.vector_load_idx %arg8[%parallel_loop3A_340, %parallel_loop3A_151] : memref<32x1000xf32, #tpu.memory_space<vmem>>[vector<16xi32>, vector<16xi32>], vector<16xf32>,
          %parallel_loop3A_342 = tpu.vector_load_idx %arg9[%parallel_loop3A_340, %parallel_loop3A_156] : memref<32x1000xf32, #tpu.memory_space<vmem>>[vector<16xi32>, vector<16xi32>], vector<16xf32>,
          %parallel_loop3A_343 = arith.addf %parallel_loop3A_341, %parallel_loop3A_342 : vector<16xf32>
          %parallel_loop3A_344 = arith.constant 16 : i32
          %parallel_loop3A_345 = arith.muli %parallel_loop3A_146, %parallel_loop3A_344 : i32
          %parallel_loop3A_346 = arith.constant 1 : i32
          %parallel_loop3A_347 = arith.constant 5 : i32
          %parallel_loop3A_348 = arith.index_cast %and3A_121 : i32 to index
          %parallel_loop3A_349 = arith.index_cast %parallel_loop3A_346 : i32 to index
          %parallel_loop3A_350 = arith.index_cast %parallel_loop3A_347 : i32 to index
          %parallel_loop3A_351 = arith.index_cast %parallel_loop3A_345 : i32 to index
          %parallel_loop3A_352 = tpu.vector_load %arg12[%parallel_loop3A_348, %parallel_loop3A_349, %parallel_loop3A_350, %parallel_loop3A_351] {strides = array<i32>} : memref<2x4x8x128xf32, #tpu.memory_space<vmem>>, vector<16xf32>,
          tpu.vector_store %arg12[%parallel_loop3A_348, %parallel_loop3A_349, %parallel_loop3A_350, %parallel_loop3A_351], %parallel_loop3A_343 {strides = array<i32>} : memref<2x4x8x128xf32, #tpu.memory_space<vmem>>, vector<16xf32>,
          %parallel_loop3A_353 = arith.constant 14 : i32
          %parallel_loop3A_354 = vector.broadcast %parallel_loop3A_353 : i32 to vector<16xi32>
          %parallel_loop3A_355 = tpu.vector_load_idx %arg8[%parallel_loop3A_354, %parallel_loop3A_151] : memref<32x1000xf32, #tpu.memory_space<vmem>>[vector<16xi32>, vector<16xi32>], vector<16xf32>,
          %parallel_loop3A_356 = tpu.vector_load_idx %arg9[%parallel_loop3A_354, %parallel_loop3A_156] : memref<32x1000xf32, #tpu.memory_space<vmem>>[vector<16xi32>, vector<16xi32>], vector<16xf32>,
          %parallel_loop3A_357 = arith.addf %parallel_loop3A_355, %parallel_loop3A_356 : vector<16xf32>
          %parallel_loop3A_358 = arith.constant 16 : i32
          %parallel_loop3A_359 = arith.muli %parallel_loop3A_146, %parallel_loop3A_358 : i32
          %parallel_loop3A_360 = arith.constant 1 : i32
          %parallel_loop3A_361 = arith.constant 6 : i32
          %parallel_loop3A_362 = arith.index_cast %and3A_121 : i32 to index
          %parallel_loop3A_363 = arith.index_cast %parallel_loop3A_360 : i32 to index
          %parallel_loop3A_364 = arith.index_cast %parallel_loop3A_361 : i32 to index
          %parallel_loop3A_365 = arith.index_cast %parallel_loop3A_359 : i32 to index
          %parallel_loop3A_366 = tpu.vector_load %arg12[%parallel_loop3A_362, %parallel_loop3A_363, %parallel_loop3A_364, %parallel_loop3A_365] {strides = array<i32>} : memref<2x4x8x128xf32, #tpu.memory_space<vmem>>, vector<16xf32>,
          tpu.vector_store %arg12[%parallel_loop3A_362, %parallel_loop3A_363, %parallel_loop3A_364, %parallel_loop3A_365], %parallel_loop3A_357 {strides = array<i32>} : memref<2x4x8x128xf32, #tpu.memory_space<vmem>>, vector<16xf32>,
          %parallel_loop3A_367 = arith.constant 15 : i32
          %parallel_loop3A_368 = vector.broadcast %parallel_loop3A_367 : i32 to vector<16xi32>
          %parallel_loop3A_369 = tpu.vector_load_idx %arg8[%parallel_loop3A_368, %parallel_loop3A_151] : memref<32x1000xf32, #tpu.memory_space<vmem>>[vector<16xi32>, vector<16xi32>], vector<16xf32>,
          %parallel_loop3A_370 = tpu.vector_load_idx %arg9[%parallel_loop3A_368, %parallel_loop3A_156] : memref<32x1000xf32, #tpu.memory_space<vmem>>[vector<16xi32>, vector<16xi32>], vector<16xf32>,
          %parallel_loop3A_371 = arith.addf %parallel_loop3A_369, %parallel_loop3A_370 : vector<16xf32>
          %parallel_loop3A_372 = arith.constant 16 : i32
          %parallel_loop3A_373 = arith.muli %parallel_loop3A_146, %parallel_loop3A_372 : i32
          %parallel_loop3A_374 = arith.constant 1 : i32
          %parallel_loop3A_375 = arith.constant 7 : i32
          %parallel_loop3A_376 = arith.index_cast %and3A_121 : i32 to index
          %parallel_loop3A_377 = arith.index_cast %parallel_loop3A_374 : i32 to index
          %parallel_loop3A_378 = arith.index_cast %parallel_loop3A_375 : i32 to index
          %parallel_loop3A_379 = arith.index_cast %parallel_loop3A_373 : i32 to index
          %parallel_loop3A_380 = tpu.vector_load %arg12[%parallel_loop3A_376, %parallel_loop3A_377, %parallel_loop3A_378, %parallel_loop3A_379] {strides = array<i32>} : memref<2x4x8x128xf32, #tpu.memory_space<vmem>>, vector<16xf32>,
          tpu.vector_store %arg12[%parallel_loop3A_376, %parallel_loop3A_377, %parallel_loop3A_378, %parallel_loop3A_379], %parallel_loop3A_371 {strides = array<i32>} : memref<2x4x8x128xf32, #tpu.memory_space<vmem>>, vector<16xf32>,
          %parallel_loop3A_381 = arith.constant 16 : i32
          %parallel_loop3A_382 = vector.broadcast %parallel_loop3A_381 : i32 to vector<16xi32>
          %parallel_loop3A_383 = tpu.vector_load_idx %arg8[%parallel_loop3A_382, %parallel_loop3A_151] : memref<32x1000xf32, #tpu.memory_space<vmem>>[vector<16xi32>, vector<16xi32>], vector<16xf32>,
          %parallel_loop3A_384 = tpu.vector_load_idx %arg9[%parallel_loop3A_382, %parallel_loop3A_156] : memref<32x1000xf32, #tpu.memory_space<vmem>>[vector<16xi32>, vector<16xi32>], vector<16xf32>,
          %parallel_loop3A_385 = arith.addf %parallel_loop3A_383, %parallel_loop3A_384 : vector<16xf32>
          %parallel_loop3A_386 = arith.constant 16 : i32
          %parallel_loop3A_387 = arith.muli %parallel_loop3A_146, %parallel_loop3A_386 : i32
          %parallel_loop3A_388 = arith.constant 2 : i32
          %parallel_loop3A_389 = arith.constant 0 : i32
          %parallel_loop3A_390 = arith.index_cast %and3A_121 : i32 to index
          %parallel_loop3A_391 = arith.index_cast %parallel_loop3A_388 : i32 to index
          %parallel_loop3A_392 = arith.index_cast %parallel_loop3A_389 : i32 to index
          %parallel_loop3A_393 = arith.index_cast %parallel_loop3A_387 : i32 to index
          %parallel_loop3A_394 = tpu.vector_load %arg12[%parallel_loop3A_390, %parallel_loop3A_391, %parallel_loop3A_392, %parallel_loop3A_393] {strides = array<i32>} : memref<2x4x8x128xf32, #tpu.memory_space<vmem>>, vector<16xf32>,
          tpu.vector_store %arg12[%parallel_loop3A_390, %parallel_loop3A_391, %parallel_loop3A_392, %parallel_loop3A_393], %parallel_loop3A_385 {strides = array<i32>} : memref<2x4x8x128xf32, #tpu.memory_space<vmem>>, vector<16xf32>,
          %parallel_loop3A_395 = arith.constant 17 : i32
          %parallel_loop3A_396 = vector.broadcast %parallel_loop3A_395 : i32 to vector<16xi32>
          %parallel_loop3A_397 = tpu.vector_load_idx %arg8[%parallel_loop3A_396, %parallel_loop3A_151] : memref<32x1000xf32, #tpu.memory_space<vmem>>[vector<16xi32>, vector<16xi32>], vector<16xf32>,
          %parallel_loop3A_398 = tpu.vector_load_idx %arg9[%parallel_loop3A_396, %parallel_loop3A_156] : memref<32x1000xf32, #tpu.memory_space<vmem>>[vector<16xi32>, vector<16xi32>], vector<16xf32>,
          %parallel_loop3A_399 = arith.addf %parallel_loop3A_397, %parallel_loop3A_398 : vector<16xf32>
          %parallel_loop3A_400 = arith.constant 16 : i32
          %parallel_loop3A_401 = arith.muli %parallel_loop3A_146, %parallel_loop3A_400 : i32
          %parallel_loop3A_402 = arith.constant 2 : i32
          %parallel_loop3A_403 = arith.constant 1 : i32
          %parallel_loop3A_404 = arith.index_cast %and3A_121 : i32 to index
          %parallel_loop3A_405 = arith.index_cast %parallel_loop3A_402 : i32 to index
          %parallel_loop3A_406 = arith.index_cast %parallel_loop3A_403 : i32 to index
          %parallel_loop3A_407 = arith.index_cast %parallel_loop3A_401 : i32 to index
          %parallel_loop3A_408 = tpu.vector_load %arg12[%parallel_loop3A_404, %parallel_loop3A_405, %parallel_loop3A_406, %parallel_loop3A_407] {strides = array<i32>} : memref<2x4x8x128xf32, #tpu.memory_space<vmem>>, vector<16xf32>,
          tpu.vector_store %arg12[%parallel_loop3A_404, %parallel_loop3A_405, %parallel_loop3A_406, %parallel_loop3A_407], %parallel_loop3A_399 {strides = array<i32>} : memref<2x4x8x128xf32, #tpu.memory_space<vmem>>, vector<16xf32>,
          %parallel_loop3A_409 = arith.constant 18 : i32
          %parallel_loop3A_410 = vector.broadcast %parallel_loop3A_409 : i32 to vector<16xi32>
          %parallel_loop3A_411 = tpu.vector_load_idx %arg8[%parallel_loop3A_410, %parallel_loop3A_151] : memref<32x1000xf32, #tpu.memory_space<vmem>>[vector<16xi32>, vector<16xi32>], vector<16xf32>,
          %parallel_loop3A_412 = tpu.vector_load_idx %arg9[%parallel_loop3A_410, %parallel_loop3A_156] : memref<32x1000xf32, #tpu.memory_space<vmem>>[vector<16xi32>, vector<16xi32>], vector<16xf32>,
          %parallel_loop3A_413 = arith.addf %parallel_loop3A_411, %parallel_loop3A_412 : vector<16xf32>
          %parallel_loop3A_414 = arith.constant 16 : i32
          %parallel_loop3A_415 = arith.muli %parallel_loop3A_146, %parallel_loop3A_414 : i32
          %parallel_loop3A_416 = arith.constant 2 : i32
          %parallel_loop3A_417 = arith.constant 2 : i32
          %parallel_loop3A_418 = arith.index_cast %and3A_121 : i32 to index
          %parallel_loop3A_419 = arith.index_cast %parallel_loop3A_416 : i32 to index
          %parallel_loop3A_420 = arith.index_cast %parallel_loop3A_417 : i32 to index
          %parallel_loop3A_421 = arith.index_cast %parallel_loop3A_415 : i32 to index
          %parallel_loop3A_422 = tpu.vector_load %arg12[%parallel_loop3A_418, %parallel_loop3A_419, %parallel_loop3A_420, %parallel_loop3A_421] {strides = array<i32>} : memref<2x4x8x128xf32, #tpu.memory_space<vmem>>, vector<16xf32>,
          tpu.vector_store %arg12[%parallel_loop3A_418, %parallel_loop3A_419, %parallel_loop3A_420, %parallel_loop3A_421], %parallel_loop3A_413 {strides = array<i32>} : memref<2x4x8x128xf32, #tpu.memory_space<vmem>>, vector<16xf32>,
          %parallel_loop3A_423 = arith.constant 19 : i32
          %parallel_loop3A_424 = vector.broadcast %parallel_loop3A_423 : i32 to vector<16xi32>
          %parallel_loop3A_425 = tpu.vector_load_idx %arg8[%parallel_loop3A_424, %parallel_loop3A_151] : memref<32x1000xf32, #tpu.memory_space<vmem>>[vector<16xi32>, vector<16xi32>], vector<16xf32>,
          %parallel_loop3A_426 = tpu.vector_load_idx %arg9[%parallel_loop3A_424, %parallel_loop3A_156] : memref<32x1000xf32, #tpu.memory_space<vmem>>[vector<16xi32>, vector<16xi32>], vector<16xf32>,
          %parallel_loop3A_427 = arith.addf %parallel_loop3A_425, %parallel_loop3A_426 : vector<16xf32>
          %parallel_loop3A_428 = arith.constant 16 : i32
          %parallel_loop3A_429 = arith.muli %parallel_loop3A_146, %parallel_loop3A_428 : i32
          %parallel_loop3A_430 = arith.constant 2 : i32
          %parallel_loop3A_431 = arith.constant 3 : i32
          %parallel_loop3A_432 = arith.index_cast %and3A_121 : i32 to index
          %parallel_loop3A_433 = arith.index_cast %parallel_loop3A_430 : i32 to index
          %parallel_loop3A_434 = arith.index_cast %parallel_loop3A_431 : i32 to index
          %parallel_loop3A_435 = arith.index_cast %parallel_loop3A_429 : i32 to index
          %parallel_loop3A_436 = tpu.vector_load %arg12[%parallel_loop3A_432, %parallel_loop3A_433, %parallel_loop3A_434, %parallel_loop3A_435] {strides = array<i32>} : memref<2x4x8x128xf32, #tpu.memory_space<vmem>>, vector<16xf32>,
          tpu.vector_store %arg12[%parallel_loop3A_432, %parallel_loop3A_433, %parallel_loop3A_434, %parallel_loop3A_435], %parallel_loop3A_427 {strides = array<i32>} : memref<2x4x8x128xf32, #tpu.memory_space<vmem>>, vector<16xf32>,
          %parallel_loop3A_437 = arith.constant 20 : i32
          %parallel_loop3A_438 = vector.broadcast %parallel_loop3A_437 : i32 to vector<16xi32>
          %parallel_loop3A_439 = tpu.vector_load_idx %arg8[%parallel_loop3A_438, %parallel_loop3A_151] : memref<32x1000xf32, #tpu.memory_space<vmem>>[vector<16xi32>, vector<16xi32>], vector<16xf32>,
          %parallel_loop3A_440 = tpu.vector_load_idx %arg9[%parallel_loop3A_438, %parallel_loop3A_156] : memref<32x1000xf32, #tpu.memory_space<vmem>>[vector<16xi32>, vector<16xi32>], vector<16xf32>,
          %parallel_loop3A_441 = arith.addf %parallel_loop3A_439, %parallel_loop3A_440 : vector<16xf32>
          %parallel_loop3A_442 = arith.constant 16 : i32
          %parallel_loop3A_443 = arith.muli %parallel_loop3A_146, %parallel_loop3A_442 : i32
          %parallel_loop3A_444 = arith.constant 2 : i32
          %parallel_loop3A_445 = arith.constant 4 : i32
          %parallel_loop3A_446 = arith.index_cast %and3A_121 : i32 to index
          %parallel_loop3A_447 = arith.index_cast %parallel_loop3A_444 : i32 to index
          %parallel_loop3A_448 = arith.index_cast %parallel_loop3A_445 : i32 to index
          %parallel_loop3A_449 = arith.index_cast %parallel_loop3A_443 : i32 to index
          %parallel_loop3A_450 = tpu.vector_load %arg12[%parallel_loop3A_446, %parallel_loop3A_447, %parallel_loop3A_448, %parallel_loop3A_449] {strides = array<i32>} : memref<2x4x8x128xf32, #tpu.memory_space<vmem>>, vector<16xf32>,
          tpu.vector_store %arg12[%parallel_loop3A_446, %parallel_loop3A_447, %parallel_loop3A_448, %parallel_loop3A_449], %parallel_loop3A_441 {strides = array<i32>} : memref<2x4x8x128xf32, #tpu.memory_space<vmem>>, vector<16xf32>,
          %parallel_loop3A_451 = arith.constant 21 : i32
          %parallel_loop3A_452 = vector.broadcast %parallel_loop3A_451 : i32 to vector<16xi32>
          %parallel_loop3A_453 = tpu.vector_load_idx %arg8[%parallel_loop3A_452, %parallel_loop3A_151] : memref<32x1000xf32, #tpu.memory_space<vmem>>[vector<16xi32>, vector<16xi32>], vector<16xf32>,
          %parallel_loop3A_454 = tpu.vector_load_idx %arg9[%parallel_loop3A_452, %parallel_loop3A_156] : memref<32x1000xf32, #tpu.memory_space<vmem>>[vector<16xi32>, vector<16xi32>], vector<16xf32>,
          %parallel_loop3A_455 = arith.addf %parallel_loop3A_453, %parallel_loop3A_454 : vector<16xf32>
          %parallel_loop3A_456 = arith.constant 16 : i32
          %parallel_loop3A_457 = arith.muli %parallel_loop3A_146, %parallel_loop3A_456 : i32
          %parallel_loop3A_458 = arith.constant 2 : i32
          %parallel_loop3A_459 = arith.constant 5 : i32
          %parallel_loop3A_460 = arith.index_cast %and3A_121 : i32 to index
          %parallel_loop3A_461 = arith.index_cast %parallel_loop3A_458 : i32 to index
          %parallel_loop3A_462 = arith.index_cast %parallel_loop3A_459 : i32 to index
          %parallel_loop3A_463 = arith.index_cast %parallel_loop3A_457 : i32 to index
          %parallel_loop3A_464 = tpu.vector_load %arg12[%parallel_loop3A_460, %parallel_loop3A_461, %parallel_loop3A_462, %parallel_loop3A_463] {strides = array<i32>} : memref<2x4x8x128xf32, #tpu.memory_space<vmem>>, vector<16xf32>,
          tpu.vector_store %arg12[%parallel_loop3A_460, %parallel_loop3A_461, %parallel_loop3A_462, %parallel_loop3A_463], %parallel_loop3A_455 {strides = array<i32>} : memref<2x4x8x128xf32, #tpu.memory_space<vmem>>, vector<16xf32>,
          %parallel_loop3A_465 = arith.constant 22 : i32
          %parallel_loop3A_466 = vector.broadcast %parallel_loop3A_465 : i32 to vector<16xi32>
          %parallel_loop3A_467 = tpu.vector_load_idx %arg8[%parallel_loop3A_466, %parallel_loop3A_151] : memref<32x1000xf32, #tpu.memory_space<vmem>>[vector<16xi32>, vector<16xi32>], vector<16xf32>,
          %parallel_loop3A_468 = tpu.vector_load_idx %arg9[%parallel_loop3A_466, %parallel_loop3A_156] : memref<32x1000xf32, #tpu.memory_space<vmem>>[vector<16xi32>, vector<16xi32>], vector<16xf32>,
          %parallel_loop3A_469 = arith.addf %parallel_loop3A_467, %parallel_loop3A_468 : vector<16xf32>
          %parallel_loop3A_470 = arith.constant 16 : i32
          %parallel_loop3A_471 = arith.muli %parallel_loop3A_146, %parallel_loop3A_470 : i32
          %parallel_loop3A_472 = arith.constant 2 : i32
          %parallel_loop3A_473 = arith.constant 6 : i32
          %parallel_loop3A_474 = arith.index_cast %and3A_121 : i32 to index
          %parallel_loop3A_475 = arith.index_cast %parallel_loop3A_472 : i32 to index
          %parallel_loop3A_476 = arith.index_cast %parallel_loop3A_473 : i32 to index
          %parallel_loop3A_477 = arith.index_cast %parallel_loop3A_471 : i32 to index
          %parallel_loop3A_478 = tpu.vector_load %arg12[%parallel_loop3A_474, %parallel_loop3A_475, %parallel_loop3A_476, %parallel_loop3A_477] {strides = array<i32>} : memref<2x4x8x128xf32, #tpu.memory_space<vmem>>, vector<16xf32>,
          tpu.vector_store %arg12[%parallel_loop3A_474, %parallel_loop3A_475, %parallel_loop3A_476, %parallel_loop3A_477], %parallel_loop3A_469 {strides = array<i32>} : memref<2x4x8x128xf32, #tpu.memory_space<vmem>>, vector<16xf32>,
          %parallel_loop3A_479 = arith.constant 23 : i32
          %parallel_loop3A_480 = vector.broadcast %parallel_loop3A_479 : i32 to vector<16xi32>
          %parallel_loop3A_481 = tpu.vector_load_idx %arg8[%parallel_loop3A_480, %parallel_loop3A_151] : memref<32x1000xf32, #tpu.memory_space<vmem>>[vector<16xi32>, vector<16xi32>], vector<16xf32>,
          %parallel_loop3A_482 = tpu.vector_load_idx %arg9[%parallel_loop3A_480, %parallel_loop3A_156] : memref<32x1000xf32, #tpu.memory_space<vmem>>[vector<16xi32>, vector<16xi32>], vector<16xf32>,
          %parallel_loop3A_483 = arith.addf %parallel_loop3A_481, %parallel_loop3A_482 : vector<16xf32>
          %parallel_loop3A_484 = arith.constant 16 : i32
          %parallel_loop3A_485 = arith.muli %parallel_loop3A_146, %parallel_loop3A_484 : i32
          %parallel_loop3A_486 = arith.constant 2 : i32
          %parallel_loop3A_487 = arith.constant 7 : i32
          %parallel_loop3A_488 = arith.index_cast %and3A_121 : i32 to index
          %parallel_loop3A_489 = arith.index_cast %parallel_loop3A_486 : i32 to index
          %parallel_loop3A_490 = arith.index_cast %parallel_loop3A_487 : i32 to index
          %parallel_loop3A_491 = arith.index_cast %parallel_loop3A_485 : i32 to index
          %parallel_loop3A_492 = tpu.vector_load %arg12[%parallel_loop3A_488, %parallel_loop3A_489, %parallel_loop3A_490, %parallel_loop3A_491] {strides = array<i32>} : memref<2x4x8x128xf32, #tpu.memory_space<vmem>>, vector<16xf32>,
          tpu.vector_store %arg12[%parallel_loop3A_488, %parallel_loop3A_489, %parallel_loop3A_490, %parallel_loop3A_491], %parallel_loop3A_483 {strides = array<i32>} : memref<2x4x8x128xf32, #tpu.memory_space<vmem>>, vector<16xf32>,
          %parallel_loop3A_493 = arith.constant 24 : i32
          %parallel_loop3A_494 = vector.broadcast %parallel_loop3A_493 : i32 to vector<16xi32>
          %parallel_loop3A_495 = tpu.vector_load_idx %arg8[%parallel_loop3A_494, %parallel_loop3A_151] : memref<32x1000xf32, #tpu.memory_space<vmem>>[vector<16xi32>, vector<16xi32>], vector<16xf32>,
          %parallel_loop3A_496 = tpu.vector_load_idx %arg9[%parallel_loop3A_494, %parallel_loop3A_156] : memref<32x1000xf32, #tpu.memory_space<vmem>>[vector<16xi32>, vector<16xi32>], vector<16xf32>,
          %parallel_loop3A_497 = arith.addf %parallel_loop3A_495, %parallel_loop3A_496 : vector<16xf32>
          %parallel_loop3A_498 = arith.constant 16 : i32
          %parallel_loop3A_499 = arith.muli %parallel_loop3A_146, %parallel_loop3A_498 : i32
          %parallel_loop3A_500 = arith.constant 3 : i32
          %parallel_loop3A_501 = arith.constant 0 : i32
          %parallel_loop3A_502 = arith.index_cast %and3A_121 : i32 to index
          %parallel_loop3A_503 = arith.index_cast %parallel_loop3A_500 : i32 to index
          %parallel_loop3A_504 = arith.index_cast %parallel_loop3A_501 : i32 to index
          %parallel_loop3A_505 = arith.index_cast %parallel_loop3A_499 : i32 to index
          %parallel_loop3A_506 = tpu.vector_load %arg12[%parallel_loop3A_502, %parallel_loop3A_503, %parallel_loop3A_504, %parallel_loop3A_505] {strides = array<i32>} : memref<2x4x8x128xf32, #tpu.memory_space<vmem>>, vector<16xf32>,
          tpu.vector_store %arg12[%parallel_loop3A_502, %parallel_loop3A_503, %parallel_loop3A_504, %parallel_loop3A_505], %parallel_loop3A_497 {strides = array<i32>} : memref<2x4x8x128xf32, #tpu.memory_space<vmem>>, vector<16xf32>,
          %parallel_loop3A_507 = arith.constant 25 : i32
          %parallel_loop3A_508 = vector.broadcast %parallel_loop3A_507 : i32 to vector<16xi32>
          %parallel_loop3A_509 = tpu.vector_load_idx %arg8[%parallel_loop3A_508, %parallel_loop3A_151] : memref<32x1000xf32, #tpu.memory_space<vmem>>[vector<16xi32>, vector<16xi32>], vector<16xf32>,
          %parallel_loop3A_510 = tpu.vector_load_idx %arg9[%parallel_loop3A_508, %parallel_loop3A_156] : memref<32x1000xf32, #tpu.memory_space<vmem>>[vector<16xi32>, vector<16xi32>], vector<16xf32>,
          %parallel_loop3A_511 = arith.addf %parallel_loop3A_509, %parallel_loop3A_510 : vector<16xf32>
          %parallel_loop3A_512 = arith.constant 16 : i32
          %parallel_loop3A_513 = arith.muli %parallel_loop3A_146, %parallel_loop3A_512 : i32
          %parallel_loop3A_514 = arith.constant 3 : i32
          %parallel_loop3A_515 = arith.constant 1 : i32
          %parallel_loop3A_516 = arith.index_cast %and3A_121 : i32 to index
          %parallel_loop3A_517 = arith.index_cast %parallel_loop3A_514 : i32 to index
          %parallel_loop3A_518 = arith.index_cast %parallel_loop3A_515 : i32 to index
          %parallel_loop3A_519 = arith.index_cast %parallel_loop3A_513 : i32 to index
          %parallel_loop3A_520 = tpu.vector_load %arg12[%parallel_loop3A_516, %parallel_loop3A_517, %parallel_loop3A_518, %parallel_loop3A_519] {strides = array<i32>} : memref<2x4x8x128xf32, #tpu.memory_space<vmem>>, vector<16xf32>,
          tpu.vector_store %arg12[%parallel_loop3A_516, %parallel_loop3A_517, %parallel_loop3A_518, %parallel_loop3A_519], %parallel_loop3A_511 {strides = array<i32>} : memref<2x4x8x128xf32, #tpu.memory_space<vmem>>, vector<16xf32>,
          %parallel_loop3A_521 = arith.constant 26 : i32
          %parallel_loop3A_522 = vector.broadcast %parallel_loop3A_521 : i32 to vector<16xi32>
          %parallel_loop3A_523 = tpu.vector_load_idx %arg8[%parallel_loop3A_522, %parallel_loop3A_151] : memref<32x1000xf32, #tpu.memory_space<vmem>>[vector<16xi32>, vector<16xi32>], vector<16xf32>,
          %parallel_loop3A_524 = tpu.vector_load_idx %arg9[%parallel_loop3A_522, %parallel_loop3A_156] : memref<32x1000xf32, #tpu.memory_space<vmem>>[vector<16xi32>, vector<16xi32>], vector<16xf32>,
          %parallel_loop3A_525 = arith.addf %parallel_loop3A_523, %parallel_loop3A_524 : vector<16xf32>
          %parallel_loop3A_526 = arith.constant 16 : i32
          %parallel_loop3A_527 = arith.muli %parallel_loop3A_146, %parallel_loop3A_526 : i32
          %parallel_loop3A_528 = arith.constant 3 : i32
          %parallel_loop3A_529 = arith.constant 2 : i32
          %parallel_loop3A_530 = arith.index_cast %and3A_121 : i32 to index
          %parallel_loop3A_531 = arith.index_cast %parallel_loop3A_528 : i32 to index
          %parallel_loop3A_532 = arith.index_cast %parallel_loop3A_529 : i32 to index
          %parallel_loop3A_533 = arith.index_cast %parallel_loop3A_527 : i32 to index
          %parallel_loop3A_534 = tpu.vector_load %arg12[%parallel_loop3A_530, %parallel_loop3A_531, %parallel_loop3A_532, %parallel_loop3A_533] {strides = array<i32>} : memref<2x4x8x128xf32, #tpu.memory_space<vmem>>, vector<16xf32>,
          tpu.vector_store %arg12[%parallel_loop3A_530, %parallel_loop3A_531, %parallel_loop3A_532, %parallel_loop3A_533], %parallel_loop3A_525 {strides = array<i32>} : memref<2x4x8x128xf32, #tpu.memory_space<vmem>>, vector<16xf32>,
          %parallel_loop3A_535 = arith.constant 27 : i32
          %parallel_loop3A_536 = vector.broadcast %parallel_loop3A_535 : i32 to vector<16xi32>
          %parallel_loop3A_537 = tpu.vector_load_idx %arg8[%parallel_loop3A_536, %parallel_loop3A_151] : memref<32x1000xf32, #tpu.memory_space<vmem>>[vector<16xi32>, vector<16xi32>], vector<16xf32>,
          %parallel_loop3A_538 = tpu.vector_load_idx %arg9[%parallel_loop3A_536, %parallel_loop3A_156] : memref<32x1000xf32, #tpu.memory_space<vmem>>[vector<16xi32>, vector<16xi32>], vector<16xf32>,
          %parallel_loop3A_539 = arith.addf %parallel_loop3A_537, %parallel_loop3A_538 : vector<16xf32>
          %parallel_loop3A_540 = arith.constant 16 : i32
          %parallel_loop3A_541 = arith.muli %parallel_loop3A_146, %parallel_loop3A_540 : i32
          %parallel_loop3A_542 = arith.constant 3 : i32
          %parallel_loop3A_543 = arith.constant 3 : i32
          %parallel_loop3A_544 = arith.index_cast %and3A_121 : i32 to index
          %parallel_loop3A_545 = arith.index_cast %parallel_loop3A_542 : i32 to index
          %parallel_loop3A_546 = arith.index_cast %parallel_loop3A_543 : i32 to index
          %parallel_loop3A_547 = arith.index_cast %parallel_loop3A_541 : i32 to index
          %parallel_loop3A_548 = tpu.vector_load %arg12[%parallel_loop3A_544, %parallel_loop3A_545, %parallel_loop3A_546, %parallel_loop3A_547] {strides = array<i32>} : memref<2x4x8x128xf32, #tpu.memory_space<vmem>>, vector<16xf32>,
          tpu.vector_store %arg12[%parallel_loop3A_544, %parallel_loop3A_545, %parallel_loop3A_546, %parallel_loop3A_547], %parallel_loop3A_539 {strides = array<i32>} : memref<2x4x8x128xf32, #tpu.memory_space<vmem>>, vector<16xf32>,
          %parallel_loop3A_549 = arith.constant 28 : i32
          %parallel_loop3A_550 = vector.broadcast %parallel_loop3A_549 : i32 to vector<16xi32>
          %parallel_loop3A_551 = tpu.vector_load_idx %arg8[%parallel_loop3A_550, %parallel_loop3A_151] : memref<32x1000xf32, #tpu.memory_space<vmem>>[vector<16xi32>, vector<16xi32>], vector<16xf32>,
          %parallel_loop3A_552 = tpu.vector_load_idx %arg9[%parallel_loop3A_550, %parallel_loop3A_156] : memref<32x1000xf32, #tpu.memory_space<vmem>>[vector<16xi32>, vector<16xi32>], vector<16xf32>,
          %parallel_loop3A_553 = arith.addf %parallel_loop3A_551, %parallel_loop3A_552 : vector<16xf32>
          %parallel_loop3A_554 = arith.constant 16 : i32
          %parallel_loop3A_555 = arith.muli %parallel_loop3A_146, %parallel_loop3A_554 : i32
          %parallel_loop3A_556 = arith.constant 3 : i32
          %parallel_loop3A_557 = arith.constant 4 : i32
          %parallel_loop3A_558 = arith.index_cast %and3A_121 : i32 to index
          %parallel_loop3A_559 = arith.index_cast %parallel_loop3A_556 : i32 to index
          %parallel_loop3A_560 = arith.index_cast %parallel_loop3A_557 : i32 to index
          %parallel_loop3A_561 = arith.index_cast %parallel_loop3A_555 : i32 to index
          %parallel_loop3A_562 = tpu.vector_load %arg12[%parallel_loop3A_558, %parallel_loop3A_559, %parallel_loop3A_560, %parallel_loop3A_561] {strides = array<i32>} : memref<2x4x8x128xf32, #tpu.memory_space<vmem>>, vector<16xf32>,
          tpu.vector_store %arg12[%parallel_loop3A_558, %parallel_loop3A_559, %parallel_loop3A_560, %parallel_loop3A_561], %parallel_loop3A_553 {strides = array<i32>} : memref<2x4x8x128xf32, #tpu.memory_space<vmem>>, vector<16xf32>,
          %parallel_loop3A_563 = arith.constant 29 : i32
          %parallel_loop3A_564 = vector.broadcast %parallel_loop3A_563 : i32 to vector<16xi32>
          %parallel_loop3A_565 = tpu.vector_load_idx %arg8[%parallel_loop3A_564, %parallel_loop3A_151] : memref<32x1000xf32, #tpu.memory_space<vmem>>[vector<16xi32>, vector<16xi32>], vector<16xf32>,
          %parallel_loop3A_566 = tpu.vector_load_idx %arg9[%parallel_loop3A_564, %parallel_loop3A_156] : memref<32x1000xf32, #tpu.memory_space<vmem>>[vector<16xi32>, vector<16xi32>], vector<16xf32>,
          %parallel_loop3A_567 = arith.addf %parallel_loop3A_565, %parallel_loop3A_566 : vector<16xf32>
          %parallel_loop3A_568 = arith.constant 16 : i32
          %parallel_loop3A_569 = arith.muli %parallel_loop3A_146, %parallel_loop3A_568 : i32
          %parallel_loop3A_570 = arith.constant 3 : i32
          %parallel_loop3A_571 = arith.constant 5 : i32
          %parallel_loop3A_572 = arith.index_cast %and3A_121 : i32 to index
          %parallel_loop3A_573 = arith.index_cast %parallel_loop3A_570 : i32 to index
          %parallel_loop3A_574 = arith.index_cast %parallel_loop3A_571 : i32 to index
          %parallel_loop3A_575 = arith.index_cast %parallel_loop3A_569 : i32 to index
          %parallel_loop3A_576 = tpu.vector_load %arg12[%parallel_loop3A_572, %parallel_loop3A_573, %parallel_loop3A_574, %parallel_loop3A_575] {strides = array<i32>} : memref<2x4x8x128xf32, #tpu.memory_space<vmem>>, vector<16xf32>,
          tpu.vector_store %arg12[%parallel_loop3A_572, %parallel_loop3A_573, %parallel_loop3A_574, %parallel_loop3A_575], %parallel_loop3A_567 {strides = array<i32>} : memref<2x4x8x128xf32, #tpu.memory_space<vmem>>, vector<16xf32>,
          %parallel_loop3A_577 = arith.constant 30 : i32
          %parallel_loop3A_578 = vector.broadcast %parallel_loop3A_577 : i32 to vector<16xi32>
          %parallel_loop3A_579 = tpu.vector_load_idx %arg8[%parallel_loop3A_578, %parallel_loop3A_151] : memref<32x1000xf32, #tpu.memory_space<vmem>>[vector<16xi32>, vector<16xi32>], vector<16xf32>,
          %parallel_loop3A_580 = tpu.vector_load_idx %arg9[%parallel_loop3A_578, %parallel_loop3A_156] : memref<32x1000xf32, #tpu.memory_space<vmem>>[vector<16xi32>, vector<16xi32>], vector<16xf32>,
          %parallel_loop3A_581 = arith.addf %parallel_loop3A_579, %parallel_loop3A_580 : vector<16xf32>
          %parallel_loop3A_582 = arith.constant 16 : i32
          %parallel_loop3A_583 = arith.muli %parallel_loop3A_146, %parallel_loop3A_582 : i32
          %parallel_loop3A_584 = arith.constant 3 : i32
          %parallel_loop3A_585 = arith.constant 6 : i32
          %parallel_loop3A_586 = arith.index_cast %and3A_121 : i32 to index
          %parallel_loop3A_587 = arith.index_cast %parallel_loop3A_584 : i32 to index
          %parallel_loop3A_588 = arith.index_cast %parallel_loop3A_585 : i32 to index
          %parallel_loop3A_589 = arith.index_cast %parallel_loop3A_583 : i32 to index
          %parallel_loop3A_590 = tpu.vector_load %arg12[%parallel_loop3A_586, %parallel_loop3A_587, %parallel_loop3A_588, %parallel_loop3A_589] {strides = array<i32>} : memref<2x4x8x128xf32, #tpu.memory_space<vmem>>, vector<16xf32>,
          tpu.vector_store %arg12[%parallel_loop3A_586, %parallel_loop3A_587, %parallel_loop3A_588, %parallel_loop3A_589], %parallel_loop3A_581 {strides = array<i32>} : memref<2x4x8x128xf32, #tpu.memory_space<vmem>>, vector<16xf32>,
          %parallel_loop3A_591 = arith.constant 31 : i32
          %parallel_loop3A_592 = vector.broadcast %parallel_loop3A_591 : i32 to vector<16xi32>
          %parallel_loop3A_593 = tpu.vector_load_idx %arg8[%parallel_loop3A_592, %parallel_loop3A_151] : memref<32x1000xf32, #tpu.memory_space<vmem>>[vector<16xi32>, vector<16xi32>], vector<16xf32>,
          %parallel_loop3A_594 = tpu.vector_load_idx %arg9[%parallel_loop3A_592, %parallel_loop3A_156] : memref<32x1000xf32, #tpu.memory_space<vmem>>[vector<16xi32>, vector<16xi32>], vector<16xf32>,
          %parallel_loop3A_595 = arith.addf %parallel_loop3A_593, %parallel_loop3A_594 : vector<16xf32>
          %parallel_loop3A_596 = arith.constant 16 : i32
          %parallel_loop3A_597 = arith.muli %parallel_loop3A_146, %parallel_loop3A_596 : i32
          %parallel_loop3A_598 = arith.constant 3 : i32
          %parallel_loop3A_599 = arith.constant 7 : i32
          %parallel_loop3A_600 = arith.index_cast %and3A_121 : i32 to index
          %parallel_loop3A_601 = arith.index_cast %parallel_loop3A_598 : i32 to index
          %parallel_loop3A_602 = arith.index_cast %parallel_loop3A_599 : i32 to index
          %parallel_loop3A_603 = arith.index_cast %parallel_loop3A_597 : i32 to index
          %parallel_loop3A_604 = tpu.vector_load %arg12[%parallel_loop3A_600, %parallel_loop3A_601, %parallel_loop3A_602, %parallel_loop3A_603] {strides = array<i32>} : memref<2x4x8x128xf32, #tpu.memory_space<vmem>>, vector<16xf32>,
          tpu.vector_store %arg12[%parallel_loop3A_600, %parallel_loop3A_601, %parallel_loop3A_602, %parallel_loop3A_603], %parallel_loop3A_595 {strides = array<i32>} : memref<2x4x8x128xf32, #tpu.memory_space<vmem>>, vector<16xf32>,
        } {sc.loop_unroll_factor = 1 : i64, sc.parallel_access}
        %dma_start3A = arith.constant 0 : i32
        %dma_start3A_127 = arith.constant 0 : i32
        %dma_start3A_128 = arith.constant 0 : i32
        %dma_start3A_129 = tpu.memref_slice %arg12[%and3A_121, %dma_start3A, %dma_start3A_127, %dma_start3A_128] : memref<2x4x8x128xf32, #tpu.memory_space<vmem>> -> memref<1x4x8x128xf32, #tpu.memory_space<vmem>>
        %dma_start3A_130 = tpu.memref_squeeze %dma_start3A_129 : memref<1x4x8x128xf32, #tpu.memory_space<vmem>> -> memref<4x8x128xf32, #tpu.memory_space<vmem>>
        %dma_start3A_131 = arith.constant 0 : i32
        %dma_start3A_132 = arith.constant 0 : i32
        %dma_start3A_133 = arith.constant 0 : i32
        %dma_start3A_134 = tpu.memref_slice %arg6[%add3A_120, %dma_start3A_131, %add3A, %dma_start3A_132, %dma_start3A_133] : memref<200x8x32x8x128xf32, #tpu.memory_space<hbm>> -> memref<1x4x1x8x128xf32, #tpu.memory_space<hbm>>
        %dma_start3A_135 = tpu.memref_squeeze %dma_start3A_134 : memref<1x4x1x8x128xf32, #tpu.memory_space<hbm>> -> memref<4x8x128xf32, #tpu.memory_space<hbm>>
        %dma_start3A_136 = arith.constant 0 : i32
        %dma_start3A_137 = arith.constant 0 : i32
        %dma_start3A_138 = arith.constant 0 : i32
        %dma_start3A_139 = tpu.memref_slice %arg6[%add3A_120, %dma_start3A_136, %add3A, %dma_start3A_137, %dma_start3A_138] : memref<200x8x32x8x128xf32, #tpu.memory_space<hbm>> -> memref<1x4x1x8x128xf32, #tpu.memory_space<hbm>>
        %dma_start3A_140 = tpu.memref_squeeze %dma_start3A_139 : memref<1x4x1x8x128xf32, #tpu.memory_space<hbm>> -> memref<4x8x128xf32, #tpu.memory_space<hbm>>
        %dma_start3A_141 = arith.constant 0 : i32
        %dma_start3A_142 = arith.constant 0 : i32
        %dma_start3A_143 = arith.constant 0 : i32
        %dma_start3A_144 = tpu.memref_slice %arg12[%and3A_121, %dma_start3A_141, %dma_start3A_142, %dma_start3A_143] : memref<2x4x8x128xf32, #tpu.memory_space<vmem>> -> memref<1x4x8x128xf32, #tpu.memory_space<vmem>>
        %dma_start3A_145 = tpu.memref_squeeze %dma_start3A_144 : memref<1x4x8x128xf32, #tpu.memory_space<vmem>> -> memref<4x8x128xf32, #tpu.memory_space<vmem>>
        tpu.enqueue_dma source(%dma_start3A_145 : memref<4x8x128xf32, #tpu.memory_space<vmem>>) target(%dma_start3A_140 : memref<4x8x128xf32, #tpu.memory_space<hbm>>) target_semaphore(%arg13 : memref<!tpu.dma_semaphore, #tpu.memory_space<semaphore_mem>>)
      }
      %scan3A_116 = arith.constant 8 : i32
    }
    %scan3A_10 = arith.constant 25 : i32
    %dma_wait3A = arith.constant 0 : i32
    %dma_wait3A_11 = arith.constant 0 : i32
    %dma_wait3A_12 = arith.constant 0 : i32
    %dma_wait3A_13 = arith.constant 0 : i32
    %dma_wait3A_14 = arith.constant 0 : i32
    %dma_wait3A_15 = tpu.memref_slice %arg12[%dma_wait3A, %dma_wait3A_12, %dma_wait3A_13, %dma_wait3A_14] : memref<2x4x8x128xf32, #tpu.memory_space<vmem>> -> memref<1x4x8x128xf32, #tpu.memory_space<vmem>>
    %dma_wait3A_16 = tpu.memref_squeeze %dma_wait3A_15 : memref<1x4x8x128xf32, #tpu.memory_space<vmem>> -> memref<4x8x128xf32, #tpu.memory_space<vmem>>
    %dma_wait3A_17 = arith.constant 0 : i32
    %dma_wait3A_18 = arith.constant 0 : i32
    %dma_wait3A_19 = arith.constant 0 : i32
    %dma_wait3A_20 = tpu.memref_slice %arg6[%dma_wait3A_11, %dma_wait3A_17, %add3A, %dma_wait3A_18, %dma_wait3A_19] : memref<200x8x32x8x128xf32, #tpu.memory_space<hbm>> -> memref<1x4x1x8x128xf32, #tpu.memory_space<hbm>>
    %dma_wait3A_21 = tpu.memref_squeeze %dma_wait3A_20 : memref<1x4x1x8x128xf32, #tpu.memory_space<hbm>> -> memref<4x8x128xf32, #tpu.memory_space<hbm>>
    %dma_wait3A_22 = arith.constant 0 : i32
    %dma_wait3A_23 = arith.constant 0 : i32
    %dma_wait3A_24 = arith.constant 0 : i32
    %dma_wait3A_25 = tpu.memref_slice %arg6[%dma_wait3A_11, %dma_wait3A_22, %add3A, %dma_wait3A_23, %dma_wait3A_24] : memref<200x8x32x8x128xf32, #tpu.memory_space<hbm>> -> memref<1x4x1x8x128xf32, #tpu.memory_space<hbm>>
    %dma_wait3A_26 = tpu.memref_squeeze %dma_wait3A_25 : memref<1x4x1x8x128xf32, #tpu.memory_space<hbm>> -> memref<4x8x128xf32, #tpu.memory_space<hbm>>
    %dma_wait3A_27 = arith.constant 0 : i32
    %dma_wait3A_28 = arith.constant 0 : i32
    %dma_wait3A_29 = arith.constant 0 : i32
    %dma_wait3A_30 = tpu.memref_slice %arg12[%dma_wait3A, %dma_wait3A_27, %dma_wait3A_28, %dma_wait3A_29] : memref<2x4x8x128xf32, #tpu.memory_space<vmem>> -> memref<1x4x8x128xf32, #tpu.memory_space<vmem>>
    %dma_wait3A_31 = tpu.memref_squeeze %dma_wait3A_30 : memref<1x4x8x128xf32, #tpu.memory_space<vmem>> -> memref<4x8x128xf32, #tpu.memory_space<vmem>>
    tpu.wait_dma2 semaphore(%arg13 : memref<!tpu.dma_semaphore, #tpu.memory_space<semaphore_mem>>) src(%dma_wait3A_31 : memref<4x8x128xf32, #tpu.memory_space<vmem>>) dst(%dma_wait3A_26 : memref<4x8x128xf32, #tpu.memory_space<hbm>>)
    %dma_wait3A_32 = arith.constant 0 : i32
    %dma_wait3A_33 = arith.constant 0 : i32
    %dma_wait3A_34 = arith.constant 0 : i32
    %dma_wait3A_35 = arith.constant 0 : i32
    %dma_wait3A_36 = arith.constant 0 : i32
    %dma_wait3A_37 = tpu.memref_slice %arg12[%dma_wait3A_32, %dma_wait3A_34, %dma_wait3A_35, %dma_wait3A_36] : memref<2x4x8x128xf32, #tpu.memory_space<vmem>> -> memref<1x4x8x128xf32, #tpu.memory_space<vmem>>
    %dma_wait3A_38 = tpu.memref_squeeze %dma_wait3A_37 : memref<1x4x8x128xf32, #tpu.memory_space<vmem>> -> memref<4x8x128xf32, #tpu.memory_space<vmem>>
    %dma_wait3A_39 = arith.constant 0 : i32
    %dma_wait3A_40 = arith.constant 0 : i32
    %dma_wait3A_41 = arith.constant 0 : i32
    %dma_wait3A_42 = tpu.memref_slice %arg6[%dma_wait3A_33, %dma_wait3A_39, %add3A, %dma_wait3A_40, %dma_wait3A_41] : memref<200x8x32x8x128xf32, #tpu.memory_space<hbm>> -> memref<1x4x1x8x128xf32, #tpu.memory_space<hbm>>
    %dma_wait3A_43 = tpu.memref_squeeze %dma_wait3A_42 : memref<1x4x1x8x128xf32, #tpu.memory_space<hbm>> -> memref<4x8x128xf32, #tpu.memory_space<hbm>>
    %dma_wait3A_44 = arith.constant 0 : i32
    %dma_wait3A_45 = arith.constant 0 : i32
    %dma_wait3A_46 = arith.constant 0 : i32
    %dma_wait3A_47 = tpu.memref_slice %arg6[%dma_wait3A_33, %dma_wait3A_44, %add3A, %dma_wait3A_45, %dma_wait3A_46] : memref<200x8x32x8x128xf32, #tpu.memory_space<hbm>> -> memref<1x4x1x8x128xf32, #tpu.memory_space<hbm>>
    %dma_wait3A_48 = tpu.memref_squeeze %dma_wait3A_47 : memref<1x4x1x8x128xf32, #tpu.memory_space<hbm>> -> memref<4x8x128xf32, #tpu.memory_space<hbm>>
    %dma_wait3A_49 = arith.constant 0 : i32
    %dma_wait3A_50 = arith.constant 0 : i32
    %dma_wait3A_51 = arith.constant 0 : i32
    %dma_wait3A_52 = tpu.memref_slice %arg12[%dma_wait3A_32, %dma_wait3A_49, %dma_wait3A_50, %dma_wait3A_51] : memref<2x4x8x128xf32, #tpu.memory_space<vmem>> -> memref<1x4x8x128xf32, #tpu.memory_space<vmem>>
    %dma_wait3A_53 = tpu.memref_squeeze %dma_wait3A_52 : memref<1x4x8x128xf32, #tpu.memory_space<vmem>> -> memref<4x8x128xf32, #tpu.memory_space<vmem>>
    tpu.wait_dma2 semaphore(%arg13 : memref<!tpu.dma_semaphore, #tpu.memory_space<semaphore_mem>>) src(%dma_wait3A_53 : memref<4x8x128xf32, #tpu.memory_space<vmem>>) dst(%dma_wait3A_48 : memref<4x8x128xf32, #tpu.memory_space<hbm>>)
    "tpu.region"() ({
      %run_scoped3A = tpu.sem_alloc : memref<!tpu.dma_semaphore, #tpu.memory_space<semaphore_mem>>
      %dma_start3A = arith.constant 0 : i32
      %dma_start3A_110 = arith.constant 32 : i32
      %dma_start3A_111 = tpu.memref_slice %arg4[%dma_start3A, %dma_start3A_110] : memref<1000x64xf32, #tpu.memory_space<hbm>> -> memref<1000x32xf32, #tpu.memory_space<hbm>>
      %dma_start3A_112 = arith.constant 0 : i32
      %dma_start3A_113 = arith.constant 32 : i32
      %dma_start3A_114 = tpu.memref_slice %arg4[%dma_start3A_112, %dma_start3A_113] : memref<1000x64xf32, #tpu.memory_space<hbm>> -> memref<1000x32xf32, #tpu.memory_space<hbm>>
      tpu.enqueue_dma source(%dma_start3A_114 : memref<1000x32xf32, #tpu.memory_space<hbm>>) target(%arg7 : memref<1000x32xf32, #tpu.memory_space<vmem>>) target_semaphore(%run_scoped3A : memref<!tpu.dma_semaphore, #tpu.memory_space<semaphore_mem>>)
      %dma_wait3A_115 = arith.constant 0 : i32
      %dma_wait3A_116 = arith.constant 32 : i32
      %dma_wait3A_117 = tpu.memref_slice %arg4[%dma_wait3A_115, %dma_wait3A_116] : memref<1000x64xf32, #tpu.memory_space<hbm>> -> memref<1000x32xf32, #tpu.memory_space<hbm>>
      %dma_wait3A_118 = arith.constant 0 : i32
      %dma_wait3A_119 = arith.constant 32 : i32
      %dma_wait3A_120 = tpu.memref_slice %arg4[%dma_wait3A_118, %dma_wait3A_119] : memref<1000x64xf32, #tpu.memory_space<hbm>> -> memref<1000x32xf32, #tpu.memory_space<hbm>>
      tpu.wait_dma2 semaphore(%run_scoped3A : memref<!tpu.dma_semaphore, #tpu.memory_space<semaphore_mem>>) src(%dma_wait3A_120 : memref<1000x32xf32, #tpu.memory_space<hbm>>) dst(%arg7 : memref<1000x32xf32, #tpu.memory_space<vmem>>)
      tpu.yield
    }) : () -> ()
    %parallel_loop3A_54 = arith.constant 0 : i32
    %parallel_loop3A_55 = arith.constant 1000 : i32
    %parallel_loop3A_56 = arith.constant 1 : i32
    scf.for %parallel_loop3A_110 = %parallel_loop3A_54 to %parallel_loop3A_55 step %parallel_loop3A_56  : i32 {
      %parallel_loop3A_111 = vector.broadcast %parallel_loop3A_110 : i32 to vector<16xi32>
      %parallel_loop3A_112 = arith.index_cast %parallel_loop3A_110 : i32 to index
      %parallel_loop3A_113 = arith.constant 0 : index
      %parallel_loop3A_114 = tpu.vector_load %arg7[%parallel_loop3A_112, %parallel_loop3A_113] {strides = array<i32>} : memref<1000x32xf32, #tpu.memory_space<vmem>>, vector<16xf32>,
      %parallel_loop3A_115 = arith.constant 0 : i32
      %parallel_loop3A_116 = vector.broadcast %parallel_loop3A_115 : i32 to vector<16xi32>
      %parallel_loop3A_117 = arith.addi %iota3A, %parallel_loop3A_116 : vector<16xi32>
      tpu.vector_store_idx %arg8[%parallel_loop3A_117, %parallel_loop3A_111], %parallel_loop3A_114 : memref<32x1000xf32, #tpu.memory_space<vmem>>[vector<16xi32>, vector<16xi32>], vector<16xf32>,
      %parallel_loop3A_118 = arith.index_cast %parallel_loop3A_110 : i32 to index
      %parallel_loop3A_119 = arith.constant 16 : index
      %parallel_loop3A_120 = tpu.vector_load %arg7[%parallel_loop3A_118, %parallel_loop3A_119] {strides = array<i32>} : memref<1000x32xf32, #tpu.memory_space<vmem>>, vector<16xf32>,
      %parallel_loop3A_121 = arith.constant 16 : i32
      %parallel_loop3A_122 = vector.broadcast %parallel_loop3A_121 : i32 to vector<16xi32>
      %parallel_loop3A_123 = arith.addi %iota3A, %parallel_loop3A_122 : vector<16xi32>
      tpu.vector_store_idx %arg8[%parallel_loop3A_123, %parallel_loop3A_111], %parallel_loop3A_120 : memref<32x1000xf32, #tpu.memory_space<vmem>>[vector<16xi32>, vector<16xi32>], vector<16xf32>,
    } {sc.loop_unroll_factor = 1 : i64, sc.parallel_access}
    "tpu.region"() ({
      %run_scoped3A = tpu.sem_alloc : memref<!tpu.dma_semaphore, #tpu.memory_space<semaphore_mem>>
      %dma_start3A = arith.constant 0 : i32
      %dma_start3A_110 = arith.constant 32 : i32
      %dma_start3A_111 = tpu.memref_slice %arg5[%dma_start3A, %dma_start3A_110] : memref<1000x64xf32, #tpu.memory_space<hbm>> -> memref<1000x32xf32, #tpu.memory_space<hbm>>
      %dma_start3A_112 = arith.constant 0 : i32
      %dma_start3A_113 = arith.constant 32 : i32
      %dma_start3A_114 = tpu.memref_slice %arg5[%dma_start3A_112, %dma_start3A_113] : memref<1000x64xf32, #tpu.memory_space<hbm>> -> memref<1000x32xf32, #tpu.memory_space<hbm>>
      tpu.enqueue_dma source(%dma_start3A_114 : memref<1000x32xf32, #tpu.memory_space<hbm>>) target(%arg7 : memref<1000x32xf32, #tpu.memory_space<vmem>>) target_semaphore(%run_scoped3A : memref<!tpu.dma_semaphore, #tpu.memory_space<semaphore_mem>>)
      %dma_wait3A_115 = arith.constant 0 : i32
      %dma_wait3A_116 = arith.constant 32 : i32
      %dma_wait3A_117 = tpu.memref_slice %arg5[%dma_wait3A_115, %dma_wait3A_116] : memref<1000x64xf32, #tpu.memory_space<hbm>> -> memref<1000x32xf32, #tpu.memory_space<hbm>>
      %dma_wait3A_118 = arith.constant 0 : i32
      %dma_wait3A_119 = arith.constant 32 : i32
      %dma_wait3A_120 = tpu.memref_slice %arg5[%dma_wait3A_118, %dma_wait3A_119] : memref<1000x64xf32, #tpu.memory_space<hbm>> -> memref<1000x32xf32, #tpu.memory_space<hbm>>
      tpu.wait_dma2 semaphore(%run_scoped3A : memref<!tpu.dma_semaphore, #tpu.memory_space<semaphore_mem>>) src(%dma_wait3A_120 : memref<1000x32xf32, #tpu.memory_space<hbm>>) dst(%arg7 : memref<1000x32xf32, #tpu.memory_space<vmem>>)
      tpu.yield
    }) : () -> ()
    %parallel_loop3A_57 = arith.constant 0 : i32
    %parallel_loop3A_58 = arith.constant 1000 : i32
    %parallel_loop3A_59 = arith.constant 1 : i32
    scf.for %parallel_loop3A_110 = %parallel_loop3A_57 to %parallel_loop3A_58 step %parallel_loop3A_59  : i32 {
      %parallel_loop3A_111 = vector.broadcast %parallel_loop3A_110 : i32 to vector<16xi32>
      %parallel_loop3A_112 = arith.index_cast %parallel_loop3A_110 : i32 to index
      %parallel_loop3A_113 = arith.constant 0 : index
      %parallel_loop3A_114 = tpu.vector_load %arg7[%parallel_loop3A_112, %parallel_loop3A_113] {strides = array<i32>} : memref<1000x32xf32, #tpu.memory_space<vmem>>, vector<16xf32>,
      %parallel_loop3A_115 = arith.constant 0 : i32
      %parallel_loop3A_116 = vector.broadcast %parallel_loop3A_115 : i32 to vector<16xi32>
      %parallel_loop3A_117 = arith.addi %iota3A, %parallel_loop3A_116 : vector<16xi32>
      tpu.vector_store_idx %arg9[%parallel_loop3A_117, %parallel_loop3A_111], %parallel_loop3A_114 : memref<32x1000xf32, #tpu.memory_space<vmem>>[vector<16xi32>, vector<16xi32>], vector<16xf32>,
      %parallel_loop3A_118 = arith.index_cast %parallel_loop3A_110 : i32 to index
      %parallel_loop3A_119 = arith.constant 16 : index
      %parallel_loop3A_120 = tpu.vector_load %arg7[%parallel_loop3A_118, %parallel_loop3A_119] {strides = array<i32>} : memref<1000x32xf32, #tpu.memory_space<vmem>>, vector<16xf32>,
      %parallel_loop3A_121 = arith.constant 16 : i32
      %parallel_loop3A_122 = vector.broadcast %parallel_loop3A_121 : i32 to vector<16xi32>
      %parallel_loop3A_123 = arith.addi %iota3A, %parallel_loop3A_122 : vector<16xi32>
      tpu.vector_store_idx %arg9[%parallel_loop3A_123, %parallel_loop3A_111], %parallel_loop3A_120 : memref<32x1000xf32, #tpu.memory_space<vmem>>[vector<16xi32>, vector<16xi32>], vector<16xf32>,
    } {sc.loop_unroll_factor = 1 : i64, sc.parallel_access}
    %scan3A_60 = arith.constant 0 : i32
    %scan3A_61 = arith.constant 0 : i32
    %scan3A_62 = arith.constant 25 : i32
    %scan3A_63 = arith.addi %scan3A_61, %scan3A_62 : i32
    %scan3A_64 = arith.constant 1 : i32
    scf.for %scan3A_110 = %scan3A_61 to %scan3A_63 step %scan3A_64  : i32 {
      "tpu.region"() ({
        %run_scoped3A = tpu.sem_alloc : memref<!tpu.dma_semaphore, #tpu.memory_space<semaphore_mem>>
        %dma_start3A = arith.constant 0 : i32
        %dma_start3A_117 = arith.constant 0 : i32
        %dma_start3A_118 = tpu.memref_slice %arg2[%scan3A_110, %add3A, %dma_start3A, %dma_start3A_117] : memref<25x32x8x128xi32, #tpu.memory_space<hbm>> -> memref<1x1x8x128xi32, #tpu.memory_space<hbm>>
        %dma_start3A_119 = tpu.memref_squeeze %dma_start3A_118 : memref<1x1x8x128xi32, #tpu.memory_space<hbm>> -> memref<8x128xi32, #tpu.memory_space<hbm>>
        %dma_start3A_120 = arith.constant 0 : i32
        %dma_start3A_121 = arith.constant 0 : i32
        %dma_start3A_122 = tpu.memref_slice %arg2[%scan3A_110, %add3A, %dma_start3A_120, %dma_start3A_121] : memref<25x32x8x128xi32, #tpu.memory_space<hbm>> -> memref<1x1x8x128xi32, #tpu.memory_space<hbm>>
        %dma_start3A_123 = tpu.memref_squeeze %dma_start3A_122 : memref<1x1x8x128xi32, #tpu.memory_space<hbm>> -> memref<8x128xi32, #tpu.memory_space<hbm>>
        tpu.enqueue_dma source(%dma_start3A_123 : memref<8x128xi32, #tpu.memory_space<hbm>>) target(%arg10 : memref<8x128xi32, #tpu.memory_space<vmem>>) target_semaphore(%run_scoped3A : memref<!tpu.dma_semaphore, #tpu.memory_space<semaphore_mem>>)
        %dma_wait3A_124 = arith.constant 0 : i32
        %dma_wait3A_125 = arith.constant 0 : i32
        %dma_wait3A_126 = tpu.memref_slice %arg2[%scan3A_110, %add3A, %dma_wait3A_124, %dma_wait3A_125] : memref<25x32x8x128xi32, #tpu.memory_space<hbm>> -> memref<1x1x8x128xi32, #tpu.memory_space<hbm>>
        %dma_wait3A_127 = tpu.memref_squeeze %dma_wait3A_126 : memref<1x1x8x128xi32, #tpu.memory_space<hbm>> -> memref<8x128xi32, #tpu.memory_space<hbm>>
        %dma_wait3A_128 = arith.constant 0 : i32
        %dma_wait3A_129 = arith.constant 0 : i32
        %dma_wait3A_130 = tpu.memref_slice %arg2[%scan3A_110, %add3A, %dma_wait3A_128, %dma_wait3A_129] : memref<25x32x8x128xi32, #tpu.memory_space<hbm>> -> memref<1x1x8x128xi32, #tpu.memory_space<hbm>>
        %dma_wait3A_131 = tpu.memref_squeeze %dma_wait3A_130 : memref<1x1x8x128xi32, #tpu.memory_space<hbm>> -> memref<8x128xi32, #tpu.memory_space<hbm>>
        tpu.wait_dma2 semaphore(%run_scoped3A : memref<!tpu.dma_semaphore, #tpu.memory_space<semaphore_mem>>) src(%dma_wait3A_131 : memref<8x128xi32, #tpu.memory_space<hbm>>) dst(%arg10 : memref<8x128xi32, #tpu.memory_space<vmem>>)
        tpu.yield
      }) : () -> ()
      "tpu.region"() ({
        %run_scoped3A = tpu.sem_alloc : memref<!tpu.dma_semaphore, #tpu.memory_space<semaphore_mem>>
        %dma_start3A = arith.constant 0 : i32
        %dma_start3A_117 = arith.constant 0 : i32
        %dma_start3A_118 = tpu.memref_slice %arg3[%scan3A_110, %add3A, %dma_start3A, %dma_start3A_117] : memref<25x32x8x128xi32, #tpu.memory_space<hbm>> -> memref<1x1x8x128xi32, #tpu.memory_space<hbm>>
        %dma_start3A_119 = tpu.memref_squeeze %dma_start3A_118 : memref<1x1x8x128xi32, #tpu.memory_space<hbm>> -> memref<8x128xi32, #tpu.memory_space<hbm>>
        %dma_start3A_120 = arith.constant 0 : i32
        %dma_start3A_121 = arith.constant 0 : i32
        %dma_start3A_122 = tpu.memref_slice %arg3[%scan3A_110, %add3A, %dma_start3A_120, %dma_start3A_121] : memref<25x32x8x128xi32, #tpu.memory_space<hbm>> -> memref<1x1x8x128xi32, #tpu.memory_space<hbm>>
        %dma_start3A_123 = tpu.memref_squeeze %dma_start3A_122 : memref<1x1x8x128xi32, #tpu.memory_space<hbm>> -> memref<8x128xi32, #tpu.memory_space<hbm>>
        tpu.enqueue_dma source(%dma_start3A_123 : memref<8x128xi32, #tpu.memory_space<hbm>>) target(%arg11 : memref<8x128xi32, #tpu.memory_space<vmem>>) target_semaphore(%run_scoped3A : memref<!tpu.dma_semaphore, #tpu.memory_space<semaphore_mem>>)
        %dma_wait3A_124 = arith.constant 0 : i32
        %dma_wait3A_125 = arith.constant 0 : i32
        %dma_wait3A_126 = tpu.memref_slice %arg3[%scan3A_110, %add3A, %dma_wait3A_124, %dma_wait3A_125] : memref<25x32x8x128xi32, #tpu.memory_space<hbm>> -> memref<1x1x8x128xi32, #tpu.memory_space<hbm>>
        %dma_wait3A_127 = tpu.memref_squeeze %dma_wait3A_126 : memref<1x1x8x128xi32, #tpu.memory_space<hbm>> -> memref<8x128xi32, #tpu.memory_space<hbm>>
        %dma_wait3A_128 = arith.constant 0 : i32
        %dma_wait3A_129 = arith.constant 0 : i32
        %dma_wait3A_130 = tpu.memref_slice %arg3[%scan3A_110, %add3A, %dma_wait3A_128, %dma_wait3A_129] : memref<25x32x8x128xi32, #tpu.memory_space<hbm>> -> memref<1x1x8x128xi32, #tpu.memory_space<hbm>>
        %dma_wait3A_131 = tpu.memref_squeeze %dma_wait3A_130 : memref<1x1x8x128xi32, #tpu.memory_space<hbm>> -> memref<8x128xi32, #tpu.memory_space<hbm>>
        tpu.wait_dma2 semaphore(%run_scoped3A : memref<!tpu.dma_semaphore, #tpu.memory_space<semaphore_mem>>) src(%dma_wait3A_131 : memref<8x128xi32, #tpu.memory_space<hbm>>) dst(%arg11 : memref<8x128xi32, #tpu.memory_space<vmem>>)
        tpu.yield
      }) : () -> ()
      %scan3A_111 = arith.constant 0 : i32
      %scan3A_112 = arith.constant 0 : i32
      %scan3A_113 = arith.constant 8 : i32
      %scan3A_114 = arith.addi %scan3A_112, %scan3A_113 : i32
      %scan3A_115 = arith.constant 1 : i32
      scf.for %scan3A_117 = %scan3A_112 to %scan3A_114 step %scan3A_115  : i32 {
        %mul3A_118 = arith.constant 8 : i32
        %mul3A_119 = arith.muli %scan3A_110, %mul3A_118 : i32
        %add3A_120 = arith.addi %mul3A_119, %scan3A_117 : i32
        %and3A = arith.constant 1 : i32
        %and3A_121 = arith.andi %scan3A_117, %and3A : i32
        %ge3A = arith.constant 2 : i32
        %ge3A_122 = arith.cmpi sge, %add3A_120, %ge3A : i32
        %convert_element_type3A = arith.extui %ge3A_122 : i1 to i32
        %cond3A = arith.constant 0 : i32
        %cond3A_123 = arith.cmpi ne, %convert_element_type3A, %cond3A : i32
        scf.if %cond3A_123 {
          %dma_wait3A_146 = arith.constant 0 : i32
          %dma_wait3A_147 = arith.constant 0 : i32
          %dma_wait3A_148 = arith.constant 0 : i32
          %dma_wait3A_149 = arith.constant 0 : i32
          %dma_wait3A_150 = arith.constant 0 : i32
          %dma_wait3A_151 = tpu.memref_slice %arg12[%dma_wait3A_146, %dma_wait3A_148, %dma_wait3A_149, %dma_wait3A_150] : memref<2x4x8x128xf32, #tpu.memory_space<vmem>> -> memref<1x4x8x128xf32, #tpu.memory_space<vmem>>
          %dma_wait3A_152 = tpu.memref_squeeze %dma_wait3A_151 : memref<1x4x8x128xf32, #tpu.memory_space<vmem>> -> memref<4x8x128xf32, #tpu.memory_space<vmem>>
          %dma_wait3A_153 = arith.constant 0 : i32
          %dma_wait3A_154 = arith.constant 0 : i32
          %dma_wait3A_155 = arith.constant 0 : i32
          %dma_wait3A_156 = tpu.memref_slice %arg6[%dma_wait3A_147, %dma_wait3A_153, %add3A, %dma_wait3A_154, %dma_wait3A_155] : memref<200x8x32x8x128xf32, #tpu.memory_space<hbm>> -> memref<1x4x1x8x128xf32, #tpu.memory_space<hbm>>
          %dma_wait3A_157 = tpu.memref_squeeze %dma_wait3A_156 : memref<1x4x1x8x128xf32, #tpu.memory_space<hbm>> -> memref<4x8x128xf32, #tpu.memory_space<hbm>>
          %dma_wait3A_158 = arith.constant 0 : i32
          %dma_wait3A_159 = arith.constant 0 : i32
          %dma_wait3A_160 = arith.constant 0 : i32
          %dma_wait3A_161 = tpu.memref_slice %arg6[%dma_wait3A_147, %dma_wait3A_158, %add3A, %dma_wait3A_159, %dma_wait3A_160] : memref<200x8x32x8x128xf32, #tpu.memory_space<hbm>> -> memref<1x4x1x8x128xf32, #tpu.memory_space<hbm>>
          %dma_wait3A_162 = tpu.memref_squeeze %dma_wait3A_161 : memref<1x4x1x8x128xf32, #tpu.memory_space<hbm>> -> memref<4x8x128xf32, #tpu.memory_space<hbm>>
          %dma_wait3A_163 = arith.constant 0 : i32
          %dma_wait3A_164 = arith.constant 0 : i32
          %dma_wait3A_165 = arith.constant 0 : i32
          %dma_wait3A_166 = tpu.memref_slice %arg12[%dma_wait3A_146, %dma_wait3A_163, %dma_wait3A_164, %dma_wait3A_165] : memref<2x4x8x128xf32, #tpu.memory_space<vmem>> -> memref<1x4x8x128xf32, #tpu.memory_space<vmem>>
          %dma_wait3A_167 = tpu.memref_squeeze %dma_wait3A_166 : memref<1x4x8x128xf32, #tpu.memory_space<vmem>> -> memref<4x8x128xf32, #tpu.memory_space<vmem>>
          tpu.wait_dma2 semaphore(%arg13 : memref<!tpu.dma_semaphore, #tpu.memory_space<semaphore_mem>>) src(%dma_wait3A_167 : memref<4x8x128xf32, #tpu.memory_space<vmem>>) dst(%dma_wait3A_162 : memref<4x8x128xf32, #tpu.memory_space<hbm>>)
        } else {
        }
        %parallel_loop3A_124 = arith.constant 0 : i32
        %parallel_loop3A_125 = arith.constant 8 : i32
        %parallel_loop3A_126 = arith.constant 1 : i32
        scf.for %parallel_loop3A_146 = %parallel_loop3A_124 to %parallel_loop3A_125 step %parallel_loop3A_126  : i32 {
          %parallel_loop3A_147 = arith.constant 16 : i32
          %parallel_loop3A_148 = arith.muli %parallel_loop3A_146, %parallel_loop3A_147 : i32
          %parallel_loop3A_149 = arith.index_cast %scan3A_117 : i32 to index
          %parallel_loop3A_150 = arith.index_cast %parallel_loop3A_148 : i32 to index
          %parallel_loop3A_151 = tpu.vector_load %arg10[%parallel_loop3A_149, %parallel_loop3A_150] {strides = array<i32>} : memref<8x128xi32, #tpu.memory_space<vmem>>, vector<16xi32>,
          %parallel_loop3A_152 = arith.constant 16 : i32
          %parallel_loop3A_153 = arith.muli %parallel_loop3A_146, %parallel_loop3A_152 : i32
          %parallel_loop3A_154 = arith.index_cast %scan3A_117 : i32 to index
          %parallel_loop3A_155 = arith.index_cast %parallel_loop3A_153 : i32 to index
          %parallel_loop3A_156 = tpu.vector_load %arg11[%parallel_loop3A_154, %parallel_loop3A_155] {strides = array<i32>} : memref<8x128xi32, #tpu.memory_space<vmem>>, vector<16xi32>,
          %parallel_loop3A_157 = arith.constant 0 : i32
          %parallel_loop3A_158 = vector.broadcast %parallel_loop3A_157 : i32 to vector<16xi32>
          %parallel_loop3A_159 = tpu.vector_load_idx %arg8[%parallel_loop3A_158, %parallel_loop3A_151] : memref<32x1000xf32, #tpu.memory_space<vmem>>[vector<16xi32>, vector<16xi32>], vector<16xf32>,
          %parallel_loop3A_160 = tpu.vector_load_idx %arg9[%parallel_loop3A_158, %parallel_loop3A_156] : memref<32x1000xf32, #tpu.memory_space<vmem>>[vector<16xi32>, vector<16xi32>], vector<16xf32>,
          %parallel_loop3A_161 = arith.addf %parallel_loop3A_159, %parallel_loop3A_160 : vector<16xf32>
          %parallel_loop3A_162 = arith.constant 16 : i32
          %parallel_loop3A_163 = arith.muli %parallel_loop3A_146, %parallel_loop3A_162 : i32
          %parallel_loop3A_164 = arith.constant 0 : i32
          %parallel_loop3A_165 = arith.constant 0 : i32
          %parallel_loop3A_166 = arith.index_cast %and3A_121 : i32 to index
          %parallel_loop3A_167 = arith.index_cast %parallel_loop3A_164 : i32 to index
          %parallel_loop3A_168 = arith.index_cast %parallel_loop3A_165 : i32 to index
          %parallel_loop3A_169 = arith.index_cast %parallel_loop3A_163 : i32 to index
          %parallel_loop3A_170 = tpu.vector_load %arg12[%parallel_loop3A_166, %parallel_loop3A_167, %parallel_loop3A_168, %parallel_loop3A_169] {strides = array<i32>} : memref<2x4x8x128xf32, #tpu.memory_space<vmem>>, vector<16xf32>,
          tpu.vector_store %arg12[%parallel_loop3A_166, %parallel_loop3A_167, %parallel_loop3A_168, %parallel_loop3A_169], %parallel_loop3A_161 {strides = array<i32>} : memref<2x4x8x128xf32, #tpu.memory_space<vmem>>, vector<16xf32>,
          %parallel_loop3A_171 = arith.constant 1 : i32
          %parallel_loop3A_172 = vector.broadcast %parallel_loop3A_171 : i32 to vector<16xi32>
          %parallel_loop3A_173 = tpu.vector_load_idx %arg8[%parallel_loop3A_172, %parallel_loop3A_151] : memref<32x1000xf32, #tpu.memory_space<vmem>>[vector<16xi32>, vector<16xi32>], vector<16xf32>,
          %parallel_loop3A_174 = tpu.vector_load_idx %arg9[%parallel_loop3A_172, %parallel_loop3A_156] : memref<32x1000xf32, #tpu.memory_space<vmem>>[vector<16xi32>, vector<16xi32>], vector<16xf32>,
          %parallel_loop3A_175 = arith.addf %parallel_loop3A_173, %parallel_loop3A_174 : vector<16xf32>
          %parallel_loop3A_176 = arith.constant 16 : i32
          %parallel_loop3A_177 = arith.muli %parallel_loop3A_146, %parallel_loop3A_176 : i32
          %parallel_loop3A_178 = arith.constant 0 : i32
          %parallel_loop3A_179 = arith.constant 1 : i32
          %parallel_loop3A_180 = arith.index_cast %and3A_121 : i32 to index
          %parallel_loop3A_181 = arith.index_cast %parallel_loop3A_178 : i32 to index
          %parallel_loop3A_182 = arith.index_cast %parallel_loop3A_179 : i32 to index
          %parallel_loop3A_183 = arith.index_cast %parallel_loop3A_177 : i32 to index
          %parallel_loop3A_184 = tpu.vector_load %arg12[%parallel_loop3A_180, %parallel_loop3A_181, %parallel_loop3A_182, %parallel_loop3A_183] {strides = array<i32>} : memref<2x4x8x128xf32, #tpu.memory_space<vmem>>, vector<16xf32>,
          tpu.vector_store %arg12[%parallel_loop3A_180, %parallel_loop3A_181, %parallel_loop3A_182, %parallel_loop3A_183], %parallel_loop3A_175 {strides = array<i32>} : memref<2x4x8x128xf32, #tpu.memory_space<vmem>>, vector<16xf32>,
          %parallel_loop3A_185 = arith.constant 2 : i32
          %parallel_loop3A_186 = vector.broadcast %parallel_loop3A_185 : i32 to vector<16xi32>
          %parallel_loop3A_187 = tpu.vector_load_idx %arg8[%parallel_loop3A_186, %parallel_loop3A_151] : memref<32x1000xf32, #tpu.memory_space<vmem>>[vector<16xi32>, vector<16xi32>], vector<16xf32>,
          %parallel_loop3A_188 = tpu.vector_load_idx %arg9[%parallel_loop3A_186, %parallel_loop3A_156] : memref<32x1000xf32, #tpu.memory_space<vmem>>[vector<16xi32>, vector<16xi32>], vector<16xf32>,
          %parallel_loop3A_189 = arith.addf %parallel_loop3A_187, %parallel_loop3A_188 : vector<16xf32>
          %parallel_loop3A_190 = arith.constant 16 : i32
          %parallel_loop3A_191 = arith.muli %parallel_loop3A_146, %parallel_loop3A_190 : i32
          %parallel_loop3A_192 = arith.constant 0 : i32
          %parallel_loop3A_193 = arith.constant 2 : i32
          %parallel_loop3A_194 = arith.index_cast %and3A_121 : i32 to index
          %parallel_loop3A_195 = arith.index_cast %parallel_loop3A_192 : i32 to index
          %parallel_loop3A_196 = arith.index_cast %parallel_loop3A_193 : i32 to index
          %parallel_loop3A_197 = arith.index_cast %parallel_loop3A_191 : i32 to index
          %parallel_loop3A_198 = tpu.vector_load %arg12[%parallel_loop3A_194, %parallel_loop3A_195, %parallel_loop3A_196, %parallel_loop3A_197] {strides = array<i32>} : memref<2x4x8x128xf32, #tpu.memory_space<vmem>>, vector<16xf32>,
          tpu.vector_store %arg12[%parallel_loop3A_194, %parallel_loop3A_195, %parallel_loop3A_196, %parallel_loop3A_197], %parallel_loop3A_189 {strides = array<i32>} : memref<2x4x8x128xf32, #tpu.memory_space<vmem>>, vector<16xf32>,
          %parallel_loop3A_199 = arith.constant 3 : i32
          %parallel_loop3A_200 = vector.broadcast %parallel_loop3A_199 : i32 to vector<16xi32>
          %parallel_loop3A_201 = tpu.vector_load_idx %arg8[%parallel_loop3A_200, %parallel_loop3A_151] : memref<32x1000xf32, #tpu.memory_space<vmem>>[vector<16xi32>, vector<16xi32>], vector<16xf32>,
          %parallel_loop3A_202 = tpu.vector_load_idx %arg9[%parallel_loop3A_200, %parallel_loop3A_156] : memref<32x1000xf32, #tpu.memory_space<vmem>>[vector<16xi32>, vector<16xi32>], vector<16xf32>,
          %parallel_loop3A_203 = arith.addf %parallel_loop3A_201, %parallel_loop3A_202 : vector<16xf32>
          %parallel_loop3A_204 = arith.constant 16 : i32
          %parallel_loop3A_205 = arith.muli %parallel_loop3A_146, %parallel_loop3A_204 : i32
          %parallel_loop3A_206 = arith.constant 0 : i32
          %parallel_loop3A_207 = arith.constant 3 : i32
          %parallel_loop3A_208 = arith.index_cast %and3A_121 : i32 to index
          %parallel_loop3A_209 = arith.index_cast %parallel_loop3A_206 : i32 to index
          %parallel_loop3A_210 = arith.index_cast %parallel_loop3A_207 : i32 to index
          %parallel_loop3A_211 = arith.index_cast %parallel_loop3A_205 : i32 to index
          %parallel_loop3A_212 = tpu.vector_load %arg12[%parallel_loop3A_208, %parallel_loop3A_209, %parallel_loop3A_210, %parallel_loop3A_211] {strides = array<i32>} : memref<2x4x8x128xf32, #tpu.memory_space<vmem>>, vector<16xf32>,
          tpu.vector_store %arg12[%parallel_loop3A_208, %parallel_loop3A_209, %parallel_loop3A_210, %parallel_loop3A_211], %parallel_loop3A_203 {strides = array<i32>} : memref<2x4x8x128xf32, #tpu.memory_space<vmem>>, vector<16xf32>,
          %parallel_loop3A_213 = arith.constant 4 : i32
          %parallel_loop3A_214 = vector.broadcast %parallel_loop3A_213 : i32 to vector<16xi32>
          %parallel_loop3A_215 = tpu.vector_load_idx %arg8[%parallel_loop3A_214, %parallel_loop3A_151] : memref<32x1000xf32, #tpu.memory_space<vmem>>[vector<16xi32>, vector<16xi32>], vector<16xf32>,
          %parallel_loop3A_216 = tpu.vector_load_idx %arg9[%parallel_loop3A_214, %parallel_loop3A_156] : memref<32x1000xf32, #tpu.memory_space<vmem>>[vector<16xi32>, vector<16xi32>], vector<16xf32>,
          %parallel_loop3A_217 = arith.addf %parallel_loop3A_215, %parallel_loop3A_216 : vector<16xf32>
          %parallel_loop3A_218 = arith.constant 16 : i32
          %parallel_loop3A_219 = arith.muli %parallel_loop3A_146, %parallel_loop3A_218 : i32
          %parallel_loop3A_220 = arith.constant 0 : i32
          %parallel_loop3A_221 = arith.constant 4 : i32
          %parallel_loop3A_222 = arith.index_cast %and3A_121 : i32 to index
          %parallel_loop3A_223 = arith.index_cast %parallel_loop3A_220 : i32 to index
          %parallel_loop3A_224 = arith.index_cast %parallel_loop3A_221 : i32 to index
          %parallel_loop3A_225 = arith.index_cast %parallel_loop3A_219 : i32 to index
          %parallel_loop3A_226 = tpu.vector_load %arg12[%parallel_loop3A_222, %parallel_loop3A_223, %parallel_loop3A_224, %parallel_loop3A_225] {strides = array<i32>} : memref<2x4x8x128xf32, #tpu.memory_space<vmem>>, vector<16xf32>,
          tpu.vector_store %arg12[%parallel_loop3A_222, %parallel_loop3A_223, %parallel_loop3A_224, %parallel_loop3A_225], %parallel_loop3A_217 {strides = array<i32>} : memref<2x4x8x128xf32, #tpu.memory_space<vmem>>, vector<16xf32>,
          %parallel_loop3A_227 = arith.constant 5 : i32
          %parallel_loop3A_228 = vector.broadcast %parallel_loop3A_227 : i32 to vector<16xi32>
          %parallel_loop3A_229 = tpu.vector_load_idx %arg8[%parallel_loop3A_228, %parallel_loop3A_151] : memref<32x1000xf32, #tpu.memory_space<vmem>>[vector<16xi32>, vector<16xi32>], vector<16xf32>,
          %parallel_loop3A_230 = tpu.vector_load_idx %arg9[%parallel_loop3A_228, %parallel_loop3A_156] : memref<32x1000xf32, #tpu.memory_space<vmem>>[vector<16xi32>, vector<16xi32>], vector<16xf32>,
          %parallel_loop3A_231 = arith.addf %parallel_loop3A_229, %parallel_loop3A_230 : vector<16xf32>
          %parallel_loop3A_232 = arith.constant 16 : i32
          %parallel_loop3A_233 = arith.muli %parallel_loop3A_146, %parallel_loop3A_232 : i32
          %parallel_loop3A_234 = arith.constant 0 : i32
          %parallel_loop3A_235 = arith.constant 5 : i32
          %parallel_loop3A_236 = arith.index_cast %and3A_121 : i32 to index
          %parallel_loop3A_237 = arith.index_cast %parallel_loop3A_234 : i32 to index
          %parallel_loop3A_238 = arith.index_cast %parallel_loop3A_235 : i32 to index
          %parallel_loop3A_239 = arith.index_cast %parallel_loop3A_233 : i32 to index
          %parallel_loop3A_240 = tpu.vector_load %arg12[%parallel_loop3A_236, %parallel_loop3A_237, %parallel_loop3A_238, %parallel_loop3A_239] {strides = array<i32>} : memref<2x4x8x128xf32, #tpu.memory_space<vmem>>, vector<16xf32>,
          tpu.vector_store %arg12[%parallel_loop3A_236, %parallel_loop3A_237, %parallel_loop3A_238, %parallel_loop3A_239], %parallel_loop3A_231 {strides = array<i32>} : memref<2x4x8x128xf32, #tpu.memory_space<vmem>>, vector<16xf32>,
          %parallel_loop3A_241 = arith.constant 6 : i32
          %parallel_loop3A_242 = vector.broadcast %parallel_loop3A_241 : i32 to vector<16xi32>
          %parallel_loop3A_243 = tpu.vector_load_idx %arg8[%parallel_loop3A_242, %parallel_loop3A_151] : memref<32x1000xf32, #tpu.memory_space<vmem>>[vector<16xi32>, vector<16xi32>], vector<16xf32>,
          %parallel_loop3A_244 = tpu.vector_load_idx %arg9[%parallel_loop3A_242, %parallel_loop3A_156] : memref<32x1000xf32, #tpu.memory_space<vmem>>[vector<16xi32>, vector<16xi32>], vector<16xf32>,
          %parallel_loop3A_245 = arith.addf %parallel_loop3A_243, %parallel_loop3A_244 : vector<16xf32>
          %parallel_loop3A_246 = arith.constant 16 : i32
          %parallel_loop3A_247 = arith.muli %parallel_loop3A_146, %parallel_loop3A_246 : i32
          %parallel_loop3A_248 = arith.constant 0 : i32
          %parallel_loop3A_249 = arith.constant 6 : i32
          %parallel_loop3A_250 = arith.index_cast %and3A_121 : i32 to index
          %parallel_loop3A_251 = arith.index_cast %parallel_loop3A_248 : i32 to index
          %parallel_loop3A_252 = arith.index_cast %parallel_loop3A_249 : i32 to index
          %parallel_loop3A_253 = arith.index_cast %parallel_loop3A_247 : i32 to index
          %parallel_loop3A_254 = tpu.vector_load %arg12[%parallel_loop3A_250, %parallel_loop3A_251, %parallel_loop3A_252, %parallel_loop3A_253] {strides = array<i32>} : memref<2x4x8x128xf32, #tpu.memory_space<vmem>>, vector<16xf32>,
          tpu.vector_store %arg12[%parallel_loop3A_250, %parallel_loop3A_251, %parallel_loop3A_252, %parallel_loop3A_253], %parallel_loop3A_245 {strides = array<i32>} : memref<2x4x8x128xf32, #tpu.memory_space<vmem>>, vector<16xf32>,
          %parallel_loop3A_255 = arith.constant 7 : i32
          %parallel_loop3A_256 = vector.broadcast %parallel_loop3A_255 : i32 to vector<16xi32>
          %parallel_loop3A_257 = tpu.vector_load_idx %arg8[%parallel_loop3A_256, %parallel_loop3A_151] : memref<32x1000xf32, #tpu.memory_space<vmem>>[vector<16xi32>, vector<16xi32>], vector<16xf32>,
          %parallel_loop3A_258 = tpu.vector_load_idx %arg9[%parallel_loop3A_256, %parallel_loop3A_156] : memref<32x1000xf32, #tpu.memory_space<vmem>>[vector<16xi32>, vector<16xi32>], vector<16xf32>,
          %parallel_loop3A_259 = arith.addf %parallel_loop3A_257, %parallel_loop3A_258 : vector<16xf32>
          %parallel_loop3A_260 = arith.constant 16 : i32
          %parallel_loop3A_261 = arith.muli %parallel_loop3A_146, %parallel_loop3A_260 : i32
          %parallel_loop3A_262 = arith.constant 0 : i32
          %parallel_loop3A_263 = arith.constant 7 : i32
          %parallel_loop3A_264 = arith.index_cast %and3A_121 : i32 to index
          %parallel_loop3A_265 = arith.index_cast %parallel_loop3A_262 : i32 to index
          %parallel_loop3A_266 = arith.index_cast %parallel_loop3A_263 : i32 to index
          %parallel_loop3A_267 = arith.index_cast %parallel_loop3A_261 : i32 to index
          %parallel_loop3A_268 = tpu.vector_load %arg12[%parallel_loop3A_264, %parallel_loop3A_265, %parallel_loop3A_266, %parallel_loop3A_267] {strides = array<i32>} : memref<2x4x8x128xf32, #tpu.memory_space<vmem>>, vector<16xf32>,
          tpu.vector_store %arg12[%parallel_loop3A_264, %parallel_loop3A_265, %parallel_loop3A_266, %parallel_loop3A_267], %parallel_loop3A_259 {strides = array<i32>} : memref<2x4x8x128xf32, #tpu.memory_space<vmem>>, vector<16xf32>,
          %parallel_loop3A_269 = arith.constant 8 : i32
          %parallel_loop3A_270 = vector.broadcast %parallel_loop3A_269 : i32 to vector<16xi32>
          %parallel_loop3A_271 = tpu.vector_load_idx %arg8[%parallel_loop3A_270, %parallel_loop3A_151] : memref<32x1000xf32, #tpu.memory_space<vmem>>[vector<16xi32>, vector<16xi32>], vector<16xf32>,
          %parallel_loop3A_272 = tpu.vector_load_idx %arg9[%parallel_loop3A_270, %parallel_loop3A_156] : memref<32x1000xf32, #tpu.memory_space<vmem>>[vector<16xi32>, vector<16xi32>], vector<16xf32>,
          %parallel_loop3A_273 = arith.addf %parallel_loop3A_271, %parallel_loop3A_272 : vector<16xf32>
          %parallel_loop3A_274 = arith.constant 16 : i32
          %parallel_loop3A_275 = arith.muli %parallel_loop3A_146, %parallel_loop3A_274 : i32
          %parallel_loop3A_276 = arith.constant 1 : i32
          %parallel_loop3A_277 = arith.constant 0 : i32
          %parallel_loop3A_278 = arith.index_cast %and3A_121 : i32 to index
          %parallel_loop3A_279 = arith.index_cast %parallel_loop3A_276 : i32 to index
          %parallel_loop3A_280 = arith.index_cast %parallel_loop3A_277 : i32 to index
          %parallel_loop3A_281 = arith.index_cast %parallel_loop3A_275 : i32 to index
          %parallel_loop3A_282 = tpu.vector_load %arg12[%parallel_loop3A_278, %parallel_loop3A_279, %parallel_loop3A_280, %parallel_loop3A_281] {strides = array<i32>} : memref<2x4x8x128xf32, #tpu.memory_space<vmem>>, vector<16xf32>,
          tpu.vector_store %arg12[%parallel_loop3A_278, %parallel_loop3A_279, %parallel_loop3A_280, %parallel_loop3A_281], %parallel_loop3A_273 {strides = array<i32>} : memref<2x4x8x128xf32, #tpu.memory_space<vmem>>, vector<16xf32>,
          %parallel_loop3A_283 = arith.constant 9 : i32
          %parallel_loop3A_284 = vector.broadcast %parallel_loop3A_283 : i32 to vector<16xi32>
          %parallel_loop3A_285 = tpu.vector_load_idx %arg8[%parallel_loop3A_284, %parallel_loop3A_151] : memref<32x1000xf32, #tpu.memory_space<vmem>>[vector<16xi32>, vector<16xi32>], vector<16xf32>,
          %parallel_loop3A_286 = tpu.vector_load_idx %arg9[%parallel_loop3A_284, %parallel_loop3A_156] : memref<32x1000xf32, #tpu.memory_space<vmem>>[vector<16xi32>, vector<16xi32>], vector<16xf32>,
          %parallel_loop3A_287 = arith.addf %parallel_loop3A_285, %parallel_loop3A_286 : vector<16xf32>
          %parallel_loop3A_288 = arith.constant 16 : i32
          %parallel_loop3A_289 = arith.muli %parallel_loop3A_146, %parallel_loop3A_288 : i32
          %parallel_loop3A_290 = arith.constant 1 : i32
          %parallel_loop3A_291 = arith.constant 1 : i32
          %parallel_loop3A_292 = arith.index_cast %and3A_121 : i32 to index
          %parallel_loop3A_293 = arith.index_cast %parallel_loop3A_290 : i32 to index
          %parallel_loop3A_294 = arith.index_cast %parallel_loop3A_291 : i32 to index
          %parallel_loop3A_295 = arith.index_cast %parallel_loop3A_289 : i32 to index
          %parallel_loop3A_296 = tpu.vector_load %arg12[%parallel_loop3A_292, %parallel_loop3A_293, %parallel_loop3A_294, %parallel_loop3A_295] {strides = array<i32>} : memref<2x4x8x128xf32, #tpu.memory_space<vmem>>, vector<16xf32>,
          tpu.vector_store %arg12[%parallel_loop3A_292, %parallel_loop3A_293, %parallel_loop3A_294, %parallel_loop3A_295], %parallel_loop3A_287 {strides = array<i32>} : memref<2x4x8x128xf32, #tpu.memory_space<vmem>>, vector<16xf32>,
          %parallel_loop3A_297 = arith.constant 10 : i32
          %parallel_loop3A_298 = vector.broadcast %parallel_loop3A_297 : i32 to vector<16xi32>
          %parallel_loop3A_299 = tpu.vector_load_idx %arg8[%parallel_loop3A_298, %parallel_loop3A_151] : memref<32x1000xf32, #tpu.memory_space<vmem>>[vector<16xi32>, vector<16xi32>], vector<16xf32>,
          %parallel_loop3A_300 = tpu.vector_load_idx %arg9[%parallel_loop3A_298, %parallel_loop3A_156] : memref<32x1000xf32, #tpu.memory_space<vmem>>[vector<16xi32>, vector<16xi32>], vector<16xf32>,
          %parallel_loop3A_301 = arith.addf %parallel_loop3A_299, %parallel_loop3A_300 : vector<16xf32>
          %parallel_loop3A_302 = arith.constant 16 : i32
          %parallel_loop3A_303 = arith.muli %parallel_loop3A_146, %parallel_loop3A_302 : i32
          %parallel_loop3A_304 = arith.constant 1 : i32
          %parallel_loop3A_305 = arith.constant 2 : i32
          %parallel_loop3A_306 = arith.index_cast %and3A_121 : i32 to index
          %parallel_loop3A_307 = arith.index_cast %parallel_loop3A_304 : i32 to index
          %parallel_loop3A_308 = arith.index_cast %parallel_loop3A_305 : i32 to index
          %parallel_loop3A_309 = arith.index_cast %parallel_loop3A_303 : i32 to index
          %parallel_loop3A_310 = tpu.vector_load %arg12[%parallel_loop3A_306, %parallel_loop3A_307, %parallel_loop3A_308, %parallel_loop3A_309] {strides = array<i32>} : memref<2x4x8x128xf32, #tpu.memory_space<vmem>>, vector<16xf32>,
          tpu.vector_store %arg12[%parallel_loop3A_306, %parallel_loop3A_307, %parallel_loop3A_308, %parallel_loop3A_309], %parallel_loop3A_301 {strides = array<i32>} : memref<2x4x8x128xf32, #tpu.memory_space<vmem>>, vector<16xf32>,
          %parallel_loop3A_311 = arith.constant 11 : i32
          %parallel_loop3A_312 = vector.broadcast %parallel_loop3A_311 : i32 to vector<16xi32>
          %parallel_loop3A_313 = tpu.vector_load_idx %arg8[%parallel_loop3A_312, %parallel_loop3A_151] : memref<32x1000xf32, #tpu.memory_space<vmem>>[vector<16xi32>, vector<16xi32>], vector<16xf32>,
          %parallel_loop3A_314 = tpu.vector_load_idx %arg9[%parallel_loop3A_312, %parallel_loop3A_156] : memref<32x1000xf32, #tpu.memory_space<vmem>>[vector<16xi32>, vector<16xi32>], vector<16xf32>,
          %parallel_loop3A_315 = arith.addf %parallel_loop3A_313, %parallel_loop3A_314 : vector<16xf32>
          %parallel_loop3A_316 = arith.constant 16 : i32
          %parallel_loop3A_317 = arith.muli %parallel_loop3A_146, %parallel_loop3A_316 : i32
          %parallel_loop3A_318 = arith.constant 1 : i32
          %parallel_loop3A_319 = arith.constant 3 : i32
          %parallel_loop3A_320 = arith.index_cast %and3A_121 : i32 to index
          %parallel_loop3A_321 = arith.index_cast %parallel_loop3A_318 : i32 to index
          %parallel_loop3A_322 = arith.index_cast %parallel_loop3A_319 : i32 to index
          %parallel_loop3A_323 = arith.index_cast %parallel_loop3A_317 : i32 to index
          %parallel_loop3A_324 = tpu.vector_load %arg12[%parallel_loop3A_320, %parallel_loop3A_321, %parallel_loop3A_322, %parallel_loop3A_323] {strides = array<i32>} : memref<2x4x8x128xf32, #tpu.memory_space<vmem>>, vector<16xf32>,
          tpu.vector_store %arg12[%parallel_loop3A_320, %parallel_loop3A_321, %parallel_loop3A_322, %parallel_loop3A_323], %parallel_loop3A_315 {strides = array<i32>} : memref<2x4x8x128xf32, #tpu.memory_space<vmem>>, vector<16xf32>,
          %parallel_loop3A_325 = arith.constant 12 : i32
          %parallel_loop3A_326 = vector.broadcast %parallel_loop3A_325 : i32 to vector<16xi32>
          %parallel_loop3A_327 = tpu.vector_load_idx %arg8[%parallel_loop3A_326, %parallel_loop3A_151] : memref<32x1000xf32, #tpu.memory_space<vmem>>[vector<16xi32>, vector<16xi32>], vector<16xf32>,
          %parallel_loop3A_328 = tpu.vector_load_idx %arg9[%parallel_loop3A_326, %parallel_loop3A_156] : memref<32x1000xf32, #tpu.memory_space<vmem>>[vector<16xi32>, vector<16xi32>], vector<16xf32>,
          %parallel_loop3A_329 = arith.addf %parallel_loop3A_327, %parallel_loop3A_328 : vector<16xf32>
          %parallel_loop3A_330 = arith.constant 16 : i32
          %parallel_loop3A_331 = arith.muli %parallel_loop3A_146, %parallel_loop3A_330 : i32
          %parallel_loop3A_332 = arith.constant 1 : i32
          %parallel_loop3A_333 = arith.constant 4 : i32
          %parallel_loop3A_334 = arith.index_cast %and3A_121 : i32 to index
          %parallel_loop3A_335 = arith.index_cast %parallel_loop3A_332 : i32 to index
          %parallel_loop3A_336 = arith.index_cast %parallel_loop3A_333 : i32 to index
          %parallel_loop3A_337 = arith.index_cast %parallel_loop3A_331 : i32 to index
          %parallel_loop3A_338 = tpu.vector_load %arg12[%parallel_loop3A_334, %parallel_loop3A_335, %parallel_loop3A_336, %parallel_loop3A_337] {strides = array<i32>} : memref<2x4x8x128xf32, #tpu.memory_space<vmem>>, vector<16xf32>,
          tpu.vector_store %arg12[%parallel_loop3A_334, %parallel_loop3A_335, %parallel_loop3A_336, %parallel_loop3A_337], %parallel_loop3A_329 {strides = array<i32>} : memref<2x4x8x128xf32, #tpu.memory_space<vmem>>, vector<16xf32>,
          %parallel_loop3A_339 = arith.constant 13 : i32
          %parallel_loop3A_340 = vector.broadcast %parallel_loop3A_339 : i32 to vector<16xi32>
          %parallel_loop3A_341 = tpu.vector_load_idx %arg8[%parallel_loop3A_340, %parallel_loop3A_151] : memref<32x1000xf32, #tpu.memory_space<vmem>>[vector<16xi32>, vector<16xi32>], vector<16xf32>,
          %parallel_loop3A_342 = tpu.vector_load_idx %arg9[%parallel_loop3A_340, %parallel_loop3A_156] : memref<32x1000xf32, #tpu.memory_space<vmem>>[vector<16xi32>, vector<16xi32>], vector<16xf32>,
          %parallel_loop3A_343 = arith.addf %parallel_loop3A_341, %parallel_loop3A_342 : vector<16xf32>
          %parallel_loop3A_344 = arith.constant 16 : i32
          %parallel_loop3A_345 = arith.muli %parallel_loop3A_146, %parallel_loop3A_344 : i32
          %parallel_loop3A_346 = arith.constant 1 : i32
          %parallel_loop3A_347 = arith.constant 5 : i32
          %parallel_loop3A_348 = arith.index_cast %and3A_121 : i32 to index
          %parallel_loop3A_349 = arith.index_cast %parallel_loop3A_346 : i32 to index
          %parallel_loop3A_350 = arith.index_cast %parallel_loop3A_347 : i32 to index
          %parallel_loop3A_351 = arith.index_cast %parallel_loop3A_345 : i32 to index
          %parallel_loop3A_352 = tpu.vector_load %arg12[%parallel_loop3A_348, %parallel_loop3A_349, %parallel_loop3A_350, %parallel_loop3A_351] {strides = array<i32>} : memref<2x4x8x128xf32, #tpu.memory_space<vmem>>, vector<16xf32>,
          tpu.vector_store %arg12[%parallel_loop3A_348, %parallel_loop3A_349, %parallel_loop3A_350, %parallel_loop3A_351], %parallel_loop3A_343 {strides = array<i32>} : memref<2x4x8x128xf32, #tpu.memory_space<vmem>>, vector<16xf32>,
          %parallel_loop3A_353 = arith.constant 14 : i32
          %parallel_loop3A_354 = vector.broadcast %parallel_loop3A_353 : i32 to vector<16xi32>
          %parallel_loop3A_355 = tpu.vector_load_idx %arg8[%parallel_loop3A_354, %parallel_loop3A_151] : memref<32x1000xf32, #tpu.memory_space<vmem>>[vector<16xi32>, vector<16xi32>], vector<16xf32>,
          %parallel_loop3A_356 = tpu.vector_load_idx %arg9[%parallel_loop3A_354, %parallel_loop3A_156] : memref<32x1000xf32, #tpu.memory_space<vmem>>[vector<16xi32>, vector<16xi32>], vector<16xf32>,
          %parallel_loop3A_357 = arith.addf %parallel_loop3A_355, %parallel_loop3A_356 : vector<16xf32>
          %parallel_loop3A_358 = arith.constant 16 : i32
          %parallel_loop3A_359 = arith.muli %parallel_loop3A_146, %parallel_loop3A_358 : i32
          %parallel_loop3A_360 = arith.constant 1 : i32
          %parallel_loop3A_361 = arith.constant 6 : i32
          %parallel_loop3A_362 = arith.index_cast %and3A_121 : i32 to index
          %parallel_loop3A_363 = arith.index_cast %parallel_loop3A_360 : i32 to index
          %parallel_loop3A_364 = arith.index_cast %parallel_loop3A_361 : i32 to index
          %parallel_loop3A_365 = arith.index_cast %parallel_loop3A_359 : i32 to index
          %parallel_loop3A_366 = tpu.vector_load %arg12[%parallel_loop3A_362, %parallel_loop3A_363, %parallel_loop3A_364, %parallel_loop3A_365] {strides = array<i32>} : memref<2x4x8x128xf32, #tpu.memory_space<vmem>>, vector<16xf32>,
          tpu.vector_store %arg12[%parallel_loop3A_362, %parallel_loop3A_363, %parallel_loop3A_364, %parallel_loop3A_365], %parallel_loop3A_357 {strides = array<i32>} : memref<2x4x8x128xf32, #tpu.memory_space<vmem>>, vector<16xf32>,
          %parallel_loop3A_367 = arith.constant 15 : i32
          %parallel_loop3A_368 = vector.broadcast %parallel_loop3A_367 : i32 to vector<16xi32>
          %parallel_loop3A_369 = tpu.vector_load_idx %arg8[%parallel_loop3A_368, %parallel_loop3A_151] : memref<32x1000xf32, #tpu.memory_space<vmem>>[vector<16xi32>, vector<16xi32>], vector<16xf32>,
          %parallel_loop3A_370 = tpu.vector_load_idx %arg9[%parallel_loop3A_368, %parallel_loop3A_156] : memref<32x1000xf32, #tpu.memory_space<vmem>>[vector<16xi32>, vector<16xi32>], vector<16xf32>,
          %parallel_loop3A_371 = arith.addf %parallel_loop3A_369, %parallel_loop3A_370 : vector<16xf32>
          %parallel_loop3A_372 = arith.constant 16 : i32
          %parallel_loop3A_373 = arith.muli %parallel_loop3A_146, %parallel_loop3A_372 : i32
          %parallel_loop3A_374 = arith.constant 1 : i32
          %parallel_loop3A_375 = arith.constant 7 : i32
          %parallel_loop3A_376 = arith.index_cast %and3A_121 : i32 to index
          %parallel_loop3A_377 = arith.index_cast %parallel_loop3A_374 : i32 to index
          %parallel_loop3A_378 = arith.index_cast %parallel_loop3A_375 : i32 to index
          %parallel_loop3A_379 = arith.index_cast %parallel_loop3A_373 : i32 to index
          %parallel_loop3A_380 = tpu.vector_load %arg12[%parallel_loop3A_376, %parallel_loop3A_377, %parallel_loop3A_378, %parallel_loop3A_379] {strides = array<i32>} : memref<2x4x8x128xf32, #tpu.memory_space<vmem>>, vector<16xf32>,
          tpu.vector_store %arg12[%parallel_loop3A_376, %parallel_loop3A_377, %parallel_loop3A_378, %parallel_loop3A_379], %parallel_loop3A_371 {strides = array<i32>} : memref<2x4x8x128xf32, #tpu.memory_space<vmem>>, vector<16xf32>,
          %parallel_loop3A_381 = arith.constant 16 : i32
          %parallel_loop3A_382 = vector.broadcast %parallel_loop3A_381 : i32 to vector<16xi32>
          %parallel_loop3A_383 = tpu.vector_load_idx %arg8[%parallel_loop3A_382, %parallel_loop3A_151] : memref<32x1000xf32, #tpu.memory_space<vmem>>[vector<16xi32>, vector<16xi32>], vector<16xf32>,
          %parallel_loop3A_384 = tpu.vector_load_idx %arg9[%parallel_loop3A_382, %parallel_loop3A_156] : memref<32x1000xf32, #tpu.memory_space<vmem>>[vector<16xi32>, vector<16xi32>], vector<16xf32>,
          %parallel_loop3A_385 = arith.addf %parallel_loop3A_383, %parallel_loop3A_384 : vector<16xf32>
          %parallel_loop3A_386 = arith.constant 16 : i32
          %parallel_loop3A_387 = arith.muli %parallel_loop3A_146, %parallel_loop3A_386 : i32
          %parallel_loop3A_388 = arith.constant 2 : i32
          %parallel_loop3A_389 = arith.constant 0 : i32
          %parallel_loop3A_390 = arith.index_cast %and3A_121 : i32 to index
          %parallel_loop3A_391 = arith.index_cast %parallel_loop3A_388 : i32 to index
          %parallel_loop3A_392 = arith.index_cast %parallel_loop3A_389 : i32 to index
          %parallel_loop3A_393 = arith.index_cast %parallel_loop3A_387 : i32 to index
          %parallel_loop3A_394 = tpu.vector_load %arg12[%parallel_loop3A_390, %parallel_loop3A_391, %parallel_loop3A_392, %parallel_loop3A_393] {strides = array<i32>} : memref<2x4x8x128xf32, #tpu.memory_space<vmem>>, vector<16xf32>,
          tpu.vector_store %arg12[%parallel_loop3A_390, %parallel_loop3A_391, %parallel_loop3A_392, %parallel_loop3A_393], %parallel_loop3A_385 {strides = array<i32>} : memref<2x4x8x128xf32, #tpu.memory_space<vmem>>, vector<16xf32>,
          %parallel_loop3A_395 = arith.constant 17 : i32
          %parallel_loop3A_396 = vector.broadcast %parallel_loop3A_395 : i32 to vector<16xi32>
          %parallel_loop3A_397 = tpu.vector_load_idx %arg8[%parallel_loop3A_396, %parallel_loop3A_151] : memref<32x1000xf32, #tpu.memory_space<vmem>>[vector<16xi32>, vector<16xi32>], vector<16xf32>,
          %parallel_loop3A_398 = tpu.vector_load_idx %arg9[%parallel_loop3A_396, %parallel_loop3A_156] : memref<32x1000xf32, #tpu.memory_space<vmem>>[vector<16xi32>, vector<16xi32>], vector<16xf32>,
          %parallel_loop3A_399 = arith.addf %parallel_loop3A_397, %parallel_loop3A_398 : vector<16xf32>
          %parallel_loop3A_400 = arith.constant 16 : i32
          %parallel_loop3A_401 = arith.muli %parallel_loop3A_146, %parallel_loop3A_400 : i32
          %parallel_loop3A_402 = arith.constant 2 : i32
          %parallel_loop3A_403 = arith.constant 1 : i32
          %parallel_loop3A_404 = arith.index_cast %and3A_121 : i32 to index
          %parallel_loop3A_405 = arith.index_cast %parallel_loop3A_402 : i32 to index
          %parallel_loop3A_406 = arith.index_cast %parallel_loop3A_403 : i32 to index
          %parallel_loop3A_407 = arith.index_cast %parallel_loop3A_401 : i32 to index
          %parallel_loop3A_408 = tpu.vector_load %arg12[%parallel_loop3A_404, %parallel_loop3A_405, %parallel_loop3A_406, %parallel_loop3A_407] {strides = array<i32>} : memref<2x4x8x128xf32, #tpu.memory_space<vmem>>, vector<16xf32>,
          tpu.vector_store %arg12[%parallel_loop3A_404, %parallel_loop3A_405, %parallel_loop3A_406, %parallel_loop3A_407], %parallel_loop3A_399 {strides = array<i32>} : memref<2x4x8x128xf32, #tpu.memory_space<vmem>>, vector<16xf32>,
          %parallel_loop3A_409 = arith.constant 18 : i32
          %parallel_loop3A_410 = vector.broadcast %parallel_loop3A_409 : i32 to vector<16xi32>
          %parallel_loop3A_411 = tpu.vector_load_idx %arg8[%parallel_loop3A_410, %parallel_loop3A_151] : memref<32x1000xf32, #tpu.memory_space<vmem>>[vector<16xi32>, vector<16xi32>], vector<16xf32>,
          %parallel_loop3A_412 = tpu.vector_load_idx %arg9[%parallel_loop3A_410, %parallel_loop3A_156] : memref<32x1000xf32, #tpu.memory_space<vmem>>[vector<16xi32>, vector<16xi32>], vector<16xf32>,
          %parallel_loop3A_413 = arith.addf %parallel_loop3A_411, %parallel_loop3A_412 : vector<16xf32>
          %parallel_loop3A_414 = arith.constant 16 : i32
          %parallel_loop3A_415 = arith.muli %parallel_loop3A_146, %parallel_loop3A_414 : i32
          %parallel_loop3A_416 = arith.constant 2 : i32
          %parallel_loop3A_417 = arith.constant 2 : i32
          %parallel_loop3A_418 = arith.index_cast %and3A_121 : i32 to index
          %parallel_loop3A_419 = arith.index_cast %parallel_loop3A_416 : i32 to index
          %parallel_loop3A_420 = arith.index_cast %parallel_loop3A_417 : i32 to index
          %parallel_loop3A_421 = arith.index_cast %parallel_loop3A_415 : i32 to index
          %parallel_loop3A_422 = tpu.vector_load %arg12[%parallel_loop3A_418, %parallel_loop3A_419, %parallel_loop3A_420, %parallel_loop3A_421] {strides = array<i32>} : memref<2x4x8x128xf32, #tpu.memory_space<vmem>>, vector<16xf32>,
          tpu.vector_store %arg12[%parallel_loop3A_418, %parallel_loop3A_419, %parallel_loop3A_420, %parallel_loop3A_421], %parallel_loop3A_413 {strides = array<i32>} : memref<2x4x8x128xf32, #tpu.memory_space<vmem>>, vector<16xf32>,
          %parallel_loop3A_423 = arith.constant 19 : i32
          %parallel_loop3A_424 = vector.broadcast %parallel_loop3A_423 : i32 to vector<16xi32>
          %parallel_loop3A_425 = tpu.vector_load_idx %arg8[%parallel_loop3A_424, %parallel_loop3A_151] : memref<32x1000xf32, #tpu.memory_space<vmem>>[vector<16xi32>, vector<16xi32>], vector<16xf32>,
          %parallel_loop3A_426 = tpu.vector_load_idx %arg9[%parallel_loop3A_424, %parallel_loop3A_156] : memref<32x1000xf32, #tpu.memory_space<vmem>>[vector<16xi32>, vector<16xi32>], vector<16xf32>,
          %parallel_loop3A_427 = arith.addf %parallel_loop3A_425, %parallel_loop3A_426 : vector<16xf32>
          %parallel_loop3A_428 = arith.constant 16 : i32
          %parallel_loop3A_429 = arith.muli %parallel_loop3A_146, %parallel_loop3A_428 : i32
          %parallel_loop3A_430 = arith.constant 2 : i32
          %parallel_loop3A_431 = arith.constant 3 : i32
          %parallel_loop3A_432 = arith.index_cast %and3A_121 : i32 to index
          %parallel_loop3A_433 = arith.index_cast %parallel_loop3A_430 : i32 to index
          %parallel_loop3A_434 = arith.index_cast %parallel_loop3A_431 : i32 to index
          %parallel_loop3A_435 = arith.index_cast %parallel_loop3A_429 : i32 to index
          %parallel_loop3A_436 = tpu.vector_load %arg12[%parallel_loop3A_432, %parallel_loop3A_433, %parallel_loop3A_434, %parallel_loop3A_435] {strides = array<i32>} : memref<2x4x8x128xf32, #tpu.memory_space<vmem>>, vector<16xf32>,
          tpu.vector_store %arg12[%parallel_loop3A_432, %parallel_loop3A_433, %parallel_loop3A_434, %parallel_loop3A_435], %parallel_loop3A_427 {strides = array<i32>} : memref<2x4x8x128xf32, #tpu.memory_space<vmem>>, vector<16xf32>,
          %parallel_loop3A_437 = arith.constant 20 : i32
          %parallel_loop3A_438 = vector.broadcast %parallel_loop3A_437 : i32 to vector<16xi32>
          %parallel_loop3A_439 = tpu.vector_load_idx %arg8[%parallel_loop3A_438, %parallel_loop3A_151] : memref<32x1000xf32, #tpu.memory_space<vmem>>[vector<16xi32>, vector<16xi32>], vector<16xf32>,
          %parallel_loop3A_440 = tpu.vector_load_idx %arg9[%parallel_loop3A_438, %parallel_loop3A_156] : memref<32x1000xf32, #tpu.memory_space<vmem>>[vector<16xi32>, vector<16xi32>], vector<16xf32>,
          %parallel_loop3A_441 = arith.addf %parallel_loop3A_439, %parallel_loop3A_440 : vector<16xf32>
          %parallel_loop3A_442 = arith.constant 16 : i32
          %parallel_loop3A_443 = arith.muli %parallel_loop3A_146, %parallel_loop3A_442 : i32
          %parallel_loop3A_444 = arith.constant 2 : i32
          %parallel_loop3A_445 = arith.constant 4 : i32
          %parallel_loop3A_446 = arith.index_cast %and3A_121 : i32 to index
          %parallel_loop3A_447 = arith.index_cast %parallel_loop3A_444 : i32 to index
          %parallel_loop3A_448 = arith.index_cast %parallel_loop3A_445 : i32 to index
          %parallel_loop3A_449 = arith.index_cast %parallel_loop3A_443 : i32 to index
          %parallel_loop3A_450 = tpu.vector_load %arg12[%parallel_loop3A_446, %parallel_loop3A_447, %parallel_loop3A_448, %parallel_loop3A_449] {strides = array<i32>} : memref<2x4x8x128xf32, #tpu.memory_space<vmem>>, vector<16xf32>,
          tpu.vector_store %arg12[%parallel_loop3A_446, %parallel_loop3A_447, %parallel_loop3A_448, %parallel_loop3A_449], %parallel_loop3A_441 {strides = array<i32>} : memref<2x4x8x128xf32, #tpu.memory_space<vmem>>, vector<16xf32>,
          %parallel_loop3A_451 = arith.constant 21 : i32
          %parallel_loop3A_452 = vector.broadcast %parallel_loop3A_451 : i32 to vector<16xi32>
          %parallel_loop3A_453 = tpu.vector_load_idx %arg8[%parallel_loop3A_452, %parallel_loop3A_151] : memref<32x1000xf32, #tpu.memory_space<vmem>>[vector<16xi32>, vector<16xi32>], vector<16xf32>,
          %parallel_loop3A_454 = tpu.vector_load_idx %arg9[%parallel_loop3A_452, %parallel_loop3A_156] : memref<32x1000xf32, #tpu.memory_space<vmem>>[vector<16xi32>, vector<16xi32>], vector<16xf32>,
          %parallel_loop3A_455 = arith.addf %parallel_loop3A_453, %parallel_loop3A_454 : vector<16xf32>
          %parallel_loop3A_456 = arith.constant 16 : i32
          %parallel_loop3A_457 = arith.muli %parallel_loop3A_146, %parallel_loop3A_456 : i32
          %parallel_loop3A_458 = arith.constant 2 : i32
          %parallel_loop3A_459 = arith.constant 5 : i32
          %parallel_loop3A_460 = arith.index_cast %and3A_121 : i32 to index
          %parallel_loop3A_461 = arith.index_cast %parallel_loop3A_458 : i32 to index
          %parallel_loop3A_462 = arith.index_cast %parallel_loop3A_459 : i32 to index
          %parallel_loop3A_463 = arith.index_cast %parallel_loop3A_457 : i32 to index
          %parallel_loop3A_464 = tpu.vector_load %arg12[%parallel_loop3A_460, %parallel_loop3A_461, %parallel_loop3A_462, %parallel_loop3A_463] {strides = array<i32>} : memref<2x4x8x128xf32, #tpu.memory_space<vmem>>, vector<16xf32>,
          tpu.vector_store %arg12[%parallel_loop3A_460, %parallel_loop3A_461, %parallel_loop3A_462, %parallel_loop3A_463], %parallel_loop3A_455 {strides = array<i32>} : memref<2x4x8x128xf32, #tpu.memory_space<vmem>>, vector<16xf32>,
          %parallel_loop3A_465 = arith.constant 22 : i32
          %parallel_loop3A_466 = vector.broadcast %parallel_loop3A_465 : i32 to vector<16xi32>
          %parallel_loop3A_467 = tpu.vector_load_idx %arg8[%parallel_loop3A_466, %parallel_loop3A_151] : memref<32x1000xf32, #tpu.memory_space<vmem>>[vector<16xi32>, vector<16xi32>], vector<16xf32>,
          %parallel_loop3A_468 = tpu.vector_load_idx %arg9[%parallel_loop3A_466, %parallel_loop3A_156] : memref<32x1000xf32, #tpu.memory_space<vmem>>[vector<16xi32>, vector<16xi32>], vector<16xf32>,
          %parallel_loop3A_469 = arith.addf %parallel_loop3A_467, %parallel_loop3A_468 : vector<16xf32>
          %parallel_loop3A_470 = arith.constant 16 : i32
          %parallel_loop3A_471 = arith.muli %parallel_loop3A_146, %parallel_loop3A_470 : i32
          %parallel_loop3A_472 = arith.constant 2 : i32
          %parallel_loop3A_473 = arith.constant 6 : i32
          %parallel_loop3A_474 = arith.index_cast %and3A_121 : i32 to index
          %parallel_loop3A_475 = arith.index_cast %parallel_loop3A_472 : i32 to index
          %parallel_loop3A_476 = arith.index_cast %parallel_loop3A_473 : i32 to index
          %parallel_loop3A_477 = arith.index_cast %parallel_loop3A_471 : i32 to index
          %parallel_loop3A_478 = tpu.vector_load %arg12[%parallel_loop3A_474, %parallel_loop3A_475, %parallel_loop3A_476, %parallel_loop3A_477] {strides = array<i32>} : memref<2x4x8x128xf32, #tpu.memory_space<vmem>>, vector<16xf32>,
          tpu.vector_store %arg12[%parallel_loop3A_474, %parallel_loop3A_475, %parallel_loop3A_476, %parallel_loop3A_477], %parallel_loop3A_469 {strides = array<i32>} : memref<2x4x8x128xf32, #tpu.memory_space<vmem>>, vector<16xf32>,
          %parallel_loop3A_479 = arith.constant 23 : i32
          %parallel_loop3A_480 = vector.broadcast %parallel_loop3A_479 : i32 to vector<16xi32>
          %parallel_loop3A_481 = tpu.vector_load_idx %arg8[%parallel_loop3A_480, %parallel_loop3A_151] : memref<32x1000xf32, #tpu.memory_space<vmem>>[vector<16xi32>, vector<16xi32>], vector<16xf32>,
          %parallel_loop3A_482 = tpu.vector_load_idx %arg9[%parallel_loop3A_480, %parallel_loop3A_156] : memref<32x1000xf32, #tpu.memory_space<vmem>>[vector<16xi32>, vector<16xi32>], vector<16xf32>,
          %parallel_loop3A_483 = arith.addf %parallel_loop3A_481, %parallel_loop3A_482 : vector<16xf32>
          %parallel_loop3A_484 = arith.constant 16 : i32
          %parallel_loop3A_485 = arith.muli %parallel_loop3A_146, %parallel_loop3A_484 : i32
          %parallel_loop3A_486 = arith.constant 2 : i32
          %parallel_loop3A_487 = arith.constant 7 : i32
          %parallel_loop3A_488 = arith.index_cast %and3A_121 : i32 to index
          %parallel_loop3A_489 = arith.index_cast %parallel_loop3A_486 : i32 to index
          %parallel_loop3A_490 = arith.index_cast %parallel_loop3A_487 : i32 to index
          %parallel_loop3A_491 = arith.index_cast %parallel_loop3A_485 : i32 to index
          %parallel_loop3A_492 = tpu.vector_load %arg12[%parallel_loop3A_488, %parallel_loop3A_489, %parallel_loop3A_490, %parallel_loop3A_491] {strides = array<i32>} : memref<2x4x8x128xf32, #tpu.memory_space<vmem>>, vector<16xf32>,
          tpu.vector_store %arg12[%parallel_loop3A_488, %parallel_loop3A_489, %parallel_loop3A_490, %parallel_loop3A_491], %parallel_loop3A_483 {strides = array<i32>} : memref<2x4x8x128xf32, #tpu.memory_space<vmem>>, vector<16xf32>,
          %parallel_loop3A_493 = arith.constant 24 : i32
          %parallel_loop3A_494 = vector.broadcast %parallel_loop3A_493 : i32 to vector<16xi32>
          %parallel_loop3A_495 = tpu.vector_load_idx %arg8[%parallel_loop3A_494, %parallel_loop3A_151] : memref<32x1000xf32, #tpu.memory_space<vmem>>[vector<16xi32>, vector<16xi32>], vector<16xf32>,
          %parallel_loop3A_496 = tpu.vector_load_idx %arg9[%parallel_loop3A_494, %parallel_loop3A_156] : memref<32x1000xf32, #tpu.memory_space<vmem>>[vector<16xi32>, vector<16xi32>], vector<16xf32>,
          %parallel_loop3A_497 = arith.addf %parallel_loop3A_495, %parallel_loop3A_496 : vector<16xf32>
          %parallel_loop3A_498 = arith.constant 16 : i32
          %parallel_loop3A_499 = arith.muli %parallel_loop3A_146, %parallel_loop3A_498 : i32
          %parallel_loop3A_500 = arith.constant 3 : i32
          %parallel_loop3A_501 = arith.constant 0 : i32
          %parallel_loop3A_502 = arith.index_cast %and3A_121 : i32 to index
          %parallel_loop3A_503 = arith.index_cast %parallel_loop3A_500 : i32 to index
          %parallel_loop3A_504 = arith.index_cast %parallel_loop3A_501 : i32 to index
          %parallel_loop3A_505 = arith.index_cast %parallel_loop3A_499 : i32 to index
          %parallel_loop3A_506 = tpu.vector_load %arg12[%parallel_loop3A_502, %parallel_loop3A_503, %parallel_loop3A_504, %parallel_loop3A_505] {strides = array<i32>} : memref<2x4x8x128xf32, #tpu.memory_space<vmem>>, vector<16xf32>,
          tpu.vector_store %arg12[%parallel_loop3A_502, %parallel_loop3A_503, %parallel_loop3A_504, %parallel_loop3A_505], %parallel_loop3A_497 {strides = array<i32>} : memref<2x4x8x128xf32, #tpu.memory_space<vmem>>, vector<16xf32>,
          %parallel_loop3A_507 = arith.constant 25 : i32
          %parallel_loop3A_508 = vector.broadcast %parallel_loop3A_507 : i32 to vector<16xi32>
          %parallel_loop3A_509 = tpu.vector_load_idx %arg8[%parallel_loop3A_508, %parallel_loop3A_151] : memref<32x1000xf32, #tpu.memory_space<vmem>>[vector<16xi32>, vector<16xi32>], vector<16xf32>,
          %parallel_loop3A_510 = tpu.vector_load_idx %arg9[%parallel_loop3A_508, %parallel_loop3A_156] : memref<32x1000xf32, #tpu.memory_space<vmem>>[vector<16xi32>, vector<16xi32>], vector<16xf32>,
          %parallel_loop3A_511 = arith.addf %parallel_loop3A_509, %parallel_loop3A_510 : vector<16xf32>
          %parallel_loop3A_512 = arith.constant 16 : i32
          %parallel_loop3A_513 = arith.muli %parallel_loop3A_146, %parallel_loop3A_512 : i32
          %parallel_loop3A_514 = arith.constant 3 : i32
          %parallel_loop3A_515 = arith.constant 1 : i32
          %parallel_loop3A_516 = arith.index_cast %and3A_121 : i32 to index
          %parallel_loop3A_517 = arith.index_cast %parallel_loop3A_514 : i32 to index
          %parallel_loop3A_518 = arith.index_cast %parallel_loop3A_515 : i32 to index
          %parallel_loop3A_519 = arith.index_cast %parallel_loop3A_513 : i32 to index
          %parallel_loop3A_520 = tpu.vector_load %arg12[%parallel_loop3A_516, %parallel_loop3A_517, %parallel_loop3A_518, %parallel_loop3A_519] {strides = array<i32>} : memref<2x4x8x128xf32, #tpu.memory_space<vmem>>, vector<16xf32>,
          tpu.vector_store %arg12[%parallel_loop3A_516, %parallel_loop3A_517, %parallel_loop3A_518, %parallel_loop3A_519], %parallel_loop3A_511 {strides = array<i32>} : memref<2x4x8x128xf32, #tpu.memory_space<vmem>>, vector<16xf32>,
          %parallel_loop3A_521 = arith.constant 26 : i32
          %parallel_loop3A_522 = vector.broadcast %parallel_loop3A_521 : i32 to vector<16xi32>
          %parallel_loop3A_523 = tpu.vector_load_idx %arg8[%parallel_loop3A_522, %parallel_loop3A_151] : memref<32x1000xf32, #tpu.memory_space<vmem>>[vector<16xi32>, vector<16xi32>], vector<16xf32>,
          %parallel_loop3A_524 = tpu.vector_load_idx %arg9[%parallel_loop3A_522, %parallel_loop3A_156] : memref<32x1000xf32, #tpu.memory_space<vmem>>[vector<16xi32>, vector<16xi32>], vector<16xf32>,
          %parallel_loop3A_525 = arith.addf %parallel_loop3A_523, %parallel_loop3A_524 : vector<16xf32>
          %parallel_loop3A_526 = arith.constant 16 : i32
          %parallel_loop3A_527 = arith.muli %parallel_loop3A_146, %parallel_loop3A_526 : i32
          %parallel_loop3A_528 = arith.constant 3 : i32
          %parallel_loop3A_529 = arith.constant 2 : i32
          %parallel_loop3A_530 = arith.index_cast %and3A_121 : i32 to index
          %parallel_loop3A_531 = arith.index_cast %parallel_loop3A_528 : i32 to index
          %parallel_loop3A_532 = arith.index_cast %parallel_loop3A_529 : i32 to index
          %parallel_loop3A_533 = arith.index_cast %parallel_loop3A_527 : i32 to index
          %parallel_loop3A_534 = tpu.vector_load %arg12[%parallel_loop3A_530, %parallel_loop3A_531, %parallel_loop3A_532, %parallel_loop3A_533] {strides = array<i32>} : memref<2x4x8x128xf32, #tpu.memory_space<vmem>>, vector<16xf32>,
          tpu.vector_store %arg12[%parallel_loop3A_530, %parallel_loop3A_531, %parallel_loop3A_532, %parallel_loop3A_533], %parallel_loop3A_525 {strides = array<i32>} : memref<2x4x8x128xf32, #tpu.memory_space<vmem>>, vector<16xf32>,
          %parallel_loop3A_535 = arith.constant 27 : i32
          %parallel_loop3A_536 = vector.broadcast %parallel_loop3A_535 : i32 to vector<16xi32>
          %parallel_loop3A_537 = tpu.vector_load_idx %arg8[%parallel_loop3A_536, %parallel_loop3A_151] : memref<32x1000xf32, #tpu.memory_space<vmem>>[vector<16xi32>, vector<16xi32>], vector<16xf32>,
          %parallel_loop3A_538 = tpu.vector_load_idx %arg9[%parallel_loop3A_536, %parallel_loop3A_156] : memref<32x1000xf32, #tpu.memory_space<vmem>>[vector<16xi32>, vector<16xi32>], vector<16xf32>,
          %parallel_loop3A_539 = arith.addf %parallel_loop3A_537, %parallel_loop3A_538 : vector<16xf32>
          %parallel_loop3A_540 = arith.constant 16 : i32
          %parallel_loop3A_541 = arith.muli %parallel_loop3A_146, %parallel_loop3A_540 : i32
          %parallel_loop3A_542 = arith.constant 3 : i32
          %parallel_loop3A_543 = arith.constant 3 : i32
          %parallel_loop3A_544 = arith.index_cast %and3A_121 : i32 to index
          %parallel_loop3A_545 = arith.index_cast %parallel_loop3A_542 : i32 to index
          %parallel_loop3A_546 = arith.index_cast %parallel_loop3A_543 : i32 to index
          %parallel_loop3A_547 = arith.index_cast %parallel_loop3A_541 : i32 to index
          %parallel_loop3A_548 = tpu.vector_load %arg12[%parallel_loop3A_544, %parallel_loop3A_545, %parallel_loop3A_546, %parallel_loop3A_547] {strides = array<i32>} : memref<2x4x8x128xf32, #tpu.memory_space<vmem>>, vector<16xf32>,
          tpu.vector_store %arg12[%parallel_loop3A_544, %parallel_loop3A_545, %parallel_loop3A_546, %parallel_loop3A_547], %parallel_loop3A_539 {strides = array<i32>} : memref<2x4x8x128xf32, #tpu.memory_space<vmem>>, vector<16xf32>,
          %parallel_loop3A_549 = arith.constant 28 : i32
          %parallel_loop3A_550 = vector.broadcast %parallel_loop3A_549 : i32 to vector<16xi32>
          %parallel_loop3A_551 = tpu.vector_load_idx %arg8[%parallel_loop3A_550, %parallel_loop3A_151] : memref<32x1000xf32, #tpu.memory_space<vmem>>[vector<16xi32>, vector<16xi32>], vector<16xf32>,
          %parallel_loop3A_552 = tpu.vector_load_idx %arg9[%parallel_loop3A_550, %parallel_loop3A_156] : memref<32x1000xf32, #tpu.memory_space<vmem>>[vector<16xi32>, vector<16xi32>], vector<16xf32>,
          %parallel_loop3A_553 = arith.addf %parallel_loop3A_551, %parallel_loop3A_552 : vector<16xf32>
          %parallel_loop3A_554 = arith.constant 16 : i32
          %parallel_loop3A_555 = arith.muli %parallel_loop3A_146, %parallel_loop3A_554 : i32
          %parallel_loop3A_556 = arith.constant 3 : i32
          %parallel_loop3A_557 = arith.constant 4 : i32
          %parallel_loop3A_558 = arith.index_cast %and3A_121 : i32 to index
          %parallel_loop3A_559 = arith.index_cast %parallel_loop3A_556 : i32 to index
          %parallel_loop3A_560 = arith.index_cast %parallel_loop3A_557 : i32 to index
          %parallel_loop3A_561 = arith.index_cast %parallel_loop3A_555 : i32 to index
          %parallel_loop3A_562 = tpu.vector_load %arg12[%parallel_loop3A_558, %parallel_loop3A_559, %parallel_loop3A_560, %parallel_loop3A_561] {strides = array<i32>} : memref<2x4x8x128xf32, #tpu.memory_space<vmem>>, vector<16xf32>,
          tpu.vector_store %arg12[%parallel_loop3A_558, %parallel_loop3A_559, %parallel_loop3A_560, %parallel_loop3A_561], %parallel_loop3A_553 {strides = array<i32>} : memref<2x4x8x128xf32, #tpu.memory_space<vmem>>, vector<16xf32>,
          %parallel_loop3A_563 = arith.constant 29 : i32
          %parallel_loop3A_564 = vector.broadcast %parallel_loop3A_563 : i32 to vector<16xi32>
          %parallel_loop3A_565 = tpu.vector_load_idx %arg8[%parallel_loop3A_564, %parallel_loop3A_151] : memref<32x1000xf32, #tpu.memory_space<vmem>>[vector<16xi32>, vector<16xi32>], vector<16xf32>,
          %parallel_loop3A_566 = tpu.vector_load_idx %arg9[%parallel_loop3A_564, %parallel_loop3A_156] : memref<32x1000xf32, #tpu.memory_space<vmem>>[vector<16xi32>, vector<16xi32>], vector<16xf32>,
          %parallel_loop3A_567 = arith.addf %parallel_loop3A_565, %parallel_loop3A_566 : vector<16xf32>
          %parallel_loop3A_568 = arith.constant 16 : i32
          %parallel_loop3A_569 = arith.muli %parallel_loop3A_146, %parallel_loop3A_568 : i32
          %parallel_loop3A_570 = arith.constant 3 : i32
          %parallel_loop3A_571 = arith.constant 5 : i32
          %parallel_loop3A_572 = arith.index_cast %and3A_121 : i32 to index
          %parallel_loop3A_573 = arith.index_cast %parallel_loop3A_570 : i32 to index
          %parallel_loop3A_574 = arith.index_cast %parallel_loop3A_571 : i32 to index
          %parallel_loop3A_575 = arith.index_cast %parallel_loop3A_569 : i32 to index
          %parallel_loop3A_576 = tpu.vector_load %arg12[%parallel_loop3A_572, %parallel_loop3A_573, %parallel_loop3A_574, %parallel_loop3A_575] {strides = array<i32>} : memref<2x4x8x128xf32, #tpu.memory_space<vmem>>, vector<16xf32>,
          tpu.vector_store %arg12[%parallel_loop3A_572, %parallel_loop3A_573, %parallel_loop3A_574, %parallel_loop3A_575], %parallel_loop3A_567 {strides = array<i32>} : memref<2x4x8x128xf32, #tpu.memory_space<vmem>>, vector<16xf32>,
          %parallel_loop3A_577 = arith.constant 30 : i32
          %parallel_loop3A_578 = vector.broadcast %parallel_loop3A_577 : i32 to vector<16xi32>
          %parallel_loop3A_579 = tpu.vector_load_idx %arg8[%parallel_loop3A_578, %parallel_loop3A_151] : memref<32x1000xf32, #tpu.memory_space<vmem>>[vector<16xi32>, vector<16xi32>], vector<16xf32>,
          %parallel_loop3A_580 = tpu.vector_load_idx %arg9[%parallel_loop3A_578, %parallel_loop3A_156] : memref<32x1000xf32, #tpu.memory_space<vmem>>[vector<16xi32>, vector<16xi32>], vector<16xf32>,
          %parallel_loop3A_581 = arith.addf %parallel_loop3A_579, %parallel_loop3A_580 : vector<16xf32>
          %parallel_loop3A_582 = arith.constant 16 : i32
          %parallel_loop3A_583 = arith.muli %parallel_loop3A_146, %parallel_loop3A_582 : i32
          %parallel_loop3A_584 = arith.constant 3 : i32
          %parallel_loop3A_585 = arith.constant 6 : i32
          %parallel_loop3A_586 = arith.index_cast %and3A_121 : i32 to index
          %parallel_loop3A_587 = arith.index_cast %parallel_loop3A_584 : i32 to index
          %parallel_loop3A_588 = arith.index_cast %parallel_loop3A_585 : i32 to index
          %parallel_loop3A_589 = arith.index_cast %parallel_loop3A_583 : i32 to index
          %parallel_loop3A_590 = tpu.vector_load %arg12[%parallel_loop3A_586, %parallel_loop3A_587, %parallel_loop3A_588, %parallel_loop3A_589] {strides = array<i32>} : memref<2x4x8x128xf32, #tpu.memory_space<vmem>>, vector<16xf32>,
          tpu.vector_store %arg12[%parallel_loop3A_586, %parallel_loop3A_587, %parallel_loop3A_588, %parallel_loop3A_589], %parallel_loop3A_581 {strides = array<i32>} : memref<2x4x8x128xf32, #tpu.memory_space<vmem>>, vector<16xf32>,
          %parallel_loop3A_591 = arith.constant 31 : i32
          %parallel_loop3A_592 = vector.broadcast %parallel_loop3A_591 : i32 to vector<16xi32>
          %parallel_loop3A_593 = tpu.vector_load_idx %arg8[%parallel_loop3A_592, %parallel_loop3A_151] : memref<32x1000xf32, #tpu.memory_space<vmem>>[vector<16xi32>, vector<16xi32>], vector<16xf32>,
          %parallel_loop3A_594 = tpu.vector_load_idx %arg9[%parallel_loop3A_592, %parallel_loop3A_156] : memref<32x1000xf32, #tpu.memory_space<vmem>>[vector<16xi32>, vector<16xi32>], vector<16xf32>,
          %parallel_loop3A_595 = arith.addf %parallel_loop3A_593, %parallel_loop3A_594 : vector<16xf32>
          %parallel_loop3A_596 = arith.constant 16 : i32
          %parallel_loop3A_597 = arith.muli %parallel_loop3A_146, %parallel_loop3A_596 : i32
          %parallel_loop3A_598 = arith.constant 3 : i32
          %parallel_loop3A_599 = arith.constant 7 : i32
          %parallel_loop3A_600 = arith.index_cast %and3A_121 : i32 to index
          %parallel_loop3A_601 = arith.index_cast %parallel_loop3A_598 : i32 to index
          %parallel_loop3A_602 = arith.index_cast %parallel_loop3A_599 : i32 to index
          %parallel_loop3A_603 = arith.index_cast %parallel_loop3A_597 : i32 to index
          %parallel_loop3A_604 = tpu.vector_load %arg12[%parallel_loop3A_600, %parallel_loop3A_601, %parallel_loop3A_602, %parallel_loop3A_603] {strides = array<i32>} : memref<2x4x8x128xf32, #tpu.memory_space<vmem>>, vector<16xf32>,
          tpu.vector_store %arg12[%parallel_loop3A_600, %parallel_loop3A_601, %parallel_loop3A_602, %parallel_loop3A_603], %parallel_loop3A_595 {strides = array<i32>} : memref<2x4x8x128xf32, #tpu.memory_space<vmem>>, vector<16xf32>,
        } {sc.loop_unroll_factor = 1 : i64, sc.parallel_access}
        %dma_start3A = arith.constant 0 : i32
        %dma_start3A_127 = arith.constant 0 : i32
        %dma_start3A_128 = arith.constant 0 : i32
        %dma_start3A_129 = tpu.memref_slice %arg12[%and3A_121, %dma_start3A, %dma_start3A_127, %dma_start3A_128] : memref<2x4x8x128xf32, #tpu.memory_space<vmem>> -> memref<1x4x8x128xf32, #tpu.memory_space<vmem>>
        %dma_start3A_130 = tpu.memref_squeeze %dma_start3A_129 : memref<1x4x8x128xf32, #tpu.memory_space<vmem>> -> memref<4x8x128xf32, #tpu.memory_space<vmem>>
        %dma_start3A_131 = arith.constant 4 : i32
        %dma_start3A_132 = arith.constant 0 : i32
        %dma_start3A_133 = arith.constant 0 : i32
        %dma_start3A_134 = tpu.memref_slice %arg6[%add3A_120, %dma_start3A_131, %add3A, %dma_start3A_132, %dma_start3A_133] : memref<200x8x32x8x128xf32, #tpu.memory_space<hbm>> -> memref<1x4x1x8x128xf32, #tpu.memory_space<hbm>>
        %dma_start3A_135 = tpu.memref_squeeze %dma_start3A_134 : memref<1x4x1x8x128xf32, #tpu.memory_space<hbm>> -> memref<4x8x128xf32, #tpu.memory_space<hbm>>
        %dma_start3A_136 = arith.constant 4 : i32
        %dma_start3A_137 = arith.constant 0 : i32
        %dma_start3A_138 = arith.constant 0 : i32
        %dma_start3A_139 = tpu.memref_slice %arg6[%add3A_120, %dma_start3A_136, %add3A, %dma_start3A_137, %dma_start3A_138] : memref<200x8x32x8x128xf32, #tpu.memory_space<hbm>> -> memref<1x4x1x8x128xf32, #tpu.memory_space<hbm>>
        %dma_start3A_140 = tpu.memref_squeeze %dma_start3A_139 : memref<1x4x1x8x128xf32, #tpu.memory_space<hbm>> -> memref<4x8x128xf32, #tpu.memory_space<hbm>>
        %dma_start3A_141 = arith.constant 0 : i32
        %dma_start3A_142 = arith.constant 0 : i32
        %dma_start3A_143 = arith.constant 0 : i32
        %dma_start3A_144 = tpu.memref_slice %arg12[%and3A_121, %dma_start3A_141, %dma_start3A_142, %dma_start3A_143] : memref<2x4x8x128xf32, #tpu.memory_space<vmem>> -> memref<1x4x8x128xf32, #tpu.memory_space<vmem>>
        %dma_start3A_145 = tpu.memref_squeeze %dma_start3A_144 : memref<1x4x8x128xf32, #tpu.memory_space<vmem>> -> memref<4x8x128xf32, #tpu.memory_space<vmem>>
        tpu.enqueue_dma source(%dma_start3A_145 : memref<4x8x128xf32, #tpu.memory_space<vmem>>) target(%dma_start3A_140 : memref<4x8x128xf32, #tpu.memory_space<hbm>>) target_semaphore(%arg13 : memref<!tpu.dma_semaphore, #tpu.memory_space<semaphore_mem>>)
      }
      %scan3A_116 = arith.constant 8 : i32
    }
    %scan3A_65 = arith.constant 25 : i32
    %dma_wait3A_66 = arith.constant 0 : i32
    %dma_wait3A_67 = arith.constant 0 : i32
    %dma_wait3A_68 = arith.constant 0 : i32
    %dma_wait3A_69 = arith.constant 0 : i32
    %dma_wait3A_70 = arith.constant 0 : i32
    %dma_wait3A_71 = tpu.memref_slice %arg12[%dma_wait3A_66, %dma_wait3A_68, %dma_wait3A_69, %dma_wait3A_70] : memref<2x4x8x128xf32, #tpu.memory_space<vmem>> -> memref<1x4x8x128xf32, #tpu.memory_space<vmem>>
    %dma_wait3A_72 = tpu.memref_squeeze %dma_wait3A_71 : memref<1x4x8x128xf32, #tpu.memory_space<vmem>> -> memref<4x8x128xf32, #tpu.memory_space<vmem>>
    %dma_wait3A_73 = arith.constant 0 : i32
    %dma_wait3A_74 = arith.constant 0 : i32
    %dma_wait3A_75 = arith.constant 0 : i32
    %dma_wait3A_76 = tpu.memref_slice %arg6[%dma_wait3A_67, %dma_wait3A_73, %add3A, %dma_wait3A_74, %dma_wait3A_75] : memref<200x8x32x8x128xf32, #tpu.memory_space<hbm>> -> memref<1x4x1x8x128xf32, #tpu.memory_space<hbm>>
    %dma_wait3A_77 = tpu.memref_squeeze %dma_wait3A_76 : memref<1x4x1x8x128xf32, #tpu.memory_space<hbm>> -> memref<4x8x128xf32, #tpu.memory_space<hbm>>
    %dma_wait3A_78 = arith.constant 0 : i32
    %dma_wait3A_79 = arith.constant 0 : i32
    %dma_wait3A_80 = arith.constant 0 : i32
    %dma_wait3A_81 = tpu.memref_slice %arg6[%dma_wait3A_67, %dma_wait3A_78, %add3A, %dma_wait3A_79, %dma_wait3A_80] : memref<200x8x32x8x128xf32, #tpu.memory_space<hbm>> -> memref<1x4x1x8x128xf32, #tpu.memory_space<hbm>>
    %dma_wait3A_82 = tpu.memref_squeeze %dma_wait3A_81 : memref<1x4x1x8x128xf32, #tpu.memory_space<hbm>> -> memref<4x8x128xf32, #tpu.memory_space<hbm>>
    %dma_wait3A_83 = arith.constant 0 : i32
    %dma_wait3A_84 = arith.constant 0 : i32
    %dma_wait3A_85 = arith.constant 0 : i32
    %dma_wait3A_86 = tpu.memref_slice %arg12[%dma_wait3A_66, %dma_wait3A_83, %dma_wait3A_84, %dma_wait3A_85] : memref<2x4x8x128xf32, #tpu.memory_space<vmem>> -> memref<1x4x8x128xf32, #tpu.memory_space<vmem>>
    %dma_wait3A_87 = tpu.memref_squeeze %dma_wait3A_86 : memref<1x4x8x128xf32, #tpu.memory_space<vmem>> -> memref<4x8x128xf32, #tpu.memory_space<vmem>>
    tpu.wait_dma2 semaphore(%arg13 : memref<!tpu.dma_semaphore, #tpu.memory_space<semaphore_mem>>) src(%dma_wait3A_87 : memref<4x8x128xf32, #tpu.memory_space<vmem>>) dst(%dma_wait3A_82 : memref<4x8x128xf32, #tpu.memory_space<hbm>>)
    %dma_wait3A_88 = arith.constant 0 : i32
    %dma_wait3A_89 = arith.constant 0 : i32
    %dma_wait3A_90 = arith.constant 0 : i32
    %dma_wait3A_91 = arith.constant 0 : i32
    %dma_wait3A_92 = arith.constant 0 : i32
    %dma_wait3A_93 = tpu.memref_slice %arg12[%dma_wait3A_88, %dma_wait3A_90, %dma_wait3A_91, %dma_wait3A_92] : memref<2x4x8x128xf32, #tpu.memory_space<vmem>> -> memref<1x4x8x128xf32, #tpu.memory_space<vmem>>
    %dma_wait3A_94 = tpu.memref_squeeze %dma_wait3A_93 : memref<1x4x8x128xf32, #tpu.memory_space<vmem>> -> memref<4x8x128xf32, #tpu.memory_space<vmem>>
    %dma_wait3A_95 = arith.constant 0 : i32
    %dma_wait3A_96 = arith.constant 0 : i32
    %dma_wait3A_97 = arith.constant 0 : i32
    %dma_wait3A_98 = tpu.memref_slice %arg6[%dma_wait3A_89, %dma_wait3A_95, %add3A, %dma_wait3A_96, %dma_wait3A_97] : memref<200x8x32x8x128xf32, #tpu.memory_space<hbm>> -> memref<1x4x1x8x128xf32, #tpu.memory_space<hbm>>
    %dma_wait3A_99 = tpu.memref_squeeze %dma_wait3A_98 : memref<1x4x1x8x128xf32, #tpu.memory_space<hbm>> -> memref<4x8x128xf32, #tpu.memory_space<hbm>>
    %dma_wait3A_100 = arith.constant 0 : i32
    %dma_wait3A_101 = arith.constant 0 : i32
    %dma_wait3A_102 = arith.constant 0 : i32
    %dma_wait3A_103 = tpu.memref_slice %arg6[%dma_wait3A_89, %dma_wait3A_100, %add3A, %dma_wait3A_101, %dma_wait3A_102] : memref<200x8x32x8x128xf32, #tpu.memory_space<hbm>> -> memref<1x4x1x8x128xf32, #tpu.memory_space<hbm>>
    %dma_wait3A_104 = tpu.memref_squeeze %dma_wait3A_103 : memref<1x4x1x8x128xf32, #tpu.memory_space<hbm>> -> memref<4x8x128xf32, #tpu.memory_space<hbm>>
    %dma_wait3A_105 = arith.constant 0 : i32
    %dma_wait3A_106 = arith.constant 0 : i32
    %dma_wait3A_107 = arith.constant 0 : i32
    %dma_wait3A_108 = tpu.memref_slice %arg12[%dma_wait3A_88, %dma_wait3A_105, %dma_wait3A_106, %dma_wait3A_107] : memref<2x4x8x128xf32, #tpu.memory_space<vmem>> -> memref<1x4x8x128xf32, #tpu.memory_space<vmem>>
    %dma_wait3A_109 = tpu.memref_squeeze %dma_wait3A_108 : memref<1x4x8x128xf32, #tpu.memory_space<vmem>> -> memref<4x8x128xf32, #tpu.memory_space<vmem>>
    tpu.wait_dma2 semaphore(%arg13 : memref<!tpu.dma_semaphore, #tpu.memory_space<semaphore_mem>>) src(%dma_wait3A_109 : memref<4x8x128xf32, #tpu.memory_space<vmem>>) dst(%dma_wait3A_104 : memref<4x8x128xf32, #tpu.memory_space<hbm>>)
    return
  }
}

</mosaic_0001>

<sc_bundles>
// kernel: kernel.3.cloned.1.call-start
scs
__scs_entry_jumppad:
0x0: {  	(pc) =	sbr.rel $0x88, $3  }
0x1: {  	(tag) =	ssettag $0x0;
	lr =	simm.s32 $0x1  }
0x2: {  	[smem:$0x3F9D] =	sst lr;
	_ =	strace $0xD0000000  }
0x3: {  	_ = 	snop  }
0x4: {  	_ = 	snop  }
0x5: {  	_ = 	snop  }
0x6: {  	_ = 	snop  }
0x7: {  	_ = 	snop  }
__scs_overlays_trampoline_lowered:
0x8: {  	[smem:$0x3FAC] =	sst s0  }
0x9: {  	[smem:$0x3FAD] =	sst s1  }
0xa: {  	[smem:$0x3FAE] =	sst s2  }
0xb: {  	[smem:$0x3FAF] =	sst s3  }
0xc: {  	[smem:$0x3FB0] =	sst s4  }
0xd: {  	[smem:$0x3FB1] =	sst s5  }
0xe: {  	[smem:$0x3FB2] =	sst s6  }
0xf: {  	[smem:$0x3FB3] =	sst s7  }
0x10: {  	[smem:$0x3FB4] =	sst s8  }
0x11: {  	[smem:$0x3FB5] =	sst s9;
	s0 =	simm.s32 @!p0 $0x0  }
0x12: {  	s1 =	sld [smem:$0x3F9B];
	s0 =	simm.s32 @p0 $0x1  }
0x13: {  	[smem:$0x3FB6] =	sst s0;
	s0 =	simm.s32 @!p1 $0x0  }
0x14: {  	s2 =	sld [smem:$0x3F9A];
	s0 =	simm.s32 @p1 $0x1  }
0x15: {  	[smem:$0x3FB7] =	sst s0;
	s0 =	simm.s32 @!p2 $0x0  }
0x16: {  	s3 =	sld [smem:$0x3FDB];
	s0 =	simm.s32 @p2 $0x1  }
0x17: {  	s4 =	simm.s32 $0x1BF5;
	[smem:$0x3FB9] =	sst s0  }
0x18: {  	s0 =	sld [smem:$0x3F9C];
	_ =	swait.ge [sflag:s4], $0x0  }
0x19: {  	s7 =	sld [smem:$0x3F9D]  }
0x1a: {  	s8 =	sadd.s32 $0xFFFFE003, lr  }
0x1b: {  	s9 =	sadd.s32 $0xFFFFFEF7, lr;
	s5 =	simm.s32 $0xFFFFFFFF;
	p2 =	slt.u32 s8, $0xFFFFF086  }
0x1c: {  	p1 =	slt.u32 s9, $0xF7A;
	s5 =	simm.s32 @!p2 $0x0  }
0x1d: {  	s5 =	simm.s32 @p1 $0x1;
	p0 =	seq.s32 s7, s2  }
0x1e: {  	s7 =	smul.u32 @!p0 $0xF7A, s2;
	p2 =	seq.s32 @!p0 s5, $0x0  }
0x1f: {  	s9 =	smul.u32 $0xF7A, s1;
	s8 =	simm.s32 @!p0 $0x1BF5;
	p2 =	por !p2, p0  }
0x20: {  	[sflag:s8] =	ssyncset.s32 @!p0 $0xFFFFF086;
	s6 =	sadd.s32 @!p0 s3, s7;
	s7 =	simm.s32 @!p0 $0x108  }
0x21: {  	s3 =	sadd.s32 s3, s9;
	s6 =	sadd.s32 @!p0 $0x88, s6;
	s7 =	simm.s32 @p2 $0x1082  }
0x22: {  	[simem:s7], [sflag:s8] =	dma.local @!p0 [hbm:s6], $0xF7A  }
0x23: {  	s9 =	sor.u32 $0xD0000000, s2;
	s6 =	simm.s32 $0x108;
	_ =	swait.ge @!p0 [sflag:s8], $0x0  }
0x24: {  	s3 =	sadd.s32 $0x88, s3;
	s6 =	simm.s32 @!p1 $0x1082;
	[sflag:s4] =	ssyncset.s32 $0xFFFFF086  }
0x25: {  	[simem:s6], [sflag:s4] =	dma.local [hbm:s3], $0xF7A  }
0x26: {  	[smem:$0x3F9D] =	sst s1;
	(tag) =	ssettag s2;
	_ =	strace s9  }
0x27: {  	s1 =	sld [smem:$0x3FAD]  }
0x28: {  	s2 =	sld [smem:$0x3FAE]  }
0x29: {  	s4 =	sld [smem:$0x3FB0]  }
0x2a: {  	p0 =	seq.s32 s5, $0x0;
	s5 =	sld [smem:$0x3FB1]  }
0x2b: {  	s6 =	sld [smem:$0x3FB2]  }
0x2c: {  	s7 =	sld [smem:$0x3FB3]  }
0x2d: {  	s3 =	simm.s32 $0x108;
	s8 =	sld [smem:$0x3FB4]  }
0x2e: {  	s3 =	simm.s32 @!p0 $0x1082;
	s9 =	sld [smem:$0x3FB5]  }
0x2f: {  	lr =	sadd.s32 s0, s3;
	s0 =	sld [smem:$0x3FAC]  }
0x30: {  	s3 =	sld [smem:$0x3FAF]  }
0x31: {  	[smem:$0x3FB8] =	sst s10  }
0x32: {  	s10 =	sld [smem:$0x3FB6];
	_ =	sdelay $0x3  }
0x33: {  	p0 =	seq.s32 s10, $0x1;
	s10 =	sld [smem:$0x3FB8];
	_ =	sdelay $0x3  }
0x34: {  	[smem:$0x3FB8] =	sst s10  }
0x35: {  	s10 =	sld [smem:$0x3FB7];
	_ =	sdelay $0x3  }
0x36: {  	p1 =	seq.s32 s10, $0x1;
	s10 =	sld [smem:$0x3FB8];
	_ =	sdelay $0x3  }
0x37: {  	[smem:$0x3FB8] =	sst s10  }
0x38: {  	s10 =	sld [smem:$0x3FB9]  }
0x39: {  	_ = 	snop;
	(pc) =	sbr.ind lr, $3  }
0x3a: {  	_ = 	snop  }
0x3b: {  	_ = 	snop  }
0x3c: {  	p2 =	seq.s32 s10, $0x1;
	s10 =	sld [smem:$0x3FB8]  }
0x3d: {  	_ =	shalt  }
0x3e: {  	_ =	shalt  }
0x3f: {  	_ =	shalt  }
0x40: {  	_ =	shalt  }
0x41: {  	_ =	shalt  }
0x42: {  	_ =	shalt  }
0x43: {  	_ =	shalt  }
0x44: {  	_ =	shalt  }
0x45: {  	_ =	shalt  }
0x46: {  	_ =	shalt  }
0x47: {  	_ =	shalt  }
0x48: {  	_ =	shalt  }
0x49: {  	_ =	shalt  }
0x4a: {  	_ =	shalt  }
0x4b: {  	_ =	shalt  }
0x4c: {  	_ =	shalt  }
0x4d: {  	_ =	shalt  }
0x4e: {  	_ =	shalt  }
0x4f: {  	_ =	shalt  }
0x50: {  	_ =	shalt  }
0x51: {  	_ =	shalt  }
0x52: {  	_ =	shalt  }
0x53: {  	_ =	shalt  }
0x54: {  	_ =	shalt  }
0x55: {  	_ =	shalt  }
0x56: {  	_ =	shalt  }
0x57: {  	_ =	shalt  }
0x58: {  	_ =	shalt  }
0x59: {  	_ =	shalt  }
0x5a: {  	_ =	shalt  }
0x5b: {  	_ =	shalt  }
0x5c: {  	_ =	shalt  }
0x5d: {  	_ =	shalt  }
0x5e: {  	_ =	shalt  }
0x5f: {  	_ =	shalt  }
0x60: {  	_ =	shalt  }
0x61: {  	_ =	shalt  }
0x62: {  	_ =	shalt  }
0x63: {  	_ =	shalt  }
0x64: {  	_ =	shalt  }
0x65: {  	_ =	shalt  }
0x66: {  	_ =	shalt  }
0x67: {  	_ =	shalt  }
0x68: {  	_ =	shalt  }
0x69: {  	_ =	shalt  }
0x6a: {  	_ =	shalt  }
0x6b: {  	_ =	shalt  }
0x6c: {  	_ =	shalt  }
0x6d: {  	_ =	shalt  }
0x6e: {  	_ =	shalt  }
0x6f: {  	_ =	shalt  }
0x70: {  	_ =	shalt  }
0x71: {  	_ =	shalt  }
0x72: {  	_ =	shalt  }
0x73: {  	_ =	shalt  }
0x74: {  	_ =	shalt  }
0x75: {  	_ =	shalt  }
0x76: {  	_ =	shalt  }
0x77: {  	_ =	shalt  }
0x78: {  	_ =	shalt  }
0x79: {  	_ =	shalt  }
0x7a: {  	_ =	shalt  }
0x7b: {  	_ =	shalt  }
0x7c: {  	_ =	shalt  }
0x7d: {  	_ =	shalt  }
0x7e: {  	_ =	shalt  }
0x7f: {  	_ =	shalt  }
0x80: {  	_ =	shalt  }
0x81: {  	_ =	shalt  }
0x82: {  	_ =	shalt  }
0x83: {  	_ =	shalt  }
0x84: {  	_ =	shalt  }
0x85: {  	_ =	shalt  }
0x86: {  	_ =	shalt  }
0x87: {  	_ =	shalt  }
.Lfunc_end0:
.L_simem_size_0:
called_computation_lowered:
.L_overlay_start_0:
0x88: {  	s2 =	sld [smem:$0x3FD9]  }
0x89: {  	s3 =	sld [smem:$0x3FFE];
	_ =	sdelay $0x1  }
0x8a: {  	s1 =	srdreg.scid  }
0x8b: {  	s0 =	sand.u32 $0x1, s1  }
0x8c: {  	s17 =	sshll.u32 s0, $0xA;
	s2 =	sadd.s32 s3, s2  }
0x8d: {  	s2 =	sadd.s32 s2, s17  }
0x8e: {  	[smem:$0x3FC4] =	sst s2  }
0x8f: {  	_ = 	snop  }
0x90: {  	s2 =	sld [smem:$0x3FC9]  }
0x91: {  	s18 =	sld [smem:$0x3FC8]  }
0x92: {  	s4 =	sld [smem:$0x3FD0];
	(tm) =	ssettm $0x1  }
0x93: {  	s5 =	sld [smem:$0x3FFB];
	_ =	sdelay $0x3  }
0x94: {  	_ =	strace s5  }
0x95: {  	s5 =	sld [smem:$0x3FFC];
	_ =	sdelay $0x3  }
0x96: {  	_ =	strace s5  }
0x97: {  	s5 =	sld [smem:$0x3FFD];
	_ =	sdelay $0x3  }
0x98: {  	_ =	strace s5  }
0x99: {  	_ =	strace $0x8FFFFFFF  }
0x9a: {  	s19 =	sld [smem:$0x3FDB];
	_ =	sdelay $0x1  }
0x9b: {  	s6 =	simm.s32 $_scs_section_size  }
0x9c: {  	s7 =	simm.s32 $_size__tile_overlayer_lowered;
	s8 =	simm.s32 $_tile_overlayer_lowered  }
0x9d: {  	s22 =	simm.s32 $0x1BFF;
	s21 =	sshll.u32 s8, $0x1;
	s5 =	sadd.s32 s6, s19  }
0x9e: {  	s9 =	simm.s32 $0x0;
	s20 =	sshll.u32 s7, $0x1;
	s7 =	sadd.s32 s21, s5  }
0x9f: {  	[timem:s9], [sflag:s22] =	dma.local [hbm:s7], s20  }
0xa0: {  	_ =	swait.ge [sflag:s22], s20  }
0xa1: {  	s6 =	ssub.s32 $0x0, s20;
	[sflag:s22] =	ssyncset.done $0x0  }
0xa2: {  	[sflag:s22] =	ssyncadd.s32 s6;
	_ =	sdelay $0x1  }
0xa3: {  	s23 =	simm.s32 $0x1B8B  }
0xa4: {  	_ =	swait.ge [sflag:s23], $0x1  }
0xa5: {  	[sflag:s23] =	ssyncset.done $0x0  }
0xa6: {  	s25 =	simm.s32 $0x1B8E;
	s24 =	sld [smem:$0x3FFE];
	[sflag:s23] =	ssyncadd.s32 $0xFFFFFFFF  }
0xa7: {  	s26 =	simm.s32 $execute0_lowered;
	[smem:$0x3FD2] =	sst s25  }
0xa8: {  	s7 =	sshll.u32 s26, $0x1;
	_ =	strace $0x80000046;
	[dreg:$0x1] =	wrdreg $0xFFFFFFFF  }
0xa9: {  	s28 =	simm.s32 $_size_execute0_lowered;
	s5 =	sadd.s32 s5, s7;
	[dreg:$0x0] =	wrdreg $0x0  }
0xaa: {  	s7 =	sshll.u32 s28, $0x1;
	[dreg:$0x2] =	wrdreg s5  }
0xab: {  	[dreg:$0x3] =	wrdreg s7  }
0xac: {  	[dreg:$0x4] =	wrdreg $0xC0  }
0xad: {  	_ =	task [dreg:s9], $0x5FFFF  }
0xae: {  	[dreg:$0x1] =	wrdreg $0xFFFFFFFF  }
0xaf: {  	[dreg:$0x0] =	wrdreg $0x60  }
0xb0: {  	[dreg:$0x2] =	wrdreg s2  }
0xb1: {  	[dreg:$0x3] =	wrdreg s18  }
0xb2: {  	[dreg:$0x4] =	wrdreg s24  }
0xb3: {  	[dreg:$0x5] =	wrdreg s4  }
0xb4: {  	[dreg:$0x6] =	wrdreg $0x9  }
0xb5: {  	_ =	task.clear_ibuf [dreg:s9], $0x7FFFF;
	_ =	strace $0x90000046  }
0xb6: {  	s29 =	simm.s32 $0x9;
	_ =	strace $0x80000048  }
0xb7: {  	_ =	swait.ge [sflag:s29], $0x1  }
0xb8: {  	[sflag:s29] =	ssyncadd.s32 $0xFFFFFFFF  }
0xb9: {  	_ =	strace $0x90000048  }
0xba: {  	_ =	sfence  }
0xbb: {  	s30 =	sld [smem:$0x0];
	_ =	sdelay $0x2  }
0xbc: {  	s31 =	sshll.u32 s1, $0xD;
	s1 =	sshrl.u32 s1, $0x2  }
0xbd: {  	s3 =	sand.u32 $0x4000, s31;
	s1 =	sadd.s32 s1, s30  }
0xbe: {  	s0 =	sor.u32 s3, s0;
	s1 =	sshll.u32 s1, $0x11  }
0xbf: {  	s0 =	sor.u32 s1, s0  }
0xc0: {  	s0 =	sadd.s32 $0x8F2B, s0  }
0xc1: {  	[sflag:s0] =	ssyncadd.remote.s32 $0x1  }
0xc2: {  	_ =	sfence.sel $0xFFFF  }
0xc3: {  	[dreg:$0x0] =	wrdreg $0xFFFFFFFF;
	(pc) =	sbr.abs _section_cstart, $3  }
0xc4: {  	[dreg:$0x1] =	wrdreg $0xFFFFFFFF  }
0xc5: {  	_ =	task.clear_ibuf [dreg:s9], $0x2FFFF;
	_ =	strace $0x9FFFFFFF  }
0xc6: {  	(tm) =	ssettm $0x7FFFFFFF  }
0xc7: {  	_ =	shalt  }
tec
execute0_lowered:
.L_overlay_start_1:
0x0: {  	(tag) =	ssettag $0x1  }
0x1: {  	s1 =	rddreg [dreg:$0x0]  }
0x2: {  	s2 =	rddreg [dreg:$0x1]  }
0x3: {  	s0 =	rddreg [dreg:$0x2]  }
0x4: {  	s3 =	rddreg [dreg:$0x3];
	s4 =	simm.s32 $0x0;
	s29 =	srdreg.scid  }
0x5: {  	s7 =	stileid.u32;
	s13 =	simm.s32 $0x20;
	s14 =	simm.s32 $0x40  }
0x6: {  	s15 =	simm.s32 $0x2;
	s16 =	simm.s32 $0x7D00;
	s17 =	simm.s32 $0xFA00  }
0x7: {  	s18 =	simm.s32 $0x1;
	s19 =	simm.s32 $0x400;
	s20 =	simm.s32 $0x8000  }
0x8: {  	s21 =	simm.s32 $0x0;
	[smem:$0x7FF] =	sst s4;
	s5 =	sadd.s32 $0x400, s0  }
0x9: {  	s4 =	sand.u32 $0x1, s29;
	s30 =	sadd.s32 $0x2400, s0;
	s8 =	sshll.u32 s7, $0xB  }
0xa: {  	v0 =	vlaneseq.u32;
	s9 =	sadd.s32 $0x404, s0;
	s10 =	sadd.s32 $0x2404, s0;
	s31 =	ssub.s32 $0x2, s4  }
0xb: {  	s11 =	sadd.s32 $0x4000, s3;
	v0 =	vmul.u32 $0x3E8, v0;
	_ =	strace $0x80000047;
	s6 =	sshrl.u32 s31, $0x1  }
0xc: {  	[dreg:$0x5] =	wrdreg s5;
	s4 =	sshll.u32 s4, $0xA;
	s5 =	ssub.s32 s31, s6  }
0xd: {  	[dreg:$0x6] =	wrdreg s30;
	s8 =	sor.u32 s4, s8;
	v1 =	vadd.s32 $0x3E80, v0;
	s12 =	smax.u32 s5, $0x1  }
.LBB2_1:
0xe: {  	s0 =	simm.s32 $0x0;
	s4 =	rddreg [dreg:$0x5]  }
0xf: {  	[tilespmem:s0], [sflag:$0x2] =	stream.strided.gather [hbm4b:s4+s13], $0x7D00, s14, s13, $0x38;
	[tilespmem:$0x19F00] =	vst v63  }
0x10: {  	_ =	swait.ge [sflag:s15], $0x7D00  }
0x11: {  	v2 =	vmov s0;
	[sflag:s15] =	ssyncset.done $0x0  }
0x12: {  	s5 =	simm.s32 $0x10;
	v5 =	vand.u32 $0x3FF, v2;
	[sflag:s15] =	ssyncadd.s32 $0xFFFF8300  }
0x13: {  	v4 =	vadd.s32 v0, v5;
	v3 =	vld [tilespmem:s5+$0xFFFFFFF0];
	_ =	sdelay $0x2  }
0x14: {  	s31 =	simm.s32 $0x1  }
0x15: {  	s0 =	simm.s32 $0x30;
	v2 =	vmov s31  }
0x16: {  	v2 =	vand.u32 $0x3FF, v2;
	[tilespmem:v4+s16+$0x0] =	vst.idx.msk $0xffff, v3;
	v4 =	vld [tilespmem:s0+$0xFFFFFFF0]  }
0x17: {  	s4 =	simm.s32 $0x2;
	v5 =	vadd.s32 v1, v5;
	v6 =	vadd.s32 v0, v2;
	v3 =	vld [tilespmem:s5+$0x0];
	s5 =	simm.s32 $0x30  }
.LBB2_2:
0x18: {  	_ = 	snop  }
0x19: {  	p0 =	sne.s32 s4, $0x3E7  }
.Ltmp0:
0x1a: {  	_ = 	snop;
	(pc) =	sbr.rel @p0 .LBB2_2-.Ltmp0, $4  }
0x1b: {  	_ = 	snop  }
0x1c: {  	v7 =	vmov s4;
	s0 =	sadd.s32 $0x20, s0;
	[tilespmem:v6+s16+$0x0] =	vst.idx.msk $0xffff, v4  }
0x1d: {  	v7 =	vand.u32 $0x3FF, v7;
	v4 =	vld [tilespmem:s0+$0xFFFFFFF0];
	[tilespmem:v5+s16+$0x0] =	vst.idx.msk $0xffff, v3  }
0x1e: {  	s4 =	sadd.s32 $0x1, s4;
	v6 =	vadd.s32 v0, v7;
	v5 =	vadd.s32 v1, v2;
	v2 =	vmov v7;
	v3 =	vld [tilespmem:s5+$0x0];
	s5 =	smov.u32 s0  }
0x1f: {  	_ =	sdelay $0x3  }
0x20: {  	[tilespmem:v6+s16+$0x0] =	vst.idx.msk $0xffff, v4  }
0x21: {  	v2 =	vadd.s32 v1, v2;
	v4 =	vld [tilespmem:s5+$0x0];
	_ =	sdelay $0x3  }
0x22: {  	[tilespmem:v5+s16+$0x0] =	vst.idx.msk $0xffff, v3  }
0x23: {  	[tilespmem:v2+s16+$0x0] =	vst.idx.msk $0xffff, v4  }
0x24: {  	s22 =	simm.s32 $0x0;
	s0 =	rddreg [dreg:$0x6]  }
0x25: {  	[tilespmem:s22], [sflag:$0x2] =	stream.strided.gather [hbm4b:s0+s13], $0x7D00, s14, s13, $0x38;
	[tilespmem:$0x19F00] =	vst v63  }
0x26: {  	_ =	swait.ge [sflag:s15], $0x7D00  }
0x27: {  	v2 =	vmov s22;
	[sflag:s15] =	ssyncset.done $0x0  }
0x28: {  	s30 =	simm.s32 $0x10;
	v5 =	vand.u32 $0x3FF, v2;
	[sflag:s15] =	ssyncadd.s32 $0xFFFF8300  }
0x29: {  	v4 =	vadd.s32 v0, v5;
	v3 =	vld [tilespmem:s30+$0xFFFFFFF0];
	_ =	sdelay $0x2  }
0x2a: {  	s31 =	simm.s32 $0x1  }
0x2b: {  	v2 =	vmov s31;
	s0 =	simm.s32 $0x30  }
0x2c: {  	v2 =	vand.u32 $0x3FF, v2;
	[tilespmem:v4+s17+$0x0] =	vst.idx.msk $0xffff, v3;
	v4 =	vld [tilespmem:s0+$0xFFFFFFF0]  }
0x2d: {  	s4 =	simm.s32 $0x2;
	s5 =	simm.s32 $0x30;
	v5 =	vadd.s32 v1, v5;
	v6 =	vadd.s32 v0, v2;
	v3 =	vld [tilespmem:s30+$0x0]  }
.LBB2_4:
0x2e: {  	_ = 	snop  }
0x2f: {  	p0 =	sne.s32 s4, $0x3E7  }
.Ltmp1:
0x30: {  	_ = 	snop;
	(pc) =	sbr.rel @p0 .LBB2_4-.Ltmp1, $4  }
0x31: {  	_ = 	snop  }
0x32: {  	v7 =	vmov s4;
	s0 =	sadd.s32 $0x20, s0;
	[tilespmem:v6+s17+$0x0] =	vst.idx.msk $0xffff, v4  }
0x33: {  	v7 =	vand.u32 $0x3FF, v7;
	v4 =	vld [tilespmem:s0+$0xFFFFFFF0];
	[tilespmem:v5+s17+$0x0] =	vst.idx.msk $0xffff, v3  }
0x34: {  	s4 =	sadd.s32 $0x1, s4;
	v6 =	vadd.s32 v0, v7;
	v5 =	vadd.s32 v1, v2;
	v2 =	vmov v7;
	v3 =	vld [tilespmem:s5+$0x0];
	s5 =	smov.u32 s0  }
0x35: {  	_ =	sdelay $0x3  }
0x36: {  	[tilespmem:v6+s17+$0x0] =	vst.idx.msk $0xffff, v4  }
0x37: {  	v2 =	vadd.s32 v1, v2;
	v4 =	vld [tilespmem:s5+$0x0];
	_ =	sdelay $0x3  }
0x38: {  	[tilespmem:v5+s17+$0x0] =	vst.idx.msk $0xffff, v3  }
0x39: {  	[tilespmem:v2+s17+$0x0] =	vst.idx.msk $0xffff, v4  }
.LBB2_6:
0x3a: {  	s0 =	sshll.u32 s22, $0xF  }
0x3b: {  	s0 =	sor.u32 s8, s0  }
0x3c: {  	s0 =	sshrl.u32 s0, $0x3  }
0x3d: {  	s23 =	simm.s32 $0x0;
	s24 =	simm.s32 $0x17700;
	s4 =	sadd.s32 s1, s0  }
0x3e: {  	[tilespmem:s24], [sflag:$0x2] =	stream.linear.gather [hbm4b:s4+s23], $0x400, $0x38;
	[tilespmem:$0x19F00] =	vst v63  }
0x3f: {  	_ =	swait.ge [sflag:s15], $0x400  }
0x40: {  	[sflag:s15] =	ssyncset.done $0x0  }
0x41: {  	s25 =	simm.s32 $0x17B00;
	s0 =	sadd.s32 s2, s0;
	[sflag:s15] =	ssyncadd.s32 $0xFFFFFC00  }
0x42: {  	[tilespmem:s25], [sflag:$0x2] =	stream.linear.gather [hbm4b:s0+s23], $0x400, $0x38;
	[tilespmem:$0x19F00] =	vst v63  }
0x43: {  	_ =	swait.ge [sflag:s15], $0x400  }
0x44: {  	[sflag:s15] =	ssyncset.done $0x0  }
0x45: {  	s26 =	sshll.u32 s22, $0x3;
	p0 =	por $0x0, $0x0;
	[sflag:s15] =	ssyncadd.s32 $0xFFFFFC00  }
.LBB2_7:
0x46: {  	s28 =	sadd.s32 s26, s23  }
0x47: {  	v13 =	vmov s24;
	p1 =	slt.u32 s28, $0x2  }
0x48: {  	v14 =	vmov s25;
	s0 =	simm.s32 @!p1 $0x1  }
0x49: {  	_ =	swait.ge @!p1 [sflag:s0], $0x1000  }
0x4a: {  	[sflag:s0] =	ssyncset.done @!p1 $0x0  }
0x4b: {  	s29 =	simm.s32 $0x0;
	[sflag:s0] =	ssyncadd.s32 @!p1 $0xFFFFF000  }
0x4c: {  	v4 =	vld.idx.msk [tilespmem:v13+s29+$0x0 ss:$0x1], $0xffff  }
0x4d: {  	v3 =	vld.idx.msk [tilespmem:v14+s29+$0x0 ss:$0x1], $0xffff;
	_ =	sdelay $0x5  }
0x4e: {  	s0 =	simm.s32 $0x1  }
0x4f: {  	s0 =	simm.s32 @!p0 $0x0;
	v5 =	vld.idx.msk [tilespmem:v4+s16+$0x0], $0xffff  }
0x50: {  	s0 =	sshll.u32 s0, $0xC;
	v6 =	vld.idx.msk [tilespmem:v3+s17+$0x0], $0xffff  }
0x51: {  	s0 =	sor.u32 $0x18700, s0  }
0x52: {  	v2 =	vmov s0  }
0x53: {  	v7 =	vadd.s32 $0x3E8, v4  }
0x54: {  	v8 =	vadd.s32 $0x3E8, v3  }
0x55: {  	v5 =	vadd.f32 v6, v5;
	_ =	sdelay $0x1  }
0x56: {  	[tilespmem:v2+s29+$0xFFFFF800 ss:$0x1] =	vst.idx.msk $0xffff, v5  }
0x57: {  	v5 =	vld.idx.msk [tilespmem:v7+s16+$0x0], $0xffff  }
0x58: {  	v6 =	vld.idx.msk [tilespmem:v8+s17+$0x0], $0xffff;
	_ =	sdelay $0x2  }
0x59: {  	v7 =	vadd.s32 $0x7D0, v4  }
0x5a: {  	v8 =	vadd.s32 $0x7D0, v3  }
0x5b: {  	v5 =	vadd.f32 v6, v5;
	_ =	sdelay $0x1  }
0x5c: {  	[tilespmem:v2+s29+$0xFFFFF880 ss:$0x1] =	vst.idx.msk $0xffff, v5  }
0x5d: {  	v5 =	vld.idx.msk [tilespmem:v7+s16+$0x0], $0xffff  }
0x5e: {  	v6 =	vld.idx.msk [tilespmem:v8+s17+$0x0], $0xffff;
	_ =	sdelay $0x2  }
0x5f: {  	v7 =	vadd.s32 $0xBB8, v4  }
0x60: {  	v8 =	vadd.s32 $0xBB8, v3  }
0x61: {  	v5 =	vadd.f32 v6, v5;
	_ =	sdelay $0x1  }
0x62: {  	[tilespmem:v2+s29+$0xFFFFF900 ss:$0x1] =	vst.idx.msk $0xffff, v5  }
0x63: {  	v5 =	vld.idx.msk [tilespmem:v7+s16+$0x0], $0xffff  }
0x64: {  	v6 =	vld.idx.msk [tilespmem:v8+s17+$0x0], $0xffff;
	_ =	sdelay $0x2  }
0x65: {  	v7 =	vadd.s32 $0xFA0, v4  }
0x66: {  	v8 =	vadd.s32 $0xFA0, v3  }
0x67: {  	v5 =	vadd.f32 v6, v5;
	_ =	sdelay $0x1  }
0x68: {  	[tilespmem:v2+s29+$0xFFFFF980 ss:$0x1] =	vst.idx.msk $0xffff, v5  }
0x69: {  	v5 =	vld.idx.msk [tilespmem:v7+s16+$0x0], $0xffff  }
0x6a: {  	v6 =	vld.idx.msk [tilespmem:v8+s17+$0x0], $0xffff;
	_ =	sdelay $0x2  }
0x6b: {  	v7 =	vadd.s32 $0x1388, v4  }
0x6c: {  	v8 =	vadd.s32 $0x1388, v3  }
0x6d: {  	v5 =	vadd.f32 v6, v5;
	_ =	sdelay $0x1  }
0x6e: {  	[tilespmem:v2+s29+$0xFFFFFA00 ss:$0x1] =	vst.idx.msk $0xffff, v5  }
0x6f: {  	v6 =	vld.idx.msk [tilespmem:v7+s16+$0x0], $0xffff  }
0x70: {  	v7 =	vld.idx.msk [tilespmem:v8+s17+$0x0], $0xffff;
	_ =	sdelay $0x2  }
0x71: {  	v8 =	vadd.s32 $0x1770, v4  }
0x72: {  	s30 =	simm.s32 $0x10;
	v9 =	vadd.s32 $0x1770, v3  }
0x73: {  	v5 =	vld.idx.msk [tilespmem:v13+s30+$0x0 ss:$0x1], $0xffff;
	v7 =	vadd.f32 v7, v6  }
0x74: {  	v6 =	vld.idx.msk [tilespmem:v14+s30+$0x0 ss:$0x1], $0xffff  }
0x75: {  	[tilespmem:v2+s29+$0xFFFFFA80 ss:$0x1] =	vst.idx.msk $0xffff, v7  }
0x76: {  	v7 =	vld.idx.msk [tilespmem:v8+s16+$0x0], $0xffff  }
0x77: {  	v8 =	vld.idx.msk [tilespmem:v9+s17+$0x0], $0xffff;
	_ =	sdelay $0x2  }
0x78: {  	v9 =	vadd.s32 $0x1B58, v4  }
0x79: {  	v11 =	vadd.s32 $0x1B58, v3;
	v10 =	vld.idx.msk [tilespmem:v5+s16+$0x0], $0xffff  }
0x7a: {  	v12 =	vld.idx.msk [tilespmem:v6+s17+$0x0], $0xffff;
	v7 =	vadd.f32 v8, v7;
	_ =	sdelay $0x1  }
0x7b: {  	[tilespmem:v2+s29+$0xFFFFFB00 ss:$0x1] =	vst.idx.msk $0xffff, v7  }
0x7c: {  	v8 =	vadd.s32 $0x3E8, v5;
	v7 =	vld.idx.msk [tilespmem:v9+s16+$0x0], $0xffff  }
0x7d: {  	v9 =	vld.idx.msk [tilespmem:v11+s17+$0x0], $0xffff;
	v11 =	vadd.s32 $0x3E8, v6  }
0x7e: {  	v10 =	vadd.f32 v12, v10;
	_ =	sdelay $0x1  }
0x7f: {  	[tilespmem:v2+s30+$0xFFFFF800 ss:$0x1] =	vst.idx.msk $0xffff, v10;
	v10 =	vadd.s32 $0x1F40, v4  }
0x80: {  	v12 =	vadd.s32 $0x1F40, v3;
	v8 =	vld.idx.msk [tilespmem:v8+s16+$0x0], $0xffff  }
0x81: {  	v11 =	vld.idx.msk [tilespmem:v11+s17+$0x0], $0xffff;
	v7 =	vadd.f32 v9, v7;
	_ =	sdelay $0x1  }
0x82: {  	[tilespmem:v2+s29+$0xFFFFFB80 ss:$0x1] =	vst.idx.msk $0xffff, v7  }
0x83: {  	v9 =	vadd.s32 $0x7D0, v5;
	v7 =	vld.idx.msk [tilespmem:v10+s16+$0x0], $0xffff  }
0x84: {  	v10 =	vld.idx.msk [tilespmem:v12+s17+$0x0], $0xffff;
	v12 =	vadd.s32 $0x7D0, v6  }
0x85: {  	v8 =	vadd.f32 v11, v8;
	_ =	sdelay $0x1  }
0x86: {  	[tilespmem:v2+s30+$0xFFFFF880 ss:$0x1] =	vst.idx.msk $0xffff, v8;
	v8 =	vadd.s32 $0x2328, v4  }
0x87: {  	v11 =	vadd.s32 $0x2328, v3;
	v9 =	vld.idx.msk [tilespmem:v9+s16+$0x0], $0xffff  }
0x88: {  	v12 =	vld.idx.msk [tilespmem:v12+s17+$0x0], $0xffff;
	v7 =	vadd.f32 v10, v7;
	_ =	sdelay $0x1  }
0x89: {  	[tilespmem:v2+s29+$0xFFFFFC00 ss:$0x1] =	vst.idx.msk $0xffff, v7  }
0x8a: {  	v7 =	vld.idx.msk [tilespmem:v8+s16+$0x0], $0xffff;
	v8 =	vadd.s32 $0xBB8, v5  }
0x8b: {  	v10 =	vld.idx.msk [tilespmem:v11+s17+$0x0], $0xffff;
	v11 =	vadd.s32 $0xBB8, v6  }
0x8c: {  	v9 =	vadd.f32 v12, v9;
	_ =	sdelay $0x1  }
0x8d: {  	v12 =	vadd.s32 $0x2710, v3;
	[tilespmem:v2+s30+$0xFFFFF900 ss:$0x1] =	vst.idx.msk $0xffff, v9  }
0x8e: {  	v9 =	vadd.s32 $0x2710, v4;
	v8 =	vld.idx.msk [tilespmem:v8+s16+$0x0], $0xffff  }
0x8f: {  	v11 =	vld.idx.msk [tilespmem:v11+s17+$0x0], $0xffff;
	v7 =	vadd.f32 v10, v7;
	_ =	sdelay $0x1  }
0x90: {  	[tilespmem:v2+s29+$0xFFFFFC80 ss:$0x1] =	vst.idx.msk $0xffff, v7  }
0x91: {  	v10 =	vld.idx.msk [tilespmem:v12+s17+$0x0], $0xffff;
	v12 =	vadd.s32 $0xFA0, v6  }
0x92: {  	v7 =	vld.idx.msk [tilespmem:v9+s16+$0x0], $0xffff;
	v9 =	vadd.s32 $0xFA0, v5  }
0x93: {  	v8 =	vadd.f32 v11, v8;
	_ =	sdelay $0x1  }
0x94: {  	[tilespmem:v2+s30+$0xFFFFF980 ss:$0x1] =	vst.idx.msk $0xffff, v8;
	v8 =	vadd.s32 $0x2AF8, v4  }
0x95: {  	v11 =	vadd.s32 $0x2AF8, v3;
	v12 =	vld.idx.msk [tilespmem:v12+s17+$0x0], $0xffff  }
0x96: {  	v9 =	vld.idx.msk [tilespmem:v9+s16+$0x0], $0xffff;
	v7 =	vadd.f32 v10, v7;
	_ =	sdelay $0x1  }
0x97: {  	[tilespmem:v2+s29+$0xFFFFFD00 ss:$0x1] =	vst.idx.msk $0xffff, v7  }
0x98: {  	v7 =	vld.idx.msk [tilespmem:v8+s16+$0x0], $0xffff;
	v8 =	vadd.s32 $0x1388, v5  }
0x99: {  	v10 =	vld.idx.msk [tilespmem:v11+s17+$0x0], $0xffff;
	v11 =	vadd.s32 $0x1388, v6  }
0x9a: {  	v9 =	vadd.f32 v12, v9;
	_ =	sdelay $0x1  }
0x9b: {  	v12 =	vadd.s32 $0x2EE0, v3;
	[tilespmem:v2+s30+$0xFFFFFA00 ss:$0x1] =	vst.idx.msk $0xffff, v9  }
0x9c: {  	v9 =	vadd.s32 $0x2EE0, v4;
	v8 =	vld.idx.msk [tilespmem:v8+s16+$0x0], $0xffff  }
0x9d: {  	v11 =	vld.idx.msk [tilespmem:v11+s17+$0x0], $0xffff;
	v7 =	vadd.f32 v10, v7;
	_ =	sdelay $0x1  }
0x9e: {  	[tilespmem:v2+s29+$0xFFFFFD80 ss:$0x1] =	vst.idx.msk $0xffff, v7  }
0x9f: {  	v10 =	vadd.s32 $0x1770, v5;
	v12 =	vld.idx.msk [tilespmem:v12+s17+$0x0], $0xffff  }
0xa0: {  	v15 =	vadd.s32 $0x1770, v6;
	v9 =	vld.idx.msk [tilespmem:v9+s16+$0x0], $0xffff  }
0xa1: {  	s31 =	simm.s32 $0x20;
	v11 =	vadd.f32 v11, v8  }
0xa2: {  	v7 =	vld.idx.msk [tilespmem:v13+s31+$0x0 ss:$0x1], $0xffff  }
0xa3: {  	v8 =	vld.idx.msk [tilespmem:v14+s31+$0x0 ss:$0x1], $0xffff;
	[tilespmem:v2+s30+$0xFFFFFA80 ss:$0x1] =	vst.idx.msk $0xffff, v11;
	v11 =	vadd.s32 $0x32C8, v4  }
0xa4: {  	v16 =	vadd.s32 $0x32C8, v3;
	v10 =	vld.idx.msk [tilespmem:v10+s16+$0x0], $0xffff  }
0xa5: {  	v15 =	vld.idx.msk [tilespmem:v15+s17+$0x0], $0xffff;
	v9 =	vadd.f32 v12, v9;
	_ =	sdelay $0x1  }
0xa6: {  	[tilespmem:v2+s29+$0xFFFFFE00 ss:$0x1] =	vst.idx.msk $0xffff, v9  }
0xa7: {  	v9 =	vld.idx.msk [tilespmem:v11+s16+$0x0], $0xffff;
	v11 =	vadd.s32 $0x1B58, v5  }
0xa8: {  	v12 =	vld.idx.msk [tilespmem:v16+s17+$0x0], $0xffff;
	v16 =	vadd.s32 $0x1B58, v6  }
0xa9: {  	v17 =	vld.idx.msk [tilespmem:v7+s16+$0x0], $0xffff;
	v10 =	vadd.f32 v15, v10  }
0xaa: {  	v15 =	vld.idx.msk [tilespmem:v8+s17+$0x0], $0xffff  }
0xab: {  	[tilespmem:v2+s30+$0xFFFFFB00 ss:$0x1] =	vst.idx.msk $0xffff, v10;
	v10 =	vadd.s32 $0x36B0, v4  }
0xac: {  	v18 =	vadd.s32 $0x36B0, v3;
	v11 =	vld.idx.msk [tilespmem:v11+s16+$0x0], $0xffff  }
0xad: {  	v19 =	vadd.s32 $0x3E8, v7;
	v16 =	vld.idx.msk [tilespmem:v16+s17+$0x0], $0xffff;
	v9 =	vadd.f32 v12, v9  }
0xae: {  	v12 =	vadd.s32 $0x3E8, v8  }
0xaf: {  	v15 =	vadd.f32 v15, v17;
	[tilespmem:v2+s29+$0xFFFFFE80 ss:$0x1] =	vst.idx.msk $0xffff, v9  }
0xb0: {  	v9 =	vld.idx.msk [tilespmem:v10+s16+$0x0], $0xffff;
	v10 =	vadd.s32 $0x1F40, v5  }
0xb1: {  	v17 =	vadd.s32 $0x1F40, v6;
	[tilespmem:v2+s31+$0xFFFFF800 ss:$0x1] =	vst.idx.msk $0xffff, v15;
	v15 =	vld.idx.msk [tilespmem:v18+s17+$0x0], $0xffff  }
0xb2: {  	v18 =	vld.idx.msk [tilespmem:v19+s16+$0x0], $0xffff;
	v11 =	vadd.f32 v16, v11  }
0xb3: {  	v12 =	vld.idx.msk [tilespmem:v12+s17+$0x0], $0xffff  }
0xb4: {  	[tilespmem:v2+s30+$0xFFFFFB80 ss:$0x1] =	vst.idx.msk $0xffff, v11;
	v11 =	vadd.s32 $0x3A98, v4  }
0xb5: {  	v16 =	vadd.s32 $0x3A98, v3;
	v10 =	vld.idx.msk [tilespmem:v10+s16+$0x0], $0xffff  }
0xb6: {  	v19 =	vadd.s32 $0x7D0, v7;
	v17 =	vld.idx.msk [tilespmem:v17+s17+$0x0], $0xffff;
	v9 =	vadd.f32 v15, v9  }
0xb7: {  	v15 =	vadd.s32 $0x7D0, v8  }
0xb8: {  	v12 =	vadd.f32 v12, v18;
	[tilespmem:v2+s29+$0xFFFFFF00 ss:$0x1] =	vst.idx.msk $0xffff, v9  }
0xb9: {  	v9 =	vld.idx.msk [tilespmem:v11+s16+$0x0], $0xffff;
	v11 =	vadd.s32 $0x2328, v5  }
0xba: {  	[tilespmem:v2+s31+$0xFFFFF880 ss:$0x1] =	vst.idx.msk $0xffff, v12;
	v12 =	vld.idx.msk [tilespmem:v16+s17+$0x0], $0xffff;
	v16 =	vadd.s32 $0x2328, v6  }
0xbb: {  	v18 =	vld.idx.msk [tilespmem:v19+s16+$0x0], $0xffff;
	v10 =	vadd.f32 v17, v10  }
0xbc: {  	v15 =	vld.idx.msk [tilespmem:v15+s17+$0x0], $0xffff  }
0xbd: {  	[tilespmem:v2+s30+$0xFFFFFC00 ss:$0x1] =	vst.idx.msk $0xffff, v10;
	v10 =	vadd.s32 $0x3E80, v4  }
0xbe: {  	v17 =	vadd.s32 $0x3E80, v3;
	v11 =	vld.idx.msk [tilespmem:v11+s16+$0x0], $0xffff  }
0xbf: {  	v19 =	vadd.s32 $0xBB8, v7;
	v16 =	vld.idx.msk [tilespmem:v16+s17+$0x0], $0xffff;
	v9 =	vadd.f32 v12, v9  }
0xc0: {  	v12 =	vadd.s32 $0xBB8, v8  }
0xc1: {  	v15 =	vadd.f32 v15, v18;
	[tilespmem:v2+s29+$0xFFFFFF80 ss:$0x1] =	vst.idx.msk $0xffff, v9  }
0xc2: {  	v9 =	vld.idx.msk [tilespmem:v10+s16+$0x0], $0xffff;
	v10 =	vadd.s32 $0x2710, v5  }
0xc3: {  	[tilespmem:v2+s31+$0xFFFFF900 ss:$0x1] =	vst.idx.msk $0xffff, v15;
	v15 =	vld.idx.msk [tilespmem:v17+s17+$0x0], $0xffff;
	v17 =	vadd.s32 $0x2710, v6  }
0xc4: {  	v18 =	vld.idx.msk [tilespmem:v19+s16+$0x0], $0xffff;
	v11 =	vadd.f32 v16, v11  }
0xc5: {  	v12 =	vld.idx.msk [tilespmem:v12+s17+$0x0], $0xffff  }
0xc6: {  	[tilespmem:v2+s30+$0xFFFFFC80 ss:$0x1] =	vst.idx.msk $0xffff, v11;
	v11 =	vadd.s32 $0x4268, v4  }
0xc7: {  	v16 =	vadd.s32 $0x4268, v3;
	v10 =	vld.idx.msk [tilespmem:v10+s16+$0x0], $0xffff  }
0xc8: {  	v19 =	vadd.s32 $0xFA0, v7;
	v17 =	vld.idx.msk [tilespmem:v17+s17+$0x0], $0xffff;
	v9 =	vadd.f32 v15, v9  }
0xc9: {  	v15 =	vadd.s32 $0xFA0, v8  }
0xca: {  	v12 =	vadd.f32 v12, v18;
	[tilespmem:v2+s29+$0x0 ss:$0x1] =	vst.idx.msk $0xffff, v9  }
0xcb: {  	v9 =	vld.idx.msk [tilespmem:v11+s16+$0x0], $0xffff;
	v11 =	vadd.s32 $0x2AF8, v5  }
0xcc: {  	[tilespmem:v2+s31+$0xFFFFF980 ss:$0x1] =	vst.idx.msk $0xffff, v12;
	v12 =	vld.idx.msk [tilespmem:v16+s17+$0x0], $0xffff;
	v16 =	vadd.s32 $0x2AF8, v6  }
0xcd: {  	v18 =	vld.idx.msk [tilespmem:v19+s16+$0x0], $0xffff;
	v10 =	vadd.f32 v17, v10  }
0xce: {  	v15 =	vld.idx.msk [tilespmem:v15+s17+$0x0], $0xffff  }
0xcf: {  	[tilespmem:v2+s30+$0xFFFFFD00 ss:$0x1] =	vst.idx.msk $0xffff, v10;
	v10 =	vadd.s32 $0x4650, v4  }
0xd0: {  	v17 =	vadd.s32 $0x4650, v3;
	v11 =	vld.idx.msk [tilespmem:v11+s16+$0x0], $0xffff  }
0xd1: {  	v19 =	vadd.s32 $0x1388, v7;
	v16 =	vld.idx.msk [tilespmem:v16+s17+$0x0], $0xffff;
	v9 =	vadd.f32 v12, v9  }
0xd2: {  	v12 =	vadd.s32 $0x1388, v8  }
0xd3: {  	v15 =	vadd.f32 v15, v18;
	[tilespmem:v2+s29+$0x80 ss:$0x1] =	vst.idx.msk $0xffff, v9  }
0xd4: {  	v9 =	vld.idx.msk [tilespmem:v10+s16+$0x0], $0xffff;
	v10 =	vadd.s32 $0x2EE0, v5  }
0xd5: {  	[tilespmem:v2+s31+$0xFFFFFA00 ss:$0x1] =	vst.idx.msk $0xffff, v15;
	v15 =	vld.idx.msk [tilespmem:v17+s17+$0x0], $0xffff;
	v17 =	vadd.s32 $0x2EE0, v6  }
0xd6: {  	v18 =	vld.idx.msk [tilespmem:v19+s16+$0x0], $0xffff;
	v11 =	vadd.f32 v16, v11  }
0xd7: {  	v12 =	vld.idx.msk [tilespmem:v12+s17+$0x0], $0xffff  }
0xd8: {  	[tilespmem:v2+s30+$0xFFFFFD80 ss:$0x1] =	vst.idx.msk $0xffff, v11;
	v11 =	vadd.s32 $0x4A38, v4  }
0xd9: {  	v19 =	vadd.s32 $0x4A38, v3;
	v16 =	vld.idx.msk [tilespmem:v10+s16+$0x0], $0xffff  }
0xda: {  	s0 =	simm.s32 $0x30;
	v20 =	vadd.s32 $0x1770, v7;
	v17 =	vld.idx.msk [tilespmem:v17+s17+$0x0], $0xffff;
	v15 =	vadd.f32 v15, v9  }
0xdb: {  	v21 =	vadd.s32 $0x1770, v8;
	v9 =	vld.idx.msk [tilespmem:v13+s0+$0x0 ss:$0x1], $0xffff  }
0xdc: {  	v10 =	vld.idx.msk [tilespmem:v14+s0+$0x0 ss:$0x1], $0xffff;
	v12 =	vadd.f32 v12, v18;
	[tilespmem:v2+s29+$0x100 ss:$0x1] =	vst.idx.msk $0xffff, v15  }
0xdd: {  	v15 =	vadd.s32 $0x32C8, v5;
	v11 =	vld.idx.msk [tilespmem:v11+s16+$0x0], $0xffff  }
0xde: {  	v18 =	vadd.s32 $0x32C8, v6;
	[tilespmem:v2+s31+$0xFFFFFA80 ss:$0x1] =	vst.idx.msk $0xffff, v12;
	v12 =	vld.idx.msk [tilespmem:v19+s17+$0x0], $0xffff  }
0xdf: {  	v19 =	vld.idx.msk [tilespmem:v20+s16+$0x0], $0xffff;
	v16 =	vadd.f32 v17, v16  }
0xe0: {  	v17 =	vld.idx.msk [tilespmem:v21+s17+$0x0], $0xffff  }
0xe1: {  	[tilespmem:v2+s30+$0xFFFFFE00 ss:$0x1] =	vst.idx.msk $0xffff, v16;
	v16 =	vadd.s32 $0x4E20, v4  }
0xe2: {  	v20 =	vadd.s32 $0x4E20, v3;
	v15 =	vld.idx.msk [tilespmem:v15+s16+$0x0], $0xffff  }
0xe3: {  	v21 =	vadd.s32 $0x1B58, v7;
	v18 =	vld.idx.msk [tilespmem:v18+s17+$0x0], $0xffff;
	v11 =	vadd.f32 v12, v11  }
0xe4: {  	v22 =	vadd.s32 $0x1B58, v8;
	v23 =	vld.idx.msk [tilespmem:v10+s17+$0x0], $0xffff  }
0xe5: {  	v12 =	vld.idx.msk [tilespmem:v9+s16+$0x0], $0xffff;
	v17 =	vadd.f32 v17, v19;
	[tilespmem:v2+s29+$0x180 ss:$0x1] =	vst.idx.msk $0xffff, v11  }
0xe6: {  	v19 =	vadd.s32 $0x36B0, v6;
	v11 =	vld.idx.msk [tilespmem:v16+s16+$0x0], $0xffff  }
0xe7: {  	v16 =	vadd.s32 $0x36B0, v5;
	[tilespmem:v2+s31+$0xFFFFFB00 ss:$0x1] =	vst.idx.msk $0xffff, v17;
	v17 =	vld.idx.msk [tilespmem:v20+s17+$0x0], $0xffff  }
0xe8: {  	v20 =	vld.idx.msk [tilespmem:v21+s16+$0x0], $0xffff;
	v21 =	vadd.s32 $0x3E8, v9;
	v15 =	vadd.f32 v18, v15  }
0xe9: {  	v18 =	vld.idx.msk [tilespmem:v22+s17+$0x0], $0xffff;
	v22 =	vadd.s32 $0x3E8, v10  }
0xea: {  	v12 =	vadd.f32 v23, v12;
	[tilespmem:v2+s30+$0xFFFFFE80 ss:$0x1] =	vst.idx.msk $0xffff, v15;
	v15 =	vadd.s32 $0x5208, v4  }
0xeb: {  	v23 =	vadd.s32 $0x5208, v3;
	v19 =	vld.idx.msk [tilespmem:v19+s17+$0x0], $0xffff  }
0xec: {  	[tilespmem:v2+s0+$0xFFFFF800 ss:$0x1] =	vst.idx.msk $0xffff, v12;
	v12 =	vadd.s32 $0x1F40, v7;
	v16 =	vld.idx.msk [tilespmem:v16+s16+$0x0], $0xffff;
	v11 =	vadd.f32 v17, v11  }
0xed: {  	v17 =	vld.idx.msk [tilespmem:v21+s16+$0x0], $0xffff;
	v21 =	vadd.s32 $0x1F40, v8  }
0xee: {  	v22 =	vld.idx.msk [tilespmem:v22+s17+$0x0], $0xffff;
	v18 =	vadd.f32 v18, v20;
	[tilespmem:v2+s29+$0x200 ss:$0x1] =	vst.idx.msk $0xffff, v11  }
0xef: {  	v11 =	vld.idx.msk [tilespmem:v15+s16+$0x0], $0xffff;
	v15 =	vadd.s32 $0x3A98, v5  }
0xf0: {  	v20 =	vadd.s32 $0x3A98, v6;
	[tilespmem:v2+s31+$0xFFFFFB80 ss:$0x1] =	vst.idx.msk $0xffff, v18;
	v18 =	vld.idx.msk [tilespmem:v23+s17+$0x0], $0xffff  }
0xf1: {  	v23 =	vadd.s32 $0x7D0, v9;
	v12 =	vld.idx.msk [tilespmem:v12+s16+$0x0], $0xffff;
	v16 =	vadd.f32 v19, v16  }
0xf2: {  	v19 =	vld.idx.msk [tilespmem:v21+s17+$0x0], $0xffff;
	v21 =	vadd.s32 $0x7D0, v10  }
0xf3: {  	v17 =	vadd.f32 v22, v17;
	[tilespmem:v2+s30+$0xFFFFFF00 ss:$0x1] =	vst.idx.msk $0xffff, v16;
	v16 =	vadd.s32 $0x55F0, v4  }
0xf4: {  	v22 =	vadd.s32 $0x55F0, v3;
	v15 =	vld.idx.msk [tilespmem:v15+s16+$0x0], $0xffff  }
0xf5: {  	[tilespmem:v2+s0+$0xFFFFF880 ss:$0x1] =	vst.idx.msk $0xffff, v17;
	v17 =	vadd.s32 $0x2328, v7;
	v20 =	vld.idx.msk [tilespmem:v20+s17+$0x0], $0xffff;
	v11 =	vadd.f32 v18, v11  }
0xf6: {  	v18 =	vld.idx.msk [tilespmem:v23+s16+$0x0], $0xffff;
	v23 =	vadd.s32 $0x2328, v8  }
0xf7: {  	[tilespmem:v2+s29+$0x280 ss:$0x1] =	vst.idx.msk $0xffff, v11;
	v21 =	vld.idx.msk [tilespmem:v21+s17+$0x0], $0xffff;
	v12 =	vadd.f32 v19, v12  }
0xf8: {  	v19 =	vadd.s32 $0x3E80, v6;
	v11 =	vld.idx.msk [tilespmem:v16+s16+$0x0], $0xffff  }
0xf9: {  	v16 =	vadd.s32 $0x3E80, v5;
	[tilespmem:v2+s31+$0xFFFFFC00 ss:$0x1] =	vst.idx.msk $0xffff, v12;
	v12 =	vld.idx.msk [tilespmem:v22+s17+$0x0], $0xffff  }
0xfa: {  	v22 =	vadd.s32 $0xBB8, v9;
	v15 =	vadd.f32 v20, v15;
	v17 =	vld.idx.msk [tilespmem:v17+s16+$0x0], $0xffff  }
0xfb: {  	v20 =	vld.idx.msk [tilespmem:v23+s17+$0x0], $0xffff;
	v23 =	vadd.s32 $0xBB8, v10  }
0xfc: {  	[tilespmem:v2+s30+$0xFFFFFF80 ss:$0x1] =	vst.idx.msk $0xffff, v15;
	v15 =	vadd.s32 $0x59D8, v4;
	v18 =	vadd.f32 v21, v18  }
0xfd: {  	v21 =	vadd.s32 $0x59D8, v3;
	v19 =	vld.idx.msk [tilespmem:v19+s17+$0x0], $0xffff  }
0xfe: {  	v16 =	vld.idx.msk [tilespmem:v16+s16+$0x0], $0xffff;
	[tilespmem:v2+s0+$0xFFFFF900 ss:$0x1] =	vst.idx.msk $0xffff, v18;
	v11 =	vadd.f32 v12, v11  }
0xff: {  	v12 =	vld.idx.msk [tilespmem:v22+s16+$0x0], $0xffff;
	v22 =	vadd.s32 $0x2710, v8  }
0x100: {  	v18 =	vadd.s32 $0x2710, v7;
	v23 =	vld.idx.msk [tilespmem:v23+s17+$0x0], $0xffff;
	v17 =	vadd.f32 v20, v17;
	[tilespmem:v2+s29+$0x300 ss:$0x1] =	vst.idx.msk $0xffff, v11  }
0x101: {  	v20 =	vadd.s32 $0x4268, v6;
	v11 =	vld.idx.msk [tilespmem:v15+s16+$0x0], $0xffff  }
0x102: {  	v15 =	vadd.s32 $0x4268, v5;
	[tilespmem:v2+s31+$0xFFFFFC80 ss:$0x1] =	vst.idx.msk $0xffff, v17;
	v17 =	vld.idx.msk [tilespmem:v21+s17+$0x0], $0xffff  }
0x103: {  	v21 =	vadd.s32 $0xFA0, v9;
	v16 =	vadd.f32 v19, v16  }
0x104: {  	v19 =	vld.idx.msk [tilespmem:v22+s17+$0x0], $0xffff;
	v22 =	vadd.s32 $0xFA0, v10  }
0x105: {  	v18 =	vld.idx.msk [tilespmem:v18+s16+$0x0], $0xffff;
	v12 =	vadd.f32 v23, v12;
	[tilespmem:v2+s30+$0x0 ss:$0x1] =	vst.idx.msk $0xffff, v16;
	v16 =	vadd.s32 $0x5DC0, v4  }
0x106: {  	v20 =	vld.idx.msk [tilespmem:v20+s17+$0x0], $0xffff  }
0x107: {  	v23 =	vadd.s32 $0x5DC0, v3;
	v15 =	vld.idx.msk [tilespmem:v15+s16+$0x0], $0xffff;
	[tilespmem:v2+s0+$0xFFFFF980 ss:$0x1] =	vst.idx.msk $0xffff, v12;
	v11 =	vadd.f32 v17, v11  }
0x108: {  	v17 =	vld.idx.msk [tilespmem:v21+s16+$0x0], $0xffff;
	v21 =	vadd.s32 $0x2AF8, v8  }
0x109: {  	v12 =	vadd.s32 $0x2AF8, v7;
	[tilespmem:v2+s29+$0x380 ss:$0x1] =	vst.idx.msk $0xffff, v11;
	v22 =	vld.idx.msk [tilespmem:v22+s17+$0x0], $0xffff  }
0x10a: {  	v18 =	vadd.f32 v19, v18;
	v11 =	vld.idx.msk [tilespmem:v16+s16+$0x0], $0xffff;
	v16 =	vadd.s32 $0x4650, v5  }
0x10b: {  	v19 =	vadd.s32 $0x4650, v6  }
0x10c: {  	[tilespmem:v2+s31+$0xFFFFFD00 ss:$0x1] =	vst.idx.msk $0xffff, v18;
	v18 =	vld.idx.msk [tilespmem:v23+s17+$0x0], $0xffff;
	v23 =	vadd.s32 $0x1388, v9;
	v15 =	vadd.f32 v20, v15  }
0x10d: {  	v20 =	vld.idx.msk [tilespmem:v21+s17+$0x0], $0xffff;
	v21 =	vadd.s32 $0x1388, v10  }
0x10e: {  	v12 =	vld.idx.msk [tilespmem:v12+s16+$0x0], $0xffff;
	[tilespmem:v2+s30+$0x80 ss:$0x1] =	vst.idx.msk $0xffff, v15;
	v17 =	vadd.f32 v22, v17  }
0x10f: {  	v15 =	vadd.s32 $0x61A8, v4;
	v16 =	vld.idx.msk [tilespmem:v16+s16+$0x0], $0xffff  }
0x110: {  	v22 =	vadd.s32 $0x61A8, v3;
	v19 =	vld.idx.msk [tilespmem:v19+s17+$0x0], $0xffff;
	[tilespmem:v2+s0+$0xFFFFFA00 ss:$0x1] =	vst.idx.msk $0xffff, v17  }
0x111: {  	v11 =	vadd.f32 v18, v11;
	v18 =	vld.idx.msk [tilespmem:v23+s16+$0x0], $0xffff  }
0x112: {  	s5 =	simm.s32 $0x40;
	v17 =	vadd.s32 $0x2EE0, v7;
	v21 =	vld.idx.msk [tilespmem:v21+s17+$0x0], $0xffff  }
0x113: {  	v23 =	vadd.s32 $0x2EE0, v8;
	[tilespmem:v2+s29+$0x400 ss:$0x1] =	vst.idx.msk $0xffff, v11;
	v11 =	vld.idx.msk [tilespmem:v14+s5+$0x0 ss:$0x1], $0xffff  }
0x114: {  	v12 =	vadd.f32 v20, v12;
	v20 =	vadd.s32 $0x4A38, v5;
	v15 =	vld.idx.msk [tilespmem:v15+s16+$0x0], $0xffff  }
0x115: {  	v24 =	vadd.s32 $0x4A38, v6;
	v22 =	vld.idx.msk [tilespmem:v22+s17+$0x0], $0xffff  }
0x116: {  	v25 =	vadd.s32 $0x1770, v9;
	[tilespmem:v2+s31+$0xFFFFFD80 ss:$0x1] =	vst.idx.msk $0xffff, v12;
	v16 =	vadd.f32 v19, v16;
	v12 =	vld.idx.msk [tilespmem:v13+s5+$0x0 ss:$0x1], $0xffff  }
0x117: {  	v19 =	vadd.s32 $0x1770, v10;
	v17 =	vld.idx.msk [tilespmem:v17+s16+$0x0], $0xffff  }
0x118: {  	[tilespmem:v2+s30+$0x100 ss:$0x1] =	vst.idx.msk $0xffff, v16;
	v23 =	vld.idx.msk [tilespmem:v23+s17+$0x0], $0xffff;
	v18 =	vadd.f32 v21, v18  }
0x119: {  	v16 =	vadd.s32 $0x6590, v4;
	v20 =	vld.idx.msk [tilespmem:v20+s16+$0x0], $0xffff  }
0x11a: {  	v21 =	vadd.s32 $0x6590, v3;
	v24 =	vld.idx.msk [tilespmem:v24+s17+$0x0], $0xffff;
	[tilespmem:v2+s0+$0xFFFFFA80 ss:$0x1] =	vst.idx.msk $0xffff, v18  }
0x11b: {  	v18 =	vadd.s32 $0x32C8, v7;
	v15 =	vadd.f32 v22, v15;
	v22 =	vld.idx.msk [tilespmem:v25+s16+$0x0], $0xffff  }
0x11c: {  	v25 =	vadd.s32 $0x32C8, v8;
	v19 =	vld.idx.msk [tilespmem:v19+s17+$0x0], $0xffff  }
0x11d: {  	[tilespmem:v2+s29+$0x480 ss:$0x1] =	vst.idx.msk $0xffff, v15;
	v27 =	vld.idx.msk [tilespmem:v11+s17+$0x0], $0xffff;
	v17 =	vadd.f32 v23, v17  }
0x11e: {  	v15 =	vld.idx.msk [tilespmem:v16+s16+$0x0], $0xffff;
	v16 =	vadd.s32 $0x4E20, v5  }
0x11f: {  	[tilespmem:v2+s31+$0xFFFFFE00 ss:$0x1] =	vst.idx.msk $0xffff, v17;
	v17 =	vld.idx.msk [tilespmem:v21+s17+$0x0], $0xffff;
	v21 =	vadd.s32 $0x4E20, v6  }
0x120: {  	v23 =	vadd.s32 $0x1B58, v9;
	v20 =	vadd.f32 v24, v20;
	v18 =	vld.idx.msk [tilespmem:v18+s16+$0x0], $0xffff  }
0x121: {  	v26 =	vadd.s32 $0x1B58, v10;
	v25 =	vld.idx.msk [tilespmem:v25+s17+$0x0], $0xffff  }
0x122: {  	v24 =	vld.idx.msk [tilespmem:v12+s16+$0x0], $0xffff;
	[tilespmem:v2+s30+$0x180 ss:$0x1] =	vst.idx.msk $0xffff, v20;
	v20 =	vadd.s32 $0x6978, v4;
	v19 =	vadd.f32 v19, v22  }
0x123: {  	v22 =	vadd.s32 $0x6978, v3;
	v16 =	vld.idx.msk [tilespmem:v16+s16+$0x0], $0xffff  }
0x124: {  	[tilespmem:v2+s0+$0xFFFFFB00 ss:$0x1] =	vst.idx.msk $0xffff, v19;
	v19 =	vadd.s32 $0x36B0, v7;
	v21 =	vld.idx.msk [tilespmem:v21+s17+$0x0], $0xffff;
	v15 =	vadd.f32 v17, v15  }
0x125: {  	v17 =	vld.idx.msk [tilespmem:v23+s16+$0x0], $0xffff;
	v23 =	vadd.s32 $0x36B0, v8  }
0x126: {  	v28 =	vadd.s32 $0x3E8, v12;
	v26 =	vld.idx.msk [tilespmem:v26+s17+$0x0], $0xffff;
	v18 =	vadd.f32 v25, v18;
	[tilespmem:v2+s29+$0x500 ss:$0x1] =	vst.idx.msk $0xffff, v15  }
0x127: {  	v15 =	vadd.s32 $0x3E8, v11;
	v20 =	vld.idx.msk [tilespmem:v20+s16+$0x0], $0xffff  }
0x128: {  	v24 =	vadd.f32 v27, v24;
	[tilespmem:v2+s31+$0xFFFFFE80 ss:$0x1] =	vst.idx.msk $0xffff, v18;
	v18 =	vadd.s32 $0x5208, v5;
	v22 =	vld.idx.msk [tilespmem:v22+s17+$0x0], $0xffff  }
0x129: {  	v25 =	vadd.s32 $0x5208, v6;
	v19 =	vld.idx.msk [tilespmem:v19+s16+$0x0], $0xffff  }
0x12a: {  	[tilespmem:v2+s5+$0xFFFFF800 ss:$0x1] =	vst.idx.msk $0xffff, v24;
	v24 =	vadd.s32 $0x1F40, v9;
	v23 =	vld.idx.msk [tilespmem:v23+s17+$0x0], $0xffff;
	v16 =	vadd.f32 v21, v16  }
0x12b: {  	v27 =	vadd.s32 $0x1F40, v10;
	v21 =	vld.idx.msk [tilespmem:v28+s16+$0x0], $0xffff  }
0x12c: {  	v17 =	vadd.f32 v26, v17;
	v26 =	vadd.s32 $0x6D60, v3;
	v15 =	vld.idx.msk [tilespmem:v15+s17+$0x0], $0xffff;
	[tilespmem:v2+s30+$0x200 ss:$0x1] =	vst.idx.msk $0xffff, v16  }
0x12d: {  	v16 =	vadd.s32 $0x6D60, v4;
	v18 =	vld.idx.msk [tilespmem:v18+s16+$0x0], $0xffff  }
0x12e: {  	[tilespmem:v2+s0+$0xFFFFFB80 ss:$0x1] =	vst.idx.msk $0xffff, v17;
	v17 =	vadd.s32 $0x3A98, v7;
	v25 =	vld.idx.msk [tilespmem:v25+s17+$0x0], $0xffff;
	v20 =	vadd.f32 v22, v20  }
0x12f: {  	v22 =	vld.idx.msk [tilespmem:v24+s16+$0x0], $0xffff;
	v19 =	vadd.f32 v23, v19;
	v23 =	vadd.s32 $0x7D0, v11  }
0x130: {  	v24 =	vadd.s32 $0x3A98, v8;
	v27 =	vld.idx.msk [tilespmem:v27+s17+$0x0], $0xffff;
	[tilespmem:v2+s29+$0x580 ss:$0x1] =	vst.idx.msk $0xffff, v20  }
0x131: {  	v63 =	vadd.s32 $0x7D0, v12;
	v30 =	vld.idx.msk [tilespmem:v26+s17+$0x0], $0xffff;
	v15 =	vadd.f32 v15, v21  }
0x132: {  	v29 =	vld.idx.msk [tilespmem:v16+s16+$0x0], $0xffff;
	[tilespmem:v2+s31+$0xFFFFFF00 ss:$0x1] =	vst.idx.msk $0xffff, v19;
	v19 =	vadd.s32 $0x55F0, v5  }
0x133: {  	v20 =	vld.idx.msk [tilespmem:v17+s16+$0x0], $0xffff;
	v17 =	vadd.s32 $0x55F0, v6;
	[tilespmem:v2+s5+$0xFFFFF880 ss:$0x1] =	vst.idx.msk $0xffff, v15  }
0x134: {  	v15 =	vadd.f32 v25, v18;
	v26 =	vld.idx.msk [tilespmem:v23+s17+$0x0], $0xffff;
	v23 =	vadd.s32 $0x2328, v9  }
0x135: {  	v21 =	vld.idx.msk [tilespmem:v24+s17+$0x0], $0xffff;
	v24 =	vadd.s32 $0x2328, v10  }
0x136: {  	s4 =	sshll.u32 s23, $0xC;
	v16 =	vadd.s32 $0x7148, v4;
	v22 =	vadd.f32 v27, v22;
	v25 =	vld.idx.msk [tilespmem:v63+s16+$0x0], $0xffff;
	[tilespmem:v2+s30+$0x280 ss:$0x1] =	vst.idx.msk $0xffff, v15  }
0x137: {  	s4 =	sand.u32 $0x1000, s4;
	v15 =	vadd.s32 $0x7148, v3;
	v18 =	vld.idx.msk [tilespmem:v19+s16+$0x0], $0xffff  }
0x138: {  	s6 =	simm.s32 $0x140;
	s4 =	sadd.s32 $0x17F00, s4;
	[tilespmem:v2+s0+$0xFFFFFC00 ss:$0x1] =	vst.idx.msk $0xffff, v22;
	v22 =	vadd.s32 $0x3E80, v7;
	v19 =	vld.idx.msk [tilespmem:v17+s17+$0x0], $0xffff;
	v17 =	vadd.f32 v30, v29  }
.LBB2_8:
0x139: {  	p1 =	sne.s32 s6, $0x1C0;
	v23 =	vld.idx.msk [tilespmem:v23+s16+$0x0], $0xffff;
	v27 =	vadd.s32 $0x3E80, v8  }
0x13a: {  	v28 =	vadd.s32 $0xBB8, v12;
	v20 =	vadd.f32 v21, v20;
	v24 =	vld.idx.msk [tilespmem:v24+s17+$0x0], $0xffff;
	[tilespmem:v2+s29+$0x600 ss:$0x1] =	vst.idx.msk $0xffff, v17  }
0x13b: {  	v17 =	vadd.s32 $0xBB8, v11;
	v16 =	vld.idx.msk [tilespmem:v16+s16+$0x0], $0xffff  }
0x13c: {  	v21 =	vadd.f32 v26, v25;
	[tilespmem:v2+s31+$0xFFFFFF80 ss:$0x1] =	vst.idx.msk $0xffff, v20;
	v20 =	vadd.s32 $0x59D8, v5;
	v15 =	vld.idx.msk [tilespmem:v15+s17+$0x0], $0xffff  }
0x13d: {  	v25 =	vadd.s32 $0x59D8, v6;
	v22 =	vld.idx.msk [tilespmem:v22+s16+$0x0], $0xffff  }
0x13e: {  	v18 =	vadd.f32 v19, v18;
	[tilespmem:v2+s5+$0xFFFFF900 ss:$0x1] =	vst.idx.msk $0xffff, v21;
	v21 =	vadd.s32 $0x2710, v9;
	v26 =	vld.idx.msk [tilespmem:v27+s17+$0x0], $0xffff  }
0x13f: {  	v27 =	vadd.s32 $0x2710, v10;
	v19 =	vld.idx.msk [tilespmem:v28+s16+$0x0], $0xffff  }
0x140: {  	v23 =	vadd.f32 v24, v23;
	v17 =	vld.idx.msk [tilespmem:v17+s17+$0x0], $0xffff;
	[tilespmem:v2+s30+$0x300 ss:$0x1] =	vst.idx.msk $0xffff, v18;
	v18 =	vadd.s32 $0x7530, v4  }
0x141: {  	v24 =	vadd.s32 $0x7530, v3;
	v20 =	vld.idx.msk [tilespmem:v20+s16+$0x0], $0xffff  }
0x142: {  	v15 =	vadd.f32 v15, v16;
	[tilespmem:v2+s0+$0xFFFFFC80 ss:$0x1] =	vst.idx.msk $0xffff, v23;
	v23 =	vadd.s32 $0x4268, v7;
	v25 =	vld.idx.msk [tilespmem:v25+s17+$0x0], $0xffff  }
0x143: {  	v16 =	vld.idx.msk [tilespmem:v21+s16+$0x0], $0xffff;
	v21 =	vadd.s32 $0x4268, v8  }
0x144: {  	v28 =	vadd.s32 $0xFA0, v12;
	v22 =	vadd.f32 v26, v22;
	v27 =	vld.idx.msk [tilespmem:v27+s17+$0x0], $0xffff;
	[tilespmem:v2+s29+$0x680 ss:$0x1] =	vst.idx.msk $0xffff, v15  }
0x145: {  	v15 =	vadd.s32 $0xFA0, v11;
	v18 =	vld.idx.msk [tilespmem:v18+s16+$0x0], $0xffff  }
0x146: {  	v17 =	vadd.f32 v17, v19;
	v19 =	vadd.s32 $0x5DC0, v5;
	[tilespmem:v2+s31+$0x0 ss:$0x1] =	vst.idx.msk $0xffff, v22;
	v22 =	vld.idx.msk [tilespmem:v24+s17+$0x0], $0xffff  }
0x147: {  	v24 =	vadd.s32 $0x5DC0, v6;
	v23 =	vld.idx.msk [tilespmem:v23+s16+$0x0], $0xffff  }
0x148: {  	v20 =	vadd.f32 v25, v20;
	[tilespmem:v2+s5+$0xFFFFF980 ss:$0x1] =	vst.idx.msk $0xffff, v17;
	v17 =	vadd.s32 $0x2AF8, v9;
	v21 =	vld.idx.msk [tilespmem:v21+s17+$0x0], $0xffff  }
0x149: {  	v26 =	vadd.s32 $0x2AF8, v10;
	v25 =	vld.idx.msk [tilespmem:v28+s16+$0x0], $0xffff  }
0x14a: {  	v16 =	vadd.f32 v27, v16;
	v15 =	vld.idx.msk [tilespmem:v15+s17+$0x0], $0xffff;
	[tilespmem:v2+s30+$0x380 ss:$0x1] =	vst.idx.msk $0xffff, v20;
	v20 =	vadd.s32 $0x7918, v4;
	v4 =	vmov v5  }
0x14b: {  	v27 =	vadd.s32 $0x7918, v3;
	v3 =	vmovc v6;
	v5 =	vmovc v7;
	v7 =	vmov v9;
	v9 =	vmov v12;
	v19 =	vld.idx.msk [tilespmem:v19+s16+$0x0], $0xffff  }
0x14c: {  	v6 =	vmov v8;
	v12 =	vadd.s32 $0x4650, v5;
	v18 =	vadd.f32 v22, v18;
	[tilespmem:v2+s0+$0xFFFFFD00 ss:$0x1] =	vst.idx.msk $0xffff, v16;
	v16 =	vld.idx.msk [tilespmem:v24+s17+$0x0], $0xffff  }
0x14d: {  	v8 =	vmov v10;
	v10 =	vmov v11;
	v22 =	vadd.s32 $0x4650, v6;
	v17 =	vld.idx.msk [tilespmem:v17+s16+$0x0], $0xffff  }
0x14e: {  	v11 =	vadd.s32 $0x1388, v9;
	v21 =	vadd.f32 v21, v23;
	v24 =	vld.idx.msk [tilespmem:v26+s17+$0x0], $0xffff;
	[tilespmem:v2+s29+$0x700 ss:$0x1] =	vst.idx.msk $0xffff, v18  }
0x14f: {  	v18 =	vadd.s32 $0x1388, v10;
	v20 =	vld.idx.msk [tilespmem:v20+s16+$0x0], $0xffff  }
0x150: {  	v15 =	vadd.f32 v15, v25;
	[tilespmem:v2+s31+$0x80 ss:$0x1] =	vst.idx.msk $0xffff, v21;
	v21 =	vadd.s32 $0x61A8, v4;
	v23 =	vld.idx.msk [tilespmem:v27+s17+$0x0], $0xffff  }
0x151: {  	v25 =	vadd.s32 $0x61A8, v3;
	v12 =	vld.idx.msk [tilespmem:v12+s16+$0x0], $0xffff  }
0x152: {  	v16 =	vadd.f32 v16, v19;
	[tilespmem:v2+s5+$0xFFFFFA00 ss:$0x1] =	vst.idx.msk $0xffff, v15;
	v15 =	vadd.s32 $0x2EE0, v7;
	v22 =	vld.idx.msk [tilespmem:v22+s17+$0x0], $0xffff  }
0x153: {  	v19 =	vld.idx.msk [tilespmem:v11+s16+$0x0], $0xffff;
	v11 =	vadd.s32 $0x2EE0, v8  }
0x154: {  	v17 =	vadd.f32 v24, v17;
	v18 =	vld.idx.msk [tilespmem:v18+s17+$0x0], $0xffff;
	[tilespmem:v2+s30+$0x400 ss:$0x1] =	vst.idx.msk $0xffff, v16  }
0x155: {  	v16 =	vld.idx.msk [tilespmem:v21+s16+$0x0], $0xffff  }
0x156: {  	v20 =	vadd.f32 v23, v20;
	[tilespmem:v2+s0+$0xFFFFFD80 ss:$0x1] =	vst.idx.msk $0xffff, v17;
	v17 =	vadd.s32 $0x4A38, v5;
	v21 =	vld.idx.msk [tilespmem:v25+s17+$0x0], $0xffff  }
0x157: {  	v23 =	vadd.s32 $0x4A38, v6;
	v15 =	vld.idx.msk [tilespmem:v15+s16+$0x0], $0xffff  }
0x158: {  	s7 =	sshra.s32 s6, $0x2;
	v24 =	vadd.s32 $0x1770, v9;
	v22 =	vadd.f32 v22, v12;
	v25 =	vld.idx.msk [tilespmem:v11+s17+$0x0], $0xffff;
	[tilespmem:v2+s29+$0x780 ss:$0x1] =	vst.idx.msk $0xffff, v20;
	s29 =	smov.u32 s30;
	s30 =	smov.u32 s31  }
0x159: {  	v20 =	vadd.s32 $0x1770, v10;
	s31 =	smov.u32 s0;
	s0 =	smov.u32 s5;
	s5 =	smov.u32 s7;
	v12 =	vld.idx.msk [tilespmem:v13+s7+$0x0 ss:$0x1], $0xffff  }
0x15a: {  	v18 =	vadd.f32 v18, v19;
	v19 =	vadd.s32 $0x6590, v4;
	v11 =	vld.idx.msk [tilespmem:v14+s5+$0x0 ss:$0x1], $0xffff;
	[tilespmem:v2+s30+$0x100 ss:$0x1] =	vst.idx.msk $0xffff, v22  }
0x15b: {  	v22 =	vadd.s32 $0x6590, v3;
	v17 =	vld.idx.msk [tilespmem:v17+s16+$0x0], $0xffff  }
0x15c: {  	v16 =	vadd.f32 v21, v16;
	[tilespmem:v2+s0+$0xFFFFFA80 ss:$0x1] =	vst.idx.msk $0xffff, v18;
	v18 =	vadd.s32 $0x32C8, v7;
	v23 =	vld.idx.msk [tilespmem:v23+s17+$0x0], $0xffff  }
0x15d: {  	v21 =	vld.idx.msk [tilespmem:v24+s16+$0x0], $0xffff;
	v24 =	vadd.s32 $0x32C8, v8  }
0x15e: {  	v15 =	vadd.f32 v25, v15;
	v20 =	vld.idx.msk [tilespmem:v20+s17+$0x0], $0xffff;
	[tilespmem:v2+s29+$0x480 ss:$0x1] =	vst.idx.msk $0xffff, v16  }
0x15f: {  	v16 =	vld.idx.msk [tilespmem:v19+s16+$0x0], $0xffff  }
0x160: {  	[tilespmem:v2+s31+$0xFFFFFE00 ss:$0x1] =	vst.idx.msk $0xffff, v15;
	v15 =	vadd.s32 $0x4E20, v5;
	v19 =	vld.idx.msk [tilespmem:v22+s17+$0x0], $0xffff  }
0x161: {  	v22 =	vadd.s32 $0x4E20, v6;
	v18 =	vld.idx.msk [tilespmem:v18+s16+$0x0], $0xffff  }
0x162: {  	v25 =	vadd.s32 $0x1B58, v9;
	v17 =	vadd.f32 v23, v17;
	v24 =	vld.idx.msk [tilespmem:v24+s17+$0x0], $0xffff  }
0x163: {  	v26 =	vadd.s32 $0x1B58, v10;
	v23 =	vld.idx.msk [tilespmem:v12+s16+$0x0], $0xffff  }
0x164: {  	v20 =	vadd.f32 v20, v21;
	v27 =	vld.idx.msk [tilespmem:v11+s17+$0x0], $0xffff;
	[tilespmem:v2+s30+$0x180 ss:$0x1] =	vst.idx.msk $0xffff, v17;
	v17 =	vadd.s32 $0x6978, v4  }
0x165: {  	v21 =	vadd.s32 $0x6978, v3;
	v15 =	vld.idx.msk [tilespmem:v15+s16+$0x0], $0xffff  }
0x166: {  	v16 =	vadd.f32 v19, v16;
	[tilespmem:v2+s0+$0xFFFFFB00 ss:$0x1] =	vst.idx.msk $0xffff, v20;
	v20 =	vadd.s32 $0x36B0, v7;
	v22 =	vld.idx.msk [tilespmem:v22+s17+$0x0], $0xffff  }
0x167: {  	v19 =	vld.idx.msk [tilespmem:v25+s16+$0x0], $0xffff;
	v25 =	vadd.s32 $0x36B0, v8  }
0x168: {  	v28 =	vadd.s32 $0x3E8, v12;
	v18 =	vadd.f32 v24, v18;
	v26 =	vld.idx.msk [tilespmem:v26+s17+$0x0], $0xffff;
	[tilespmem:v2+s29+$0x500 ss:$0x1] =	vst.idx.msk $0xffff, v16  }
0x169: {  	v16 =	vadd.s32 $0x3E8, v11;
	v17 =	vld.idx.msk [tilespmem:v17+s16+$0x0], $0xffff  }
0x16a: {  	v23 =	vadd.f32 v27, v23;
	[tilespmem:v2+s31+$0xFFFFFE80 ss:$0x1] =	vst.idx.msk $0xffff, v18;
	v18 =	vadd.s32 $0x5208, v5;
	v21 =	vld.idx.msk [tilespmem:v21+s17+$0x0], $0xffff  }
0x16b: {  	v24 =	vadd.s32 $0x5208, v6;
	v20 =	vld.idx.msk [tilespmem:v20+s16+$0x0], $0xffff  }
0x16c: {  	v15 =	vadd.f32 v22, v15;
	[tilespmem:v2+s5+$0xFFFFF800 ss:$0x1] =	vst.idx.msk $0xffff, v23;
	v23 =	vadd.s32 $0x1F40, v9;
	v25 =	vld.idx.msk [tilespmem:v25+s17+$0x0], $0xffff  }
0x16d: {  	v27 =	vadd.s32 $0x1F40, v10;
	v22 =	vld.idx.msk [tilespmem:v28+s16+$0x0], $0xffff  }
0x16e: {  	v19 =	vadd.f32 v26, v19;
	v16 =	vld.idx.msk [tilespmem:v16+s17+$0x0], $0xffff;
	[tilespmem:v2+s30+$0x200 ss:$0x1] =	vst.idx.msk $0xffff, v15;
	v15 =	vadd.s32 $0x6D60, v4  }
0x16f: {  	v26 =	vadd.s32 $0x6D60, v3;
	v18 =	vld.idx.msk [tilespmem:v18+s16+$0x0], $0xffff  }
0x170: {  	v17 =	vadd.f32 v21, v17;
	[tilespmem:v2+s0+$0xFFFFFB80 ss:$0x1] =	vst.idx.msk $0xffff, v19;
	v19 =	vadd.s32 $0x3A98, v7;
	v24 =	vld.idx.msk [tilespmem:v24+s17+$0x0], $0xffff  }
0x171: {  	v21 =	vadd.s32 $0x3A98, v8;
	v28 =	vld.idx.msk [tilespmem:v23+s16+$0x0], $0xffff  }
0x172: {  	v29 =	vadd.s32 $0x7D0, v12;
	v20 =	vadd.f32 v25, v20;
	v27 =	vld.idx.msk [tilespmem:v27+s17+$0x0], $0xffff;
	[tilespmem:v2+s29+$0x580 ss:$0x1] =	vst.idx.msk $0xffff, v17  }
0x173: {  	v17 =	vadd.s32 $0x7D0, v11;
	v30 =	vld.idx.msk [tilespmem:v15+s16+$0x0], $0xffff  }
0x174: {  	v15 =	vadd.f32 v16, v22;
	v22 =	vadd.s32 $0x55F0, v5;
	[tilespmem:v2+s31+$0xFFFFFF00 ss:$0x1] =	vst.idx.msk $0xffff, v20;
	v31 =	vld.idx.msk [tilespmem:v26+s17+$0x0], $0xffff  }
0x175: {  	v20 =	vld.idx.msk [tilespmem:v19+s16+$0x0], $0xffff;
	v19 =	vadd.s32 $0x55F0, v6  }
.Ltmp2:
0x176: {  	v23 =	vadd.s32 $0x2328, v9;
	[tilespmem:v2+s5+$0xFFFFF880 ss:$0x1] =	vst.idx.msk $0xffff, v15;
	v21 =	vld.idx.msk [tilespmem:v21+s17+$0x0], $0xffff;
	v15 =	vadd.f32 v24, v18;
	(pc) =	sbr.rel @p1 .LBB2_8-.Ltmp2, $4  }
0x177: {  	v24 =	vadd.s32 $0x2328, v10;
	v25 =	vld.idx.msk [tilespmem:v29+s16+$0x0], $0xffff  }
0x178: {  	v16 =	vadd.s32 $0x7148, v4;
	v26 =	vld.idx.msk [tilespmem:v17+s17+$0x0], $0xffff;
	v17 =	vadd.f32 v27, v28;
	[tilespmem:v2+s30+$0x280 ss:$0x1] =	vst.idx.msk $0xffff, v15  }
0x179: {  	v15 =	vadd.s32 $0x7148, v3;
	v18 =	vld.idx.msk [tilespmem:v22+s16+$0x0], $0xffff  }
0x17a: {  	s6 =	sadd.s32 $0x40, s6;
	v22 =	vadd.s32 $0x3E80, v7;
	[tilespmem:v2+s0+$0xFFFFFC00 ss:$0x1] =	vst.idx.msk $0xffff, v17;
	v19 =	vld.idx.msk [tilespmem:v19+s17+$0x0], $0xffff;
	v17 =	vadd.f32 v31, v30  }
0x17b: {  	v13 =	vadd.s32 $0xBB8, v12  }
0x17c: {  	v14 =	vadd.s32 $0xBB8, v11  }
0x17d: {  	v25 =	vadd.f32 v26, v25;
	_ =	sdelay $0x1  }
0x17e: {  	[tilespmem:v2+s5+$0xFFFFF900 ss:$0x1] =	vst.idx.msk $0xffff, v25  }
0x17f: {  	v13 =	vld.idx.msk [tilespmem:v13+s16+$0x0], $0xffff  }
0x180: {  	v14 =	vld.idx.msk [tilespmem:v14+s17+$0x0], $0xffff;
	_ =	sdelay $0x2  }
0x181: {  	v37 =	vadd.s32 $0xFA0, v12  }
0x182: {  	v38 =	vadd.s32 $0xFA0, v11  }
0x183: {  	v13 =	vadd.f32 v14, v13;
	_ =	sdelay $0x1  }
0x184: {  	[tilespmem:v2+s5+$0xFFFFF980 ss:$0x1] =	vst.idx.msk $0xffff, v13  }
0x185: {  	v13 =	vld.idx.msk [tilespmem:v37+s16+$0x0], $0xffff  }
0x186: {  	v39 =	vld.idx.msk [tilespmem:v38+s17+$0x0], $0xffff;
	_ =	sdelay $0x2  }
0x187: {  	v40 =	vadd.s32 $0x1388, v12  }
0x188: {  	v41 =	vadd.s32 $0x1388, v11  }
0x189: {  	v13 =	vadd.f32 v39, v13;
	_ =	sdelay $0x1  }
0x18a: {  	[tilespmem:v2+s5+$0xFFFFFA00 ss:$0x1] =	vst.idx.msk $0xffff, v13  }
0x18b: {  	v13 =	vld.idx.msk [tilespmem:v40+s16+$0x0], $0xffff  }
0x18c: {  	v42 =	vld.idx.msk [tilespmem:v41+s17+$0x0], $0xffff;
	_ =	sdelay $0x2  }
0x18d: {  	v43 =	vadd.s32 $0x1770, v12  }
0x18e: {  	v44 =	vadd.s32 $0x1770, v11  }
0x18f: {  	v13 =	vadd.f32 v42, v13;
	_ =	sdelay $0x1  }
0x190: {  	[tilespmem:v2+s5+$0xFFFFFA80 ss:$0x1] =	vst.idx.msk $0xffff, v13  }
0x191: {  	v13 =	vld.idx.msk [tilespmem:v43+s16+$0x0], $0xffff  }
0x192: {  	v45 =	vld.idx.msk [tilespmem:v44+s17+$0x0], $0xffff;
	_ =	sdelay $0x2  }
0x193: {  	v46 =	vadd.s32 $0x1B58, v12  }
0x194: {  	v47 =	vadd.s32 $0x1B58, v11  }
0x195: {  	v13 =	vadd.f32 v45, v13;
	_ =	sdelay $0x1  }
0x196: {  	[tilespmem:v2+s5+$0xFFFFFB00 ss:$0x1] =	vst.idx.msk $0xffff, v13  }
0x197: {  	v13 =	vld.idx.msk [tilespmem:v46+s16+$0x0], $0xffff  }
0x198: {  	v48 =	vld.idx.msk [tilespmem:v47+s17+$0x0], $0xffff;
	_ =	sdelay $0x2  }
0x199: {  	v49 =	vadd.s32 $0x1F40, v12  }
0x19a: {  	v50 =	vadd.s32 $0x1F40, v11  }
0x19b: {  	v13 =	vadd.f32 v48, v13;
	_ =	sdelay $0x1  }
0x19c: {  	[tilespmem:v2+s5+$0xFFFFFB80 ss:$0x1] =	vst.idx.msk $0xffff, v13  }
0x19d: {  	v13 =	vld.idx.msk [tilespmem:v49+s16+$0x0], $0xffff  }
0x19e: {  	v51 =	vld.idx.msk [tilespmem:v50+s17+$0x0], $0xffff;
	_ =	sdelay $0x2  }
0x19f: {  	v52 =	vadd.s32 $0x2328, v12  }
0x1a0: {  	v53 =	vadd.s32 $0x2328, v11;
	v54 =	vld.idx.msk [tilespmem:v23+s16+$0x0], $0xffff  }
0x1a1: {  	v55 =	vld.idx.msk [tilespmem:v24+s17+$0x0], $0xffff;
	v13 =	vadd.f32 v51, v13;
	_ =	sdelay $0x1  }
0x1a2: {  	[tilespmem:v2+s5+$0xFFFFFC00 ss:$0x1] =	vst.idx.msk $0xffff, v13  }
0x1a3: {  	v57 =	vadd.s32 $0x2710, v9;
	v13 =	vld.idx.msk [tilespmem:v52+s16+$0x0], $0xffff  }
0x1a4: {  	v58 =	vadd.s32 $0x2710, v10;
	v56 =	vld.idx.msk [tilespmem:v53+s17+$0x0], $0xffff  }
0x1a5: {  	v14 =	vadd.f32 v55, v54;
	_ =	sdelay $0x1  }
0x1a6: {  	v59 =	vadd.s32 $0x2710, v12;
	[tilespmem:v2+s0+$0xFFFFFC80 ss:$0x1] =	vst.idx.msk $0xffff, v14  }
0x1a7: {  	v27 =	vadd.s32 $0x2710, v11;
	v14 =	vld.idx.msk [tilespmem:v57+s16+$0x0], $0xffff  }
0x1a8: {  	v60 =	vld.idx.msk [tilespmem:v58+s17+$0x0], $0xffff;
	v13 =	vadd.f32 v56, v13;
	_ =	sdelay $0x1  }
0x1a9: {  	[tilespmem:v2+s5+$0xFFFFFC80 ss:$0x1] =	vst.idx.msk $0xffff, v13  }
0x1aa: {  	v62 =	vadd.s32 $0x2AF8, v9;
	v13 =	vld.idx.msk [tilespmem:v59+s16+$0x0], $0xffff  }
0x1ab: {  	v63 =	vadd.s32 $0x2AF8, v10;
	v61 =	vld.idx.msk [tilespmem:v27+s17+$0x0], $0xffff  }
0x1ac: {  	v14 =	vadd.f32 v60, v14;
	_ =	sdelay $0x1  }
0x1ad: {  	v30 =	vadd.s32 $0x2AF8, v12;
	[tilespmem:v2+s0+$0xFFFFFD00 ss:$0x1] =	vst.idx.msk $0xffff, v14  }
0x1ae: {  	v31 =	vadd.s32 $0x2AF8, v11;
	v14 =	vld.idx.msk [tilespmem:v62+s16+$0x0], $0xffff  }
0x1af: {  	v32 =	vld.idx.msk [tilespmem:v63+s17+$0x0], $0xffff;
	v13 =	vadd.f32 v61, v13;
	_ =	sdelay $0x1  }
0x1b0: {  	[tilespmem:v2+s5+$0xFFFFFD00 ss:$0x1] =	vst.idx.msk $0xffff, v13  }
0x1b1: {  	v34 =	vadd.s32 $0x2EE0, v9;
	v13 =	vld.idx.msk [tilespmem:v30+s16+$0x0], $0xffff  }
0x1b2: {  	v35 =	vadd.s32 $0x2EE0, v10;
	v33 =	vld.idx.msk [tilespmem:v31+s17+$0x0], $0xffff  }
0x1b3: {  	v14 =	vadd.f32 v32, v14;
	_ =	sdelay $0x1  }
0x1b4: {  	v36 =	vadd.s32 $0x2EE0, v12;
	[tilespmem:v2+s0+$0xFFFFFD80 ss:$0x1] =	vst.idx.msk $0xffff, v14  }
0x1b5: {  	v37 =	vadd.s32 $0x2EE0, v11;
	v14 =	vld.idx.msk [tilespmem:v34+s16+$0x0], $0xffff  }
0x1b6: {  	v38 =	vld.idx.msk [tilespmem:v35+s17+$0x0], $0xffff;
	v13 =	vadd.f32 v33, v13;
	_ =	sdelay $0x1  }
0x1b7: {  	[tilespmem:v2+s5+$0xFFFFFD80 ss:$0x1] =	vst.idx.msk $0xffff, v13  }
0x1b8: {  	v40 =	vadd.s32 $0x32C8, v9;
	v13 =	vld.idx.msk [tilespmem:v36+s16+$0x0], $0xffff  }
0x1b9: {  	v41 =	vadd.s32 $0x32C8, v10;
	v39 =	vld.idx.msk [tilespmem:v37+s17+$0x0], $0xffff  }
0x1ba: {  	v14 =	vadd.f32 v38, v14;
	_ =	sdelay $0x1  }
0x1bb: {  	v42 =	vadd.s32 $0x32C8, v12;
	[tilespmem:v2+s0+$0xFFFFFE00 ss:$0x1] =	vst.idx.msk $0xffff, v14  }
0x1bc: {  	v43 =	vadd.s32 $0x32C8, v11;
	v14 =	vld.idx.msk [tilespmem:v40+s16+$0x0], $0xffff  }
0x1bd: {  	v44 =	vld.idx.msk [tilespmem:v41+s17+$0x0], $0xffff;
	v13 =	vadd.f32 v39, v13;
	_ =	sdelay $0x1  }
0x1be: {  	[tilespmem:v2+s5+$0xFFFFFE00 ss:$0x1] =	vst.idx.msk $0xffff, v13  }
0x1bf: {  	v46 =	vadd.s32 $0x36B0, v9;
	v13 =	vld.idx.msk [tilespmem:v42+s16+$0x0], $0xffff  }
0x1c0: {  	v47 =	vadd.s32 $0x36B0, v10;
	v45 =	vld.idx.msk [tilespmem:v43+s17+$0x0], $0xffff  }
0x1c1: {  	v14 =	vadd.f32 v44, v14;
	_ =	sdelay $0x1  }
0x1c2: {  	v48 =	vadd.s32 $0x36B0, v12;
	[tilespmem:v2+s0+$0xFFFFFE80 ss:$0x1] =	vst.idx.msk $0xffff, v14  }
0x1c3: {  	v49 =	vadd.s32 $0x36B0, v11;
	v14 =	vld.idx.msk [tilespmem:v46+s16+$0x0], $0xffff  }
0x1c4: {  	v50 =	vld.idx.msk [tilespmem:v47+s17+$0x0], $0xffff;
	v13 =	vadd.f32 v45, v13;
	_ =	sdelay $0x1  }
0x1c5: {  	[tilespmem:v2+s5+$0xFFFFFE80 ss:$0x1] =	vst.idx.msk $0xffff, v13  }
0x1c6: {  	v52 =	vadd.s32 $0x3A98, v9;
	v13 =	vld.idx.msk [tilespmem:v48+s16+$0x0], $0xffff  }
0x1c7: {  	v53 =	vadd.s32 $0x3A98, v10;
	v51 =	vld.idx.msk [tilespmem:v49+s17+$0x0], $0xffff  }
0x1c8: {  	v14 =	vadd.f32 v50, v14;
	_ =	sdelay $0x1  }
0x1c9: {  	v54 =	vadd.s32 $0x3A98, v12;
	[tilespmem:v2+s0+$0xFFFFFF00 ss:$0x1] =	vst.idx.msk $0xffff, v14  }
0x1ca: {  	v55 =	vadd.s32 $0x3A98, v11;
	v14 =	vld.idx.msk [tilespmem:v52+s16+$0x0], $0xffff  }
0x1cb: {  	v56 =	vld.idx.msk [tilespmem:v53+s17+$0x0], $0xffff;
	v13 =	vadd.f32 v51, v13;
	_ =	sdelay $0x1  }
0x1cc: {  	[tilespmem:v2+s5+$0xFFFFFF00 ss:$0x1] =	vst.idx.msk $0xffff, v13  }
0x1cd: {  	v59 =	vadd.s32 $0x3E80, v9;
	v13 =	vld.idx.msk [tilespmem:v54+s16+$0x0], $0xffff  }
0x1ce: {  	v60 =	vadd.s32 $0x3E80, v10;
	v58 =	vld.idx.msk [tilespmem:v55+s17+$0x0], $0xffff  }
0x1cf: {  	v14 =	vadd.f32 v56, v14  }
0x1d0: {  	v57 =	vadd.s32 $0x3E80, v8  }
0x1d1: {  	v20 =	vadd.f32 v21, v20;
	[tilespmem:v2+s0+$0xFFFFFF80 ss:$0x1] =	vst.idx.msk $0xffff, v14;
	v61 =	vadd.s32 $0x3E80, v12  }
0x1d2: {  	v62 =	vadd.s32 $0x3E80, v11;
	v14 =	vld.idx.msk [tilespmem:v59+s16+$0x0], $0xffff  }
0x1d3: {  	[tilespmem:v2+s31+$0xFFFFFF80 ss:$0x1] =	vst.idx.msk $0xffff, v20;
	v63 =	vld.idx.msk [tilespmem:v60+s17+$0x0], $0xffff;
	v13 =	vadd.f32 v58, v13  }
0x1d4: {  	v22 =	vld.idx.msk [tilespmem:v22+s16+$0x0], $0xffff  }
0x1d5: {  	v24 =	vld.idx.msk [tilespmem:v57+s17+$0x0], $0xffff;
	[tilespmem:v2+s5+$0xFFFFFF80 ss:$0x1] =	vst.idx.msk $0xffff, v13  }
0x1d6: {  	v30 =	vadd.s32 $0x4268, v9;
	v20 =	vld.idx.msk [tilespmem:v61+s16+$0x0], $0xffff  }
0x1d7: {  	v31 =	vadd.s32 $0x4268, v10;
	v23 =	vld.idx.msk [tilespmem:v62+s17+$0x0], $0xffff  }
0x1d8: {  	v29 =	vadd.s32 $0x4268, v8;
	v14 =	vadd.f32 v63, v14  }
0x1d9: {  	v28 =	vadd.s32 $0x4268, v7  }
0x1da: {  	v22 =	vadd.f32 v24, v22;
	v32 =	vadd.s32 $0x4268, v12;
	[tilespmem:v2+s0+$0x0 ss:$0x1] =	vst.idx.msk $0xffff, v14  }
0x1db: {  	v33 =	vadd.s32 $0x4268, v11;
	v35 =	vld.idx.msk [tilespmem:v30+s16+$0x0], $0xffff  }
0x1dc: {  	[tilespmem:v2+s31+$0x0 ss:$0x1] =	vst.idx.msk $0xffff, v22;
	v36 =	vld.idx.msk [tilespmem:v31+s17+$0x0], $0xffff;
	v34 =	vadd.f32 v23, v20  }
0x1dd: {  	v25 =	vld.idx.msk [tilespmem:v29+s17+$0x0], $0xffff  }
0x1de: {  	v13 =	vld.idx.msk [tilespmem:v28+s16+$0x0], $0xffff;
	[tilespmem:v2+s5+$0x0 ss:$0x1] =	vst.idx.msk $0xffff, v34  }
0x1df: {  	v40 =	vadd.s32 $0x4650, v10;
	v21 =	vld.idx.msk [tilespmem:v32+s16+$0x0], $0xffff  }
0x1e0: {  	v39 =	vadd.s32 $0x4650, v9;
	v22 =	vld.idx.msk [tilespmem:v33+s17+$0x0], $0xffff  }
0x1e1: {  	v37 =	vadd.s32 $0x4650, v7;
	v41 =	vadd.f32 v36, v35  }
0x1e2: {  	v38 =	vadd.s32 $0x4650, v8  }
0x1e3: {  	[tilespmem:v2+s0+$0x80 ss:$0x1] =	vst.idx.msk $0xffff, v41;
	v42 =	vadd.s32 $0x4650, v12;
	v13 =	vadd.f32 v25, v13  }
0x1e4: {  	v43 =	vadd.s32 $0x4650, v11;
	v46 =	vld.idx.msk [tilespmem:v40+s17+$0x0], $0xffff  }
0x1e5: {  	v45 =	vld.idx.msk [tilespmem:v39+s16+$0x0], $0xffff;
	[tilespmem:v2+s31+$0x80 ss:$0x1] =	vst.idx.msk $0xffff, v13;
	v44 =	vadd.f32 v22, v21  }
0x1e6: {  	v14 =	vld.idx.msk [tilespmem:v37+s16+$0x0], $0xffff  }
0x1e7: {  	v24 =	vld.idx.msk [tilespmem:v38+s17+$0x0], $0xffff;
	[tilespmem:v2+s5+$0x80 ss:$0x1] =	vst.idx.msk $0xffff, v44  }
0x1e8: {  	v49 =	vadd.s32 $0x4A38, v9;
	v20 =	vld.idx.msk [tilespmem:v42+s16+$0x0], $0xffff  }
0x1e9: {  	v50 =	vadd.s32 $0x4A38, v10;
	v23 =	vld.idx.msk [tilespmem:v43+s17+$0x0], $0xffff  }
0x1ea: {  	v47 =	vadd.s32 $0x4A38, v7;
	v51 =	vadd.f32 v46, v45  }
0x1eb: {  	v48 =	vadd.s32 $0x4A38, v8  }
0x1ec: {  	v52 =	vadd.s32 $0x4A38, v12;
	[tilespmem:v2+s0+$0x100 ss:$0x1] =	vst.idx.msk $0xffff, v51;
	v14 =	vadd.f32 v24, v14  }
0x1ed: {  	v53 =	vadd.s32 $0x4A38, v11;
	v55 =	vld.idx.msk [tilespmem:v49+s16+$0x0], $0xffff  }
0x1ee: {  	v56 =	vld.idx.msk [tilespmem:v50+s17+$0x0], $0xffff;
	[tilespmem:v2+s31+$0x100 ss:$0x1] =	vst.idx.msk $0xffff, v14;
	v54 =	vadd.f32 v23, v20  }
0x1ef: {  	v13 =	vld.idx.msk [tilespmem:v47+s16+$0x0], $0xffff  }
0x1f0: {  	v25 =	vld.idx.msk [tilespmem:v48+s17+$0x0], $0xffff;
	[tilespmem:v2+s5+$0x100 ss:$0x1] =	vst.idx.msk $0xffff, v54  }
0x1f1: {  	v59 =	vadd.s32 $0x4E20, v9;
	v21 =	vld.idx.msk [tilespmem:v52+s16+$0x0], $0xffff  }
0x1f2: {  	v60 =	vadd.s32 $0x4E20, v10;
	v22 =	vld.idx.msk [tilespmem:v53+s17+$0x0], $0xffff  }
0x1f3: {  	v57 =	vadd.s32 $0x4E20, v7;
	v61 =	vadd.f32 v56, v55  }
0x1f4: {  	v58 =	vadd.s32 $0x4E20, v8  }
0x1f5: {  	v62 =	vadd.s32 $0x4E20, v12;
	[tilespmem:v2+s0+$0x180 ss:$0x1] =	vst.idx.msk $0xffff, v61;
	v13 =	vadd.f32 v25, v13  }
0x1f6: {  	v63 =	vadd.s32 $0x4E20, v11;
	v29 =	vld.idx.msk [tilespmem:v59+s16+$0x0], $0xffff  }
0x1f7: {  	v30 =	vld.idx.msk [tilespmem:v60+s17+$0x0], $0xffff;
	[tilespmem:v2+s31+$0x180 ss:$0x1] =	vst.idx.msk $0xffff, v13;
	v28 =	vadd.f32 v22, v21  }
0x1f8: {  	v14 =	vld.idx.msk [tilespmem:v57+s16+$0x0], $0xffff  }
0x1f9: {  	v24 =	vld.idx.msk [tilespmem:v58+s17+$0x0], $0xffff;
	[tilespmem:v2+s5+$0x180 ss:$0x1] =	vst.idx.msk $0xffff, v28  }
0x1fa: {  	v34 =	vadd.s32 $0x5208, v10;
	v20 =	vld.idx.msk [tilespmem:v62+s16+$0x0], $0xffff  }
0x1fb: {  	v33 =	vadd.s32 $0x5208, v9;
	v23 =	vld.idx.msk [tilespmem:v63+s17+$0x0], $0xffff  }
0x1fc: {  	v31 =	vadd.s32 $0x5208, v7;
	v35 =	vadd.f32 v30, v29  }
0x1fd: {  	v32 =	vadd.s32 $0x5208, v8  }
0x1fe: {  	v36 =	vadd.s32 $0x5208, v12;
	[tilespmem:v2+s0+$0x200 ss:$0x1] =	vst.idx.msk $0xffff, v35;
	v14 =	vadd.f32 v24, v14  }
0x1ff: {  	v37 =	vadd.s32 $0x5208, v11;
	v40 =	vld.idx.msk [tilespmem:v34+s17+$0x0], $0xffff  }
0x200: {  	v39 =	vld.idx.msk [tilespmem:v33+s16+$0x0], $0xffff;
	[tilespmem:v2+s31+$0x200 ss:$0x1] =	vst.idx.msk $0xffff, v14;
	v38 =	vadd.f32 v23, v20  }
0x201: {  	v13 =	vld.idx.msk [tilespmem:v31+s16+$0x0], $0xffff  }
0x202: {  	v25 =	vld.idx.msk [tilespmem:v32+s17+$0x0], $0xffff;
	[tilespmem:v2+s5+$0x200 ss:$0x1] =	vst.idx.msk $0xffff, v38  }
0x203: {  	v43 =	vadd.s32 $0x55F0, v9;
	v21 =	vld.idx.msk [tilespmem:v36+s16+$0x0], $0xffff  }
0x204: {  	v44 =	vadd.s32 $0x55F0, v10;
	v22 =	vld.idx.msk [tilespmem:v37+s17+$0x0], $0xffff  }
0x205: {  	v41 =	vadd.s32 $0x55F0, v7;
	v45 =	vadd.f32 v40, v39  }
0x206: {  	v42 =	vadd.s32 $0x55F0, v8  }
0x207: {  	v46 =	vadd.s32 $0x55F0, v12;
	[tilespmem:v2+s0+$0x280 ss:$0x1] =	vst.idx.msk $0xffff, v45;
	v13 =	vadd.f32 v25, v13  }
0x208: {  	v47 =	vadd.s32 $0x55F0, v11;
	v50 =	vld.idx.msk [tilespmem:v43+s16+$0x0], $0xffff  }
0x209: {  	v26 =	vld.idx.msk [tilespmem:v44+s17+$0x0], $0xffff;
	[tilespmem:v2+s31+$0x280 ss:$0x1] =	vst.idx.msk $0xffff, v13;
	v48 =	vadd.f32 v22, v21  }
0x20a: {  	v51 =	vadd.s32 $0x59D8, v6;
	v14 =	vld.idx.msk [tilespmem:v41+s16+$0x0], $0xffff  }
0x20b: {  	v49 =	vadd.s32 $0x59D8, v5;
	v24 =	vld.idx.msk [tilespmem:v42+s17+$0x0], $0xffff;
	[tilespmem:v2+s5+$0x280 ss:$0x1] =	vst.idx.msk $0xffff, v48  }
0x20c: {  	v57 =	vadd.s32 $0x59D8, v9;
	v52 =	vadd.f32 v19, v18;
	v54 =	vld.idx.msk [tilespmem:v46+s16+$0x0], $0xffff  }
0x20d: {  	v58 =	vadd.s32 $0x59D8, v10;
	v23 =	vld.idx.msk [tilespmem:v47+s17+$0x0], $0xffff  }
0x20e: {  	v53 =	vadd.s32 $0x59D8, v7;
	[tilespmem:v2+s30+$0x300 ss:$0x1] =	vst.idx.msk $0xffff, v52;
	v59 =	vadd.f32 v26, v50  }
0x20f: {  	v55 =	vadd.s32 $0x59D8, v8;
	v25 =	vld.idx.msk [tilespmem:v51+s17+$0x0], $0xffff  }
0x210: {  	v60 =	vadd.s32 $0x59D8, v12;
	[tilespmem:v2+s0+$0x300 ss:$0x1] =	vst.idx.msk $0xffff, v59;
	v56 =	vadd.f32 v24, v14;
	v21 =	vld.idx.msk [tilespmem:v49+s16+$0x0], $0xffff  }
0x211: {  	v61 =	vadd.s32 $0x59D8, v11;
	v14 =	vld.idx.msk [tilespmem:v57+s16+$0x0], $0xffff  }
0x212: {  	v24 =	vld.idx.msk [tilespmem:v58+s17+$0x0], $0xffff;
	[tilespmem:v2+s31+$0x300 ss:$0x1] =	vst.idx.msk $0xffff, v56;
	v62 =	vadd.f32 v23, v54  }
0x213: {  	v63 =	vadd.s32 $0x5DC0, v5;
	v18 =	vld.idx.msk [tilespmem:v53+s16+$0x0], $0xffff  }
0x214: {  	v28 =	vadd.s32 $0x5DC0, v6;
	v20 =	vld.idx.msk [tilespmem:v55+s17+$0x0], $0xffff;
	[tilespmem:v2+s5+$0x300 ss:$0x1] =	vst.idx.msk $0xffff, v62  }
0x215: {  	v33 =	vadd.s32 $0x5DC0, v9;
	v29 =	vadd.f32 v25, v21;
	v22 =	vld.idx.msk [tilespmem:v60+s16+$0x0], $0xffff  }
0x216: {  	v34 =	vadd.s32 $0x5DC0, v10;
	v26 =	vld.idx.msk [tilespmem:v61+s17+$0x0], $0xffff  }
0x217: {  	v30 =	vadd.s32 $0x5DC0, v7;
	v35 =	vadd.f32 v24, v14;
	[tilespmem:v2+s30+$0x380 ss:$0x1] =	vst.idx.msk $0xffff, v29  }
0x218: {  	v31 =	vadd.s32 $0x5DC0, v8;
	v19 =	vld.idx.msk [tilespmem:v63+s16+$0x0], $0xffff  }
0x219: {  	v36 =	vadd.s32 $0x5DC0, v12;
	[tilespmem:v2+s0+$0x380 ss:$0x1] =	vst.idx.msk $0xffff, v35;
	v32 =	vadd.f32 v20, v18;
	v23 =	vld.idx.msk [tilespmem:v28+s17+$0x0], $0xffff  }
0x21a: {  	v37 =	vadd.s32 $0x5DC0, v11;
	v18 =	vld.idx.msk [tilespmem:v33+s16+$0x0], $0xffff  }
0x21b: {  	v20 =	vld.idx.msk [tilespmem:v34+s17+$0x0], $0xffff;
	[tilespmem:v2+s31+$0x380 ss:$0x1] =	vst.idx.msk $0xffff, v32;
	v38 =	vadd.f32 v26, v22  }
0x21c: {  	v39 =	vadd.s32 $0x61A8, v5;
	v21 =	vld.idx.msk [tilespmem:v30+s16+$0x0], $0xffff  }
0x21d: {  	v40 =	vadd.s32 $0x61A8, v6;
	v25 =	vld.idx.msk [tilespmem:v31+s17+$0x0], $0xffff;
	[tilespmem:v2+s5+$0x380 ss:$0x1] =	vst.idx.msk $0xffff, v38  }
0x21e: {  	v45 =	vadd.s32 $0x61A8, v9;
	v41 =	vadd.f32 v23, v19;
	v14 =	vld.idx.msk [tilespmem:v36+s16+$0x0], $0xffff  }
0x21f: {  	v46 =	vadd.s32 $0x61A8, v10;
	v24 =	vld.idx.msk [tilespmem:v37+s17+$0x0], $0xffff  }
0x220: {  	v42 =	vadd.s32 $0x61A8, v7;
	v47 =	vadd.f32 v20, v18;
	[tilespmem:v2+s30+$0x400 ss:$0x1] =	vst.idx.msk $0xffff, v41  }
0x221: {  	v43 =	vadd.s32 $0x61A8, v8;
	v22 =	vld.idx.msk [tilespmem:v39+s16+$0x0], $0xffff  }
0x222: {  	v48 =	vadd.s32 $0x61A8, v12;
	[tilespmem:v2+s0+$0x400 ss:$0x1] =	vst.idx.msk $0xffff, v47;
	v44 =	vadd.f32 v25, v21;
	v26 =	vld.idx.msk [tilespmem:v40+s17+$0x0], $0xffff  }
0x223: {  	v49 =	vadd.s32 $0x61A8, v11;
	v21 =	vld.idx.msk [tilespmem:v45+s16+$0x0], $0xffff  }
0x224: {  	v25 =	vld.idx.msk [tilespmem:v46+s17+$0x0], $0xffff;
	[tilespmem:v2+s31+$0x400 ss:$0x1] =	vst.idx.msk $0xffff, v44;
	v50 =	vadd.f32 v24, v14  }
0x225: {  	v51 =	vadd.s32 $0x6590, v5;
	v19 =	vld.idx.msk [tilespmem:v42+s16+$0x0], $0xffff  }
0x226: {  	v52 =	vadd.s32 $0x6590, v6;
	v23 =	vld.idx.msk [tilespmem:v43+s17+$0x0], $0xffff;
	[tilespmem:v2+s5+$0x400 ss:$0x1] =	vst.idx.msk $0xffff, v50  }
0x227: {  	v57 =	vadd.s32 $0x6590, v9;
	v53 =	vadd.f32 v26, v22;
	v18 =	vld.idx.msk [tilespmem:v48+s16+$0x0], $0xffff  }
0x228: {  	[tilespmem:v2+s29+$0x600 ss:$0x1] =	vst.idx.msk $0xffff, v17;
	v58 =	vadd.s32 $0x6590, v10;
	v20 =	vld.idx.msk [tilespmem:v49+s17+$0x0], $0xffff  }
0x229: {  	v16 =	vld.idx.msk [tilespmem:v16+s16+$0x0], $0xffff;
	v54 =	vadd.s32 $0x6590, v7;
	v59 =	vadd.f32 v25, v21;
	[tilespmem:v2+s30+$0x480 ss:$0x1] =	vst.idx.msk $0xffff, v53  }
0x22a: {  	v55 =	vadd.s32 $0x6590, v8;
	v14 =	vld.idx.msk [tilespmem:v51+s16+$0x0], $0xffff  }
0x22b: {  	v60 =	vadd.s32 $0x6590, v12;
	[tilespmem:v2+s0+$0x480 ss:$0x1] =	vst.idx.msk $0xffff, v59;
	v56 =	vadd.f32 v23, v19;
	v24 =	vld.idx.msk [tilespmem:v52+s17+$0x0], $0xffff  }
0x22c: {  	v61 =	vadd.s32 $0x6590, v11;
	v19 =	vld.idx.msk [tilespmem:v57+s16+$0x0], $0xffff  }
0x22d: {  	v23 =	vld.idx.msk [tilespmem:v58+s17+$0x0], $0xffff;
	[tilespmem:v2+s31+$0x480 ss:$0x1] =	vst.idx.msk $0xffff, v56;
	v62 =	vadd.f32 v20, v18  }
0x22e: {  	v63 =	vadd.s32 $0x6978, v5;
	v22 =	vld.idx.msk [tilespmem:v54+s16+$0x0], $0xffff  }
0x22f: {  	v28 =	vadd.s32 $0x6978, v6;
	v17 =	vld.idx.msk [tilespmem:v55+s17+$0x0], $0xffff;
	[tilespmem:v2+s5+$0x480 ss:$0x1] =	vst.idx.msk $0xffff, v62  }
0x230: {  	v33 =	vadd.s32 $0x6978, v9;
	v29 =	vadd.f32 v24, v14;
	v21 =	vld.idx.msk [tilespmem:v60+s16+$0x0], $0xffff  }
0x231: {  	v34 =	vadd.s32 $0x6978, v10;
	v25 =	vld.idx.msk [tilespmem:v61+s17+$0x0], $0xffff  }
0x232: {  	v15 =	vld.idx.msk [tilespmem:v15+s17+$0x0], $0xffff;
	v30 =	vadd.s32 $0x6978, v7;
	v35 =	vadd.f32 v23, v19;
	[tilespmem:v2+s30+$0x500 ss:$0x1] =	vst.idx.msk $0xffff, v29  }
0x233: {  	v31 =	vadd.s32 $0x6978, v8;
	v18 =	vld.idx.msk [tilespmem:v63+s16+$0x0], $0xffff  }
0x234: {  	v36 =	vadd.s32 $0x6978, v12;
	[tilespmem:v2+s0+$0x500 ss:$0x1] =	vst.idx.msk $0xffff, v35;
	v32 =	vadd.f32 v17, v22;
	v20 =	vld.idx.msk [tilespmem:v28+s17+$0x0], $0xffff  }
0x235: {  	v37 =	vadd.s32 $0x6978, v11;
	v17 =	vld.idx.msk [tilespmem:v33+s16+$0x0], $0xffff  }
0x236: {  	v38 =	vadd.s32 $0x7530, v4;
	v22 =	vld.idx.msk [tilespmem:v34+s17+$0x0], $0xffff;
	[tilespmem:v2+s31+$0x500 ss:$0x1] =	vst.idx.msk $0xffff, v32;
	v39 =	vadd.f32 v25, v21  }
0x237: {  	v40 =	vadd.s32 $0x6D60, v5;
	v14 =	vld.idx.msk [tilespmem:v30+s16+$0x0], $0xffff  }
0x238: {  	v15 =	vadd.f32 v15, v16;
	v41 =	vadd.s32 $0x6D60, v6;
	v24 =	vld.idx.msk [tilespmem:v31+s17+$0x0], $0xffff;
	[tilespmem:v2+s5+$0x500 ss:$0x1] =	vst.idx.msk $0xffff, v39  }
0x239: {  	v48 =	vadd.s32 $0x6D60, v9;
	v42 =	vadd.f32 v20, v18;
	v19 =	vld.idx.msk [tilespmem:v36+s16+$0x0], $0xffff  }
0x23a: {  	[tilespmem:v2+s29+$0x680 ss:$0x1] =	vst.idx.msk $0xffff, v15;
	v49 =	vadd.s32 $0x6D60, v10;
	v45 =	vld.idx.msk [tilespmem:v37+s17+$0x0], $0xffff  }
0x23b: {  	v43 =	vadd.s32 $0x6D60, v7;
	v46 =	vld.idx.msk [tilespmem:v38+s16+$0x0], $0xffff;
	v50 =	vadd.f32 v22, v17;
	[tilespmem:v2+s30+$0x580 ss:$0x1] =	vst.idx.msk $0xffff, v42  }
0x23c: {  	v44 =	vadd.s32 $0x6D60, v8;
	v21 =	vld.idx.msk [tilespmem:v40+s16+$0x0], $0xffff  }
0x23d: {  	v51 =	vadd.s32 $0x6D60, v12;
	[tilespmem:v2+s0+$0x580 ss:$0x1] =	vst.idx.msk $0xffff, v50;
	v47 =	vadd.f32 v24, v14;
	v16 =	vld.idx.msk [tilespmem:v41+s17+$0x0], $0xffff  }
0x23e: {  	v52 =	vadd.s32 $0x6D60, v11;
	v14 =	vld.idx.msk [tilespmem:v48+s16+$0x0], $0xffff  }
0x23f: {  	v53 =	vadd.s32 $0x7530, v3;
	v24 =	vld.idx.msk [tilespmem:v49+s17+$0x0], $0xffff;
	[tilespmem:v2+s31+$0x580 ss:$0x1] =	vst.idx.msk $0xffff, v47;
	v54 =	vadd.f32 v45, v19  }
0x240: {  	v55 =	vadd.s32 $0x7148, v5;
	v18 =	vld.idx.msk [tilespmem:v43+s16+$0x0], $0xffff  }
0x241: {  	v56 =	vadd.s32 $0x7148, v6;
	v15 =	vld.idx.msk [tilespmem:v44+s17+$0x0], $0xffff;
	[tilespmem:v2+s5+$0x580 ss:$0x1] =	vst.idx.msk $0xffff, v54  }
0x242: {  	v61 =	vadd.s32 $0x7148, v9;
	v57 =	vadd.f32 v16, v21;
	v17 =	vld.idx.msk [tilespmem:v51+s16+$0x0], $0xffff  }
0x243: {  	v63 =	vadd.s32 $0x7148, v10;
	v22 =	vld.idx.msk [tilespmem:v52+s17+$0x0], $0xffff  }
0x244: {  	v58 =	vadd.s32 $0x7148, v7;
	v25 =	vld.idx.msk [tilespmem:v53+s17+$0x0], $0xffff;
	v28 =	vadd.f32 v24, v14;
	[tilespmem:v2+s30+$0x600 ss:$0x1] =	vst.idx.msk $0xffff, v57  }
0x245: {  	v59 =	vadd.s32 $0x7148, v8;
	v62 =	vld.idx.msk [tilespmem:v55+s16+$0x0], $0xffff  }
0x246: {  	v29 =	vadd.s32 $0x7148, v12;
	[tilespmem:v2+s0+$0x600 ss:$0x1] =	vst.idx.msk $0xffff, v28;
	v60 =	vadd.f32 v15, v18;
	v20 =	vld.idx.msk [tilespmem:v56+s17+$0x0], $0xffff  }
0x247: {  	v30 =	vadd.s32 $0x7148, v11;
	v15 =	vld.idx.msk [tilespmem:v61+s16+$0x0], $0xffff  }
0x248: {  	v31 =	vadd.s32 $0x7918, v4;
	v19 =	vld.idx.msk [tilespmem:v63+s17+$0x0], $0xffff;
	[tilespmem:v2+s31+$0x600 ss:$0x1] =	vst.idx.msk $0xffff, v60;
	v32 =	vadd.f32 v22, v17  }
0x249: {  	v33 =	vadd.s32 $0x7530, v5;
	v16 =	vld.idx.msk [tilespmem:v58+s16+$0x0], $0xffff  }
0x24a: {  	v35 =	vadd.s32 $0x7530, v6;
	v34 =	vadd.f32 v25, v46;
	v21 =	vld.idx.msk [tilespmem:v59+s17+$0x0], $0xffff;
	[tilespmem:v2+s5+$0x600 ss:$0x1] =	vst.idx.msk $0xffff, v32  }
0x24b: {  	v41 =	vadd.s32 $0x7530, v9;
	v36 =	vadd.f32 v20, v62;
	v14 =	vld.idx.msk [tilespmem:v29+s16+$0x0], $0xffff  }
0x24c: {  	v42 =	vadd.s32 $0x7530, v10;
	[tilespmem:v2+s29+$0x700 ss:$0x1] =	vst.idx.msk $0xffff, v34;
	v39 =	vld.idx.msk [tilespmem:v30+s17+$0x0], $0xffff  }
0x24d: {  	v37 =	vadd.s32 $0x7530, v7;
	v4 =	vld.idx.msk [tilespmem:v31+s16+$0x0], $0xffff;
	v43 =	vadd.f32 v19, v15;
	[tilespmem:v2+s30+$0x680 ss:$0x1] =	vst.idx.msk $0xffff, v36  }
0x24e: {  	v38 =	vadd.s32 $0x7530, v8;
	v17 =	vld.idx.msk [tilespmem:v33+s16+$0x0], $0xffff  }
0x24f: {  	v44 =	vadd.s32 $0x7530, v12;
	v40 =	vadd.f32 v21, v16;
	[tilespmem:v2+s0+$0x680 ss:$0x1] =	vst.idx.msk $0xffff, v43;
	v23 =	vld.idx.msk [tilespmem:v35+s17+$0x0], $0xffff  }
0x250: {  	v45 =	vadd.s32 $0x7530, v11;
	v48 =	vld.idx.msk [tilespmem:v41+s16+$0x0], $0xffff  }
0x251: {  	v3 =	vadd.s32 $0x7918, v3;
	v50 =	vld.idx.msk [tilespmem:v42+s17+$0x0], $0xffff;
	[tilespmem:v2+s31+$0x680 ss:$0x1] =	vst.idx.msk $0xffff, v40;
	v46 =	vadd.f32 v39, v14  }
0x252: {  	v47 =	vadd.s32 $0x7918, v5;
	v18 =	vld.idx.msk [tilespmem:v37+s16+$0x0], $0xffff  }
0x253: {  	v49 =	vadd.s32 $0x7918, v6;
	v20 =	vld.idx.msk [tilespmem:v38+s17+$0x0], $0xffff;
	[tilespmem:v2+s5+$0x680 ss:$0x1] =	vst.idx.msk $0xffff, v46  }
0x254: {  	v56 =	vadd.s32 $0x7918, v9;
	v51 =	vadd.f32 v23, v17;
	v15 =	vld.idx.msk [tilespmem:v44+s16+$0x0], $0xffff  }
0x255: {  	v57 =	vadd.s32 $0x7918, v10;
	v54 =	vld.idx.msk [tilespmem:v45+s17+$0x0], $0xffff  }
0x256: {  	v3 =	vld.idx.msk [tilespmem:v3+s17+$0x0], $0xffff;
	v52 =	vadd.s32 $0x7918, v7;
	v58 =	vadd.f32 v50, v48;
	[tilespmem:v2+s30+$0x700 ss:$0x1] =	vst.idx.msk $0xffff, v51  }
0x257: {  	v53 =	vadd.s32 $0x7918, v8;
	v5 =	vld.idx.msk [tilespmem:v47+s16+$0x0], $0xffff  }
0x258: {  	v59 =	vadd.s32 $0x7918, v12;
	v55 =	vadd.f32 v20, v18;
	[tilespmem:v2+s0+$0x700 ss:$0x1] =	vst.idx.msk $0xffff, v58;
	v6 =	vld.idx.msk [tilespmem:v49+s17+$0x0], $0xffff  }
0x259: {  	v60 =	vadd.s32 $0x7918, v11;
	v9 =	vld.idx.msk [tilespmem:v56+s16+$0x0], $0xffff  }
0x25a: {  	v10 =	vld.idx.msk [tilespmem:v57+s17+$0x0], $0xffff;
	[tilespmem:v2+s31+$0x700 ss:$0x1] =	vst.idx.msk $0xffff, v55;
	v61 =	vadd.f32 v54, v15  }
0x25b: {  	v7 =	vld.idx.msk [tilespmem:v52+s16+$0x0], $0xffff  }
0x25c: {  	v8 =	vld.idx.msk [tilespmem:v53+s17+$0x0], $0xffff;
	[tilespmem:v2+s5+$0x700 ss:$0x1] =	vst.idx.msk $0xffff, v61  }
0x25d: {  	v12 =	vld.idx.msk [tilespmem:v59+s16+$0x0], $0xffff  }
0x25e: {  	v11 =	vld.idx.msk [tilespmem:v60+s17+$0x0], $0xffff  }
0x25f: {  	v3 =	vadd.f32 v3, v4  }
0x260: {  	s23 =	sadd.s32 $0x1, s23;
	v62 =	vadd.f32 v6, v5  }
0x261: {  	p1 =	sne.s32 s23, $0x8;
	[tilespmem:v2+s29+$0x780 ss:$0x1] =	vst.idx.msk $0xffff, v3;
	v3 =	vadd.f32 v8, v7  }
.Ltmp3:
0x262: {  	s6 =	sshll.u32 s28, $0x12;
	v63 =	vadd.f32 v10, v9;
	[tilespmem:v2+s30+$0x780 ss:$0x1] =	vst.idx.msk $0xffff, v62;
	(pc) =	sbr.rel @p1 .LBB2_7-.Ltmp3, $4  }
0x263: {  	s6 =	sor.u32 s8, s6;
	[tilespmem:v2+s31+$0x780 ss:$0x1] =	vst.idx.msk $0xffff, v3;
	v3 =	vadd.f32 v11, v12  }
0x264: {  	s24 =	sadd.s32 $0x80, s24;
	[tilespmem:v2+s0+$0x780 ss:$0x1] =	vst.idx.msk $0xffff, v63;
	s31 =	sshrl.u32 s6, $0x3  }
0x265: {  	s25 =	sadd.s32 $0x80, s25;
	p0 =	por !p0, !p0;
	s0 =	sadd.s32 s3, s31;
	[tilespmem:v2+s5+$0x780 ss:$0x1] =	vst.idx.msk $0xffff, v3  }
0x266: {  	[hbm4b:s0+s19] =	stream.strided.scatter [tilespmem:s4], [sflag:$0x1], $0x1000, s20, s19, $0x38;
	[tilespmem:$0x19F00] =	vst v63  }
0x267: {  	s22 =	sadd.s32 $0x1, s22  }
0x268: {  	p0 =	sne.s32 s22, $0x19  }
.Ltmp4:
0x269: {  	_ = 	snop;
	(pc) =	sbr.rel @p0 .LBB2_6-.Ltmp4, $1  }
0x26a: {  	_ =	sdelay $0x3  }
0x26b: {  	_ =	swait.ge [sflag:s18], $0x1000  }
0x26c: {  	[sflag:s18] =	ssyncset.done $0x0  }
0x26d: {  	[sflag:s18] =	ssyncadd.s32 $0xFFFFF000  }
0x26e: {  	_ =	swait.ge [sflag:s18], $0x1000  }
0x26f: {  	[sflag:s18] =	ssyncset.done $0x0  }
0x270: {  	s0 =	simm.s32 $0x0;
	[sflag:s18] =	ssyncadd.s32 $0xFFFFF000  }
0x271: {  	[tilespmem:s0], [sflag:$0x2] =	stream.strided.gather [hbm4b:s9+s13], $0x7D00, s14, s13, $0x38;
	[tilespmem:$0x19F00] =	vst v63  }
0x272: {  	_ =	swait.ge [sflag:s15], $0x7D00  }
0x273: {  	v2 =	vmov s0;
	[sflag:s15] =	ssyncset.done $0x0  }
0x274: {  	s5 =	simm.s32 $0x10;
	v5 =	vand.u32 $0x3FF, v2;
	[sflag:s15] =	ssyncadd.s32 $0xFFFF8300  }
0x275: {  	v4 =	vadd.s32 v0, v5;
	v3 =	vld [tilespmem:s5+$0xFFFFFFF0];
	_ =	sdelay $0x2  }
0x276: {  	s31 =	simm.s32 $0x1  }
0x277: {  	v2 =	vmov s31;
	s0 =	simm.s32 $0x30  }
0x278: {  	v2 =	vand.u32 $0x3FF, v2;
	[tilespmem:v4+s16+$0x0] =	vst.idx.msk $0xffff, v3;
	v4 =	vld [tilespmem:s0+$0xFFFFFFF0]  }
0x279: {  	s4 =	simm.s32 $0x2;
	v5 =	vadd.s32 v1, v5;
	v6 =	vadd.s32 v0, v2;
	v3 =	vld [tilespmem:s5+$0x0];
	s5 =	simm.s32 $0x30  }
.LBB2_12:
0x27a: {  	_ = 	snop  }
0x27b: {  	p0 =	sne.s32 s4, $0x3E7  }
.Ltmp5:
0x27c: {  	_ = 	snop;
	(pc) =	sbr.rel @p0 .LBB2_12-.Ltmp5, $4  }
0x27d: {  	_ = 	snop  }
0x27e: {  	v7 =	vmov s4;
	s0 =	sadd.s32 $0x20, s0;
	[tilespmem:v6+s16+$0x0] =	vst.idx.msk $0xffff, v4  }
0x27f: {  	v7 =	vand.u32 $0x3FF, v7;
	v4 =	vld [tilespmem:s0+$0xFFFFFFF0];
	[tilespmem:v5+s16+$0x0] =	vst.idx.msk $0xffff, v3  }
0x280: {  	s4 =	sadd.s32 $0x1, s4;
	v6 =	vadd.s32 v0, v7;
	v5 =	vadd.s32 v1, v2;
	v2 =	vmov v7;
	v3 =	vld [tilespmem:s5+$0x0];
	s5 =	smov.u32 s0  }
0x281: {  	_ =	sdelay $0x3  }
0x282: {  	[tilespmem:v6+s16+$0x0] =	vst.idx.msk $0xffff, v4  }
0x283: {  	v2 =	vadd.s32 v1, v2;
	v4 =	vld [tilespmem:s5+$0x0];
	_ =	sdelay $0x3  }
0x284: {  	[tilespmem:v5+s16+$0x0] =	vst.idx.msk $0xffff, v3  }
0x285: {  	s22 =	simm.s32 $0x0;
	[tilespmem:v2+s16+$0x0] =	vst.idx.msk $0xffff, v4  }
0x286: {  	[tilespmem:s22], [sflag:$0x2] =	stream.strided.gather [hbm4b:s10+s13], $0x7D00, s14, s13, $0x38;
	[tilespmem:$0x19F00] =	vst v63  }
0x287: {  	_ =	swait.ge [sflag:s15], $0x7D00  }
0x288: {  	v2 =	vmov s22;
	[sflag:s15] =	ssyncset.done $0x0  }
0x289: {  	s31 =	simm.s32 $0x10;
	v5 =	vand.u32 $0x3FF, v2;
	[sflag:s15] =	ssyncadd.s32 $0xFFFF8300  }
0x28a: {  	v4 =	vadd.s32 v0, v5;
	v3 =	vld [tilespmem:s31+$0xFFFFFFF0];
	_ =	sdelay $0x2  }
0x28b: {  	s0 =	simm.s32 $0x1  }
0x28c: {  	v2 =	vmov s0;
	s0 =	simm.s32 $0x30  }
0x28d: {  	v2 =	vand.u32 $0x3FF, v2;
	[tilespmem:v4+s17+$0x0] =	vst.idx.msk $0xffff, v3;
	v4 =	vld [tilespmem:s0+$0xFFFFFFF0]  }
0x28e: {  	s4 =	simm.s32 $0x2;
	s5 =	simm.s32 $0x30;
	v5 =	vadd.s32 v1, v5;
	v6 =	vadd.s32 v0, v2;
	v3 =	vld [tilespmem:s31+$0x0]  }
.LBB2_14:
0x28f: {  	_ = 	snop  }
0x290: {  	p0 =	sne.s32 s4, $0x3E7  }
.Ltmp6:
0x291: {  	_ = 	snop;
	(pc) =	sbr.rel @p0 .LBB2_14-.Ltmp6, $4  }
0x292: {  	_ = 	snop  }
0x293: {  	v7 =	vmov s4;
	s0 =	sadd.s32 $0x20, s0;
	[tilespmem:v6+s17+$0x0] =	vst.idx.msk $0xffff, v4  }
0x294: {  	v7 =	vand.u32 $0x3FF, v7;
	v4 =	vld [tilespmem:s0+$0xFFFFFFF0];
	[tilespmem:v5+s17+$0x0] =	vst.idx.msk $0xffff, v3  }
0x295: {  	s4 =	sadd.s32 $0x1, s4;
	v6 =	vadd.s32 v0, v7;
	v5 =	vadd.s32 v1, v2;
	v2 =	vmov v7;
	v3 =	vld [tilespmem:s5+$0x0];
	s5 =	smov.u32 s0  }
0x296: {  	_ =	sdelay $0x3  }
0x297: {  	[tilespmem:v6+s17+$0x0] =	vst.idx.msk $0xffff, v4  }
0x298: {  	v2 =	vadd.s32 v1, v2;
	v4 =	vld [tilespmem:s5+$0x0];
	_ =	sdelay $0x3  }
0x299: {  	[tilespmem:v5+s17+$0x0] =	vst.idx.msk $0xffff, v3  }
0x29a: {  	[tilespmem:v2+s17+$0x0] =	vst.idx.msk $0xffff, v4  }
.LBB2_16:
0x29b: {  	s0 =	sshll.u32 s22, $0xF  }
0x29c: {  	s0 =	sor.u32 s8, s0  }
0x29d: {  	s0 =	sshrl.u32 s0, $0x3  }
0x29e: {  	s23 =	simm.s32 $0x0;
	s24 =	simm.s32 $0x17700;
	s4 =	sadd.s32 s1, s0  }
0x29f: {  	[tilespmem:s24], [sflag:$0x2] =	stream.linear.gather [hbm4b:s4+s23], $0x400, $0x38;
	[tilespmem:$0x19F00] =	vst v63  }
0x2a0: {  	_ =	swait.ge [sflag:s15], $0x400  }
0x2a1: {  	[sflag:s15] =	ssyncset.done $0x0  }
0x2a2: {  	s25 =	simm.s32 $0x17B00;
	s0 =	sadd.s32 s2, s0;
	[sflag:s15] =	ssyncadd.s32 $0xFFFFFC00  }
0x2a3: {  	[tilespmem:s25], [sflag:$0x2] =	stream.linear.gather [hbm4b:s0+s23], $0x400, $0x38;
	[tilespmem:$0x19F00] =	vst v63  }
0x2a4: {  	_ =	swait.ge [sflag:s15], $0x400  }
0x2a5: {  	[sflag:s15] =	ssyncset.done $0x0  }
0x2a6: {  	s26 =	sshll.u32 s22, $0x3;
	p0 =	por $0x0, $0x0;
	[sflag:s15] =	ssyncadd.s32 $0xFFFFFC00  }
.LBB2_17:
0x2a7: {  	s28 =	sadd.s32 s26, s23  }
0x2a8: {  	v13 =	vmov s24;
	p1 =	slt.u32 s28, $0x2  }
0x2a9: {  	v14 =	vmov s25;
	s0 =	simm.s32 @!p1 $0x1  }
0x2aa: {  	_ =	swait.ge @!p1 [sflag:s0], $0x1000  }
0x2ab: {  	[sflag:s0] =	ssyncset.done @!p1 $0x0  }
0x2ac: {  	s29 =	simm.s32 $0x0;
	[sflag:s0] =	ssyncadd.s32 @!p1 $0xFFFFF000  }
0x2ad: {  	v4 =	vld.idx.msk [tilespmem:v13+s29+$0x0 ss:$0x1], $0xffff  }
0x2ae: {  	v3 =	vld.idx.msk [tilespmem:v14+s29+$0x0 ss:$0x1], $0xffff;
	_ =	sdelay $0x5  }
0x2af: {  	s0 =	simm.s32 $0x1  }
0x2b0: {  	s0 =	simm.s32 @!p0 $0x0;
	v5 =	vld.idx.msk [tilespmem:v4+s16+$0x0], $0xffff  }
0x2b1: {  	s0 =	sshll.u32 s0, $0xC;
	v6 =	vld.idx.msk [tilespmem:v3+s17+$0x0], $0xffff  }
0x2b2: {  	s0 =	sor.u32 $0x18700, s0  }
0x2b3: {  	v2 =	vmov s0  }
0x2b4: {  	v7 =	vadd.s32 $0x3E8, v4  }
0x2b5: {  	v8 =	vadd.s32 $0x3E8, v3  }
0x2b6: {  	v5 =	vadd.f32 v6, v5;
	_ =	sdelay $0x1  }
0x2b7: {  	[tilespmem:v2+s29+$0xFFFFF800 ss:$0x1] =	vst.idx.msk $0xffff, v5  }
0x2b8: {  	v5 =	vld.idx.msk [tilespmem:v7+s16+$0x0], $0xffff  }
0x2b9: {  	v6 =	vld.idx.msk [tilespmem:v8+s17+$0x0], $0xffff;
	_ =	sdelay $0x2  }
0x2ba: {  	v7 =	vadd.s32 $0x7D0, v4  }
0x2bb: {  	v8 =	vadd.s32 $0x7D0, v3  }
0x2bc: {  	v5 =	vadd.f32 v6, v5;
	_ =	sdelay $0x1  }
0x2bd: {  	[tilespmem:v2+s29+$0xFFFFF880 ss:$0x1] =	vst.idx.msk $0xffff, v5  }
0x2be: {  	v5 =	vld.idx.msk [tilespmem:v7+s16+$0x0], $0xffff  }
0x2bf: {  	v6 =	vld.idx.msk [tilespmem:v8+s17+$0x0], $0xffff;
	_ =	sdelay $0x2  }
0x2c0: {  	v7 =	vadd.s32 $0xBB8, v4  }
0x2c1: {  	v8 =	vadd.s32 $0xBB8, v3  }
0x2c2: {  	v5 =	vadd.f32 v6, v5;
	_ =	sdelay $0x1  }
0x2c3: {  	[tilespmem:v2+s29+$0xFFFFF900 ss:$0x1] =	vst.idx.msk $0xffff, v5  }
0x2c4: {  	v5 =	vld.idx.msk [tilespmem:v7+s16+$0x0], $0xffff  }
0x2c5: {  	v6 =	vld.idx.msk [tilespmem:v8+s17+$0x0], $0xffff;
	_ =	sdelay $0x2  }
0x2c6: {  	v7 =	vadd.s32 $0xFA0, v4  }
0x2c7: {  	v8 =	vadd.s32 $0xFA0, v3  }
0x2c8: {  	v5 =	vadd.f32 v6, v5;
	_ =	sdelay $0x1  }
0x2c9: {  	[tilespmem:v2+s29+$0xFFFFF980 ss:$0x1] =	vst.idx.msk $0xffff, v5  }
0x2ca: {  	v5 =	vld.idx.msk [tilespmem:v7+s16+$0x0], $0xffff  }
0x2cb: {  	v6 =	vld.idx.msk [tilespmem:v8+s17+$0x0], $0xffff;
	_ =	sdelay $0x2  }
0x2cc: {  	v7 =	vadd.s32 $0x1388, v4  }
0x2cd: {  	v8 =	vadd.s32 $0x1388, v3  }
0x2ce: {  	v5 =	vadd.f32 v6, v5;
	_ =	sdelay $0x1  }
0x2cf: {  	[tilespmem:v2+s29+$0xFFFFFA00 ss:$0x1] =	vst.idx.msk $0xffff, v5  }
0x2d0: {  	v6 =	vld.idx.msk [tilespmem:v7+s16+$0x0], $0xffff  }
0x2d1: {  	v7 =	vld.idx.msk [tilespmem:v8+s17+$0x0], $0xffff;
	_ =	sdelay $0x2  }
0x2d2: {  	v8 =	vadd.s32 $0x1770, v4  }
0x2d3: {  	s30 =	simm.s32 $0x10;
	v9 =	vadd.s32 $0x1770, v3  }
0x2d4: {  	v5 =	vld.idx.msk [tilespmem:v13+s30+$0x0 ss:$0x1], $0xffff;
	v7 =	vadd.f32 v7, v6  }
0x2d5: {  	v6 =	vld.idx.msk [tilespmem:v14+s30+$0x0 ss:$0x1], $0xffff  }
0x2d6: {  	[tilespmem:v2+s29+$0xFFFFFA80 ss:$0x1] =	vst.idx.msk $0xffff, v7  }
0x2d7: {  	v7 =	vld.idx.msk [tilespmem:v8+s16+$0x0], $0xffff  }
0x2d8: {  	v8 =	vld.idx.msk [tilespmem:v9+s17+$0x0], $0xffff;
	_ =	sdelay $0x2  }
0x2d9: {  	v9 =	vadd.s32 $0x1B58, v4  }
0x2da: {  	v11 =	vadd.s32 $0x1B58, v3;
	v10 =	vld.idx.msk [tilespmem:v5+s16+$0x0], $0xffff  }
0x2db: {  	v12 =	vld.idx.msk [tilespmem:v6+s17+$0x0], $0xffff;
	v7 =	vadd.f32 v8, v7;
	_ =	sdelay $0x1  }
0x2dc: {  	[tilespmem:v2+s29+$0xFFFFFB00 ss:$0x1] =	vst.idx.msk $0xffff, v7  }
0x2dd: {  	v8 =	vadd.s32 $0x3E8, v5;
	v7 =	vld.idx.msk [tilespmem:v9+s16+$0x0], $0xffff  }
0x2de: {  	v9 =	vld.idx.msk [tilespmem:v11+s17+$0x0], $0xffff;
	v11 =	vadd.s32 $0x3E8, v6  }
0x2df: {  	v10 =	vadd.f32 v12, v10;
	_ =	sdelay $0x1  }
0x2e0: {  	[tilespmem:v2+s30+$0xFFFFF800 ss:$0x1] =	vst.idx.msk $0xffff, v10;
	v10 =	vadd.s32 $0x1F40, v4  }
0x2e1: {  	v12 =	vadd.s32 $0x1F40, v3;
	v8 =	vld.idx.msk [tilespmem:v8+s16+$0x0], $0xffff  }
0x2e2: {  	v11 =	vld.idx.msk [tilespmem:v11+s17+$0x0], $0xffff;
	v7 =	vadd.f32 v9, v7;
	_ =	sdelay $0x1  }
0x2e3: {  	[tilespmem:v2+s29+$0xFFFFFB80 ss:$0x1] =	vst.idx.msk $0xffff, v7  }
0x2e4: {  	v9 =	vadd.s32 $0x7D0, v5;
	v7 =	vld.idx.msk [tilespmem:v10+s16+$0x0], $0xffff  }
0x2e5: {  	v10 =	vld.idx.msk [tilespmem:v12+s17+$0x0], $0xffff;
	v12 =	vadd.s32 $0x7D0, v6  }
0x2e6: {  	v8 =	vadd.f32 v11, v8;
	_ =	sdelay $0x1  }
0x2e7: {  	[tilespmem:v2+s30+$0xFFFFF880 ss:$0x1] =	vst.idx.msk $0xffff, v8;
	v8 =	vadd.s32 $0x2328, v4  }
0x2e8: {  	v11 =	vadd.s32 $0x2328, v3;
	v9 =	vld.idx.msk [tilespmem:v9+s16+$0x0], $0xffff  }
0x2e9: {  	v12 =	vld.idx.msk [tilespmem:v12+s17+$0x0], $0xffff;
	v7 =	vadd.f32 v10, v7;
	_ =	sdelay $0x1  }
0x2ea: {  	[tilespmem:v2+s29+$0xFFFFFC00 ss:$0x1] =	vst.idx.msk $0xffff, v7  }
0x2eb: {  	v7 =	vld.idx.msk [tilespmem:v8+s16+$0x0], $0xffff;
	v8 =	vadd.s32 $0xBB8, v5  }
0x2ec: {  	v10 =	vld.idx.msk [tilespmem:v11+s17+$0x0], $0xffff;
	v11 =	vadd.s32 $0xBB8, v6  }
0x2ed: {  	v9 =	vadd.f32 v12, v9;
	_ =	sdelay $0x1  }
0x2ee: {  	v12 =	vadd.s32 $0x2710, v3;
	[tilespmem:v2+s30+$0xFFFFF900 ss:$0x1] =	vst.idx.msk $0xffff, v9  }
0x2ef: {  	v9 =	vadd.s32 $0x2710, v4;
	v8 =	vld.idx.msk [tilespmem:v8+s16+$0x0], $0xffff  }
0x2f0: {  	v11 =	vld.idx.msk [tilespmem:v11+s17+$0x0], $0xffff;
	v7 =	vadd.f32 v10, v7;
	_ =	sdelay $0x1  }
0x2f1: {  	[tilespmem:v2+s29+$0xFFFFFC80 ss:$0x1] =	vst.idx.msk $0xffff, v7  }
0x2f2: {  	v10 =	vld.idx.msk [tilespmem:v12+s17+$0x0], $0xffff;
	v12 =	vadd.s32 $0xFA0, v6  }
0x2f3: {  	v7 =	vld.idx.msk [tilespmem:v9+s16+$0x0], $0xffff;
	v9 =	vadd.s32 $0xFA0, v5  }
0x2f4: {  	v8 =	vadd.f32 v11, v8;
	_ =	sdelay $0x1  }
0x2f5: {  	[tilespmem:v2+s30+$0xFFFFF980 ss:$0x1] =	vst.idx.msk $0xffff, v8;
	v8 =	vadd.s32 $0x2AF8, v4  }
0x2f6: {  	v11 =	vadd.s32 $0x2AF8, v3;
	v12 =	vld.idx.msk [tilespmem:v12+s17+$0x0], $0xffff  }
0x2f7: {  	v9 =	vld.idx.msk [tilespmem:v9+s16+$0x0], $0xffff;
	v7 =	vadd.f32 v10, v7;
	_ =	sdelay $0x1  }
0x2f8: {  	[tilespmem:v2+s29+$0xFFFFFD00 ss:$0x1] =	vst.idx.msk $0xffff, v7  }
0x2f9: {  	v7 =	vld.idx.msk [tilespmem:v8+s16+$0x0], $0xffff;
	v8 =	vadd.s32 $0x1388, v5  }
0x2fa: {  	v10 =	vld.idx.msk [tilespmem:v11+s17+$0x0], $0xffff;
	v11 =	vadd.s32 $0x1388, v6  }
0x2fb: {  	v9 =	vadd.f32 v12, v9;
	_ =	sdelay $0x1  }
0x2fc: {  	v12 =	vadd.s32 $0x2EE0, v3;
	[tilespmem:v2+s30+$0xFFFFFA00 ss:$0x1] =	vst.idx.msk $0xffff, v9  }
0x2fd: {  	v9 =	vadd.s32 $0x2EE0, v4;
	v8 =	vld.idx.msk [tilespmem:v8+s16+$0x0], $0xffff  }
0x2fe: {  	v11 =	vld.idx.msk [tilespmem:v11+s17+$0x0], $0xffff;
	v7 =	vadd.f32 v10, v7;
	_ =	sdelay $0x1  }
0x2ff: {  	[tilespmem:v2+s29+$0xFFFFFD80 ss:$0x1] =	vst.idx.msk $0xffff, v7  }
0x300: {  	v10 =	vadd.s32 $0x1770, v5;
	v12 =	vld.idx.msk [tilespmem:v12+s17+$0x0], $0xffff  }
0x301: {  	v15 =	vadd.s32 $0x1770, v6;
	v9 =	vld.idx.msk [tilespmem:v9+s16+$0x0], $0xffff  }
0x302: {  	s31 =	simm.s32 $0x20;
	v11 =	vadd.f32 v11, v8  }
0x303: {  	v7 =	vld.idx.msk [tilespmem:v13+s31+$0x0 ss:$0x1], $0xffff  }
0x304: {  	v8 =	vld.idx.msk [tilespmem:v14+s31+$0x0 ss:$0x1], $0xffff;
	[tilespmem:v2+s30+$0xFFFFFA80 ss:$0x1] =	vst.idx.msk $0xffff, v11;
	v11 =	vadd.s32 $0x32C8, v4  }
0x305: {  	v16 =	vadd.s32 $0x32C8, v3;
	v10 =	vld.idx.msk [tilespmem:v10+s16+$0x0], $0xffff  }
0x306: {  	v15 =	vld.idx.msk [tilespmem:v15+s17+$0x0], $0xffff;
	v9 =	vadd.f32 v12, v9;
	_ =	sdelay $0x1  }
0x307: {  	[tilespmem:v2+s29+$0xFFFFFE00 ss:$0x1] =	vst.idx.msk $0xffff, v9  }
0x308: {  	v9 =	vld.idx.msk [tilespmem:v11+s16+$0x0], $0xffff;
	v11 =	vadd.s32 $0x1B58, v5  }
0x309: {  	v12 =	vld.idx.msk [tilespmem:v16+s17+$0x0], $0xffff;
	v16 =	vadd.s32 $0x1B58, v6  }
0x30a: {  	v17 =	vld.idx.msk [tilespmem:v7+s16+$0x0], $0xffff;
	v10 =	vadd.f32 v15, v10  }
0x30b: {  	v15 =	vld.idx.msk [tilespmem:v8+s17+$0x0], $0xffff  }
0x30c: {  	[tilespmem:v2+s30+$0xFFFFFB00 ss:$0x1] =	vst.idx.msk $0xffff, v10;
	v10 =	vadd.s32 $0x36B0, v4  }
0x30d: {  	v18 =	vadd.s32 $0x36B0, v3;
	v11 =	vld.idx.msk [tilespmem:v11+s16+$0x0], $0xffff  }
0x30e: {  	v19 =	vadd.s32 $0x3E8, v7;
	v16 =	vld.idx.msk [tilespmem:v16+s17+$0x0], $0xffff;
	v9 =	vadd.f32 v12, v9  }
0x30f: {  	v12 =	vadd.s32 $0x3E8, v8  }
0x310: {  	v15 =	vadd.f32 v15, v17;
	[tilespmem:v2+s29+$0xFFFFFE80 ss:$0x1] =	vst.idx.msk $0xffff, v9  }
0x311: {  	v9 =	vld.idx.msk [tilespmem:v10+s16+$0x0], $0xffff;
	v10 =	vadd.s32 $0x1F40, v5  }
0x312: {  	v17 =	vadd.s32 $0x1F40, v6;
	[tilespmem:v2+s31+$0xFFFFF800 ss:$0x1] =	vst.idx.msk $0xffff, v15;
	v15 =	vld.idx.msk [tilespmem:v18+s17+$0x0], $0xffff  }
0x313: {  	v18 =	vld.idx.msk [tilespmem:v19+s16+$0x0], $0xffff;
	v11 =	vadd.f32 v16, v11  }
0x314: {  	v12 =	vld.idx.msk [tilespmem:v12+s17+$0x0], $0xffff  }
0x315: {  	[tilespmem:v2+s30+$0xFFFFFB80 ss:$0x1] =	vst.idx.msk $0xffff, v11;
	v11 =	vadd.s32 $0x3A98, v4  }
0x316: {  	v16 =	vadd.s32 $0x3A98, v3;
	v10 =	vld.idx.msk [tilespmem:v10+s16+$0x0], $0xffff  }
0x317: {  	v19 =	vadd.s32 $0x7D0, v7;
	v17 =	vld.idx.msk [tilespmem:v17+s17+$0x0], $0xffff;
	v9 =	vadd.f32 v15, v9  }
0x318: {  	v15 =	vadd.s32 $0x7D0, v8  }
0x319: {  	v12 =	vadd.f32 v12, v18;
	[tilespmem:v2+s29+$0xFFFFFF00 ss:$0x1] =	vst.idx.msk $0xffff, v9  }
0x31a: {  	v9 =	vld.idx.msk [tilespmem:v11+s16+$0x0], $0xffff;
	v11 =	vadd.s32 $0x2328, v5  }
0x31b: {  	[tilespmem:v2+s31+$0xFFFFF880 ss:$0x1] =	vst.idx.msk $0xffff, v12;
	v12 =	vld.idx.msk [tilespmem:v16+s17+$0x0], $0xffff;
	v16 =	vadd.s32 $0x2328, v6  }
0x31c: {  	v18 =	vld.idx.msk [tilespmem:v19+s16+$0x0], $0xffff;
	v10 =	vadd.f32 v17, v10  }
0x31d: {  	v15 =	vld.idx.msk [tilespmem:v15+s17+$0x0], $0xffff  }
0x31e: {  	[tilespmem:v2+s30+$0xFFFFFC00 ss:$0x1] =	vst.idx.msk $0xffff, v10;
	v10 =	vadd.s32 $0x3E80, v4  }
0x31f: {  	v17 =	vadd.s32 $0x3E80, v3;
	v11 =	vld.idx.msk [tilespmem:v11+s16+$0x0], $0xffff  }
0x320: {  	v19 =	vadd.s32 $0xBB8, v7;
	v16 =	vld.idx.msk [tilespmem:v16+s17+$0x0], $0xffff;
	v9 =	vadd.f32 v12, v9  }
0x321: {  	v12 =	vadd.s32 $0xBB8, v8  }
0x322: {  	v15 =	vadd.f32 v15, v18;
	[tilespmem:v2+s29+$0xFFFFFF80 ss:$0x1] =	vst.idx.msk $0xffff, v9  }
0x323: {  	v9 =	vld.idx.msk [tilespmem:v10+s16+$0x0], $0xffff;
	v10 =	vadd.s32 $0x2710, v5  }
0x324: {  	[tilespmem:v2+s31+$0xFFFFF900 ss:$0x1] =	vst.idx.msk $0xffff, v15;
	v15 =	vld.idx.msk [tilespmem:v17+s17+$0x0], $0xffff;
	v17 =	vadd.s32 $0x2710, v6  }
0x325: {  	v18 =	vld.idx.msk [tilespmem:v19+s16+$0x0], $0xffff;
	v11 =	vadd.f32 v16, v11  }
0x326: {  	v12 =	vld.idx.msk [tilespmem:v12+s17+$0x0], $0xffff  }
0x327: {  	[tilespmem:v2+s30+$0xFFFFFC80 ss:$0x1] =	vst.idx.msk $0xffff, v11;
	v11 =	vadd.s32 $0x4268, v4  }
0x328: {  	v16 =	vadd.s32 $0x4268, v3;
	v10 =	vld.idx.msk [tilespmem:v10+s16+$0x0], $0xffff  }
0x329: {  	v19 =	vadd.s32 $0xFA0, v7;
	v17 =	vld.idx.msk [tilespmem:v17+s17+$0x0], $0xffff;
	v9 =	vadd.f32 v15, v9  }
0x32a: {  	v15 =	vadd.s32 $0xFA0, v8  }
0x32b: {  	v12 =	vadd.f32 v12, v18;
	[tilespmem:v2+s29+$0x0 ss:$0x1] =	vst.idx.msk $0xffff, v9  }
0x32c: {  	v9 =	vld.idx.msk [tilespmem:v11+s16+$0x0], $0xffff;
	v11 =	vadd.s32 $0x2AF8, v5  }
0x32d: {  	[tilespmem:v2+s31+$0xFFFFF980 ss:$0x1] =	vst.idx.msk $0xffff, v12;
	v12 =	vld.idx.msk [tilespmem:v16+s17+$0x0], $0xffff;
	v16 =	vadd.s32 $0x2AF8, v6  }
0x32e: {  	v18 =	vld.idx.msk [tilespmem:v19+s16+$0x0], $0xffff;
	v10 =	vadd.f32 v17, v10  }
0x32f: {  	v15 =	vld.idx.msk [tilespmem:v15+s17+$0x0], $0xffff  }
0x330: {  	[tilespmem:v2+s30+$0xFFFFFD00 ss:$0x1] =	vst.idx.msk $0xffff, v10;
	v10 =	vadd.s32 $0x4650, v4  }
0x331: {  	v17 =	vadd.s32 $0x4650, v3;
	v11 =	vld.idx.msk [tilespmem:v11+s16+$0x0], $0xffff  }
0x332: {  	v19 =	vadd.s32 $0x1388, v7;
	v16 =	vld.idx.msk [tilespmem:v16+s17+$0x0], $0xffff;
	v9 =	vadd.f32 v12, v9  }
0x333: {  	v12 =	vadd.s32 $0x1388, v8  }
0x334: {  	v15 =	vadd.f32 v15, v18;
	[tilespmem:v2+s29+$0x80 ss:$0x1] =	vst.idx.msk $0xffff, v9  }
0x335: {  	v9 =	vld.idx.msk [tilespmem:v10+s16+$0x0], $0xffff;
	v10 =	vadd.s32 $0x2EE0, v5  }
0x336: {  	[tilespmem:v2+s31+$0xFFFFFA00 ss:$0x1] =	vst.idx.msk $0xffff, v15;
	v15 =	vld.idx.msk [tilespmem:v17+s17+$0x0], $0xffff;
	v17 =	vadd.s32 $0x2EE0, v6  }
0x337: {  	v18 =	vld.idx.msk [tilespmem:v19+s16+$0x0], $0xffff;
	v11 =	vadd.f32 v16, v11  }
0x338: {  	v12 =	vld.idx.msk [tilespmem:v12+s17+$0x0], $0xffff  }
0x339: {  	[tilespmem:v2+s30+$0xFFFFFD80 ss:$0x1] =	vst.idx.msk $0xffff, v11;
	v11 =	vadd.s32 $0x4A38, v4  }
0x33a: {  	v19 =	vadd.s32 $0x4A38, v3;
	v16 =	vld.idx.msk [tilespmem:v10+s16+$0x0], $0xffff  }
0x33b: {  	s0 =	simm.s32 $0x30;
	v20 =	vadd.s32 $0x1770, v7;
	v17 =	vld.idx.msk [tilespmem:v17+s17+$0x0], $0xffff;
	v15 =	vadd.f32 v15, v9  }
0x33c: {  	v21 =	vadd.s32 $0x1770, v8;
	v9 =	vld.idx.msk [tilespmem:v13+s0+$0x0 ss:$0x1], $0xffff  }
0x33d: {  	v10 =	vld.idx.msk [tilespmem:v14+s0+$0x0 ss:$0x1], $0xffff;
	v12 =	vadd.f32 v12, v18;
	[tilespmem:v2+s29+$0x100 ss:$0x1] =	vst.idx.msk $0xffff, v15  }
0x33e: {  	v15 =	vadd.s32 $0x32C8, v5;
	v11 =	vld.idx.msk [tilespmem:v11+s16+$0x0], $0xffff  }
0x33f: {  	v18 =	vadd.s32 $0x32C8, v6;
	[tilespmem:v2+s31+$0xFFFFFA80 ss:$0x1] =	vst.idx.msk $0xffff, v12;
	v12 =	vld.idx.msk [tilespmem:v19+s17+$0x0], $0xffff  }
0x340: {  	v19 =	vld.idx.msk [tilespmem:v20+s16+$0x0], $0xffff;
	v16 =	vadd.f32 v17, v16  }
0x341: {  	v17 =	vld.idx.msk [tilespmem:v21+s17+$0x0], $0xffff  }
0x342: {  	[tilespmem:v2+s30+$0xFFFFFE00 ss:$0x1] =	vst.idx.msk $0xffff, v16;
	v16 =	vadd.s32 $0x4E20, v4  }
0x343: {  	v20 =	vadd.s32 $0x4E20, v3;
	v15 =	vld.idx.msk [tilespmem:v15+s16+$0x0], $0xffff  }
0x344: {  	v21 =	vadd.s32 $0x1B58, v7;
	v18 =	vld.idx.msk [tilespmem:v18+s17+$0x0], $0xffff;
	v11 =	vadd.f32 v12, v11  }
0x345: {  	v22 =	vadd.s32 $0x1B58, v8;
	v23 =	vld.idx.msk [tilespmem:v10+s17+$0x0], $0xffff  }
0x346: {  	v12 =	vld.idx.msk [tilespmem:v9+s16+$0x0], $0xffff;
	v17 =	vadd.f32 v17, v19;
	[tilespmem:v2+s29+$0x180 ss:$0x1] =	vst.idx.msk $0xffff, v11  }
0x347: {  	v19 =	vadd.s32 $0x36B0, v6;
	v11 =	vld.idx.msk [tilespmem:v16+s16+$0x0], $0xffff  }
0x348: {  	v16 =	vadd.s32 $0x36B0, v5;
	[tilespmem:v2+s31+$0xFFFFFB00 ss:$0x1] =	vst.idx.msk $0xffff, v17;
	v17 =	vld.idx.msk [tilespmem:v20+s17+$0x0], $0xffff  }
0x349: {  	v20 =	vld.idx.msk [tilespmem:v21+s16+$0x0], $0xffff;
	v21 =	vadd.s32 $0x3E8, v9;
	v15 =	vadd.f32 v18, v15  }
0x34a: {  	v18 =	vld.idx.msk [tilespmem:v22+s17+$0x0], $0xffff;
	v22 =	vadd.s32 $0x3E8, v10  }
0x34b: {  	v12 =	vadd.f32 v23, v12;
	[tilespmem:v2+s30+$0xFFFFFE80 ss:$0x1] =	vst.idx.msk $0xffff, v15;
	v15 =	vadd.s32 $0x5208, v4  }
0x34c: {  	v23 =	vadd.s32 $0x5208, v3;
	v19 =	vld.idx.msk [tilespmem:v19+s17+$0x0], $0xffff  }
0x34d: {  	[tilespmem:v2+s0+$0xFFFFF800 ss:$0x1] =	vst.idx.msk $0xffff, v12;
	v12 =	vadd.s32 $0x1F40, v7;
	v16 =	vld.idx.msk [tilespmem:v16+s16+$0x0], $0xffff;
	v11 =	vadd.f32 v17, v11  }
0x34e: {  	v17 =	vld.idx.msk [tilespmem:v21+s16+$0x0], $0xffff;
	v21 =	vadd.s32 $0x1F40, v8  }
0x34f: {  	v22 =	vld.idx.msk [tilespmem:v22+s17+$0x0], $0xffff;
	v18 =	vadd.f32 v18, v20;
	[tilespmem:v2+s29+$0x200 ss:$0x1] =	vst.idx.msk $0xffff, v11  }
0x350: {  	v11 =	vld.idx.msk [tilespmem:v15+s16+$0x0], $0xffff;
	v15 =	vadd.s32 $0x3A98, v5  }
0x351: {  	v20 =	vadd.s32 $0x3A98, v6;
	[tilespmem:v2+s31+$0xFFFFFB80 ss:$0x1] =	vst.idx.msk $0xffff, v18;
	v18 =	vld.idx.msk [tilespmem:v23+s17+$0x0], $0xffff  }
0x352: {  	v23 =	vadd.s32 $0x7D0, v9;
	v12 =	vld.idx.msk [tilespmem:v12+s16+$0x0], $0xffff;
	v16 =	vadd.f32 v19, v16  }
0x353: {  	v19 =	vld.idx.msk [tilespmem:v21+s17+$0x0], $0xffff;
	v21 =	vadd.s32 $0x7D0, v10  }
0x354: {  	v17 =	vadd.f32 v22, v17;
	[tilespmem:v2+s30+$0xFFFFFF00 ss:$0x1] =	vst.idx.msk $0xffff, v16;
	v16 =	vadd.s32 $0x55F0, v4  }
0x355: {  	v22 =	vadd.s32 $0x55F0, v3;
	v15 =	vld.idx.msk [tilespmem:v15+s16+$0x0], $0xffff  }
0x356: {  	[tilespmem:v2+s0+$0xFFFFF880 ss:$0x1] =	vst.idx.msk $0xffff, v17;
	v17 =	vadd.s32 $0x2328, v7;
	v20 =	vld.idx.msk [tilespmem:v20+s17+$0x0], $0xffff;
	v11 =	vadd.f32 v18, v11  }
0x357: {  	v18 =	vld.idx.msk [tilespmem:v23+s16+$0x0], $0xffff;
	v23 =	vadd.s32 $0x2328, v8  }
0x358: {  	[tilespmem:v2+s29+$0x280 ss:$0x1] =	vst.idx.msk $0xffff, v11;
	v21 =	vld.idx.msk [tilespmem:v21+s17+$0x0], $0xffff;
	v12 =	vadd.f32 v19, v12  }
0x359: {  	v19 =	vadd.s32 $0x3E80, v6;
	v11 =	vld.idx.msk [tilespmem:v16+s16+$0x0], $0xffff  }
0x35a: {  	v16 =	vadd.s32 $0x3E80, v5;
	[tilespmem:v2+s31+$0xFFFFFC00 ss:$0x1] =	vst.idx.msk $0xffff, v12;
	v12 =	vld.idx.msk [tilespmem:v22+s17+$0x0], $0xffff  }
0x35b: {  	v22 =	vadd.s32 $0xBB8, v9;
	v15 =	vadd.f32 v20, v15;
	v17 =	vld.idx.msk [tilespmem:v17+s16+$0x0], $0xffff  }
0x35c: {  	v20 =	vld.idx.msk [tilespmem:v23+s17+$0x0], $0xffff;
	v23 =	vadd.s32 $0xBB8, v10  }
0x35d: {  	[tilespmem:v2+s30+$0xFFFFFF80 ss:$0x1] =	vst.idx.msk $0xffff, v15;
	v15 =	vadd.s32 $0x59D8, v4;
	v18 =	vadd.f32 v21, v18  }
0x35e: {  	v21 =	vadd.s32 $0x59D8, v3;
	v19 =	vld.idx.msk [tilespmem:v19+s17+$0x0], $0xffff  }
0x35f: {  	v16 =	vld.idx.msk [tilespmem:v16+s16+$0x0], $0xffff;
	[tilespmem:v2+s0+$0xFFFFF900 ss:$0x1] =	vst.idx.msk $0xffff, v18;
	v11 =	vadd.f32 v12, v11  }
0x360: {  	v12 =	vld.idx.msk [tilespmem:v22+s16+$0x0], $0xffff;
	v22 =	vadd.s32 $0x2710, v8  }
0x361: {  	v18 =	vadd.s32 $0x2710, v7;
	v23 =	vld.idx.msk [tilespmem:v23+s17+$0x0], $0xffff;
	v17 =	vadd.f32 v20, v17;
	[tilespmem:v2+s29+$0x300 ss:$0x1] =	vst.idx.msk $0xffff, v11  }
0x362: {  	v20 =	vadd.s32 $0x4268, v6;
	v11 =	vld.idx.msk [tilespmem:v15+s16+$0x0], $0xffff  }
0x363: {  	v15 =	vadd.s32 $0x4268, v5;
	[tilespmem:v2+s31+$0xFFFFFC80 ss:$0x1] =	vst.idx.msk $0xffff, v17;
	v17 =	vld.idx.msk [tilespmem:v21+s17+$0x0], $0xffff  }
0x364: {  	v21 =	vadd.s32 $0xFA0, v9;
	v16 =	vadd.f32 v19, v16  }
0x365: {  	v19 =	vld.idx.msk [tilespmem:v22+s17+$0x0], $0xffff;
	v22 =	vadd.s32 $0xFA0, v10  }
0x366: {  	v18 =	vld.idx.msk [tilespmem:v18+s16+$0x0], $0xffff;
	v12 =	vadd.f32 v23, v12;
	[tilespmem:v2+s30+$0x0 ss:$0x1] =	vst.idx.msk $0xffff, v16;
	v16 =	vadd.s32 $0x5DC0, v4  }
0x367: {  	v20 =	vld.idx.msk [tilespmem:v20+s17+$0x0], $0xffff  }
0x368: {  	v23 =	vadd.s32 $0x5DC0, v3;
	v15 =	vld.idx.msk [tilespmem:v15+s16+$0x0], $0xffff;
	[tilespmem:v2+s0+$0xFFFFF980 ss:$0x1] =	vst.idx.msk $0xffff, v12;
	v11 =	vadd.f32 v17, v11  }
0x369: {  	v17 =	vld.idx.msk [tilespmem:v21+s16+$0x0], $0xffff;
	v21 =	vadd.s32 $0x2AF8, v8  }
0x36a: {  	v12 =	vadd.s32 $0x2AF8, v7;
	[tilespmem:v2+s29+$0x380 ss:$0x1] =	vst.idx.msk $0xffff, v11;
	v22 =	vld.idx.msk [tilespmem:v22+s17+$0x0], $0xffff  }
0x36b: {  	v18 =	vadd.f32 v19, v18;
	v11 =	vld.idx.msk [tilespmem:v16+s16+$0x0], $0xffff;
	v16 =	vadd.s32 $0x4650, v5  }
0x36c: {  	v19 =	vadd.s32 $0x4650, v6  }
0x36d: {  	[tilespmem:v2+s31+$0xFFFFFD00 ss:$0x1] =	vst.idx.msk $0xffff, v18;
	v18 =	vld.idx.msk [tilespmem:v23+s17+$0x0], $0xffff;
	v23 =	vadd.s32 $0x1388, v9;
	v15 =	vadd.f32 v20, v15  }
0x36e: {  	v20 =	vld.idx.msk [tilespmem:v21+s17+$0x0], $0xffff;
	v21 =	vadd.s32 $0x1388, v10  }
0x36f: {  	v12 =	vld.idx.msk [tilespmem:v12+s16+$0x0], $0xffff;
	[tilespmem:v2+s30+$0x80 ss:$0x1] =	vst.idx.msk $0xffff, v15;
	v17 =	vadd.f32 v22, v17  }
0x370: {  	v15 =	vadd.s32 $0x61A8, v4;
	v16 =	vld.idx.msk [tilespmem:v16+s16+$0x0], $0xffff  }
0x371: {  	v22 =	vadd.s32 $0x61A8, v3;
	v19 =	vld.idx.msk [tilespmem:v19+s17+$0x0], $0xffff;
	[tilespmem:v2+s0+$0xFFFFFA00 ss:$0x1] =	vst.idx.msk $0xffff, v17  }
0x372: {  	v11 =	vadd.f32 v18, v11;
	v18 =	vld.idx.msk [tilespmem:v23+s16+$0x0], $0xffff  }
0x373: {  	s5 =	simm.s32 $0x40;
	v17 =	vadd.s32 $0x2EE0, v7;
	v21 =	vld.idx.msk [tilespmem:v21+s17+$0x0], $0xffff  }
0x374: {  	v23 =	vadd.s32 $0x2EE0, v8;
	[tilespmem:v2+s29+$0x400 ss:$0x1] =	vst.idx.msk $0xffff, v11;
	v11 =	vld.idx.msk [tilespmem:v14+s5+$0x0 ss:$0x1], $0xffff  }
0x375: {  	v12 =	vadd.f32 v20, v12;
	v20 =	vadd.s32 $0x4A38, v5;
	v15 =	vld.idx.msk [tilespmem:v15+s16+$0x0], $0xffff  }
0x376: {  	v24 =	vadd.s32 $0x4A38, v6;
	v22 =	vld.idx.msk [tilespmem:v22+s17+$0x0], $0xffff  }
0x377: {  	v25 =	vadd.s32 $0x1770, v9;
	[tilespmem:v2+s31+$0xFFFFFD80 ss:$0x1] =	vst.idx.msk $0xffff, v12;
	v16 =	vadd.f32 v19, v16;
	v12 =	vld.idx.msk [tilespmem:v13+s5+$0x0 ss:$0x1], $0xffff  }
0x378: {  	v19 =	vadd.s32 $0x1770, v10;
	v17 =	vld.idx.msk [tilespmem:v17+s16+$0x0], $0xffff  }
0x379: {  	[tilespmem:v2+s30+$0x100 ss:$0x1] =	vst.idx.msk $0xffff, v16;
	v23 =	vld.idx.msk [tilespmem:v23+s17+$0x0], $0xffff;
	v18 =	vadd.f32 v21, v18  }
0x37a: {  	v16 =	vadd.s32 $0x6590, v4;
	v20 =	vld.idx.msk [tilespmem:v20+s16+$0x0], $0xffff  }
0x37b: {  	v21 =	vadd.s32 $0x6590, v3;
	v24 =	vld.idx.msk [tilespmem:v24+s17+$0x0], $0xffff;
	[tilespmem:v2+s0+$0xFFFFFA80 ss:$0x1] =	vst.idx.msk $0xffff, v18  }
0x37c: {  	v18 =	vadd.s32 $0x32C8, v7;
	v15 =	vadd.f32 v22, v15;
	v22 =	vld.idx.msk [tilespmem:v25+s16+$0x0], $0xffff  }
0x37d: {  	v25 =	vadd.s32 $0x32C8, v8;
	v19 =	vld.idx.msk [tilespmem:v19+s17+$0x0], $0xffff  }
0x37e: {  	[tilespmem:v2+s29+$0x480 ss:$0x1] =	vst.idx.msk $0xffff, v15;
	v27 =	vld.idx.msk [tilespmem:v11+s17+$0x0], $0xffff;
	v17 =	vadd.f32 v23, v17  }
0x37f: {  	v15 =	vld.idx.msk [tilespmem:v16+s16+$0x0], $0xffff;
	v16 =	vadd.s32 $0x4E20, v5  }
0x380: {  	[tilespmem:v2+s31+$0xFFFFFE00 ss:$0x1] =	vst.idx.msk $0xffff, v17;
	v17 =	vld.idx.msk [tilespmem:v21+s17+$0x0], $0xffff;
	v21 =	vadd.s32 $0x4E20, v6  }
0x381: {  	v23 =	vadd.s32 $0x1B58, v9;
	v20 =	vadd.f32 v24, v20;
	v18 =	vld.idx.msk [tilespmem:v18+s16+$0x0], $0xffff  }
0x382: {  	v26 =	vadd.s32 $0x1B58, v10;
	v25 =	vld.idx.msk [tilespmem:v25+s17+$0x0], $0xffff  }
0x383: {  	v24 =	vld.idx.msk [tilespmem:v12+s16+$0x0], $0xffff;
	[tilespmem:v2+s30+$0x180 ss:$0x1] =	vst.idx.msk $0xffff, v20;
	v20 =	vadd.s32 $0x6978, v4;
	v19 =	vadd.f32 v19, v22  }
0x384: {  	v22 =	vadd.s32 $0x6978, v3;
	v16 =	vld.idx.msk [tilespmem:v16+s16+$0x0], $0xffff  }
0x385: {  	[tilespmem:v2+s0+$0xFFFFFB00 ss:$0x1] =	vst.idx.msk $0xffff, v19;
	v19 =	vadd.s32 $0x36B0, v7;
	v21 =	vld.idx.msk [tilespmem:v21+s17+$0x0], $0xffff;
	v15 =	vadd.f32 v17, v15  }
0x386: {  	v17 =	vld.idx.msk [tilespmem:v23+s16+$0x0], $0xffff;
	v23 =	vadd.s32 $0x36B0, v8  }
0x387: {  	v28 =	vadd.s32 $0x3E8, v12;
	v26 =	vld.idx.msk [tilespmem:v26+s17+$0x0], $0xffff;
	v18 =	vadd.f32 v25, v18;
	[tilespmem:v2+s29+$0x500 ss:$0x1] =	vst.idx.msk $0xffff, v15  }
0x388: {  	v15 =	vadd.s32 $0x3E8, v11;
	v20 =	vld.idx.msk [tilespmem:v20+s16+$0x0], $0xffff  }
0x389: {  	v24 =	vadd.f32 v27, v24;
	[tilespmem:v2+s31+$0xFFFFFE80 ss:$0x1] =	vst.idx.msk $0xffff, v18;
	v18 =	vadd.s32 $0x5208, v5;
	v22 =	vld.idx.msk [tilespmem:v22+s17+$0x0], $0xffff  }
0x38a: {  	v25 =	vadd.s32 $0x5208, v6;
	v19 =	vld.idx.msk [tilespmem:v19+s16+$0x0], $0xffff  }
0x38b: {  	[tilespmem:v2+s5+$0xFFFFF800 ss:$0x1] =	vst.idx.msk $0xffff, v24;
	v24 =	vadd.s32 $0x1F40, v9;
	v23 =	vld.idx.msk [tilespmem:v23+s17+$0x0], $0xffff;
	v16 =	vadd.f32 v21, v16  }
0x38c: {  	v27 =	vadd.s32 $0x1F40, v10;
	v21 =	vld.idx.msk [tilespmem:v28+s16+$0x0], $0xffff  }
0x38d: {  	v17 =	vadd.f32 v26, v17;
	v26 =	vadd.s32 $0x6D60, v3;
	v15 =	vld.idx.msk [tilespmem:v15+s17+$0x0], $0xffff;
	[tilespmem:v2+s30+$0x200 ss:$0x1] =	vst.idx.msk $0xffff, v16  }
0x38e: {  	v16 =	vadd.s32 $0x6D60, v4;
	v18 =	vld.idx.msk [tilespmem:v18+s16+$0x0], $0xffff  }
0x38f: {  	[tilespmem:v2+s0+$0xFFFFFB80 ss:$0x1] =	vst.idx.msk $0xffff, v17;
	v17 =	vadd.s32 $0x3A98, v7;
	v25 =	vld.idx.msk [tilespmem:v25+s17+$0x0], $0xffff;
	v20 =	vadd.f32 v22, v20  }
0x390: {  	v22 =	vld.idx.msk [tilespmem:v24+s16+$0x0], $0xffff;
	v19 =	vadd.f32 v23, v19;
	v23 =	vadd.s32 $0x7D0, v11  }
0x391: {  	v24 =	vadd.s32 $0x3A98, v8;
	v27 =	vld.idx.msk [tilespmem:v27+s17+$0x0], $0xffff;
	[tilespmem:v2+s29+$0x580 ss:$0x1] =	vst.idx.msk $0xffff, v20  }
0x392: {  	v63 =	vadd.s32 $0x7D0, v12;
	v30 =	vld.idx.msk [tilespmem:v26+s17+$0x0], $0xffff;
	v15 =	vadd.f32 v15, v21  }
0x393: {  	v29 =	vld.idx.msk [tilespmem:v16+s16+$0x0], $0xffff;
	[tilespmem:v2+s31+$0xFFFFFF00 ss:$0x1] =	vst.idx.msk $0xffff, v19;
	v19 =	vadd.s32 $0x55F0, v5  }
0x394: {  	v20 =	vld.idx.msk [tilespmem:v17+s16+$0x0], $0xffff;
	v17 =	vadd.s32 $0x55F0, v6;
	[tilespmem:v2+s5+$0xFFFFF880 ss:$0x1] =	vst.idx.msk $0xffff, v15  }
0x395: {  	v15 =	vadd.f32 v25, v18;
	v26 =	vld.idx.msk [tilespmem:v23+s17+$0x0], $0xffff;
	v23 =	vadd.s32 $0x2328, v9  }
0x396: {  	v21 =	vld.idx.msk [tilespmem:v24+s17+$0x0], $0xffff;
	v24 =	vadd.s32 $0x2328, v10  }
0x397: {  	s4 =	sshll.u32 s23, $0xC;
	v16 =	vadd.s32 $0x7148, v4;
	v22 =	vadd.f32 v27, v22;
	v25 =	vld.idx.msk [tilespmem:v63+s16+$0x0], $0xffff;
	[tilespmem:v2+s30+$0x280 ss:$0x1] =	vst.idx.msk $0xffff, v15  }
0x398: {  	s4 =	sand.u32 $0x1000, s4;
	v15 =	vadd.s32 $0x7148, v3;
	v18 =	vld.idx.msk [tilespmem:v19+s16+$0x0], $0xffff  }
0x399: {  	s6 =	simm.s32 $0x140;
	s4 =	sadd.s32 $0x17F00, s4;
	[tilespmem:v2+s0+$0xFFFFFC00 ss:$0x1] =	vst.idx.msk $0xffff, v22;
	v22 =	vadd.s32 $0x3E80, v7;
	v19 =	vld.idx.msk [tilespmem:v17+s17+$0x0], $0xffff;
	v17 =	vadd.f32 v30, v29  }
.LBB2_18:
0x39a: {  	p1 =	sne.s32 s6, $0x1C0;
	v23 =	vld.idx.msk [tilespmem:v23+s16+$0x0], $0xffff;
	v27 =	vadd.s32 $0x3E80, v8  }
0x39b: {  	v28 =	vadd.s32 $0xBB8, v12;
	v20 =	vadd.f32 v21, v20;
	v24 =	vld.idx.msk [tilespmem:v24+s17+$0x0], $0xffff;
	[tilespmem:v2+s29+$0x600 ss:$0x1] =	vst.idx.msk $0xffff, v17  }
0x39c: {  	v17 =	vadd.s32 $0xBB8, v11;
	v16 =	vld.idx.msk [tilespmem:v16+s16+$0x0], $0xffff  }
0x39d: {  	v21 =	vadd.f32 v26, v25;
	[tilespmem:v2+s31+$0xFFFFFF80 ss:$0x1] =	vst.idx.msk $0xffff, v20;
	v20 =	vadd.s32 $0x59D8, v5;
	v15 =	vld.idx.msk [tilespmem:v15+s17+$0x0], $0xffff  }
0x39e: {  	v25 =	vadd.s32 $0x59D8, v6;
	v22 =	vld.idx.msk [tilespmem:v22+s16+$0x0], $0xffff  }
0x39f: {  	v18 =	vadd.f32 v19, v18;
	[tilespmem:v2+s5+$0xFFFFF900 ss:$0x1] =	vst.idx.msk $0xffff, v21;
	v21 =	vadd.s32 $0x2710, v9;
	v26 =	vld.idx.msk [tilespmem:v27+s17+$0x0], $0xffff  }
0x3a0: {  	v27 =	vadd.s32 $0x2710, v10;
	v19 =	vld.idx.msk [tilespmem:v28+s16+$0x0], $0xffff  }
0x3a1: {  	v23 =	vadd.f32 v24, v23;
	v17 =	vld.idx.msk [tilespmem:v17+s17+$0x0], $0xffff;
	[tilespmem:v2+s30+$0x300 ss:$0x1] =	vst.idx.msk $0xffff, v18;
	v18 =	vadd.s32 $0x7530, v4  }
0x3a2: {  	v24 =	vadd.s32 $0x7530, v3;
	v20 =	vld.idx.msk [tilespmem:v20+s16+$0x0], $0xffff  }
0x3a3: {  	v15 =	vadd.f32 v15, v16;
	[tilespmem:v2+s0+$0xFFFFFC80 ss:$0x1] =	vst.idx.msk $0xffff, v23;
	v23 =	vadd.s32 $0x4268, v7;
	v25 =	vld.idx.msk [tilespmem:v25+s17+$0x0], $0xffff  }
0x3a4: {  	v16 =	vld.idx.msk [tilespmem:v21+s16+$0x0], $0xffff;
	v21 =	vadd.s32 $0x4268, v8  }
0x3a5: {  	v28 =	vadd.s32 $0xFA0, v12;
	v22 =	vadd.f32 v26, v22;
	v27 =	vld.idx.msk [tilespmem:v27+s17+$0x0], $0xffff;
	[tilespmem:v2+s29+$0x680 ss:$0x1] =	vst.idx.msk $0xffff, v15  }
0x3a6: {  	v15 =	vadd.s32 $0xFA0, v11;
	v18 =	vld.idx.msk [tilespmem:v18+s16+$0x0], $0xffff  }
0x3a7: {  	v17 =	vadd.f32 v17, v19;
	v19 =	vadd.s32 $0x5DC0, v5;
	[tilespmem:v2+s31+$0x0 ss:$0x1] =	vst.idx.msk $0xffff, v22;
	v22 =	vld.idx.msk [tilespmem:v24+s17+$0x0], $0xffff  }
0x3a8: {  	v24 =	vadd.s32 $0x5DC0, v6;
	v23 =	vld.idx.msk [tilespmem:v23+s16+$0x0], $0xffff  }
0x3a9: {  	v20 =	vadd.f32 v25, v20;
	[tilespmem:v2+s5+$0xFFFFF980 ss:$0x1] =	vst.idx.msk $0xffff, v17;
	v17 =	vadd.s32 $0x2AF8, v9;
	v21 =	vld.idx.msk [tilespmem:v21+s17+$0x0], $0xffff  }
0x3aa: {  	v26 =	vadd.s32 $0x2AF8, v10;
	v25 =	vld.idx.msk [tilespmem:v28+s16+$0x0], $0xffff  }
0x3ab: {  	v16 =	vadd.f32 v27, v16;
	v15 =	vld.idx.msk [tilespmem:v15+s17+$0x0], $0xffff;
	[tilespmem:v2+s30+$0x380 ss:$0x1] =	vst.idx.msk $0xffff, v20;
	v20 =	vadd.s32 $0x7918, v4;
	v4 =	vmov v5  }
0x3ac: {  	v27 =	vadd.s32 $0x7918, v3;
	v3 =	vmovc v6;
	v5 =	vmovc v7;
	v7 =	vmov v9;
	v9 =	vmov v12;
	v19 =	vld.idx.msk [tilespmem:v19+s16+$0x0], $0xffff  }
0x3ad: {  	v6 =	vmov v8;
	v12 =	vadd.s32 $0x4650, v5;
	v18 =	vadd.f32 v22, v18;
	[tilespmem:v2+s0+$0xFFFFFD00 ss:$0x1] =	vst.idx.msk $0xffff, v16;
	v16 =	vld.idx.msk [tilespmem:v24+s17+$0x0], $0xffff  }
0x3ae: {  	v8 =	vmov v10;
	v10 =	vmov v11;
	v22 =	vadd.s32 $0x4650, v6;
	v17 =	vld.idx.msk [tilespmem:v17+s16+$0x0], $0xffff  }
0x3af: {  	v11 =	vadd.s32 $0x1388, v9;
	v21 =	vadd.f32 v21, v23;
	v24 =	vld.idx.msk [tilespmem:v26+s17+$0x0], $0xffff;
	[tilespmem:v2+s29+$0x700 ss:$0x1] =	vst.idx.msk $0xffff, v18  }
0x3b0: {  	v18 =	vadd.s32 $0x1388, v10;
	v20 =	vld.idx.msk [tilespmem:v20+s16+$0x0], $0xffff  }
0x3b1: {  	v15 =	vadd.f32 v15, v25;
	[tilespmem:v2+s31+$0x80 ss:$0x1] =	vst.idx.msk $0xffff, v21;
	v21 =	vadd.s32 $0x61A8, v4;
	v23 =	vld.idx.msk [tilespmem:v27+s17+$0x0], $0xffff  }
0x3b2: {  	v25 =	vadd.s32 $0x61A8, v3;
	v12 =	vld.idx.msk [tilespmem:v12+s16+$0x0], $0xffff  }
0x3b3: {  	v16 =	vadd.f32 v16, v19;
	[tilespmem:v2+s5+$0xFFFFFA00 ss:$0x1] =	vst.idx.msk $0xffff, v15;
	v15 =	vadd.s32 $0x2EE0, v7;
	v22 =	vld.idx.msk [tilespmem:v22+s17+$0x0], $0xffff  }
0x3b4: {  	v19 =	vld.idx.msk [tilespmem:v11+s16+$0x0], $0xffff;
	v11 =	vadd.s32 $0x2EE0, v8  }
0x3b5: {  	v17 =	vadd.f32 v24, v17;
	v18 =	vld.idx.msk [tilespmem:v18+s17+$0x0], $0xffff;
	[tilespmem:v2+s30+$0x400 ss:$0x1] =	vst.idx.msk $0xffff, v16  }
0x3b6: {  	v16 =	vld.idx.msk [tilespmem:v21+s16+$0x0], $0xffff  }
0x3b7: {  	v20 =	vadd.f32 v23, v20;
	[tilespmem:v2+s0+$0xFFFFFD80 ss:$0x1] =	vst.idx.msk $0xffff, v17;
	v17 =	vadd.s32 $0x4A38, v5;
	v21 =	vld.idx.msk [tilespmem:v25+s17+$0x0], $0xffff  }
0x3b8: {  	v23 =	vadd.s32 $0x4A38, v6;
	v15 =	vld.idx.msk [tilespmem:v15+s16+$0x0], $0xffff  }
0x3b9: {  	s7 =	sshra.s32 s6, $0x2;
	v24 =	vadd.s32 $0x1770, v9;
	v22 =	vadd.f32 v22, v12;
	v25 =	vld.idx.msk [tilespmem:v11+s17+$0x0], $0xffff;
	[tilespmem:v2+s29+$0x780 ss:$0x1] =	vst.idx.msk $0xffff, v20;
	s29 =	smov.u32 s30;
	s30 =	smov.u32 s31  }
0x3ba: {  	v20 =	vadd.s32 $0x1770, v10;
	s31 =	smov.u32 s0;
	s0 =	smov.u32 s5;
	s5 =	smov.u32 s7;
	v12 =	vld.idx.msk [tilespmem:v13+s7+$0x0 ss:$0x1], $0xffff  }
0x3bb: {  	v18 =	vadd.f32 v18, v19;
	v19 =	vadd.s32 $0x6590, v4;
	v11 =	vld.idx.msk [tilespmem:v14+s5+$0x0 ss:$0x1], $0xffff;
	[tilespmem:v2+s30+$0x100 ss:$0x1] =	vst.idx.msk $0xffff, v22  }
0x3bc: {  	v22 =	vadd.s32 $0x6590, v3;
	v17 =	vld.idx.msk [tilespmem:v17+s16+$0x0], $0xffff  }
0x3bd: {  	v16 =	vadd.f32 v21, v16;
	[tilespmem:v2+s0+$0xFFFFFA80 ss:$0x1] =	vst.idx.msk $0xffff, v18;
	v18 =	vadd.s32 $0x32C8, v7;
	v23 =	vld.idx.msk [tilespmem:v23+s17+$0x0], $0xffff  }
0x3be: {  	v21 =	vld.idx.msk [tilespmem:v24+s16+$0x0], $0xffff;
	v24 =	vadd.s32 $0x32C8, v8  }
0x3bf: {  	v15 =	vadd.f32 v25, v15;
	v20 =	vld.idx.msk [tilespmem:v20+s17+$0x0], $0xffff;
	[tilespmem:v2+s29+$0x480 ss:$0x1] =	vst.idx.msk $0xffff, v16  }
0x3c0: {  	v16 =	vld.idx.msk [tilespmem:v19+s16+$0x0], $0xffff  }
0x3c1: {  	[tilespmem:v2+s31+$0xFFFFFE00 ss:$0x1] =	vst.idx.msk $0xffff, v15;
	v15 =	vadd.s32 $0x4E20, v5;
	v19 =	vld.idx.msk [tilespmem:v22+s17+$0x0], $0xffff  }
0x3c2: {  	v22 =	vadd.s32 $0x4E20, v6;
	v18 =	vld.idx.msk [tilespmem:v18+s16+$0x0], $0xffff  }
0x3c3: {  	v25 =	vadd.s32 $0x1B58, v9;
	v17 =	vadd.f32 v23, v17;
	v24 =	vld.idx.msk [tilespmem:v24+s17+$0x0], $0xffff  }
0x3c4: {  	v26 =	vadd.s32 $0x1B58, v10;
	v23 =	vld.idx.msk [tilespmem:v12+s16+$0x0], $0xffff  }
0x3c5: {  	v20 =	vadd.f32 v20, v21;
	v27 =	vld.idx.msk [tilespmem:v11+s17+$0x0], $0xffff;
	[tilespmem:v2+s30+$0x180 ss:$0x1] =	vst.idx.msk $0xffff, v17;
	v17 =	vadd.s32 $0x6978, v4  }
0x3c6: {  	v21 =	vadd.s32 $0x6978, v3;
	v15 =	vld.idx.msk [tilespmem:v15+s16+$0x0], $0xffff  }
0x3c7: {  	v16 =	vadd.f32 v19, v16;
	[tilespmem:v2+s0+$0xFFFFFB00 ss:$0x1] =	vst.idx.msk $0xffff, v20;
	v20 =	vadd.s32 $0x36B0, v7;
	v22 =	vld.idx.msk [tilespmem:v22+s17+$0x0], $0xffff  }
0x3c8: {  	v19 =	vld.idx.msk [tilespmem:v25+s16+$0x0], $0xffff;
	v25 =	vadd.s32 $0x36B0, v8  }
0x3c9: {  	v28 =	vadd.s32 $0x3E8, v12;
	v18 =	vadd.f32 v24, v18;
	v26 =	vld.idx.msk [tilespmem:v26+s17+$0x0], $0xffff;
	[tilespmem:v2+s29+$0x500 ss:$0x1] =	vst.idx.msk $0xffff, v16  }
0x3ca: {  	v16 =	vadd.s32 $0x3E8, v11;
	v17 =	vld.idx.msk [tilespmem:v17+s16+$0x0], $0xffff  }
0x3cb: {  	v23 =	vadd.f32 v27, v23;
	[tilespmem:v2+s31+$0xFFFFFE80 ss:$0x1] =	vst.idx.msk $0xffff, v18;
	v18 =	vadd.s32 $0x5208, v5;
	v21 =	vld.idx.msk [tilespmem:v21+s17+$0x0], $0xffff  }
0x3cc: {  	v24 =	vadd.s32 $0x5208, v6;
	v20 =	vld.idx.msk [tilespmem:v20+s16+$0x0], $0xffff  }
0x3cd: {  	v15 =	vadd.f32 v22, v15;
	[tilespmem:v2+s5+$0xFFFFF800 ss:$0x1] =	vst.idx.msk $0xffff, v23;
	v23 =	vadd.s32 $0x1F40, v9;
	v25 =	vld.idx.msk [tilespmem:v25+s17+$0x0], $0xffff  }
0x3ce: {  	v27 =	vadd.s32 $0x1F40, v10;
	v22 =	vld.idx.msk [tilespmem:v28+s16+$0x0], $0xffff  }
0x3cf: {  	v19 =	vadd.f32 v26, v19;
	v16 =	vld.idx.msk [tilespmem:v16+s17+$0x0], $0xffff;
	[tilespmem:v2+s30+$0x200 ss:$0x1] =	vst.idx.msk $0xffff, v15;
	v15 =	vadd.s32 $0x6D60, v4  }
0x3d0: {  	v26 =	vadd.s32 $0x6D60, v3;
	v18 =	vld.idx.msk [tilespmem:v18+s16+$0x0], $0xffff  }
0x3d1: {  	v17 =	vadd.f32 v21, v17;
	[tilespmem:v2+s0+$0xFFFFFB80 ss:$0x1] =	vst.idx.msk $0xffff, v19;
	v19 =	vadd.s32 $0x3A98, v7;
	v24 =	vld.idx.msk [tilespmem:v24+s17+$0x0], $0xffff  }
0x3d2: {  	v21 =	vadd.s32 $0x3A98, v8;
	v28 =	vld.idx.msk [tilespmem:v23+s16+$0x0], $0xffff  }
0x3d3: {  	v29 =	vadd.s32 $0x7D0, v12;
	v20 =	vadd.f32 v25, v20;
	v27 =	vld.idx.msk [tilespmem:v27+s17+$0x0], $0xffff;
	[tilespmem:v2+s29+$0x580 ss:$0x1] =	vst.idx.msk $0xffff, v17  }
0x3d4: {  	v17 =	vadd.s32 $0x7D0, v11;
	v30 =	vld.idx.msk [tilespmem:v15+s16+$0x0], $0xffff  }
0x3d5: {  	v15 =	vadd.f32 v16, v22;
	v22 =	vadd.s32 $0x55F0, v5;
	[tilespmem:v2+s31+$0xFFFFFF00 ss:$0x1] =	vst.idx.msk $0xffff, v20;
	v31 =	vld.idx.msk [tilespmem:v26+s17+$0x0], $0xffff  }
0x3d6: {  	v20 =	vld.idx.msk [tilespmem:v19+s16+$0x0], $0xffff;
	v19 =	vadd.s32 $0x55F0, v6  }
.Ltmp7:
0x3d7: {  	v23 =	vadd.s32 $0x2328, v9;
	[tilespmem:v2+s5+$0xFFFFF880 ss:$0x1] =	vst.idx.msk $0xffff, v15;
	v21 =	vld.idx.msk [tilespmem:v21+s17+$0x0], $0xffff;
	v15 =	vadd.f32 v24, v18;
	(pc) =	sbr.rel @p1 .LBB2_18-.Ltmp7, $4  }
0x3d8: {  	v24 =	vadd.s32 $0x2328, v10;
	v25 =	vld.idx.msk [tilespmem:v29+s16+$0x0], $0xffff  }
0x3d9: {  	v16 =	vadd.s32 $0x7148, v4;
	v26 =	vld.idx.msk [tilespmem:v17+s17+$0x0], $0xffff;
	v17 =	vadd.f32 v27, v28;
	[tilespmem:v2+s30+$0x280 ss:$0x1] =	vst.idx.msk $0xffff, v15  }
0x3da: {  	v15 =	vadd.s32 $0x7148, v3;
	v18 =	vld.idx.msk [tilespmem:v22+s16+$0x0], $0xffff  }
0x3db: {  	s6 =	sadd.s32 $0x40, s6;
	v22 =	vadd.s32 $0x3E80, v7;
	[tilespmem:v2+s0+$0xFFFFFC00 ss:$0x1] =	vst.idx.msk $0xffff, v17;
	v19 =	vld.idx.msk [tilespmem:v19+s17+$0x0], $0xffff;
	v17 =	vadd.f32 v31, v30  }
0x3dc: {  	v13 =	vadd.s32 $0xBB8, v12  }
0x3dd: {  	v14 =	vadd.s32 $0xBB8, v11  }
0x3de: {  	v25 =	vadd.f32 v26, v25;
	_ =	sdelay $0x1  }
0x3df: {  	[tilespmem:v2+s5+$0xFFFFF900 ss:$0x1] =	vst.idx.msk $0xffff, v25  }
0x3e0: {  	v13 =	vld.idx.msk [tilespmem:v13+s16+$0x0], $0xffff  }
0x3e1: {  	v14 =	vld.idx.msk [tilespmem:v14+s17+$0x0], $0xffff;
	_ =	sdelay $0x2  }
0x3e2: {  	v37 =	vadd.s32 $0xFA0, v12  }
0x3e3: {  	v38 =	vadd.s32 $0xFA0, v11  }
0x3e4: {  	v13 =	vadd.f32 v14, v13;
	_ =	sdelay $0x1  }
0x3e5: {  	[tilespmem:v2+s5+$0xFFFFF980 ss:$0x1] =	vst.idx.msk $0xffff, v13  }
0x3e6: {  	v13 =	vld.idx.msk [tilespmem:v37+s16+$0x0], $0xffff  }
0x3e7: {  	v39 =	vld.idx.msk [tilespmem:v38+s17+$0x0], $0xffff;
	_ =	sdelay $0x2  }
0x3e8: {  	v40 =	vadd.s32 $0x1388, v12  }
0x3e9: {  	v41 =	vadd.s32 $0x1388, v11  }
0x3ea: {  	v13 =	vadd.f32 v39, v13;
	_ =	sdelay $0x1  }
0x3eb: {  	[tilespmem:v2+s5+$0xFFFFFA00 ss:$0x1] =	vst.idx.msk $0xffff, v13  }
0x3ec: {  	v13 =	vld.idx.msk [tilespmem:v40+s16+$0x0], $0xffff  }
0x3ed: {  	v42 =	vld.idx.msk [tilespmem:v41+s17+$0x0], $0xffff;
	_ =	sdelay $0x2  }
0x3ee: {  	v43 =	vadd.s32 $0x1770, v12  }
0x3ef: {  	v44 =	vadd.s32 $0x1770, v11  }
0x3f0: {  	v13 =	vadd.f32 v42, v13;
	_ =	sdelay $0x1  }
0x3f1: {  	[tilespmem:v2+s5+$0xFFFFFA80 ss:$0x1] =	vst.idx.msk $0xffff, v13  }
0x3f2: {  	v13 =	vld.idx.msk [tilespmem:v43+s16+$0x0], $0xffff  }
0x3f3: {  	v45 =	vld.idx.msk [tilespmem:v44+s17+$0x0], $0xffff;
	_ =	sdelay $0x2  }
0x3f4: {  	v46 =	vadd.s32 $0x1B58, v12  }
0x3f5: {  	v47 =	vadd.s32 $0x1B58, v11  }
0x3f6: {  	v13 =	vadd.f32 v45, v13;
	_ =	sdelay $0x1  }
0x3f7: {  	[tilespmem:v2+s5+$0xFFFFFB00 ss:$0x1] =	vst.idx.msk $0xffff, v13  }
0x3f8: {  	v13 =	vld.idx.msk [tilespmem:v46+s16+$0x0], $0xffff  }
0x3f9: {  	v48 =	vld.idx.msk [tilespmem:v47+s17+$0x0], $0xffff;
	_ =	sdelay $0x2  }
0x3fa: {  	v49 =	vadd.s32 $0x1F40, v12  }
0x3fb: {  	v50 =	vadd.s32 $0x1F40, v11  }
0x3fc: {  	v13 =	vadd.f32 v48, v13;
	_ =	sdelay $0x1  }
0x3fd: {  	[tilespmem:v2+s5+$0xFFFFFB80 ss:$0x1] =	vst.idx.msk $0xffff, v13  }
0x3fe: {  	v13 =	vld.idx.msk [tilespmem:v49+s16+$0x0], $0xffff  }
0x3ff: {  	v51 =	vld.idx.msk [tilespmem:v50+s17+$0x0], $0xffff;
	_ =	sdelay $0x2  }
0x400: {  	v52 =	vadd.s32 $0x2328, v12  }
0x401: {  	v53 =	vadd.s32 $0x2328, v11;
	v54 =	vld.idx.msk [tilespmem:v23+s16+$0x0], $0xffff  }
0x402: {  	v55 =	vld.idx.msk [tilespmem:v24+s17+$0x0], $0xffff;
	v13 =	vadd.f32 v51, v13;
	_ =	sdelay $0x1  }
0x403: {  	[tilespmem:v2+s5+$0xFFFFFC00 ss:$0x1] =	vst.idx.msk $0xffff, v13  }
0x404: {  	v57 =	vadd.s32 $0x2710, v9;
	v13 =	vld.idx.msk [tilespmem:v52+s16+$0x0], $0xffff  }
0x405: {  	v58 =	vadd.s32 $0x2710, v10;
	v56 =	vld.idx.msk [tilespmem:v53+s17+$0x0], $0xffff  }
0x406: {  	v14 =	vadd.f32 v55, v54;
	_ =	sdelay $0x1  }
0x407: {  	v59 =	vadd.s32 $0x2710, v12;
	[tilespmem:v2+s0+$0xFFFFFC80 ss:$0x1] =	vst.idx.msk $0xffff, v14  }
0x408: {  	v27 =	vadd.s32 $0x2710, v11;
	v14 =	vld.idx.msk [tilespmem:v57+s16+$0x0], $0xffff  }
0x409: {  	v60 =	vld.idx.msk [tilespmem:v58+s17+$0x0], $0xffff;
	v13 =	vadd.f32 v56, v13;
	_ =	sdelay $0x1  }
0x40a: {  	[tilespmem:v2+s5+$0xFFFFFC80 ss:$0x1] =	vst.idx.msk $0xffff, v13  }
0x40b: {  	v62 =	vadd.s32 $0x2AF8, v9;
	v13 =	vld.idx.msk [tilespmem:v59+s16+$0x0], $0xffff  }
0x40c: {  	v63 =	vadd.s32 $0x2AF8, v10;
	v61 =	vld.idx.msk [tilespmem:v27+s17+$0x0], $0xffff  }
0x40d: {  	v14 =	vadd.f32 v60, v14;
	_ =	sdelay $0x1  }
0x40e: {  	v30 =	vadd.s32 $0x2AF8, v12;
	[tilespmem:v2+s0+$0xFFFFFD00 ss:$0x1] =	vst.idx.msk $0xffff, v14  }
0x40f: {  	v31 =	vadd.s32 $0x2AF8, v11;
	v14 =	vld.idx.msk [tilespmem:v62+s16+$0x0], $0xffff  }
0x410: {  	v32 =	vld.idx.msk [tilespmem:v63+s17+$0x0], $0xffff;
	v13 =	vadd.f32 v61, v13;
	_ =	sdelay $0x1  }
0x411: {  	[tilespmem:v2+s5+$0xFFFFFD00 ss:$0x1] =	vst.idx.msk $0xffff, v13  }
0x412: {  	v34 =	vadd.s32 $0x2EE0, v9;
	v13 =	vld.idx.msk [tilespmem:v30+s16+$0x0], $0xffff  }
0x413: {  	v35 =	vadd.s32 $0x2EE0, v10;
	v33 =	vld.idx.msk [tilespmem:v31+s17+$0x0], $0xffff  }
0x414: {  	v14 =	vadd.f32 v32, v14;
	_ =	sdelay $0x1  }
0x415: {  	v36 =	vadd.s32 $0x2EE0, v12;
	[tilespmem:v2+s0+$0xFFFFFD80 ss:$0x1] =	vst.idx.msk $0xffff, v14  }
0x416: {  	v37 =	vadd.s32 $0x2EE0, v11;
	v14 =	vld.idx.msk [tilespmem:v34+s16+$0x0], $0xffff  }
0x417: {  	v38 =	vld.idx.msk [tilespmem:v35+s17+$0x0], $0xffff;
	v13 =	vadd.f32 v33, v13;
	_ =	sdelay $0x1  }
0x418: {  	[tilespmem:v2+s5+$0xFFFFFD80 ss:$0x1] =	vst.idx.msk $0xffff, v13  }
0x419: {  	v40 =	vadd.s32 $0x32C8, v9;
	v13 =	vld.idx.msk [tilespmem:v36+s16+$0x0], $0xffff  }
0x41a: {  	v41 =	vadd.s32 $0x32C8, v10;
	v39 =	vld.idx.msk [tilespmem:v37+s17+$0x0], $0xffff  }
0x41b: {  	v14 =	vadd.f32 v38, v14;
	_ =	sdelay $0x1  }
0x41c: {  	v42 =	vadd.s32 $0x32C8, v12;
	[tilespmem:v2+s0+$0xFFFFFE00 ss:$0x1] =	vst.idx.msk $0xffff, v14  }
0x41d: {  	v43 =	vadd.s32 $0x32C8, v11;
	v14 =	vld.idx.msk [tilespmem:v40+s16+$0x0], $0xffff  }
0x41e: {  	v44 =	vld.idx.msk [tilespmem:v41+s17+$0x0], $0xffff;
	v13 =	vadd.f32 v39, v13;
	_ =	sdelay $0x1  }
0x41f: {  	[tilespmem:v2+s5+$0xFFFFFE00 ss:$0x1] =	vst.idx.msk $0xffff, v13  }
0x420: {  	v46 =	vadd.s32 $0x36B0, v9;
	v13 =	vld.idx.msk [tilespmem:v42+s16+$0x0], $0xffff  }
0x421: {  	v47 =	vadd.s32 $0x36B0, v10;
	v45 =	vld.idx.msk [tilespmem:v43+s17+$0x0], $0xffff  }
0x422: {  	v14 =	vadd.f32 v44, v14;
	_ =	sdelay $0x1  }
0x423: {  	v48 =	vadd.s32 $0x36B0, v12;
	[tilespmem:v2+s0+$0xFFFFFE80 ss:$0x1] =	vst.idx.msk $0xffff, v14  }
0x424: {  	v49 =	vadd.s32 $0x36B0, v11;
	v14 =	vld.idx.msk [tilespmem:v46+s16+$0x0], $0xffff  }
0x425: {  	v50 =	vld.idx.msk [tilespmem:v47+s17+$0x0], $0xffff;
	v13 =	vadd.f32 v45, v13;
	_ =	sdelay $0x1  }
0x426: {  	[tilespmem:v2+s5+$0xFFFFFE80 ss:$0x1] =	vst.idx.msk $0xffff, v13  }
0x427: {  	v52 =	vadd.s32 $0x3A98, v9;
	v13 =	vld.idx.msk [tilespmem:v48+s16+$0x0], $0xffff  }
0x428: {  	v53 =	vadd.s32 $0x3A98, v10;
	v51 =	vld.idx.msk [tilespmem:v49+s17+$0x0], $0xffff  }
0x429: {  	v14 =	vadd.f32 v50, v14;
	_ =	sdelay $0x1  }
0x42a: {  	v54 =	vadd.s32 $0x3A98, v12;
	[tilespmem:v2+s0+$0xFFFFFF00 ss:$0x1] =	vst.idx.msk $0xffff, v14  }
0x42b: {  	v55 =	vadd.s32 $0x3A98, v11;
	v14 =	vld.idx.msk [tilespmem:v52+s16+$0x0], $0xffff  }
0x42c: {  	v56 =	vld.idx.msk [tilespmem:v53+s17+$0x0], $0xffff;
	v13 =	vadd.f32 v51, v13;
	_ =	sdelay $0x1  }
0x42d: {  	[tilespmem:v2+s5+$0xFFFFFF00 ss:$0x1] =	vst.idx.msk $0xffff, v13  }
0x42e: {  	v59 =	vadd.s32 $0x3E80, v9;
	v13 =	vld.idx.msk [tilespmem:v54+s16+$0x0], $0xffff  }
0x42f: {  	v60 =	vadd.s32 $0x3E80, v10;
	v58 =	vld.idx.msk [tilespmem:v55+s17+$0x0], $0xffff  }
0x430: {  	v14 =	vadd.f32 v56, v14  }
0x431: {  	v57 =	vadd.s32 $0x3E80, v8  }
0x432: {  	v20 =	vadd.f32 v21, v20;
	[tilespmem:v2+s0+$0xFFFFFF80 ss:$0x1] =	vst.idx.msk $0xffff, v14;
	v61 =	vadd.s32 $0x3E80, v12  }
0x433: {  	v62 =	vadd.s32 $0x3E80, v11;
	v14 =	vld.idx.msk [tilespmem:v59+s16+$0x0], $0xffff  }
0x434: {  	[tilespmem:v2+s31+$0xFFFFFF80 ss:$0x1] =	vst.idx.msk $0xffff, v20;
	v63 =	vld.idx.msk [tilespmem:v60+s17+$0x0], $0xffff;
	v13 =	vadd.f32 v58, v13  }
0x435: {  	v22 =	vld.idx.msk [tilespmem:v22+s16+$0x0], $0xffff  }
0x436: {  	v24 =	vld.idx.msk [tilespmem:v57+s17+$0x0], $0xffff;
	[tilespmem:v2+s5+$0xFFFFFF80 ss:$0x1] =	vst.idx.msk $0xffff, v13  }
0x437: {  	v30 =	vadd.s32 $0x4268, v9;
	v20 =	vld.idx.msk [tilespmem:v61+s16+$0x0], $0xffff  }
0x438: {  	v31 =	vadd.s32 $0x4268, v10;
	v23 =	vld.idx.msk [tilespmem:v62+s17+$0x0], $0xffff  }
0x439: {  	v29 =	vadd.s32 $0x4268, v8;
	v14 =	vadd.f32 v63, v14  }
0x43a: {  	v28 =	vadd.s32 $0x4268, v7  }
0x43b: {  	v22 =	vadd.f32 v24, v22;
	v32 =	vadd.s32 $0x4268, v12;
	[tilespmem:v2+s0+$0x0 ss:$0x1] =	vst.idx.msk $0xffff, v14  }
0x43c: {  	v33 =	vadd.s32 $0x4268, v11;
	v35 =	vld.idx.msk [tilespmem:v30+s16+$0x0], $0xffff  }
0x43d: {  	[tilespmem:v2+s31+$0x0 ss:$0x1] =	vst.idx.msk $0xffff, v22;
	v36 =	vld.idx.msk [tilespmem:v31+s17+$0x0], $0xffff;
	v34 =	vadd.f32 v23, v20  }
0x43e: {  	v25 =	vld.idx.msk [tilespmem:v29+s17+$0x0], $0xffff  }
0x43f: {  	v13 =	vld.idx.msk [tilespmem:v28+s16+$0x0], $0xffff;
	[tilespmem:v2+s5+$0x0 ss:$0x1] =	vst.idx.msk $0xffff, v34  }
0x440: {  	v40 =	vadd.s32 $0x4650, v10;
	v21 =	vld.idx.msk [tilespmem:v32+s16+$0x0], $0xffff  }
0x441: {  	v39 =	vadd.s32 $0x4650, v9;
	v22 =	vld.idx.msk [tilespmem:v33+s17+$0x0], $0xffff  }
0x442: {  	v37 =	vadd.s32 $0x4650, v7;
	v41 =	vadd.f32 v36, v35  }
0x443: {  	v38 =	vadd.s32 $0x4650, v8  }
0x444: {  	[tilespmem:v2+s0+$0x80 ss:$0x1] =	vst.idx.msk $0xffff, v41;
	v42 =	vadd.s32 $0x4650, v12;
	v13 =	vadd.f32 v25, v13  }
0x445: {  	v43 =	vadd.s32 $0x4650, v11;
	v46 =	vld.idx.msk [tilespmem:v40+s17+$0x0], $0xffff  }
0x446: {  	v45 =	vld.idx.msk [tilespmem:v39+s16+$0x0], $0xffff;
	[tilespmem:v2+s31+$0x80 ss:$0x1] =	vst.idx.msk $0xffff, v13;
	v44 =	vadd.f32 v22, v21  }
0x447: {  	v14 =	vld.idx.msk [tilespmem:v37+s16+$0x0], $0xffff  }
0x448: {  	v24 =	vld.idx.msk [tilespmem:v38+s17+$0x0], $0xffff;
	[tilespmem:v2+s5+$0x80 ss:$0x1] =	vst.idx.msk $0xffff, v44  }
0x449: {  	v49 =	vadd.s32 $0x4A38, v9;
	v20 =	vld.idx.msk [tilespmem:v42+s16+$0x0], $0xffff  }
0x44a: {  	v50 =	vadd.s32 $0x4A38, v10;
	v23 =	vld.idx.msk [tilespmem:v43+s17+$0x0], $0xffff  }
0x44b: {  	v47 =	vadd.s32 $0x4A38, v7;
	v51 =	vadd.f32 v46, v45  }
0x44c: {  	v48 =	vadd.s32 $0x4A38, v8  }
0x44d: {  	v52 =	vadd.s32 $0x4A38, v12;
	[tilespmem:v2+s0+$0x100 ss:$0x1] =	vst.idx.msk $0xffff, v51;
	v14 =	vadd.f32 v24, v14  }
0x44e: {  	v53 =	vadd.s32 $0x4A38, v11;
	v55 =	vld.idx.msk [tilespmem:v49+s16+$0x0], $0xffff  }
0x44f: {  	v56 =	vld.idx.msk [tilespmem:v50+s17+$0x0], $0xffff;
	[tilespmem:v2+s31+$0x100 ss:$0x1] =	vst.idx.msk $0xffff, v14;
	v54 =	vadd.f32 v23, v20  }
0x450: {  	v13 =	vld.idx.msk [tilespmem:v47+s16+$0x0], $0xffff  }
0x451: {  	v25 =	vld.idx.msk [tilespmem:v48+s17+$0x0], $0xffff;
	[tilespmem:v2+s5+$0x100 ss:$0x1] =	vst.idx.msk $0xffff, v54  }
0x452: {  	v59 =	vadd.s32 $0x4E20, v9;
	v21 =	vld.idx.msk [tilespmem:v52+s16+$0x0], $0xffff  }
0x453: {  	v60 =	vadd.s32 $0x4E20, v10;
	v22 =	vld.idx.msk [tilespmem:v53+s17+$0x0], $0xffff  }
0x454: {  	v57 =	vadd.s32 $0x4E20, v7;
	v61 =	vadd.f32 v56, v55  }
0x455: {  	v58 =	vadd.s32 $0x4E20, v8  }
0x456: {  	v62 =	vadd.s32 $0x4E20, v12;
	[tilespmem:v2+s0+$0x180 ss:$0x1] =	vst.idx.msk $0xffff, v61;
	v13 =	vadd.f32 v25, v13  }
0x457: {  	v63 =	vadd.s32 $0x4E20, v11;
	v29 =	vld.idx.msk [tilespmem:v59+s16+$0x0], $0xffff  }
0x458: {  	v30 =	vld.idx.msk [tilespmem:v60+s17+$0x0], $0xffff;
	[tilespmem:v2+s31+$0x180 ss:$0x1] =	vst.idx.msk $0xffff, v13;
	v28 =	vadd.f32 v22, v21  }
0x459: {  	v14 =	vld.idx.msk [tilespmem:v57+s16+$0x0], $0xffff  }
0x45a: {  	v24 =	vld.idx.msk [tilespmem:v58+s17+$0x0], $0xffff;
	[tilespmem:v2+s5+$0x180 ss:$0x1] =	vst.idx.msk $0xffff, v28  }
0x45b: {  	v34 =	vadd.s32 $0x5208, v10;
	v20 =	vld.idx.msk [tilespmem:v62+s16+$0x0], $0xffff  }
0x45c: {  	v33 =	vadd.s32 $0x5208, v9;
	v23 =	vld.idx.msk [tilespmem:v63+s17+$0x0], $0xffff  }
0x45d: {  	v31 =	vadd.s32 $0x5208, v7;
	v35 =	vadd.f32 v30, v29  }
0x45e: {  	v32 =	vadd.s32 $0x5208, v8  }
0x45f: {  	v36 =	vadd.s32 $0x5208, v12;
	[tilespmem:v2+s0+$0x200 ss:$0x1] =	vst.idx.msk $0xffff, v35;
	v14 =	vadd.f32 v24, v14  }
0x460: {  	v37 =	vadd.s32 $0x5208, v11;
	v40 =	vld.idx.msk [tilespmem:v34+s17+$0x0], $0xffff  }
0x461: {  	v39 =	vld.idx.msk [tilespmem:v33+s16+$0x0], $0xffff;
	[tilespmem:v2+s31+$0x200 ss:$0x1] =	vst.idx.msk $0xffff, v14;
	v38 =	vadd.f32 v23, v20  }
0x462: {  	v13 =	vld.idx.msk [tilespmem:v31+s16+$0x0], $0xffff  }
0x463: {  	v25 =	vld.idx.msk [tilespmem:v32+s17+$0x0], $0xffff;
	[tilespmem:v2+s5+$0x200 ss:$0x1] =	vst.idx.msk $0xffff, v38  }
0x464: {  	v43 =	vadd.s32 $0x55F0, v9;
	v21 =	vld.idx.msk [tilespmem:v36+s16+$0x0], $0xffff  }
0x465: {  	v44 =	vadd.s32 $0x55F0, v10;
	v22 =	vld.idx.msk [tilespmem:v37+s17+$0x0], $0xffff  }
0x466: {  	v41 =	vadd.s32 $0x55F0, v7;
	v45 =	vadd.f32 v40, v39  }
0x467: {  	v42 =	vadd.s32 $0x55F0, v8  }
0x468: {  	v46 =	vadd.s32 $0x55F0, v12;
	[tilespmem:v2+s0+$0x280 ss:$0x1] =	vst.idx.msk $0xffff, v45;
	v13 =	vadd.f32 v25, v13  }
0x469: {  	v47 =	vadd.s32 $0x55F0, v11;
	v50 =	vld.idx.msk [tilespmem:v43+s16+$0x0], $0xffff  }
0x46a: {  	v26 =	vld.idx.msk [tilespmem:v44+s17+$0x0], $0xffff;
	[tilespmem:v2+s31+$0x280 ss:$0x1] =	vst.idx.msk $0xffff, v13;
	v48 =	vadd.f32 v22, v21  }
0x46b: {  	v51 =	vadd.s32 $0x59D8, v6;
	v14 =	vld.idx.msk [tilespmem:v41+s16+$0x0], $0xffff  }
0x46c: {  	v49 =	vadd.s32 $0x59D8, v5;
	v24 =	vld.idx.msk [tilespmem:v42+s17+$0x0], $0xffff;
	[tilespmem:v2+s5+$0x280 ss:$0x1] =	vst.idx.msk $0xffff, v48  }
0x46d: {  	v57 =	vadd.s32 $0x59D8, v9;
	v52 =	vadd.f32 v19, v18;
	v54 =	vld.idx.msk [tilespmem:v46+s16+$0x0], $0xffff  }
0x46e: {  	v58 =	vadd.s32 $0x59D8, v10;
	v23 =	vld.idx.msk [tilespmem:v47+s17+$0x0], $0xffff  }
0x46f: {  	v53 =	vadd.s32 $0x59D8, v7;
	[tilespmem:v2+s30+$0x300 ss:$0x1] =	vst.idx.msk $0xffff, v52;
	v59 =	vadd.f32 v26, v50  }
0x470: {  	v55 =	vadd.s32 $0x59D8, v8;
	v25 =	vld.idx.msk [tilespmem:v51+s17+$0x0], $0xffff  }
0x471: {  	v60 =	vadd.s32 $0x59D8, v12;
	[tilespmem:v2+s0+$0x300 ss:$0x1] =	vst.idx.msk $0xffff, v59;
	v56 =	vadd.f32 v24, v14;
	v21 =	vld.idx.msk [tilespmem:v49+s16+$0x0], $0xffff  }
0x472: {  	v61 =	vadd.s32 $0x59D8, v11;
	v14 =	vld.idx.msk [tilespmem:v57+s16+$0x0], $0xffff  }
0x473: {  	v24 =	vld.idx.msk [tilespmem:v58+s17+$0x0], $0xffff;
	[tilespmem:v2+s31+$0x300 ss:$0x1] =	vst.idx.msk $0xffff, v56;
	v62 =	vadd.f32 v23, v54  }
0x474: {  	v63 =	vadd.s32 $0x5DC0, v5;
	v18 =	vld.idx.msk [tilespmem:v53+s16+$0x0], $0xffff  }
0x475: {  	v28 =	vadd.s32 $0x5DC0, v6;
	v20 =	vld.idx.msk [tilespmem:v55+s17+$0x0], $0xffff;
	[tilespmem:v2+s5+$0x300 ss:$0x1] =	vst.idx.msk $0xffff, v62  }
0x476: {  	v33 =	vadd.s32 $0x5DC0, v9;
	v29 =	vadd.f32 v25, v21;
	v22 =	vld.idx.msk [tilespmem:v60+s16+$0x0], $0xffff  }
0x477: {  	v34 =	vadd.s32 $0x5DC0, v10;
	v26 =	vld.idx.msk [tilespmem:v61+s17+$0x0], $0xffff  }
0x478: {  	v30 =	vadd.s32 $0x5DC0, v7;
	v35 =	vadd.f32 v24, v14;
	[tilespmem:v2+s30+$0x380 ss:$0x1] =	vst.idx.msk $0xffff, v29  }
0x479: {  	v31 =	vadd.s32 $0x5DC0, v8;
	v19 =	vld.idx.msk [tilespmem:v63+s16+$0x0], $0xffff  }
0x47a: {  	v36 =	vadd.s32 $0x5DC0, v12;
	[tilespmem:v2+s0+$0x380 ss:$0x1] =	vst.idx.msk $0xffff, v35;
	v32 =	vadd.f32 v20, v18;
	v23 =	vld.idx.msk [tilespmem:v28+s17+$0x0], $0xffff  }
0x47b: {  	v37 =	vadd.s32 $0x5DC0, v11;
	v18 =	vld.idx.msk [tilespmem:v33+s16+$0x0], $0xffff  }
0x47c: {  	v20 =	vld.idx.msk [tilespmem:v34+s17+$0x0], $0xffff;
	[tilespmem:v2+s31+$0x380 ss:$0x1] =	vst.idx.msk $0xffff, v32;
	v38 =	vadd.f32 v26, v22  }
0x47d: {  	v39 =	vadd.s32 $0x61A8, v5;
	v21 =	vld.idx.msk [tilespmem:v30+s16+$0x0], $0xffff  }
0x47e: {  	v40 =	vadd.s32 $0x61A8, v6;
	v25 =	vld.idx.msk [tilespmem:v31+s17+$0x0], $0xffff;
	[tilespmem:v2+s5+$0x380 ss:$0x1] =	vst.idx.msk $0xffff, v38  }
0x47f: {  	v45 =	vadd.s32 $0x61A8, v9;
	v41 =	vadd.f32 v23, v19;
	v14 =	vld.idx.msk [tilespmem:v36+s16+$0x0], $0xffff  }
0x480: {  	v46 =	vadd.s32 $0x61A8, v10;
	v24 =	vld.idx.msk [tilespmem:v37+s17+$0x0], $0xffff  }
0x481: {  	v42 =	vadd.s32 $0x61A8, v7;
	v47 =	vadd.f32 v20, v18;
	[tilespmem:v2+s30+$0x400 ss:$0x1] =	vst.idx.msk $0xffff, v41  }
0x482: {  	v43 =	vadd.s32 $0x61A8, v8;
	v22 =	vld.idx.msk [tilespmem:v39+s16+$0x0], $0xffff  }
0x483: {  	v48 =	vadd.s32 $0x61A8, v12;
	[tilespmem:v2+s0+$0x400 ss:$0x1] =	vst.idx.msk $0xffff, v47;
	v44 =	vadd.f32 v25, v21;
	v26 =	vld.idx.msk [tilespmem:v40+s17+$0x0], $0xffff  }
0x484: {  	v49 =	vadd.s32 $0x61A8, v11;
	v21 =	vld.idx.msk [tilespmem:v45+s16+$0x0], $0xffff  }
0x485: {  	v25 =	vld.idx.msk [tilespmem:v46+s17+$0x0], $0xffff;
	[tilespmem:v2+s31+$0x400 ss:$0x1] =	vst.idx.msk $0xffff, v44;
	v50 =	vadd.f32 v24, v14  }
0x486: {  	v51 =	vadd.s32 $0x6590, v5;
	v19 =	vld.idx.msk [tilespmem:v42+s16+$0x0], $0xffff  }
0x487: {  	v52 =	vadd.s32 $0x6590, v6;
	v23 =	vld.idx.msk [tilespmem:v43+s17+$0x0], $0xffff;
	[tilespmem:v2+s5+$0x400 ss:$0x1] =	vst.idx.msk $0xffff, v50  }
0x488: {  	v57 =	vadd.s32 $0x6590, v9;
	v53 =	vadd.f32 v26, v22;
	v18 =	vld.idx.msk [tilespmem:v48+s16+$0x0], $0xffff  }
0x489: {  	[tilespmem:v2+s29+$0x600 ss:$0x1] =	vst.idx.msk $0xffff, v17;
	v58 =	vadd.s32 $0x6590, v10;
	v20 =	vld.idx.msk [tilespmem:v49+s17+$0x0], $0xffff  }
0x48a: {  	v16 =	vld.idx.msk [tilespmem:v16+s16+$0x0], $0xffff;
	v54 =	vadd.s32 $0x6590, v7;
	v59 =	vadd.f32 v25, v21;
	[tilespmem:v2+s30+$0x480 ss:$0x1] =	vst.idx.msk $0xffff, v53  }
0x48b: {  	v55 =	vadd.s32 $0x6590, v8;
	v14 =	vld.idx.msk [tilespmem:v51+s16+$0x0], $0xffff  }
0x48c: {  	v60 =	vadd.s32 $0x6590, v12;
	[tilespmem:v2+s0+$0x480 ss:$0x1] =	vst.idx.msk $0xffff, v59;
	v56 =	vadd.f32 v23, v19;
	v24 =	vld.idx.msk [tilespmem:v52+s17+$0x0], $0xffff  }
0x48d: {  	v61 =	vadd.s32 $0x6590, v11;
	v19 =	vld.idx.msk [tilespmem:v57+s16+$0x0], $0xffff  }
0x48e: {  	v23 =	vld.idx.msk [tilespmem:v58+s17+$0x0], $0xffff;
	[tilespmem:v2+s31+$0x480 ss:$0x1] =	vst.idx.msk $0xffff, v56;
	v62 =	vadd.f32 v20, v18  }
0x48f: {  	v63 =	vadd.s32 $0x6978, v5;
	v22 =	vld.idx.msk [tilespmem:v54+s16+$0x0], $0xffff  }
0x490: {  	v28 =	vadd.s32 $0x6978, v6;
	v17 =	vld.idx.msk [tilespmem:v55+s17+$0x0], $0xffff;
	[tilespmem:v2+s5+$0x480 ss:$0x1] =	vst.idx.msk $0xffff, v62  }
0x491: {  	v33 =	vadd.s32 $0x6978, v9;
	v29 =	vadd.f32 v24, v14;
	v21 =	vld.idx.msk [tilespmem:v60+s16+$0x0], $0xffff  }
0x492: {  	v34 =	vadd.s32 $0x6978, v10;
	v25 =	vld.idx.msk [tilespmem:v61+s17+$0x0], $0xffff  }
0x493: {  	v15 =	vld.idx.msk [tilespmem:v15+s17+$0x0], $0xffff;
	v30 =	vadd.s32 $0x6978, v7;
	v35 =	vadd.f32 v23, v19;
	[tilespmem:v2+s30+$0x500 ss:$0x1] =	vst.idx.msk $0xffff, v29  }
0x494: {  	v31 =	vadd.s32 $0x6978, v8;
	v18 =	vld.idx.msk [tilespmem:v63+s16+$0x0], $0xffff  }
0x495: {  	v36 =	vadd.s32 $0x6978, v12;
	[tilespmem:v2+s0+$0x500 ss:$0x1] =	vst.idx.msk $0xffff, v35;
	v32 =	vadd.f32 v17, v22;
	v20 =	vld.idx.msk [tilespmem:v28+s17+$0x0], $0xffff  }
0x496: {  	v37 =	vadd.s32 $0x6978, v11;
	v17 =	vld.idx.msk [tilespmem:v33+s16+$0x0], $0xffff  }
0x497: {  	v38 =	vadd.s32 $0x7530, v4;
	v22 =	vld.idx.msk [tilespmem:v34+s17+$0x0], $0xffff;
	[tilespmem:v2+s31+$0x500 ss:$0x1] =	vst.idx.msk $0xffff, v32;
	v39 =	vadd.f32 v25, v21  }
0x498: {  	v40 =	vadd.s32 $0x6D60, v5;
	v14 =	vld.idx.msk [tilespmem:v30+s16+$0x0], $0xffff  }
0x499: {  	v15 =	vadd.f32 v15, v16;
	v41 =	vadd.s32 $0x6D60, v6;
	v24 =	vld.idx.msk [tilespmem:v31+s17+$0x0], $0xffff;
	[tilespmem:v2+s5+$0x500 ss:$0x1] =	vst.idx.msk $0xffff, v39  }
0x49a: {  	v48 =	vadd.s32 $0x6D60, v9;
	v42 =	vadd.f32 v20, v18;
	v19 =	vld.idx.msk [tilespmem:v36+s16+$0x0], $0xffff  }
0x49b: {  	[tilespmem:v2+s29+$0x680 ss:$0x1] =	vst.idx.msk $0xffff, v15;
	v49 =	vadd.s32 $0x6D60, v10;
	v45 =	vld.idx.msk [tilespmem:v37+s17+$0x0], $0xffff  }
0x49c: {  	v43 =	vadd.s32 $0x6D60, v7;
	v46 =	vld.idx.msk [tilespmem:v38+s16+$0x0], $0xffff;
	v50 =	vadd.f32 v22, v17;
	[tilespmem:v2+s30+$0x580 ss:$0x1] =	vst.idx.msk $0xffff, v42  }
0x49d: {  	v44 =	vadd.s32 $0x6D60, v8;
	v21 =	vld.idx.msk [tilespmem:v40+s16+$0x0], $0xffff  }
0x49e: {  	v51 =	vadd.s32 $0x6D60, v12;
	[tilespmem:v2+s0+$0x580 ss:$0x1] =	vst.idx.msk $0xffff, v50;
	v47 =	vadd.f32 v24, v14;
	v16 =	vld.idx.msk [tilespmem:v41+s17+$0x0], $0xffff  }
0x49f: {  	v52 =	vadd.s32 $0x6D60, v11;
	v14 =	vld.idx.msk [tilespmem:v48+s16+$0x0], $0xffff  }
0x4a0: {  	v53 =	vadd.s32 $0x7530, v3;
	v24 =	vld.idx.msk [tilespmem:v49+s17+$0x0], $0xffff;
	[tilespmem:v2+s31+$0x580 ss:$0x1] =	vst.idx.msk $0xffff, v47;
	v54 =	vadd.f32 v45, v19  }
0x4a1: {  	v55 =	vadd.s32 $0x7148, v5;
	v18 =	vld.idx.msk [tilespmem:v43+s16+$0x0], $0xffff  }
0x4a2: {  	v56 =	vadd.s32 $0x7148, v6;
	v15 =	vld.idx.msk [tilespmem:v44+s17+$0x0], $0xffff;
	[tilespmem:v2+s5+$0x580 ss:$0x1] =	vst.idx.msk $0xffff, v54  }
0x4a3: {  	v61 =	vadd.s32 $0x7148, v9;
	v57 =	vadd.f32 v16, v21;
	v17 =	vld.idx.msk [tilespmem:v51+s16+$0x0], $0xffff  }
0x4a4: {  	v63 =	vadd.s32 $0x7148, v10;
	v22 =	vld.idx.msk [tilespmem:v52+s17+$0x0], $0xffff  }
0x4a5: {  	v58 =	vadd.s32 $0x7148, v7;
	v25 =	vld.idx.msk [tilespmem:v53+s17+$0x0], $0xffff;
	v28 =	vadd.f32 v24, v14;
	[tilespmem:v2+s30+$0x600 ss:$0x1] =	vst.idx.msk $0xffff, v57  }
0x4a6: {  	v59 =	vadd.s32 $0x7148, v8;
	v62 =	vld.idx.msk [tilespmem:v55+s16+$0x0], $0xffff  }
0x4a7: {  	v29 =	vadd.s32 $0x7148, v12;
	[tilespmem:v2+s0+$0x600 ss:$0x1] =	vst.idx.msk $0xffff, v28;
	v60 =	vadd.f32 v15, v18;
	v20 =	vld.idx.msk [tilespmem:v56+s17+$0x0], $0xffff  }
0x4a8: {  	v30 =	vadd.s32 $0x7148, v11;
	v15 =	vld.idx.msk [tilespmem:v61+s16+$0x0], $0xffff  }
0x4a9: {  	v31 =	vadd.s32 $0x7918, v4;
	v19 =	vld.idx.msk [tilespmem:v63+s17+$0x0], $0xffff;
	[tilespmem:v2+s31+$0x600 ss:$0x1] =	vst.idx.msk $0xffff, v60;
	v32 =	vadd.f32 v22, v17  }
0x4aa: {  	v33 =	vadd.s32 $0x7530, v5;
	v16 =	vld.idx.msk [tilespmem:v58+s16+$0x0], $0xffff  }
0x4ab: {  	v35 =	vadd.s32 $0x7530, v6;
	v34 =	vadd.f32 v25, v46;
	v21 =	vld.idx.msk [tilespmem:v59+s17+$0x0], $0xffff;
	[tilespmem:v2+s5+$0x600 ss:$0x1] =	vst.idx.msk $0xffff, v32  }
0x4ac: {  	v41 =	vadd.s32 $0x7530, v9;
	v36 =	vadd.f32 v20, v62;
	v14 =	vld.idx.msk [tilespmem:v29+s16+$0x0], $0xffff  }
0x4ad: {  	v42 =	vadd.s32 $0x7530, v10;
	[tilespmem:v2+s29+$0x700 ss:$0x1] =	vst.idx.msk $0xffff, v34;
	v39 =	vld.idx.msk [tilespmem:v30+s17+$0x0], $0xffff  }
0x4ae: {  	v37 =	vadd.s32 $0x7530, v7;
	v4 =	vld.idx.msk [tilespmem:v31+s16+$0x0], $0xffff;
	v43 =	vadd.f32 v19, v15;
	[tilespmem:v2+s30+$0x680 ss:$0x1] =	vst.idx.msk $0xffff, v36  }
0x4af: {  	v38 =	vadd.s32 $0x7530, v8;
	v17 =	vld.idx.msk [tilespmem:v33+s16+$0x0], $0xffff  }
0x4b0: {  	v44 =	vadd.s32 $0x7530, v12;
	v40 =	vadd.f32 v21, v16;
	[tilespmem:v2+s0+$0x680 ss:$0x1] =	vst.idx.msk $0xffff, v43;
	v23 =	vld.idx.msk [tilespmem:v35+s17+$0x0], $0xffff  }
0x4b1: {  	v45 =	vadd.s32 $0x7530, v11;
	v48 =	vld.idx.msk [tilespmem:v41+s16+$0x0], $0xffff  }
0x4b2: {  	v3 =	vadd.s32 $0x7918, v3;
	v50 =	vld.idx.msk [tilespmem:v42+s17+$0x0], $0xffff;
	[tilespmem:v2+s31+$0x680 ss:$0x1] =	vst.idx.msk $0xffff, v40;
	v46 =	vadd.f32 v39, v14  }
0x4b3: {  	v47 =	vadd.s32 $0x7918, v5;
	v18 =	vld.idx.msk [tilespmem:v37+s16+$0x0], $0xffff  }
0x4b4: {  	v49 =	vadd.s32 $0x7918, v6;
	v20 =	vld.idx.msk [tilespmem:v38+s17+$0x0], $0xffff;
	[tilespmem:v2+s5+$0x680 ss:$0x1] =	vst.idx.msk $0xffff, v46  }
0x4b5: {  	v56 =	vadd.s32 $0x7918, v9;
	v51 =	vadd.f32 v23, v17;
	v15 =	vld.idx.msk [tilespmem:v44+s16+$0x0], $0xffff  }
0x4b6: {  	v57 =	vadd.s32 $0x7918, v10;
	v54 =	vld.idx.msk [tilespmem:v45+s17+$0x0], $0xffff  }
0x4b7: {  	v3 =	vld.idx.msk [tilespmem:v3+s17+$0x0], $0xffff;
	v52 =	vadd.s32 $0x7918, v7;
	v58 =	vadd.f32 v50, v48;
	[tilespmem:v2+s30+$0x700 ss:$0x1] =	vst.idx.msk $0xffff, v51  }
0x4b8: {  	v53 =	vadd.s32 $0x7918, v8;
	v5 =	vld.idx.msk [tilespmem:v47+s16+$0x0], $0xffff  }
0x4b9: {  	v59 =	vadd.s32 $0x7918, v12;
	v55 =	vadd.f32 v20, v18;
	[tilespmem:v2+s0+$0x700 ss:$0x1] =	vst.idx.msk $0xffff, v58;
	v6 =	vld.idx.msk [tilespmem:v49+s17+$0x0], $0xffff  }
0x4ba: {  	v60 =	vadd.s32 $0x7918, v11;
	v9 =	vld.idx.msk [tilespmem:v56+s16+$0x0], $0xffff  }
0x4bb: {  	v10 =	vld.idx.msk [tilespmem:v57+s17+$0x0], $0xffff;
	[tilespmem:v2+s31+$0x700 ss:$0x1] =	vst.idx.msk $0xffff, v55;
	v61 =	vadd.f32 v54, v15  }
0x4bc: {  	v7 =	vld.idx.msk [tilespmem:v52+s16+$0x0], $0xffff  }
0x4bd: {  	v8 =	vld.idx.msk [tilespmem:v53+s17+$0x0], $0xffff;
	[tilespmem:v2+s5+$0x700 ss:$0x1] =	vst.idx.msk $0xffff, v61  }
0x4be: {  	v12 =	vld.idx.msk [tilespmem:v59+s16+$0x0], $0xffff  }
0x4bf: {  	v11 =	vld.idx.msk [tilespmem:v60+s17+$0x0], $0xffff  }
0x4c0: {  	v3 =	vadd.f32 v3, v4  }
0x4c1: {  	s23 =	sadd.s32 $0x1, s23;
	v62 =	vadd.f32 v6, v5  }
0x4c2: {  	p1 =	sne.s32 s23, $0x8;
	[tilespmem:v2+s29+$0x780 ss:$0x1] =	vst.idx.msk $0xffff, v3;
	v3 =	vadd.f32 v8, v7  }
.Ltmp8:
0x4c3: {  	s6 =	sshll.u32 s28, $0x12;
	v63 =	vadd.f32 v10, v9;
	[tilespmem:v2+s30+$0x780 ss:$0x1] =	vst.idx.msk $0xffff, v62;
	(pc) =	sbr.rel @p1 .LBB2_17-.Ltmp8, $4  }
0x4c4: {  	s6 =	sor.u32 s8, s6;
	[tilespmem:v2+s31+$0x780 ss:$0x1] =	vst.idx.msk $0xffff, v3;
	v3 =	vadd.f32 v11, v12  }
0x4c5: {  	s24 =	sadd.s32 $0x80, s24;
	[tilespmem:v2+s0+$0x780 ss:$0x1] =	vst.idx.msk $0xffff, v63;
	s31 =	sshrl.u32 s6, $0x3  }
0x4c6: {  	s25 =	sadd.s32 $0x80, s25;
	p0 =	por !p0, !p0;
	s0 =	sadd.s32 s31, s11;
	[tilespmem:v2+s5+$0x780 ss:$0x1] =	vst.idx.msk $0xffff, v3  }
0x4c7: {  	[hbm4b:s0+s19] =	stream.strided.scatter [tilespmem:s4], [sflag:$0x1], $0x1000, s20, s19, $0x38;
	[tilespmem:$0x19F00] =	vst v63  }
0x4c8: {  	s22 =	sadd.s32 $0x1, s22  }
0x4c9: {  	p0 =	sne.s32 s22, $0x19  }
.Ltmp9:
0x4ca: {  	_ = 	snop;
	(pc) =	sbr.rel @p0 .LBB2_16-.Ltmp9, $1  }
0x4cb: {  	_ =	sdelay $0x3  }
0x4cc: {  	s21 =	sadd.s32 $0x1, s21  }
0x4cd: {  	_ =	swait.ge [sflag:s18], $0x1000;
	p0 =	sne.s32 s21, s12  }
.Ltmp10:
0x4ce: {  	[sflag:s18] =	ssyncset.done $0x0;
	(pc) =	sbr.rel @p0 .LBB2_1-.Ltmp10, $4  }
0x4cf: {  	[sflag:s18] =	ssyncadd.s32 $0xFFFFF000  }
0x4d0: {  	_ =	swait.ge [sflag:s18], $0x1000  }
0x4d1: {  	[sflag:s18] =	ssyncset.done $0x0  }
0x4d2: {  	[sflag:s18] =	ssyncadd.s32 $0xFFFFF000  }
0x4d3: {  	_ =	sfence.sel $0x180000  }
0x4d4: {  	[bflag:$0x0] =	sbarrier.arrive $0xFFFF  }
0x4d5: {  	_ =	strace $0x90000047  }
0x4d6: {  	s0 =	stileid.u32;
	[bflag:$0x2] =	sbarrier.arrive $0xFFFF  }
0x4d7: {  	p0 =	sne.s32 s0, $0x0;
	s0 =	rddreg [dreg:$0x4]  }
0x4d8: {  	s0 =	sadd.s32 @!p0 $0x100000, s0  }
0x4d9: {  	[sflag:s0] =	ssyncadd.tile.s32 @!p0 $0x1;
	_ =	shalt  }
.Lfunc_end2:
_tile_overlayer_lowered:
.L_overlay_start_2:
0x4da: {  	(tag) =	ssettag $0x2  }
0x4db: {  	s0 =	rddreg [dreg:$0x0];
	s2 =	stileid.u32  }
0x4dc: {  	s1 =	rddreg [dreg:$0x1];
	p0 =	sne.s32 s2, $0x0  }
0x4dd: {  	s3 =	rddreg [dreg:$0x2];
	[bflag:$0x3] =	sbarrier.arrive $0xFFFF;
	s2 =	simm.s32 @!p0 $0x1C02  }
0x4de: {  	[timem:s3], [sflag:s2] =	dma.local @!p0 [hbm:s0], s1  }
0x4df: {  	s0 =	simm.s32 @!p0 $0x2  }
0x4e0: {  	_ =	swait.ge @!p0 [sflag:s0], s1  }
0x4e1: {  	s1 =	ssub.s32 @!p0 $0x0, s1;
	[sflag:s0] =	ssyncset.done @!p0 $0x0  }
0x4e2: {  	[sflag:s0] =	ssyncadd.s32 @!p0 s1  }
0x4e3: {  	[bflag:$0x3] =	sbarrier.arrive $0xFFFF  }
0x4e4: {  	_ =	shalt  }

</sc_bundles>
